<compile_context>
chip_gen: v7x
topology: tpu7x:2x2x1
jax: 0.10.2.dev20260603
libtpu: 0.0.44.dev20260713+nightly
codegen_flags: <defaults>
</compile_context>

<pallas_src>
import functools

import jax
import jax.numpy as jnp
from jax import lax
from jax.experimental import pallas as pl
from jax.experimental.pallas import tpu as pltpu
from jax.experimental.pallas import tpu_sc as plsc

N = 100000
D = 128
S = 512
NC = 2
NS = 16
NW = NC * NS
CHUNK = 128
K_PER_W = 25
NCHUNKP = NW * K_PER_W
NFULL = N // CHUNK
LASTOFF = N - CHUNK
SROWS = S + 8
NBUF = 5


def _sc_body(x_hbm, idx_hbm, psum_hbm, pcnt_hbm,
             xbuf, idxw, ones, zbuf, ssum, scnt, lsem, ssem, osem):
    cid = lax.axis_index("c")
    sid = lax.axis_index("s")
    w = cid * NS + sid

    def load(k, b):
        c = w + NW * k
        off = jnp.minimum(c * CHUNK, LASTOFF)
        return pltpu.async_copy(x_hbm.at[pl.ds(off, CHUNK)], xbuf.at[b],
                                lsem.at[b])

    dload = {k: load(k, k) for k in range(NBUF - 1)}
    pltpu.sync_copy(idx_hbm.at[w], idxw)

    zero16 = jnp.zeros((16,), jnp.float32)
    one16 = jnp.ones((16,), jnp.float32)

    def fill_z(i, carry):
        for j in range(D // 16):
            zbuf[i, pl.ds(j * 16, 16)] = zero16
        return carry

    lax.fori_loop(0, 33, fill_z, 0)

    def fill_ones(i, carry):
        for j in range(D // 16):
            ones[i, pl.ds(j * 16, 16)] = one16
        return carry

    lax.fori_loop(0, CHUNK, fill_ones, 0)

    pltpu.sync_copy(zbuf.at[pl.ds(0, 32)], ssum.at[pl.ds(sid * 32, 32)])
    pltpu.sync_copy(zbuf.at[pl.ds(0, 32)], scnt.at[pl.ds(sid * 32, 32)])

    @pl.when(sid == 0)
    def _():
        pltpu.sync_copy(zbuf.at[pl.ds(0, 8)], ssum.at[pl.ds(S, 8)])
        pltpu.sync_copy(zbuf.at[pl.ds(0, 8)], scnt.at[pl.ds(S, 8)])

    plsc.subcore_barrier()

    dsum, dcnt = {}, {}
    for k in range(K_PER_W):
        b = k % NBUF
        dload[k].wait()
        dsum[k] = pltpu.async_copy(xbuf.at[b], ssum.at[idxw.at[k]],
                                   ssem.at[b], add=True)
        dcnt[k] = pltpu.async_copy(ones, scnt.at[idxw.at[k]],
                                   osem.at[b], add=True)
        nxt = k + NBUF - 1
        if nxt < K_PER_W:
            if k > 0:
                dsum[k - 1].wait()
                dcnt[k - 1].wait()
            dload[nxt] = load(nxt, nxt % NBUF)
    for k in range(K_PER_W - NBUF, K_PER_W):
        dsum[k].wait()
        dcnt[k].wait()

    plsc.subcore_barrier()

    pltpu.sync_copy(ssum.at[pl.ds(sid * 32, 32)],
                    psum_hbm.at[cid, pl.ds(sid * 32, 32)])
    pltpu.sync_copy(scnt.at[pl.ds(sid * 32, 32)],
                    pcnt_hbm.at[cid, pl.ds(sid * 32, 32)])


_sc_pool = functools.partial(
    pl.kernel,
    out_type=(
        jax.ShapeDtypeStruct((NC, S, D), jnp.float32),
        jax.ShapeDtypeStruct((NC, S, D), jnp.float32),
    ),
    mesh=plsc.VectorSubcoreMesh(core_axis_name="c", subcore_axis_name="s"),
    scratch_types=[
        pltpu.VMEM((NBUF, CHUNK, D), jnp.float32),
        pltpu.VMEM((K_PER_W, CHUNK), jnp.int32),
        pltpu.VMEM((CHUNK, D), jnp.float32),
        pltpu.VMEM((33, D), jnp.float32),
        pltpu.VMEM_SHARED((SROWS, D), jnp.float32),
        pltpu.VMEM_SHARED((SROWS, D), jnp.float32),
        pltpu.SemaphoreType.DMA((NBUF,)),
        pltpu.SemaphoreType.DMA((NBUF,)),
        pltpu.SemaphoreType.DMA((NBUF,)),
    ],
)(_sc_body)


def _merge_body(psum_ref, pcnt_ref, out_ref):
    seg_sum = psum_ref[0] + psum_ref[1]
    counts = pcnt_ref[0, :, 0:1] + pcnt_ref[1, :, 0:1]
    out_ref[...] = seg_sum / jnp.maximum(counts, 1.0)


_merge = pl.pallas_call(
    _merge_body,
    out_shape=jax.ShapeDtypeStruct((S, D), jnp.float32),
)


def _build_idx(batch_indices):
    bi = batch_indices.astype(jnp.int32)
    tail = jnp.concatenate(
        [jnp.full((CHUNK - (N - NFULL * CHUNK),), S, jnp.int32),
         bi[NFULL * CHUNK:]])
    pad = jnp.full(((NCHUNKP - NFULL - 1) * CHUNK,), S, jnp.int32)
    idx = jnp.concatenate([bi[:NFULL * CHUNK], tail, pad])
    return idx.reshape(K_PER_W, NW, CHUNK).transpose(1, 0, 2)


def kernel(x, batch_indices):
    psum, pcnt = _sc_pool(x, _build_idx(batch_indices))
    return _merge(psum, pcnt)

# --- scband reference (transcript-rebuilt; emitter-appended) ---
"""Pipeline reference for scband-mean-pooling-layer-51857435132412 (READ-ONLY COPY).

The authoritative reference and input builder live on the scoring server;
editing this copy changes nothing except your own understanding.
"""

import jax, jax.numpy as jnp
import numpy as np

NUM_SEGMENTS = 512

def setup_inputs(seed: int = 0) -> dict:
    key = jax.random.key(seed)
    k1, k2 = jax.random.split(key)
    x = jax.random.normal(k1, (100000, 128), dtype=jnp.float32)
    batch_indices = jnp.sort(jax.random.randint(k2, (100000,), 0, NUM_SEGMENTS, dtype=jnp.int64))
    return {"x": x, "batch_indices": batch_indices}

def reference(x, batch_indices):
    # scatter_mean(x, batch_indices, dim=0): per-segment sum / per-segment count
    seg_sum = jax.ops.segment_sum(x, batch_indices, num_segments=NUM_SEGMENTS)
    counts = jax.ops.segment_sum(jnp.ones((x.shape[0],), dtype=x.dtype), batch_indices, num_segments=NUM_SEGMENTS)
    counts = jnp.clip(counts, 1.0, None)  # torch_scatter.scatter_mean yields 0 for empty segments
    x_pooled = seg_sum / counts[:, None]
    return x_pooled

if __name__ == "__main__":
    import jax
    _d = setup_inputs()
    print(jax.jit(kernel)(*tuple(_d.values())))

</pallas_src>

<mosaic_0001>
#map = affine_map<(d0, d1) -> (0, 0)>
#map1 = affine_map<(d0, d1) -> (0, 0, 0)>
module attributes {stable_mosaic.version = 14 : i64} {
  func.func @_sc_body(%arg0: i32, %arg1: i32, %arg2: memref<100000x128xf32, #tpu.memory_space<hbm>>, %arg3: memref<32x25x128xi32, #tpu.memory_space<hbm>>, %arg4: memref<2x512x128xf32, #tpu.memory_space<hbm>>, %arg5: memref<2x512x128xf32, #tpu.memory_space<hbm>>, %arg6: memref<5x128x128xf32, #tpu.memory_space<vmem>>, %arg7: memref<25x128xi32, #tpu.memory_space<vmem>>, %arg8: memref<128x128xf32, #tpu.memory_space<vmem>>, %arg9: memref<33x128xf32, #tpu.memory_space<vmem>>, %arg10: memref<520x128xf32, #tpu.memory_space<vmem_shared>>, %arg11: memref<520x128xf32, #tpu.memory_space<vmem_shared>>, %arg12: memref<5x!tpu.dma_semaphore, #tpu.memory_space<semaphore_mem>>, %arg13: memref<5x!tpu.dma_semaphore, #tpu.memory_space<semaphore_mem>>, %arg14: memref<5x!tpu.dma_semaphore, #tpu.memory_space<semaphore_mem>>) attributes {dimension_semantics = [#tpu.dimension_semantics<core_parallel>, #tpu.dimension_semantics<subcore_parallel>], iteration_bounds = array<i64: 2, 16>, scalar_prefetch = 0 : i64, scratch_operands = 9 : i64, tpu.core_type = #tpu.core_type<sc_vector_subcore>, window_params = [{transform_indices = #map}, {transform_indices = #map1}, {transform_indices = #map1}, {transform_indices = #map1}]} {
    %mul3A = arith.constant 16 : i32
    %mul3A_0 = arith.muli %arg0, %mul3A : i32
    %add3A = arith.addi %mul3A_0, %arg1 : i32
    %add3A_1 = arith.constant 0 : i32
    %add3A_2 = arith.addi %add3A, %add3A_1 : i32
    %mul3A_3 = arith.constant 128 : i32
    %mul3A_4 = arith.muli %add3A_2, %mul3A_3 : i32
    %min3A = arith.constant 99872 : i32
    %min3A_5 = arith.minsi %mul3A_4, %min3A : i32
    %dma_start3A = arith.constant 0 : i32
    %dma_start3A_6 = arith.constant 0 : i32
    %dma_start3A_7 = arith.constant 0 : i32
    %dma_start3A_8 = arith.constant 0 : i32
    %dma_start3A_9 = tpu.memref_slice %arg6[%dma_start3A, %dma_start3A_7, %dma_start3A_8] : memref<5x128x128xf32, #tpu.memory_space<vmem>> -> memref<1x128x128xf32, #tpu.memory_space<vmem>>
    %dma_start3A_10 = tpu.memref_squeeze %dma_start3A_9 : memref<1x128x128xf32, #tpu.memory_space<vmem>> -> memref<128x128xf32, #tpu.memory_space<vmem>>
    %dma_start3A_11 = arith.constant 0 : i32
    %dma_start3A_12 = tpu.memref_slice %arg2[%min3A_5, %dma_start3A_11] : memref<100000x128xf32, #tpu.memory_space<hbm>> -> memref<128x128xf32, #tpu.memory_space<hbm>>
    %dma_start3A_13 = tpu.memref_slice %arg12[%dma_start3A_6] : memref<5x!tpu.dma_semaphore, #tpu.memory_space<semaphore_mem>> -> memref<1x!tpu.dma_semaphore, #tpu.memory_space<semaphore_mem>>
    %dma_start3A_14 = tpu.memref_squeeze %dma_start3A_13 : memref<1x!tpu.dma_semaphore, #tpu.memory_space<semaphore_mem>> -> memref<!tpu.dma_semaphore, #tpu.memory_space<semaphore_mem>>
    %dma_start3A_15 = arith.constant 0 : i32
    %dma_start3A_16 = arith.constant 0 : i32
    %dma_start3A_17 = tpu.memref_slice %arg6[%dma_start3A, %dma_start3A_15, %dma_start3A_16] : memref<5x128x128xf32, #tpu.memory_space<vmem>> -> memref<1x128x128xf32, #tpu.memory_space<vmem>>
    %dma_start3A_18 = tpu.memref_squeeze %dma_start3A_17 : memref<1x128x128xf32, #tpu.memory_space<vmem>> -> memref<128x128xf32, #tpu.memory_space<vmem>>
    %dma_start3A_19 = arith.constant 0 : i32
    %dma_start3A_20 = tpu.memref_slice %arg2[%min3A_5, %dma_start3A_19] : memref<100000x128xf32, #tpu.memory_space<hbm>> -> memref<128x128xf32, #tpu.memory_space<hbm>>
    tpu.enqueue_dma source(%dma_start3A_20 : memref<128x128xf32, #tpu.memory_space<hbm>>) target(%dma_start3A_18 : memref<128x128xf32, #tpu.memory_space<vmem>>) target_semaphore(%dma_start3A_14 : memref<!tpu.dma_semaphore, #tpu.memory_space<semaphore_mem>>)
    %add3A_21 = arith.constant 32 : i32
    %add3A_22 = arith.addi %add3A, %add3A_21 : i32
    %mul3A_23 = arith.constant 128 : i32
    %mul3A_24 = arith.muli %add3A_22, %mul3A_23 : i32
    %min3A_25 = arith.constant 99872 : i32
    %min3A_26 = arith.minsi %mul3A_24, %min3A_25 : i32
    %dma_start3A_27 = arith.constant 1 : i32
    %dma_start3A_28 = arith.constant 1 : i32
    %dma_start3A_29 = arith.constant 0 : i32
    %dma_start3A_30 = arith.constant 0 : i32
    %dma_start3A_31 = tpu.memref_slice %arg6[%dma_start3A_27, %dma_start3A_29, %dma_start3A_30] : memref<5x128x128xf32, #tpu.memory_space<vmem>> -> memref<1x128x128xf32, #tpu.memory_space<vmem>>
    %dma_start3A_32 = tpu.memref_squeeze %dma_start3A_31 : memref<1x128x128xf32, #tpu.memory_space<vmem>> -> memref<128x128xf32, #tpu.memory_space<vmem>>
    %dma_start3A_33 = arith.constant 0 : i32
    %dma_start3A_34 = tpu.memref_slice %arg2[%min3A_26, %dma_start3A_33] : memref<100000x128xf32, #tpu.memory_space<hbm>> -> memref<128x128xf32, #tpu.memory_space<hbm>>
    %dma_start3A_35 = tpu.memref_slice %arg12[%dma_start3A_28] : memref<5x!tpu.dma_semaphore, #tpu.memory_space<semaphore_mem>> -> memref<1x!tpu.dma_semaphore, #tpu.memory_space<semaphore_mem>>
    %dma_start3A_36 = tpu.memref_squeeze %dma_start3A_35 : memref<1x!tpu.dma_semaphore, #tpu.memory_space<semaphore_mem>> -> memref<!tpu.dma_semaphore, #tpu.memory_space<semaphore_mem>>
    %dma_start3A_37 = arith.constant 0 : i32
    %dma_start3A_38 = arith.constant 0 : i32
    %dma_start3A_39 = tpu.memref_slice %arg6[%dma_start3A_27, %dma_start3A_37, %dma_start3A_38] : memref<5x128x128xf32, #tpu.memory_space<vmem>> -> memref<1x128x128xf32, #tpu.memory_space<vmem>>
    %dma_start3A_40 = tpu.memref_squeeze %dma_start3A_39 : memref<1x128x128xf32, #tpu.memory_space<vmem>> -> memref<128x128xf32, #tpu.memory_space<vmem>>
    %dma_start3A_41 = arith.constant 0 : i32
    %dma_start3A_42 = tpu.memref_slice %arg2[%min3A_26, %dma_start3A_41] : memref<100000x128xf32, #tpu.memory_space<hbm>> -> memref<128x128xf32, #tpu.memory_space<hbm>>
    tpu.enqueue_dma source(%dma_start3A_42 : memref<128x128xf32, #tpu.memory_space<hbm>>) target(%dma_start3A_40 : memref<128x128xf32, #tpu.memory_space<vmem>>) target_semaphore(%dma_start3A_36 : memref<!tpu.dma_semaphore, #tpu.memory_space<semaphore_mem>>)
    %add3A_43 = arith.constant 64 : i32
    %add3A_44 = arith.addi %add3A, %add3A_43 : i32
    %mul3A_45 = arith.constant 128 : i32
    %mul3A_46 = arith.muli %add3A_44, %mul3A_45 : i32
    %min3A_47 = arith.constant 99872 : i32
    %min3A_48 = arith.minsi %mul3A_46, %min3A_47 : i32
    %dma_start3A_49 = arith.constant 2 : i32
    %dma_start3A_50 = arith.constant 2 : i32
    %dma_start3A_51 = arith.constant 0 : i32
    %dma_start3A_52 = arith.constant 0 : i32
    %dma_start3A_53 = tpu.memref_slice %arg6[%dma_start3A_49, %dma_start3A_51, %dma_start3A_52] : memref<5x128x128xf32, #tpu.memory_space<vmem>> -> memref<1x128x128xf32, #tpu.memory_space<vmem>>
    %dma_start3A_54 = tpu.memref_squeeze %dma_start3A_53 : memref<1x128x128xf32, #tpu.memory_space<vmem>> -> memref<128x128xf32, #tpu.memory_space<vmem>>
    %dma_start3A_55 = arith.constant 0 : i32
    %dma_start3A_56 = tpu.memref_slice %arg2[%min3A_48, %dma_start3A_55] : memref<100000x128xf32, #tpu.memory_space<hbm>> -> memref<128x128xf32, #tpu.memory_space<hbm>>
    %dma_start3A_57 = tpu.memref_slice %arg12[%dma_start3A_50] : memref<5x!tpu.dma_semaphore, #tpu.memory_space<semaphore_mem>> -> memref<1x!tpu.dma_semaphore, #tpu.memory_space<semaphore_mem>>
    %dma_start3A_58 = tpu.memref_squeeze %dma_start3A_57 : memref<1x!tpu.dma_semaphore, #tpu.memory_space<semaphore_mem>> -> memref<!tpu.dma_semaphore, #tpu.memory_space<semaphore_mem>>
    %dma_start3A_59 = arith.constant 0 : i32
    %dma_start3A_60 = arith.constant 0 : i32
    %dma_start3A_61 = tpu.memref_slice %arg6[%dma_start3A_49, %dma_start3A_59, %dma_start3A_60] : memref<5x128x128xf32, #tpu.memory_space<vmem>> -> memref<1x128x128xf32, #tpu.memory_space<vmem>>
    %dma_start3A_62 = tpu.memref_squeeze %dma_start3A_61 : memref<1x128x128xf32, #tpu.memory_space<vmem>> -> memref<128x128xf32, #tpu.memory_space<vmem>>
    %dma_start3A_63 = arith.constant 0 : i32
    %dma_start3A_64 = tpu.memref_slice %arg2[%min3A_48, %dma_start3A_63] : memref<100000x128xf32, #tpu.memory_space<hbm>> -> memref<128x128xf32, #tpu.memory_space<hbm>>
    tpu.enqueue_dma source(%dma_start3A_64 : memref<128x128xf32, #tpu.memory_space<hbm>>) target(%dma_start3A_62 : memref<128x128xf32, #tpu.memory_space<vmem>>) target_semaphore(%dma_start3A_58 : memref<!tpu.dma_semaphore, #tpu.memory_space<semaphore_mem>>)
    %add3A_65 = arith.constant 96 : i32
    %add3A_66 = arith.addi %add3A, %add3A_65 : i32
    %mul3A_67 = arith.constant 128 : i32
    %mul3A_68 = arith.muli %add3A_66, %mul3A_67 : i32
    %min3A_69 = arith.constant 99872 : i32
    %min3A_70 = arith.minsi %mul3A_68, %min3A_69 : i32
    %dma_start3A_71 = arith.constant 3 : i32
    %dma_start3A_72 = arith.constant 3 : i32
    %dma_start3A_73 = arith.constant 0 : i32
    %dma_start3A_74 = arith.constant 0 : i32
    %dma_start3A_75 = tpu.memref_slice %arg6[%dma_start3A_71, %dma_start3A_73, %dma_start3A_74] : memref<5x128x128xf32, #tpu.memory_space<vmem>> -> memref<1x128x128xf32, #tpu.memory_space<vmem>>
    %dma_start3A_76 = tpu.memref_squeeze %dma_start3A_75 : memref<1x128x128xf32, #tpu.memory_space<vmem>> -> memref<128x128xf32, #tpu.memory_space<vmem>>
    %dma_start3A_77 = arith.constant 0 : i32
    %dma_start3A_78 = tpu.memref_slice %arg2[%min3A_70, %dma_start3A_77] : memref<100000x128xf32, #tpu.memory_space<hbm>> -> memref<128x128xf32, #tpu.memory_space<hbm>>
    %dma_start3A_79 = tpu.memref_slice %arg12[%dma_start3A_72] : memref<5x!tpu.dma_semaphore, #tpu.memory_space<semaphore_mem>> -> memref<1x!tpu.dma_semaphore, #tpu.memory_space<semaphore_mem>>
    %dma_start3A_80 = tpu.memref_squeeze %dma_start3A_79 : memref<1x!tpu.dma_semaphore, #tpu.memory_space<semaphore_mem>> -> memref<!tpu.dma_semaphore, #tpu.memory_space<semaphore_mem>>
    %dma_start3A_81 = arith.constant 0 : i32
    %dma_start3A_82 = arith.constant 0 : i32
    %dma_start3A_83 = tpu.memref_slice %arg6[%dma_start3A_71, %dma_start3A_81, %dma_start3A_82] : memref<5x128x128xf32, #tpu.memory_space<vmem>> -> memref<1x128x128xf32, #tpu.memory_space<vmem>>
    %dma_start3A_84 = tpu.memref_squeeze %dma_start3A_83 : memref<1x128x128xf32, #tpu.memory_space<vmem>> -> memref<128x128xf32, #tpu.memory_space<vmem>>
    %dma_start3A_85 = arith.constant 0 : i32
    %dma_start3A_86 = tpu.memref_slice %arg2[%min3A_70, %dma_start3A_85] : memref<100000x128xf32, #tpu.memory_space<hbm>> -> memref<128x128xf32, #tpu.memory_space<hbm>>
    tpu.enqueue_dma source(%dma_start3A_86 : memref<128x128xf32, #tpu.memory_space<hbm>>) target(%dma_start3A_84 : memref<128x128xf32, #tpu.memory_space<vmem>>) target_semaphore(%dma_start3A_80 : memref<!tpu.dma_semaphore, #tpu.memory_space<semaphore_mem>>)
    "tpu.region"() ({
      %run_scoped3A = tpu.sem_alloc : memref<!tpu.dma_semaphore, #tpu.memory_space<semaphore_mem>>
      %dma_start3A_2227 = arith.constant 0 : i32
      %dma_start3A_2228 = arith.constant 0 : i32
      %dma_start3A_2229 = tpu.memref_slice %arg3[%add3A, %dma_start3A_2227, %dma_start3A_2228] : memref<32x25x128xi32, #tpu.memory_space<hbm>> -> memref<1x25x128xi32, #tpu.memory_space<hbm>>
      %dma_start3A_2230 = tpu.memref_squeeze %dma_start3A_2229 : memref<1x25x128xi32, #tpu.memory_space<hbm>> -> memref<25x128xi32, #tpu.memory_space<hbm>>
      %dma_start3A_2231 = arith.constant 0 : i32
      %dma_start3A_2232 = arith.constant 0 : i32
      %dma_start3A_2233 = tpu.memref_slice %arg3[%add3A, %dma_start3A_2231, %dma_start3A_2232] : memref<32x25x128xi32, #tpu.memory_space<hbm>> -> memref<1x25x128xi32, #tpu.memory_space<hbm>>
      %dma_start3A_2234 = tpu.memref_squeeze %dma_start3A_2233 : memref<1x25x128xi32, #tpu.memory_space<hbm>> -> memref<25x128xi32, #tpu.memory_space<hbm>>
      tpu.enqueue_dma source(%dma_start3A_2234 : memref<25x128xi32, #tpu.memory_space<hbm>>) target(%arg7 : memref<25x128xi32, #tpu.memory_space<vmem>>) target_semaphore(%run_scoped3A : memref<!tpu.dma_semaphore, #tpu.memory_space<semaphore_mem>>)
      %dma_wait3A_2235 = arith.constant 0 : i32
      %dma_wait3A_2236 = arith.constant 0 : i32
      %dma_wait3A_2237 = tpu.memref_slice %arg3[%add3A, %dma_wait3A_2235, %dma_wait3A_2236] : memref<32x25x128xi32, #tpu.memory_space<hbm>> -> memref<1x25x128xi32, #tpu.memory_space<hbm>>
      %dma_wait3A_2238 = tpu.memref_squeeze %dma_wait3A_2237 : memref<1x25x128xi32, #tpu.memory_space<hbm>> -> memref<25x128xi32, #tpu.memory_space<hbm>>
      %dma_wait3A_2239 = arith.constant 0 : i32
      %dma_wait3A_2240 = arith.constant 0 : i32
      %dma_wait3A_2241 = tpu.memref_slice %arg3[%add3A, %dma_wait3A_2239, %dma_wait3A_2240] : memref<32x25x128xi32, #tpu.memory_space<hbm>> -> memref<1x25x128xi32, #tpu.memory_space<hbm>>
      %dma_wait3A_2242 = tpu.memref_squeeze %dma_wait3A_2241 : memref<1x25x128xi32, #tpu.memory_space<hbm>> -> memref<25x128xi32, #tpu.memory_space<hbm>>
      tpu.wait_dma2 semaphore(%run_scoped3A : memref<!tpu.dma_semaphore, #tpu.memory_space<semaphore_mem>>) src(%dma_wait3A_2242 : memref<25x128xi32, #tpu.memory_space<hbm>>) dst(%arg7 : memref<25x128xi32, #tpu.memory_space<vmem>>)
      tpu.yield
    }) : () -> ()
    %broadcast_in_dim3A = arith.constant 0.000000e+00 : f32
    %broadcast_in_dim3A_87 = vector.broadcast %broadcast_in_dim3A : f32 to vector<16xf32>
    %broadcast_in_dim3A_88 = arith.constant 1.000000e+00 : f32
    %broadcast_in_dim3A_89 = vector.broadcast %broadcast_in_dim3A_88 : f32 to vector<16xf32>
    %scan3A = arith.constant 0 : i32
    %scan3A_90 = arith.constant 0 : i32
    %scan3A_91 = arith.constant 33 : i32
    %scan3A_92 = arith.addi %scan3A_90, %scan3A_91 : i32
    %scan3A_93 = arith.constant 1 : i32
    scf.for %scan3A_2227 = %scan3A_90 to %scan3A_92 step %scan3A_93  : i32 {
      %swap3A = arith.index_cast %scan3A_2227 : i32 to index
      %swap3A_2228 = arith.constant 0 : index
      %swap3A_2229 = tpu.vector_load %arg9[%swap3A, %swap3A_2228] {strides = array<i32>} : memref<33x128xf32, #tpu.memory_space<vmem>>, vector<1x16xf32>,
      %swap3A_2230 = vector.shape_cast %swap3A_2229 : vector<1x16xf32> to vector<16xf32>
      %swap3A_2231 = vector.shape_cast %broadcast_in_dim3A_87 : vector<16xf32> to vector<1x16xf32>
      tpu.vector_store %arg9[%swap3A, %swap3A_2228], %swap3A_2231 {strides = array<i32>} : memref<33x128xf32, #tpu.memory_space<vmem>>, vector<1x16xf32>,
      %swap3A_2232 = arith.index_cast %scan3A_2227 : i32 to index
      %swap3A_2233 = arith.constant 16 : index
      %swap3A_2234 = tpu.vector_load %arg9[%swap3A_2232, %swap3A_2233] {strides = array<i32>} : memref<33x128xf32, #tpu.memory_space<vmem>>, vector<1x16xf32>,
      %swap3A_2235 = vector.shape_cast %swap3A_2234 : vector<1x16xf32> to vector<16xf32>
      %swap3A_2236 = vector.shape_cast %broadcast_in_dim3A_87 : vector<16xf32> to vector<1x16xf32>
      tpu.vector_store %arg9[%swap3A_2232, %swap3A_2233], %swap3A_2236 {strides = array<i32>} : memref<33x128xf32, #tpu.memory_space<vmem>>, vector<1x16xf32>,
      %swap3A_2237 = arith.index_cast %scan3A_2227 : i32 to index
      %swap3A_2238 = arith.constant 32 : index
      %swap3A_2239 = tpu.vector_load %arg9[%swap3A_2237, %swap3A_2238] {strides = array<i32>} : memref<33x128xf32, #tpu.memory_space<vmem>>, vector<1x16xf32>,
      %swap3A_2240 = vector.shape_cast %swap3A_2239 : vector<1x16xf32> to vector<16xf32>
      %swap3A_2241 = vector.shape_cast %broadcast_in_dim3A_87 : vector<16xf32> to vector<1x16xf32>
      tpu.vector_store %arg9[%swap3A_2237, %swap3A_2238], %swap3A_2241 {strides = array<i32>} : memref<33x128xf32, #tpu.memory_space<vmem>>, vector<1x16xf32>,
      %swap3A_2242 = arith.index_cast %scan3A_2227 : i32 to index
      %swap3A_2243 = arith.constant 48 : index
      %swap3A_2244 = tpu.vector_load %arg9[%swap3A_2242, %swap3A_2243] {strides = array<i32>} : memref<33x128xf32, #tpu.memory_space<vmem>>, vector<1x16xf32>,
      %swap3A_2245 = vector.shape_cast %swap3A_2244 : vector<1x16xf32> to vector<16xf32>
      %swap3A_2246 = vector.shape_cast %broadcast_in_dim3A_87 : vector<16xf32> to vector<1x16xf32>
      tpu.vector_store %arg9[%swap3A_2242, %swap3A_2243], %swap3A_2246 {strides = array<i32>} : memref<33x128xf32, #tpu.memory_space<vmem>>, vector<1x16xf32>,
      %swap3A_2247 = arith.index_cast %scan3A_2227 : i32 to index
      %swap3A_2248 = arith.constant 64 : index
      %swap3A_2249 = tpu.vector_load %arg9[%swap3A_2247, %swap3A_2248] {strides = array<i32>} : memref<33x128xf32, #tpu.memory_space<vmem>>, vector<1x16xf32>,
      %swap3A_2250 = vector.shape_cast %swap3A_2249 : vector<1x16xf32> to vector<16xf32>
      %swap3A_2251 = vector.shape_cast %broadcast_in_dim3A_87 : vector<16xf32> to vector<1x16xf32>
      tpu.vector_store %arg9[%swap3A_2247, %swap3A_2248], %swap3A_2251 {strides = array<i32>} : memref<33x128xf32, #tpu.memory_space<vmem>>, vector<1x16xf32>,
      %swap3A_2252 = arith.index_cast %scan3A_2227 : i32 to index
      %swap3A_2253 = arith.constant 80 : index
      %swap3A_2254 = tpu.vector_load %arg9[%swap3A_2252, %swap3A_2253] {strides = array<i32>} : memref<33x128xf32, #tpu.memory_space<vmem>>, vector<1x16xf32>,
      %swap3A_2255 = vector.shape_cast %swap3A_2254 : vector<1x16xf32> to vector<16xf32>
      %swap3A_2256 = vector.shape_cast %broadcast_in_dim3A_87 : vector<16xf32> to vector<1x16xf32>
      tpu.vector_store %arg9[%swap3A_2252, %swap3A_2253], %swap3A_2256 {strides = array<i32>} : memref<33x128xf32, #tpu.memory_space<vmem>>, vector<1x16xf32>,
      %swap3A_2257 = arith.index_cast %scan3A_2227 : i32 to index
      %swap3A_2258 = arith.constant 96 : index
      %swap3A_2259 = tpu.vector_load %arg9[%swap3A_2257, %swap3A_2258] {strides = array<i32>} : memref<33x128xf32, #tpu.memory_space<vmem>>, vector<1x16xf32>,
      %swap3A_2260 = vector.shape_cast %swap3A_2259 : vector<1x16xf32> to vector<16xf32>
      %swap3A_2261 = vector.shape_cast %broadcast_in_dim3A_87 : vector<16xf32> to vector<1x16xf32>
      tpu.vector_store %arg9[%swap3A_2257, %swap3A_2258], %swap3A_2261 {strides = array<i32>} : memref<33x128xf32, #tpu.memory_space<vmem>>, vector<1x16xf32>,
      %swap3A_2262 = arith.index_cast %scan3A_2227 : i32 to index
      %swap3A_2263 = arith.constant 112 : index
      %swap3A_2264 = tpu.vector_load %arg9[%swap3A_2262, %swap3A_2263] {strides = array<i32>} : memref<33x128xf32, #tpu.memory_space<vmem>>, vector<1x16xf32>,
      %swap3A_2265 = vector.shape_cast %swap3A_2264 : vector<1x16xf32> to vector<16xf32>
      %swap3A_2266 = vector.shape_cast %broadcast_in_dim3A_87 : vector<16xf32> to vector<1x16xf32>
      tpu.vector_store %arg9[%swap3A_2262, %swap3A_2263], %swap3A_2266 {strides = array<i32>} : memref<33x128xf32, #tpu.memory_space<vmem>>, vector<1x16xf32>,
    }
    %scan3A_94 = arith.constant 33 : i32
    %scan3A_95 = arith.constant 0 : i32
    %scan3A_96 = arith.constant 0 : i32
    %scan3A_97 = arith.constant 128 : i32
    %scan3A_98 = arith.addi %scan3A_96, %scan3A_97 : i32
    %scan3A_99 = arith.constant 1 : i32
    scf.for %scan3A_2227 = %scan3A_96 to %scan3A_98 step %scan3A_99  : i32 {
      %swap3A = arith.index_cast %scan3A_2227 : i32 to index
      %swap3A_2228 = arith.constant 0 : index
      %swap3A_2229 = tpu.vector_load %arg8[%swap3A, %swap3A_2228] {strides = array<i32>} : memref<128x128xf32, #tpu.memory_space<vmem>>, vector<1x16xf32>,
      %swap3A_2230 = vector.shape_cast %swap3A_2229 : vector<1x16xf32> to vector<16xf32>
      %swap3A_2231 = vector.shape_cast %broadcast_in_dim3A_89 : vector<16xf32> to vector<1x16xf32>
      tpu.vector_store %arg8[%swap3A, %swap3A_2228], %swap3A_2231 {strides = array<i32>} : memref<128x128xf32, #tpu.memory_space<vmem>>, vector<1x16xf32>,
      %swap3A_2232 = arith.index_cast %scan3A_2227 : i32 to index
      %swap3A_2233 = arith.constant 16 : index
      %swap3A_2234 = tpu.vector_load %arg8[%swap3A_2232, %swap3A_2233] {strides = array<i32>} : memref<128x128xf32, #tpu.memory_space<vmem>>, vector<1x16xf32>,
      %swap3A_2235 = vector.shape_cast %swap3A_2234 : vector<1x16xf32> to vector<16xf32>
      %swap3A_2236 = vector.shape_cast %broadcast_in_dim3A_89 : vector<16xf32> to vector<1x16xf32>
      tpu.vector_store %arg8[%swap3A_2232, %swap3A_2233], %swap3A_2236 {strides = array<i32>} : memref<128x128xf32, #tpu.memory_space<vmem>>, vector<1x16xf32>,
      %swap3A_2237 = arith.index_cast %scan3A_2227 : i32 to index
      %swap3A_2238 = arith.constant 32 : index
      %swap3A_2239 = tpu.vector_load %arg8[%swap3A_2237, %swap3A_2238] {strides = array<i32>} : memref<128x128xf32, #tpu.memory_space<vmem>>, vector<1x16xf32>,
      %swap3A_2240 = vector.shape_cast %swap3A_2239 : vector<1x16xf32> to vector<16xf32>
      %swap3A_2241 = vector.shape_cast %broadcast_in_dim3A_89 : vector<16xf32> to vector<1x16xf32>
      tpu.vector_store %arg8[%swap3A_2237, %swap3A_2238], %swap3A_2241 {strides = array<i32>} : memref<128x128xf32, #tpu.memory_space<vmem>>, vector<1x16xf32>,
      %swap3A_2242 = arith.index_cast %scan3A_2227 : i32 to index
      %swap3A_2243 = arith.constant 48 : index
      %swap3A_2244 = tpu.vector_load %arg8[%swap3A_2242, %swap3A_2243] {strides = array<i32>} : memref<128x128xf32, #tpu.memory_space<vmem>>, vector<1x16xf32>,
      %swap3A_2245 = vector.shape_cast %swap3A_2244 : vector<1x16xf32> to vector<16xf32>
      %swap3A_2246 = vector.shape_cast %broadcast_in_dim3A_89 : vector<16xf32> to vector<1x16xf32>
      tpu.vector_store %arg8[%swap3A_2242, %swap3A_2243], %swap3A_2246 {strides = array<i32>} : memref<128x128xf32, #tpu.memory_space<vmem>>, vector<1x16xf32>,
      %swap3A_2247 = arith.index_cast %scan3A_2227 : i32 to index
      %swap3A_2248 = arith.constant 64 : index
      %swap3A_2249 = tpu.vector_load %arg8[%swap3A_2247, %swap3A_2248] {strides = array<i32>} : memref<128x128xf32, #tpu.memory_space<vmem>>, vector<1x16xf32>,
      %swap3A_2250 = vector.shape_cast %swap3A_2249 : vector<1x16xf32> to vector<16xf32>
      %swap3A_2251 = vector.shape_cast %broadcast_in_dim3A_89 : vector<16xf32> to vector<1x16xf32>
      tpu.vector_store %arg8[%swap3A_2247, %swap3A_2248], %swap3A_2251 {strides = array<i32>} : memref<128x128xf32, #tpu.memory_space<vmem>>, vector<1x16xf32>,
      %swap3A_2252 = arith.index_cast %scan3A_2227 : i32 to index
      %swap3A_2253 = arith.constant 80 : index
      %swap3A_2254 = tpu.vector_load %arg8[%swap3A_2252, %swap3A_2253] {strides = array<i32>} : memref<128x128xf32, #tpu.memory_space<vmem>>, vector<1x16xf32>,
      %swap3A_2255 = vector.shape_cast %swap3A_2254 : vector<1x16xf32> to vector<16xf32>
      %swap3A_2256 = vector.shape_cast %broadcast_in_dim3A_89 : vector<16xf32> to vector<1x16xf32>
      tpu.vector_store %arg8[%swap3A_2252, %swap3A_2253], %swap3A_2256 {strides = array<i32>} : memref<128x128xf32, #tpu.memory_space<vmem>>, vector<1x16xf32>,
      %swap3A_2257 = arith.index_cast %scan3A_2227 : i32 to index
      %swap3A_2258 = arith.constant 96 : index
      %swap3A_2259 = tpu.vector_load %arg8[%swap3A_2257, %swap3A_2258] {strides = array<i32>} : memref<128x128xf32, #tpu.memory_space<vmem>>, vector<1x16xf32>,
      %swap3A_2260 = vector.shape_cast %swap3A_2259 : vector<1x16xf32> to vector<16xf32>
      %swap3A_2261 = vector.shape_cast %broadcast_in_dim3A_89 : vector<16xf32> to vector<1x16xf32>
      tpu.vector_store %arg8[%swap3A_2257, %swap3A_2258], %swap3A_2261 {strides = array<i32>} : memref<128x128xf32, #tpu.memory_space<vmem>>, vector<1x16xf32>,
      %swap3A_2262 = arith.index_cast %scan3A_2227 : i32 to index
      %swap3A_2263 = arith.constant 112 : index
      %swap3A_2264 = tpu.vector_load %arg8[%swap3A_2262, %swap3A_2263] {strides = array<i32>} : memref<128x128xf32, #tpu.memory_space<vmem>>, vector<1x16xf32>,
      %swap3A_2265 = vector.shape_cast %swap3A_2264 : vector<1x16xf32> to vector<16xf32>
      %swap3A_2266 = vector.shape_cast %broadcast_in_dim3A_89 : vector<16xf32> to vector<1x16xf32>
      tpu.vector_store %arg8[%swap3A_2262, %swap3A_2263], %swap3A_2266 {strides = array<i32>} : memref<128x128xf32, #tpu.memory_space<vmem>>, vector<1x16xf32>,
    }
    %scan3A_100 = arith.constant 128 : i32
    %mul3A_101 = arith.constant 32 : i32
    %mul3A_102 = arith.muli %arg1, %mul3A_101 : i32
    "tpu.region"() ({
      %run_scoped3A = tpu.sem_alloc : memref<!tpu.dma_semaphore, #tpu.memory_space<semaphore_mem>>
      %dma_start3A_2227 = arith.constant 0 : i32
      %dma_start3A_2228 = arith.constant 0 : i32
      %dma_start3A_2229 = tpu.memref_slice %arg9[%dma_start3A_2227, %dma_start3A_2228] : memref<33x128xf32, #tpu.memory_space<vmem>> -> memref<32x128xf32, #tpu.memory_space<vmem>>
      %dma_start3A_2230 = arith.constant 0 : i32
      %dma_start3A_2231 = tpu.memref_slice %arg10[%mul3A_102, %dma_start3A_2230] : memref<520x128xf32, #tpu.memory_space<vmem_shared>> -> memref<32x128xf32, #tpu.memory_space<vmem_shared>>
      %dma_start3A_2232 = arith.constant 0 : i32
      %dma_start3A_2233 = tpu.memref_slice %arg10[%mul3A_102, %dma_start3A_2232] : memref<520x128xf32, #tpu.memory_space<vmem_shared>> -> memref<32x128xf32, #tpu.memory_space<vmem_shared>>
      %dma_start3A_2234 = arith.constant 0 : i32
      %dma_start3A_2235 = arith.constant 0 : i32
      %dma_start3A_2236 = tpu.memref_slice %arg9[%dma_start3A_2234, %dma_start3A_2235] : memref<33x128xf32, #tpu.memory_space<vmem>> -> memref<32x128xf32, #tpu.memory_space<vmem>>
      tpu.enqueue_dma source(%dma_start3A_2236 : memref<32x128xf32, #tpu.memory_space<vmem>>) target(%dma_start3A_2233 : memref<32x128xf32, #tpu.memory_space<vmem_shared>>) target_semaphore(%run_scoped3A : memref<!tpu.dma_semaphore, #tpu.memory_space<semaphore_mem>>)
      %dma_wait3A_2237 = arith.constant 0 : i32
      %dma_wait3A_2238 = arith.constant 0 : i32
      %dma_wait3A_2239 = tpu.memref_slice %arg9[%dma_wait3A_2237, %dma_wait3A_2238] : memref<33x128xf32, #tpu.memory_space<vmem>> -> memref<32x128xf32, #tpu.memory_space<vmem>>
      %dma_wait3A_2240 = arith.constant 0 : i32
      %dma_wait3A_2241 = tpu.memref_slice %arg10[%mul3A_102, %dma_wait3A_2240] : memref<520x128xf32, #tpu.memory_space<vmem_shared>> -> memref<32x128xf32, #tpu.memory_space<vmem_shared>>
      %dma_wait3A_2242 = arith.constant 0 : i32
      %dma_wait3A_2243 = tpu.memref_slice %arg10[%mul3A_102, %dma_wait3A_2242] : memref<520x128xf32, #tpu.memory_space<vmem_shared>> -> memref<32x128xf32, #tpu.memory_space<vmem_shared>>
      %dma_wait3A_2244 = arith.constant 0 : i32
      %dma_wait3A_2245 = arith.constant 0 : i32
      %dma_wait3A_2246 = tpu.memref_slice %arg9[%dma_wait3A_2244, %dma_wait3A_2245] : memref<33x128xf32, #tpu.memory_space<vmem>> -> memref<32x128xf32, #tpu.memory_space<vmem>>
      tpu.wait_dma2 semaphore(%run_scoped3A : memref<!tpu.dma_semaphore, #tpu.memory_space<semaphore_mem>>) src(%dma_wait3A_2246 : memref<32x128xf32, #tpu.memory_space<vmem>>) dst(%dma_wait3A_2243 : memref<32x128xf32, #tpu.memory_space<vmem_shared>>)
      tpu.yield
    }) : () -> ()
    %mul3A_103 = arith.constant 32 : i32
    %mul3A_104 = arith.muli %arg1, %mul3A_103 : i32
    "tpu.region"() ({
      %run_scoped3A = tpu.sem_alloc : memref<!tpu.dma_semaphore, #tpu.memory_space<semaphore_mem>>
      %dma_start3A_2227 = arith.constant 0 : i32
      %dma_start3A_2228 = arith.constant 0 : i32
      %dma_start3A_2229 = tpu.memref_slice %arg9[%dma_start3A_2227, %dma_start3A_2228] : memref<33x128xf32, #tpu.memory_space<vmem>> -> memref<32x128xf32, #tpu.memory_space<vmem>>
      %dma_start3A_2230 = arith.constant 0 : i32
      %dma_start3A_2231 = tpu.memref_slice %arg11[%mul3A_104, %dma_start3A_2230] : memref<520x128xf32, #tpu.memory_space<vmem_shared>> -> memref<32x128xf32, #tpu.memory_space<vmem_shared>>
      %dma_start3A_2232 = arith.constant 0 : i32
      %dma_start3A_2233 = tpu.memref_slice %arg11[%mul3A_104, %dma_start3A_2232] : memref<520x128xf32, #tpu.memory_space<vmem_shared>> -> memref<32x128xf32, #tpu.memory_space<vmem_shared>>
      %dma_start3A_2234 = arith.constant 0 : i32
      %dma_start3A_2235 = arith.constant 0 : i32
      %dma_start3A_2236 = tpu.memref_slice %arg9[%dma_start3A_2234, %dma_start3A_2235] : memref<33x128xf32, #tpu.memory_space<vmem>> -> memref<32x128xf32, #tpu.memory_space<vmem>>
      tpu.enqueue_dma source(%dma_start3A_2236 : memref<32x128xf32, #tpu.memory_space<vmem>>) target(%dma_start3A_2233 : memref<32x128xf32, #tpu.memory_space<vmem_shared>>) target_semaphore(%run_scoped3A : memref<!tpu.dma_semaphore, #tpu.memory_space<semaphore_mem>>)
      %dma_wait3A_2237 = arith.constant 0 : i32
      %dma_wait3A_2238 = arith.constant 0 : i32
      %dma_wait3A_2239 = tpu.memref_slice %arg9[%dma_wait3A_2237, %dma_wait3A_2238] : memref<33x128xf32, #tpu.memory_space<vmem>> -> memref<32x128xf32, #tpu.memory_space<vmem>>
      %dma_wait3A_2240 = arith.constant 0 : i32
      %dma_wait3A_2241 = tpu.memref_slice %arg11[%mul3A_104, %dma_wait3A_2240] : memref<520x128xf32, #tpu.memory_space<vmem_shared>> -> memref<32x128xf32, #tpu.memory_space<vmem_shared>>
      %dma_wait3A_2242 = arith.constant 0 : i32
      %dma_wait3A_2243 = tpu.memref_slice %arg11[%mul3A_104, %dma_wait3A_2242] : memref<520x128xf32, #tpu.memory_space<vmem_shared>> -> memref<32x128xf32, #tpu.memory_space<vmem_shared>>
      %dma_wait3A_2244 = arith.constant 0 : i32
      %dma_wait3A_2245 = arith.constant 0 : i32
      %dma_wait3A_2246 = tpu.memref_slice %arg9[%dma_wait3A_2244, %dma_wait3A_2245] : memref<33x128xf32, #tpu.memory_space<vmem>> -> memref<32x128xf32, #tpu.memory_space<vmem>>
      tpu.wait_dma2 semaphore(%run_scoped3A : memref<!tpu.dma_semaphore, #tpu.memory_space<semaphore_mem>>) src(%dma_wait3A_2246 : memref<32x128xf32, #tpu.memory_space<vmem>>) dst(%dma_wait3A_2243 : memref<32x128xf32, #tpu.memory_space<vmem_shared>>)
      tpu.yield
    }) : () -> ()
    %eq3A = arith.constant 0 : i32
    %eq3A_105 = arith.cmpi eq, %arg1, %eq3A : i32
    %convert_element_type3A = arith.extui %eq3A_105 : i1 to i32
    %cond3A = arith.constant 0 : i32
    %cond3A_106 = arith.cmpi ne, %convert_element_type3A, %cond3A : i32
    scf.if %cond3A_106 {
      "tpu.region"() ({
        %run_scoped3A = tpu.sem_alloc : memref<!tpu.dma_semaphore, #tpu.memory_space<semaphore_mem>>
        %dma_start3A_2227 = arith.constant 0 : i32
        %dma_start3A_2228 = arith.constant 0 : i32
        %dma_start3A_2229 = tpu.memref_slice %arg9[%dma_start3A_2227, %dma_start3A_2228] : memref<33x128xf32, #tpu.memory_space<vmem>> -> memref<8x128xf32, #tpu.memory_space<vmem>>
        %dma_start3A_2230 = arith.constant 512 : i32
        %dma_start3A_2231 = arith.constant 0 : i32
        %dma_start3A_2232 = tpu.memref_slice %arg10[%dma_start3A_2230, %dma_start3A_2231] : memref<520x128xf32, #tpu.memory_space<vmem_shared>> -> memref<8x128xf32, #tpu.memory_space<vmem_shared>>
        %dma_start3A_2233 = arith.constant 512 : i32
        %dma_start3A_2234 = arith.constant 0 : i32
        %dma_start3A_2235 = tpu.memref_slice %arg10[%dma_start3A_2233, %dma_start3A_2234] : memref<520x128xf32, #tpu.memory_space<vmem_shared>> -> memref<8x128xf32, #tpu.memory_space<vmem_shared>>
        %dma_start3A_2236 = arith.constant 0 : i32
        %dma_start3A_2237 = arith.constant 0 : i32
        %dma_start3A_2238 = tpu.memref_slice %arg9[%dma_start3A_2236, %dma_start3A_2237] : memref<33x128xf32, #tpu.memory_space<vmem>> -> memref<8x128xf32, #tpu.memory_space<vmem>>
        tpu.enqueue_dma source(%dma_start3A_2238 : memref<8x128xf32, #tpu.memory_space<vmem>>) target(%dma_start3A_2235 : memref<8x128xf32, #tpu.memory_space<vmem_shared>>) target_semaphore(%run_scoped3A : memref<!tpu.dma_semaphore, #tpu.memory_space<semaphore_mem>>)
        %dma_wait3A_2239 = arith.constant 0 : i32
        %dma_wait3A_2240 = arith.constant 0 : i32
        %dma_wait3A_2241 = tpu.memref_slice %arg9[%dma_wait3A_2239, %dma_wait3A_2240] : memref<33x128xf32, #tpu.memory_space<vmem>> -> memref<8x128xf32, #tpu.memory_space<vmem>>
        %dma_wait3A_2242 = arith.constant 512 : i32
        %dma_wait3A_2243 = arith.constant 0 : i32
        %dma_wait3A_2244 = tpu.memref_slice %arg10[%dma_wait3A_2242, %dma_wait3A_2243] : memref<520x128xf32, #tpu.memory_space<vmem_shared>> -> memref<8x128xf32, #tpu.memory_space<vmem_shared>>
        %dma_wait3A_2245 = arith.constant 512 : i32
        %dma_wait3A_2246 = arith.constant 0 : i32
        %dma_wait3A_2247 = tpu.memref_slice %arg10[%dma_wait3A_2245, %dma_wait3A_2246] : memref<520x128xf32, #tpu.memory_space<vmem_shared>> -> memref<8x128xf32, #tpu.memory_space<vmem_shared>>
        %dma_wait3A_2248 = arith.constant 0 : i32
        %dma_wait3A_2249 = arith.constant 0 : i32
        %dma_wait3A_2250 = tpu.memref_slice %arg9[%dma_wait3A_2248, %dma_wait3A_2249] : memref<33x128xf32, #tpu.memory_space<vmem>> -> memref<8x128xf32, #tpu.memory_space<vmem>>
        tpu.wait_dma2 semaphore(%run_scoped3A : memref<!tpu.dma_semaphore, #tpu.memory_space<semaphore_mem>>) src(%dma_wait3A_2250 : memref<8x128xf32, #tpu.memory_space<vmem>>) dst(%dma_wait3A_2247 : memref<8x128xf32, #tpu.memory_space<vmem_shared>>)
        tpu.yield
      }) : () -> ()
      "tpu.region"() ({
        %run_scoped3A = tpu.sem_alloc : memref<!tpu.dma_semaphore, #tpu.memory_space<semaphore_mem>>
        %dma_start3A_2227 = arith.constant 0 : i32
        %dma_start3A_2228 = arith.constant 0 : i32
        %dma_start3A_2229 = tpu.memref_slice %arg9[%dma_start3A_2227, %dma_start3A_2228] : memref<33x128xf32, #tpu.memory_space<vmem>> -> memref<8x128xf32, #tpu.memory_space<vmem>>
        %dma_start3A_2230 = arith.constant 512 : i32
        %dma_start3A_2231 = arith.constant 0 : i32
        %dma_start3A_2232 = tpu.memref_slice %arg11[%dma_start3A_2230, %dma_start3A_2231] : memref<520x128xf32, #tpu.memory_space<vmem_shared>> -> memref<8x128xf32, #tpu.memory_space<vmem_shared>>
        %dma_start3A_2233 = arith.constant 512 : i32
        %dma_start3A_2234 = arith.constant 0 : i32
        %dma_start3A_2235 = tpu.memref_slice %arg11[%dma_start3A_2233, %dma_start3A_2234] : memref<520x128xf32, #tpu.memory_space<vmem_shared>> -> memref<8x128xf32, #tpu.memory_space<vmem_shared>>
        %dma_start3A_2236 = arith.constant 0 : i32
        %dma_start3A_2237 = arith.constant 0 : i32
        %dma_start3A_2238 = tpu.memref_slice %arg9[%dma_start3A_2236, %dma_start3A_2237] : memref<33x128xf32, #tpu.memory_space<vmem>> -> memref<8x128xf32, #tpu.memory_space<vmem>>
        tpu.enqueue_dma source(%dma_start3A_2238 : memref<8x128xf32, #tpu.memory_space<vmem>>) target(%dma_start3A_2235 : memref<8x128xf32, #tpu.memory_space<vmem_shared>>) target_semaphore(%run_scoped3A : memref<!tpu.dma_semaphore, #tpu.memory_space<semaphore_mem>>)
        %dma_wait3A_2239 = arith.constant 0 : i32
        %dma_wait3A_2240 = arith.constant 0 : i32
        %dma_wait3A_2241 = tpu.memref_slice %arg9[%dma_wait3A_2239, %dma_wait3A_2240] : memref<33x128xf32, #tpu.memory_space<vmem>> -> memref<8x128xf32, #tpu.memory_space<vmem>>
        %dma_wait3A_2242 = arith.constant 512 : i32
        %dma_wait3A_2243 = arith.constant 0 : i32
        %dma_wait3A_2244 = tpu.memref_slice %arg11[%dma_wait3A_2242, %dma_wait3A_2243] : memref<520x128xf32, #tpu.memory_space<vmem_shared>> -> memref<8x128xf32, #tpu.memory_space<vmem_shared>>
        %dma_wait3A_2245 = arith.constant 512 : i32
        %dma_wait3A_2246 = arith.constant 0 : i32
        %dma_wait3A_2247 = tpu.memref_slice %arg11[%dma_wait3A_2245, %dma_wait3A_2246] : memref<520x128xf32, #tpu.memory_space<vmem_shared>> -> memref<8x128xf32, #tpu.memory_space<vmem_shared>>
        %dma_wait3A_2248 = arith.constant 0 : i32
        %dma_wait3A_2249 = arith.constant 0 : i32
        %dma_wait3A_2250 = tpu.memref_slice %arg9[%dma_wait3A_2248, %dma_wait3A_2249] : memref<33x128xf32, #tpu.memory_space<vmem>> -> memref<8x128xf32, #tpu.memory_space<vmem>>
        tpu.wait_dma2 semaphore(%run_scoped3A : memref<!tpu.dma_semaphore, #tpu.memory_space<semaphore_mem>>) src(%dma_wait3A_2250 : memref<8x128xf32, #tpu.memory_space<vmem>>) dst(%dma_wait3A_2247 : memref<8x128xf32, #tpu.memory_space<vmem_shared>>)
        tpu.yield
      }) : () -> ()
    } else {
    }
    %barrier3A = arith.constant 0 : index
    tpu.barrier barrier_id(%barrier3A)
    %dma_wait3A = arith.constant 0 : i32
    %dma_wait3A_107 = arith.constant 0 : i32
    %dma_wait3A_108 = arith.constant 0 : i32
    %dma_wait3A_109 = arith.constant 0 : i32
    %dma_wait3A_110 = tpu.memref_slice %arg6[%dma_wait3A, %dma_wait3A_108, %dma_wait3A_109] : memref<5x128x128xf32, #tpu.memory_space<vmem>> -> memref<1x128x128xf32, #tpu.memory_space<vmem>>
    %dma_wait3A_111 = tpu.memref_squeeze %dma_wait3A_110 : memref<1x128x128xf32, #tpu.memory_space<vmem>> -> memref<128x128xf32, #tpu.memory_space<vmem>>
    %dma_wait3A_112 = arith.constant 0 : i32
    %dma_wait3A_113 = tpu.memref_slice %arg2[%min3A_5, %dma_wait3A_112] : memref<100000x128xf32, #tpu.memory_space<hbm>> -> memref<128x128xf32, #tpu.memory_space<hbm>>
    %dma_wait3A_114 = tpu.memref_slice %arg12[%dma_wait3A_107] : memref<5x!tpu.dma_semaphore, #tpu.memory_space<semaphore_mem>> -> memref<1x!tpu.dma_semaphore, #tpu.memory_space<semaphore_mem>>
    %dma_wait3A_115 = tpu.memref_squeeze %dma_wait3A_114 : memref<1x!tpu.dma_semaphore, #tpu.memory_space<semaphore_mem>> -> memref<!tpu.dma_semaphore, #tpu.memory_space<semaphore_mem>>
    %dma_wait3A_116 = arith.constant 0 : i32
    %dma_wait3A_117 = arith.constant 0 : i32
    %dma_wait3A_118 = tpu.memref_slice %arg6[%dma_wait3A, %dma_wait3A_116, %dma_wait3A_117] : memref<5x128x128xf32, #tpu.memory_space<vmem>> -> memref<1x128x128xf32, #tpu.memory_space<vmem>>
    %dma_wait3A_119 = tpu.memref_squeeze %dma_wait3A_118 : memref<1x128x128xf32, #tpu.memory_space<vmem>> -> memref<128x128xf32, #tpu.memory_space<vmem>>
    %dma_wait3A_120 = arith.constant 0 : i32
    %dma_wait3A_121 = tpu.memref_slice %arg2[%min3A_5, %dma_wait3A_120] : memref<100000x128xf32, #tpu.memory_space<hbm>> -> memref<128x128xf32, #tpu.memory_space<hbm>>
    tpu.wait_dma2 semaphore(%dma_wait3A_115 : memref<!tpu.dma_semaphore, #tpu.memory_space<semaphore_mem>>) src(%dma_wait3A_121 : memref<128x128xf32, #tpu.memory_space<hbm>>) dst(%dma_wait3A_119 : memref<128x128xf32, #tpu.memory_space<vmem>>)
    %dma_start3A_122 = arith.constant 0 : i32
    %dma_start3A_123 = arith.constant 0 : i32
    %dma_start3A_124 = arith.constant 0 : i32
    %dma_start3A_125 = arith.constant 0 : i32
    %dma_start3A_126 = arith.constant 0 : i32
    %dma_start3A_127 = tpu.memref_slice %arg6[%dma_start3A_122, %dma_start3A_125, %dma_start3A_126] : memref<5x128x128xf32, #tpu.memory_space<vmem>> -> memref<1x128x128xf32, #tpu.memory_space<vmem>>
    %dma_start3A_128 = tpu.memref_squeeze %dma_start3A_127 : memref<1x128x128xf32, #tpu.memory_space<vmem>> -> memref<128x128xf32, #tpu.memory_space<vmem>>
    %dma_start3A_129 = arith.constant 0 : i32
    %dma_start3A_130 = tpu.memref_slice %arg7[%dma_start3A_123, %dma_start3A_129] : memref<25x128xi32, #tpu.memory_space<vmem>> -> memref<1x128xi32, #tpu.memory_space<vmem>>
    %dma_start3A_131 = tpu.memref_squeeze %dma_start3A_130 : memref<1x128xi32, #tpu.memory_space<vmem>> -> memref<128xi32, #tpu.memory_space<vmem>>
    %dma_start3A_132 = arith.constant 0 : i32
    %dma_start3A_133 = arith.constant 0 : i32
    %dma_start3A_134 = tpu.memref_slice %arg10[%dma_start3A_132, %dma_start3A_133] : memref<520x128xf32, #tpu.memory_space<vmem_shared>> -> memref<520x128xf32, #tpu.memory_space<vmem_shared>>
    %dma_start3A_135 = tpu.memref_slice %arg13[%dma_start3A_124] : memref<5x!tpu.dma_semaphore, #tpu.memory_space<semaphore_mem>> -> memref<1x!tpu.dma_semaphore, #tpu.memory_space<semaphore_mem>>
    %dma_start3A_136 = tpu.memref_squeeze %dma_start3A_135 : memref<1x!tpu.dma_semaphore, #tpu.memory_space<semaphore_mem>> -> memref<!tpu.dma_semaphore, #tpu.memory_space<semaphore_mem>>
    tpu.enqueue_indirect_dma source(%dma_start3A_128 : memref<128x128xf32, #tpu.memory_space<vmem>>) target(%dma_start3A_134 : memref<520x128xf32, #tpu.memory_space<vmem_shared>>) offsets(%dma_start3A_131 : memref<128xi32, #tpu.memory_space<vmem>>) semaphore(%dma_start3A_136 : memref<!tpu.dma_semaphore, #tpu.memory_space<semaphore_mem>>) {add = true}
    %dma_start3A_137 = arith.constant 0 : i32
    %dma_start3A_138 = arith.constant 0 : i32
    %dma_start3A_139 = arith.constant 0 : i32
    %dma_start3A_140 = tpu.memref_slice %arg7[%dma_start3A_137, %dma_start3A_139] : memref<25x128xi32, #tpu.memory_space<vmem>> -> memref<1x128xi32, #tpu.memory_space<vmem>>
    %dma_start3A_141 = tpu.memref_squeeze %dma_start3A_140 : memref<1x128xi32, #tpu.memory_space<vmem>> -> memref<128xi32, #tpu.memory_space<vmem>>
    %dma_start3A_142 = arith.constant 0 : i32
    %dma_start3A_143 = arith.constant 0 : i32
    %dma_start3A_144 = tpu.memref_slice %arg11[%dma_start3A_142, %dma_start3A_143] : memref<520x128xf32, #tpu.memory_space<vmem_shared>> -> memref<520x128xf32, #tpu.memory_space<vmem_shared>>
    %dma_start3A_145 = tpu.memref_slice %arg14[%dma_start3A_138] : memref<5x!tpu.dma_semaphore, #tpu.memory_space<semaphore_mem>> -> memref<1x!tpu.dma_semaphore, #tpu.memory_space<semaphore_mem>>
    %dma_start3A_146 = tpu.memref_squeeze %dma_start3A_145 : memref<1x!tpu.dma_semaphore, #tpu.memory_space<semaphore_mem>> -> memref<!tpu.dma_semaphore, #tpu.memory_space<semaphore_mem>>
    tpu.enqueue_indirect_dma source(%arg8 : memref<128x128xf32, #tpu.memory_space<vmem>>) target(%dma_start3A_144 : memref<520x128xf32, #tpu.memory_space<vmem_shared>>) offsets(%dma_start3A_141 : memref<128xi32, #tpu.memory_space<vmem>>) semaphore(%dma_start3A_146 : memref<!tpu.dma_semaphore, #tpu.memory_space<semaphore_mem>>) {add = true}
    %add3A_147 = arith.constant 128 : i32
    %add3A_148 = arith.addi %add3A, %add3A_147 : i32
    %mul3A_149 = arith.constant 128 : i32
    %mul3A_150 = arith.muli %add3A_148, %mul3A_149 : i32
    %min3A_151 = arith.constant 99872 : i32
    %min3A_152 = arith.minsi %mul3A_150, %min3A_151 : i32
    %dma_start3A_153 = arith.constant 4 : i32
    %dma_start3A_154 = arith.constant 4 : i32
    %dma_start3A_155 = arith.constant 0 : i32
    %dma_start3A_156 = arith.constant 0 : i32
    %dma_start3A_157 = tpu.memref_slice %arg6[%dma_start3A_153, %dma_start3A_155, %dma_start3A_156] : memref<5x128x128xf32, #tpu.memory_space<vmem>> -> memref<1x128x128xf32, #tpu.memory_space<vmem>>
    %dma_start3A_158 = tpu.memref_squeeze %dma_start3A_157 : memref<1x128x128xf32, #tpu.memory_space<vmem>> -> memref<128x128xf32, #tpu.memory_space<vmem>>
    %dma_start3A_159 = arith.constant 0 : i32
    %dma_start3A_160 = tpu.memref_slice %arg2[%min3A_152, %dma_start3A_159] : memref<100000x128xf32, #tpu.memory_space<hbm>> -> memref<128x128xf32, #tpu.memory_space<hbm>>
    %dma_start3A_161 = tpu.memref_slice %arg12[%dma_start3A_154] : memref<5x!tpu.dma_semaphore, #tpu.memory_space<semaphore_mem>> -> memref<1x!tpu.dma_semaphore, #tpu.memory_space<semaphore_mem>>
    %dma_start3A_162 = tpu.memref_squeeze %dma_start3A_161 : memref<1x!tpu.dma_semaphore, #tpu.memory_space<semaphore_mem>> -> memref<!tpu.dma_semaphore, #tpu.memory_space<semaphore_mem>>
    %dma_start3A_163 = arith.constant 0 : i32
    %dma_start3A_164 = arith.constant 0 : i32
    %dma_start3A_165 = tpu.memref_slice %arg6[%dma_start3A_153, %dma_start3A_163, %dma_start3A_164] : memref<5x128x128xf32, #tpu.memory_space<vmem>> -> memref<1x128x128xf32, #tpu.memory_space<vmem>>
    %dma_start3A_166 = tpu.memref_squeeze %dma_start3A_165 : memref<1x128x128xf32, #tpu.memory_space<vmem>> -> memref<128x128xf32, #tpu.memory_space<vmem>>
    %dma_start3A_167 = arith.constant 0 : i32
    %dma_start3A_168 = tpu.memref_slice %arg2[%min3A_152, %dma_start3A_167] : memref<100000x128xf32, #tpu.memory_space<hbm>> -> memref<128x128xf32, #tpu.memory_space<hbm>>
    tpu.enqueue_dma source(%dma_start3A_168 : memref<128x128xf32, #tpu.memory_space<hbm>>) target(%dma_start3A_166 : memref<128x128xf32, #tpu.memory_space<vmem>>) target_semaphore(%dma_start3A_162 : memref<!tpu.dma_semaphore, #tpu.memory_space<semaphore_mem>>)
    %dma_wait3A_169 = arith.constant 1 : i32
    %dma_wait3A_170 = arith.constant 1 : i32
    %dma_wait3A_171 = arith.constant 0 : i32
    %dma_wait3A_172 = arith.constant 0 : i32
    %dma_wait3A_173 = tpu.memref_slice %arg6[%dma_wait3A_169, %dma_wait3A_171, %dma_wait3A_172] : memref<5x128x128xf32, #tpu.memory_space<vmem>> -> memref<1x128x128xf32, #tpu.memory_space<vmem>>
    %dma_wait3A_174 = tpu.memref_squeeze %dma_wait3A_173 : memref<1x128x128xf32, #tpu.memory_space<vmem>> -> memref<128x128xf32, #tpu.memory_space<vmem>>
    %dma_wait3A_175 = arith.constant 0 : i32
    %dma_wait3A_176 = tpu.memref_slice %arg2[%min3A_26, %dma_wait3A_175] : memref<100000x128xf32, #tpu.memory_space<hbm>> -> memref<128x128xf32, #tpu.memory_space<hbm>>
    %dma_wait3A_177 = tpu.memref_slice %arg12[%dma_wait3A_170] : memref<5x!tpu.dma_semaphore, #tpu.memory_space<semaphore_mem>> -> memref<1x!tpu.dma_semaphore, #tpu.memory_space<semaphore_mem>>
    %dma_wait3A_178 = tpu.memref_squeeze %dma_wait3A_177 : memref<1x!tpu.dma_semaphore, #tpu.memory_space<semaphore_mem>> -> memref<!tpu.dma_semaphore, #tpu.memory_space<semaphore_mem>>
    %dma_wait3A_179 = arith.constant 0 : i32
    %dma_wait3A_180 = arith.constant 0 : i32
    %dma_wait3A_181 = tpu.memref_slice %arg6[%dma_wait3A_169, %dma_wait3A_179, %dma_wait3A_180] : memref<5x128x128xf32, #tpu.memory_space<vmem>> -> memref<1x128x128xf32, #tpu.memory_space<vmem>>
    %dma_wait3A_182 = tpu.memref_squeeze %dma_wait3A_181 : memref<1x128x128xf32, #tpu.memory_space<vmem>> -> memref<128x128xf32, #tpu.memory_space<vmem>>
    %dma_wait3A_183 = arith.constant 0 : i32
    %dma_wait3A_184 = tpu.memref_slice %arg2[%min3A_26, %dma_wait3A_183] : memref<100000x128xf32, #tpu.memory_space<hbm>> -> memref<128x128xf32, #tpu.memory_space<hbm>>
    tpu.wait_dma2 semaphore(%dma_wait3A_178 : memref<!tpu.dma_semaphore, #tpu.memory_space<semaphore_mem>>) src(%dma_wait3A_184 : memref<128x128xf32, #tpu.memory_space<hbm>>) dst(%dma_wait3A_182 : memref<128x128xf32, #tpu.memory_space<vmem>>)
    %dma_start3A_185 = arith.constant 1 : i32
    %dma_start3A_186 = arith.constant 1 : i32
    %dma_start3A_187 = arith.constant 1 : i32
    %dma_start3A_188 = arith.constant 0 : i32
    %dma_start3A_189 = arith.constant 0 : i32
    %dma_start3A_190 = tpu.memref_slice %arg6[%dma_start3A_185, %dma_start3A_188, %dma_start3A_189] : memref<5x128x128xf32, #tpu.memory_space<vmem>> -> memref<1x128x128xf32, #tpu.memory_space<vmem>>
    %dma_start3A_191 = tpu.memref_squeeze %dma_start3A_190 : memref<1x128x128xf32, #tpu.memory_space<vmem>> -> memref<128x128xf32, #tpu.memory_space<vmem>>
    %dma_start3A_192 = arith.constant 0 : i32
    %dma_start3A_193 = tpu.memref_slice %arg7[%dma_start3A_186, %dma_start3A_192] : memref<25x128xi32, #tpu.memory_space<vmem>> -> memref<1x128xi32, #tpu.memory_space<vmem>>
    %dma_start3A_194 = tpu.memref_squeeze %dma_start3A_193 : memref<1x128xi32, #tpu.memory_space<vmem>> -> memref<128xi32, #tpu.memory_space<vmem>>
    %dma_start3A_195 = arith.constant 0 : i32
    %dma_start3A_196 = arith.constant 0 : i32
    %dma_start3A_197 = tpu.memref_slice %arg10[%dma_start3A_195, %dma_start3A_196] : memref<520x128xf32, #tpu.memory_space<vmem_shared>> -> memref<520x128xf32, #tpu.memory_space<vmem_shared>>
    %dma_start3A_198 = tpu.memref_slice %arg13[%dma_start3A_187] : memref<5x!tpu.dma_semaphore, #tpu.memory_space<semaphore_mem>> -> memref<1x!tpu.dma_semaphore, #tpu.memory_space<semaphore_mem>>
    %dma_start3A_199 = tpu.memref_squeeze %dma_start3A_198 : memref<1x!tpu.dma_semaphore, #tpu.memory_space<semaphore_mem>> -> memref<!tpu.dma_semaphore, #tpu.memory_space<semaphore_mem>>
    tpu.enqueue_indirect_dma source(%dma_start3A_191 : memref<128x128xf32, #tpu.memory_space<vmem>>) target(%dma_start3A_197 : memref<520x128xf32, #tpu.memory_space<vmem_shared>>) offsets(%dma_start3A_194 : memref<128xi32, #tpu.memory_space<vmem>>) semaphore(%dma_start3A_199 : memref<!tpu.dma_semaphore, #tpu.memory_space<semaphore_mem>>) {add = true}
    %dma_start3A_200 = arith.constant 1 : i32
    %dma_start3A_201 = arith.constant 1 : i32
    %dma_start3A_202 = arith.constant 0 : i32
    %dma_start3A_203 = tpu.memref_slice %arg7[%dma_start3A_200, %dma_start3A_202] : memref<25x128xi32, #tpu.memory_space<vmem>> -> memref<1x128xi32, #tpu.memory_space<vmem>>
    %dma_start3A_204 = tpu.memref_squeeze %dma_start3A_203 : memref<1x128xi32, #tpu.memory_space<vmem>> -> memref<128xi32, #tpu.memory_space<vmem>>
    %dma_start3A_205 = arith.constant 0 : i32
    %dma_start3A_206 = arith.constant 0 : i32
    %dma_start3A_207 = tpu.memref_slice %arg11[%dma_start3A_205, %dma_start3A_206] : memref<520x128xf32, #tpu.memory_space<vmem_shared>> -> memref<520x128xf32, #tpu.memory_space<vmem_shared>>
    %dma_start3A_208 = tpu.memref_slice %arg14[%dma_start3A_201] : memref<5x!tpu.dma_semaphore, #tpu.memory_space<semaphore_mem>> -> memref<1x!tpu.dma_semaphore, #tpu.memory_space<semaphore_mem>>
    %dma_start3A_209 = tpu.memref_squeeze %dma_start3A_208 : memref<1x!tpu.dma_semaphore, #tpu.memory_space<semaphore_mem>> -> memref<!tpu.dma_semaphore, #tpu.memory_space<semaphore_mem>>
    tpu.enqueue_indirect_dma source(%arg8 : memref<128x128xf32, #tpu.memory_space<vmem>>) target(%dma_start3A_207 : memref<520x128xf32, #tpu.memory_space<vmem_shared>>) offsets(%dma_start3A_204 : memref<128xi32, #tpu.memory_space<vmem>>) semaphore(%dma_start3A_209 : memref<!tpu.dma_semaphore, #tpu.memory_space<semaphore_mem>>) {add = true}
    %dma_wait3A_210 = arith.constant 0 : i32
    %dma_wait3A_211 = arith.constant 0 : i32
    %dma_wait3A_212 = arith.constant 0 : i32
    %dma_wait3A_213 = arith.constant 0 : i32
    %dma_wait3A_214 = arith.constant 0 : i32
    %dma_wait3A_215 = tpu.memref_slice %arg6[%dma_wait3A_210, %dma_wait3A_213, %dma_wait3A_214] : memref<5x128x128xf32, #tpu.memory_space<vmem>> -> memref<1x128x128xf32, #tpu.memory_space<vmem>>
    %dma_wait3A_216 = tpu.memref_squeeze %dma_wait3A_215 : memref<1x128x128xf32, #tpu.memory_space<vmem>> -> memref<128x128xf32, #tpu.memory_space<vmem>>
    %dma_wait3A_217 = arith.constant 0 : i32
    %dma_wait3A_218 = tpu.memref_slice %arg7[%dma_wait3A_211, %dma_wait3A_217] : memref<25x128xi32, #tpu.memory_space<vmem>> -> memref<1x128xi32, #tpu.memory_space<vmem>>
    %dma_wait3A_219 = tpu.memref_squeeze %dma_wait3A_218 : memref<1x128xi32, #tpu.memory_space<vmem>> -> memref<128xi32, #tpu.memory_space<vmem>>
    %dma_wait3A_220 = arith.constant 0 : i32
    %dma_wait3A_221 = arith.constant 0 : i32
    %dma_wait3A_222 = tpu.memref_slice %arg10[%dma_wait3A_220, %dma_wait3A_221] : memref<520x128xf32, #tpu.memory_space<vmem_shared>> -> memref<520x128xf32, #tpu.memory_space<vmem_shared>>
    %dma_wait3A_223 = tpu.memref_slice %arg13[%dma_wait3A_212] : memref<5x!tpu.dma_semaphore, #tpu.memory_space<semaphore_mem>> -> memref<1x!tpu.dma_semaphore, #tpu.memory_space<semaphore_mem>>
    %dma_wait3A_224 = tpu.memref_squeeze %dma_wait3A_223 : memref<1x!tpu.dma_semaphore, #tpu.memory_space<semaphore_mem>> -> memref<!tpu.dma_semaphore, #tpu.memory_space<semaphore_mem>>
    tpu.wait_indirect_dma semaphore(%dma_wait3A_224 : memref<!tpu.dma_semaphore, #tpu.memory_space<semaphore_mem>>) src(%dma_wait3A_216 : memref<128x128xf32, #tpu.memory_space<vmem>>) dst(%dma_wait3A_222 : memref<520x128xf32, #tpu.memory_space<vmem_shared>>)
    %dma_wait3A_225 = arith.constant 0 : i32
    %dma_wait3A_226 = arith.constant 0 : i32
    %dma_wait3A_227 = arith.constant 0 : i32
    %dma_wait3A_228 = tpu.memref_slice %arg7[%dma_wait3A_225, %dma_wait3A_227] : memref<25x128xi32, #tpu.memory_space<vmem>> -> memref<1x128xi32, #tpu.memory_space<vmem>>
    %dma_wait3A_229 = tpu.memref_squeeze %dma_wait3A_228 : memref<1x128xi32, #tpu.memory_space<vmem>> -> memref<128xi32, #tpu.memory_space<vmem>>
    %dma_wait3A_230 = arith.constant 0 : i32
    %dma_wait3A_231 = arith.constant 0 : i32
    %dma_wait3A_232 = tpu.memref_slice %arg11[%dma_wait3A_230, %dma_wait3A_231] : memref<520x128xf32, #tpu.memory_space<vmem_shared>> -> memref<520x128xf32, #tpu.memory_space<vmem_shared>>
    %dma_wait3A_233 = tpu.memref_slice %arg14[%dma_wait3A_226] : memref<5x!tpu.dma_semaphore, #tpu.memory_space<semaphore_mem>> -> memref<1x!tpu.dma_semaphore, #tpu.memory_space<semaphore_mem>>
    %dma_wait3A_234 = tpu.memref_squeeze %dma_wait3A_233 : memref<1x!tpu.dma_semaphore, #tpu.memory_space<semaphore_mem>> -> memref<!tpu.dma_semaphore, #tpu.memory_space<semaphore_mem>>
    tpu.wait_indirect_dma semaphore(%dma_wait3A_234 : memref<!tpu.dma_semaphore, #tpu.memory_space<semaphore_mem>>) src(%arg8 : memref<128x128xf32, #tpu.memory_space<vmem>>) dst(%dma_wait3A_232 : memref<520x128xf32, #tpu.memory_space<vmem_shared>>)
    %add3A_235 = arith.constant 160 : i32
    %add3A_236 = arith.addi %add3A, %add3A_235 : i32
    %mul3A_237 = arith.constant 128 : i32
    %mul3A_238 = arith.muli %add3A_236, %mul3A_237 : i32
    %min3A_239 = arith.constant 99872 : i32
    %min3A_240 = arith.minsi %mul3A_238, %min3A_239 : i32
    %dma_start3A_241 = arith.constant 0 : i32
    %dma_start3A_242 = arith.constant 0 : i32
    %dma_start3A_243 = arith.constant 0 : i32
    %dma_start3A_244 = arith.constant 0 : i32
    %dma_start3A_245 = tpu.memref_slice %arg6[%dma_start3A_241, %dma_start3A_243, %dma_start3A_244] : memref<5x128x128xf32, #tpu.memory_space<vmem>> -> memref<1x128x128xf32, #tpu.memory_space<vmem>>
    %dma_start3A_246 = tpu.memref_squeeze %dma_start3A_245 : memref<1x128x128xf32, #tpu.memory_space<vmem>> -> memref<128x128xf32, #tpu.memory_space<vmem>>
    %dma_start3A_247 = arith.constant 0 : i32
    %dma_start3A_248 = tpu.memref_slice %arg2[%min3A_240, %dma_start3A_247] : memref<100000x128xf32, #tpu.memory_space<hbm>> -> memref<128x128xf32, #tpu.memory_space<hbm>>
    %dma_start3A_249 = tpu.memref_slice %arg12[%dma_start3A_242] : memref<5x!tpu.dma_semaphore, #tpu.memory_space<semaphore_mem>> -> memref<1x!tpu.dma_semaphore, #tpu.memory_space<semaphore_mem>>
    %dma_start3A_250 = tpu.memref_squeeze %dma_start3A_249 : memref<1x!tpu.dma_semaphore, #tpu.memory_space<semaphore_mem>> -> memref<!tpu.dma_semaphore, #tpu.memory_space<semaphore_mem>>
    %dma_start3A_251 = arith.constant 0 : i32
    %dma_start3A_252 = arith.constant 0 : i32
    %dma_start3A_253 = tpu.memref_slice %arg6[%dma_start3A_241, %dma_start3A_251, %dma_start3A_252] : memref<5x128x128xf32, #tpu.memory_space<vmem>> -> memref<1x128x128xf32, #tpu.memory_space<vmem>>
    %dma_start3A_254 = tpu.memref_squeeze %dma_start3A_253 : memref<1x128x128xf32, #tpu.memory_space<vmem>> -> memref<128x128xf32, #tpu.memory_space<vmem>>
    %dma_start3A_255 = arith.constant 0 : i32
    %dma_start3A_256 = tpu.memref_slice %arg2[%min3A_240, %dma_start3A_255] : memref<100000x128xf32, #tpu.memory_space<hbm>> -> memref<128x128xf32, #tpu.memory_space<hbm>>
    tpu.enqueue_dma source(%dma_start3A_256 : memref<128x128xf32, #tpu.memory_space<hbm>>) target(%dma_start3A_254 : memref<128x128xf32, #tpu.memory_space<vmem>>) target_semaphore(%dma_start3A_250 : memref<!tpu.dma_semaphore, #tpu.memory_space<semaphore_mem>>)
    %dma_wait3A_257 = arith.constant 2 : i32
    %dma_wait3A_258 = arith.constant 2 : i32
    %dma_wait3A_259 = arith.constant 0 : i32
    %dma_wait3A_260 = arith.constant 0 : i32
    %dma_wait3A_261 = tpu.memref_slice %arg6[%dma_wait3A_257, %dma_wait3A_259, %dma_wait3A_260] : memref<5x128x128xf32, #tpu.memory_space<vmem>> -> memref<1x128x128xf32, #tpu.memory_space<vmem>>
    %dma_wait3A_262 = tpu.memref_squeeze %dma_wait3A_261 : memref<1x128x128xf32, #tpu.memory_space<vmem>> -> memref<128x128xf32, #tpu.memory_space<vmem>>
    %dma_wait3A_263 = arith.constant 0 : i32
    %dma_wait3A_264 = tpu.memref_slice %arg2[%min3A_48, %dma_wait3A_263] : memref<100000x128xf32, #tpu.memory_space<hbm>> -> memref<128x128xf32, #tpu.memory_space<hbm>>
    %dma_wait3A_265 = tpu.memref_slice %arg12[%dma_wait3A_258] : memref<5x!tpu.dma_semaphore, #tpu.memory_space<semaphore_mem>> -> memref<1x!tpu.dma_semaphore, #tpu.memory_space<semaphore_mem>>
    %dma_wait3A_266 = tpu.memref_squeeze %dma_wait3A_265 : memref<1x!tpu.dma_semaphore, #tpu.memory_space<semaphore_mem>> -> memref<!tpu.dma_semaphore, #tpu.memory_space<semaphore_mem>>
    %dma_wait3A_267 = arith.constant 0 : i32
    %dma_wait3A_268 = arith.constant 0 : i32
    %dma_wait3A_269 = tpu.memref_slice %arg6[%dma_wait3A_257, %dma_wait3A_267, %dma_wait3A_268] : memref<5x128x128xf32, #tpu.memory_space<vmem>> -> memref<1x128x128xf32, #tpu.memory_space<vmem>>
    %dma_wait3A_270 = tpu.memref_squeeze %dma_wait3A_269 : memref<1x128x128xf32, #tpu.memory_space<vmem>> -> memref<128x128xf32, #tpu.memory_space<vmem>>
    %dma_wait3A_271 = arith.constant 0 : i32
    %dma_wait3A_272 = tpu.memref_slice %arg2[%min3A_48, %dma_wait3A_271] : memref<100000x128xf32, #tpu.memory_space<hbm>> -> memref<128x128xf32, #tpu.memory_space<hbm>>
    tpu.wait_dma2 semaphore(%dma_wait3A_266 : memref<!tpu.dma_semaphore, #tpu.memory_space<semaphore_mem>>) src(%dma_wait3A_272 : memref<128x128xf32, #tpu.memory_space<hbm>>) dst(%dma_wait3A_270 : memref<128x128xf32, #tpu.memory_space<vmem>>)
    %dma_start3A_273 = arith.constant 2 : i32
    %dma_start3A_274 = arith.constant 2 : i32
    %dma_start3A_275 = arith.constant 2 : i32
    %dma_start3A_276 = arith.constant 0 : i32
    %dma_start3A_277 = arith.constant 0 : i32
    %dma_start3A_278 = tpu.memref_slice %arg6[%dma_start3A_273, %dma_start3A_276, %dma_start3A_277] : memref<5x128x128xf32, #tpu.memory_space<vmem>> -> memref<1x128x128xf32, #tpu.memory_space<vmem>>
    %dma_start3A_279 = tpu.memref_squeeze %dma_start3A_278 : memref<1x128x128xf32, #tpu.memory_space<vmem>> -> memref<128x128xf32, #tpu.memory_space<vmem>>
    %dma_start3A_280 = arith.constant 0 : i32
    %dma_start3A_281 = tpu.memref_slice %arg7[%dma_start3A_274, %dma_start3A_280] : memref<25x128xi32, #tpu.memory_space<vmem>> -> memref<1x128xi32, #tpu.memory_space<vmem>>
    %dma_start3A_282 = tpu.memref_squeeze %dma_start3A_281 : memref<1x128xi32, #tpu.memory_space<vmem>> -> memref<128xi32, #tpu.memory_space<vmem>>
    %dma_start3A_283 = arith.constant 0 : i32
    %dma_start3A_284 = arith.constant 0 : i32
    %dma_start3A_285 = tpu.memref_slice %arg10[%dma_start3A_283, %dma_start3A_284] : memref<520x128xf32, #tpu.memory_space<vmem_shared>> -> memref<520x128xf32, #tpu.memory_space<vmem_shared>>
    %dma_start3A_286 = tpu.memref_slice %arg13[%dma_start3A_275] : memref<5x!tpu.dma_semaphore, #tpu.memory_space<semaphore_mem>> -> memref<1x!tpu.dma_semaphore, #tpu.memory_space<semaphore_mem>>
    %dma_start3A_287 = tpu.memref_squeeze %dma_start3A_286 : memref<1x!tpu.dma_semaphore, #tpu.memory_space<semaphore_mem>> -> memref<!tpu.dma_semaphore, #tpu.memory_space<semaphore_mem>>
    tpu.enqueue_indirect_dma source(%dma_start3A_279 : memref<128x128xf32, #tpu.memory_space<vmem>>) target(%dma_start3A_285 : memref<520x128xf32, #tpu.memory_space<vmem_shared>>) offsets(%dma_start3A_282 : memref<128xi32, #tpu.memory_space<vmem>>) semaphore(%dma_start3A_287 : memref<!tpu.dma_semaphore, #tpu.memory_space<semaphore_mem>>) {add = true}
    %dma_start3A_288 = arith.constant 2 : i32
    %dma_start3A_289 = arith.constant 2 : i32
    %dma_start3A_290 = arith.constant 0 : i32
    %dma_start3A_291 = tpu.memref_slice %arg7[%dma_start3A_288, %dma_start3A_290] : memref<25x128xi32, #tpu.memory_space<vmem>> -> memref<1x128xi32, #tpu.memory_space<vmem>>
    %dma_start3A_292 = tpu.memref_squeeze %dma_start3A_291 : memref<1x128xi32, #tpu.memory_space<vmem>> -> memref<128xi32, #tpu.memory_space<vmem>>
    %dma_start3A_293 = arith.constant 0 : i32
    %dma_start3A_294 = arith.constant 0 : i32
    %dma_start3A_295 = tpu.memref_slice %arg11[%dma_start3A_293, %dma_start3A_294] : memref<520x128xf32, #tpu.memory_space<vmem_shared>> -> memref<520x128xf32, #tpu.memory_space<vmem_shared>>
    %dma_start3A_296 = tpu.memref_slice %arg14[%dma_start3A_289] : memref<5x!tpu.dma_semaphore, #tpu.memory_space<semaphore_mem>> -> memref<1x!tpu.dma_semaphore, #tpu.memory_space<semaphore_mem>>
    %dma_start3A_297 = tpu.memref_squeeze %dma_start3A_296 : memref<1x!tpu.dma_semaphore, #tpu.memory_space<semaphore_mem>> -> memref<!tpu.dma_semaphore, #tpu.memory_space<semaphore_mem>>
    tpu.enqueue_indirect_dma source(%arg8 : memref<128x128xf32, #tpu.memory_space<vmem>>) target(%dma_start3A_295 : memref<520x128xf32, #tpu.memory_space<vmem_shared>>) offsets(%dma_start3A_292 : memref<128xi32, #tpu.memory_space<vmem>>) semaphore(%dma_start3A_297 : memref<!tpu.dma_semaphore, #tpu.memory_space<semaphore_mem>>) {add = true}
    %dma_wait3A_298 = arith.constant 1 : i32
    %dma_wait3A_299 = arith.constant 1 : i32
    %dma_wait3A_300 = arith.constant 1 : i32
    %dma_wait3A_301 = arith.constant 0 : i32
    %dma_wait3A_302 = arith.constant 0 : i32
    %dma_wait3A_303 = tpu.memref_slice %arg6[%dma_wait3A_298, %dma_wait3A_301, %dma_wait3A_302] : memref<5x128x128xf32, #tpu.memory_space<vmem>> -> memref<1x128x128xf32, #tpu.memory_space<vmem>>
    %dma_wait3A_304 = tpu.memref_squeeze %dma_wait3A_303 : memref<1x128x128xf32, #tpu.memory_space<vmem>> -> memref<128x128xf32, #tpu.memory_space<vmem>>
    %dma_wait3A_305 = arith.constant 0 : i32
    %dma_wait3A_306 = tpu.memref_slice %arg7[%dma_wait3A_299, %dma_wait3A_305] : memref<25x128xi32, #tpu.memory_space<vmem>> -> memref<1x128xi32, #tpu.memory_space<vmem>>
    %dma_wait3A_307 = tpu.memref_squeeze %dma_wait3A_306 : memref<1x128xi32, #tpu.memory_space<vmem>> -> memref<128xi32, #tpu.memory_space<vmem>>
    %dma_wait3A_308 = arith.constant 0 : i32
    %dma_wait3A_309 = arith.constant 0 : i32
    %dma_wait3A_310 = tpu.memref_slice %arg10[%dma_wait3A_308, %dma_wait3A_309] : memref<520x128xf32, #tpu.memory_space<vmem_shared>> -> memref<520x128xf32, #tpu.memory_space<vmem_shared>>
    %dma_wait3A_311 = tpu.memref_slice %arg13[%dma_wait3A_300] : memref<5x!tpu.dma_semaphore, #tpu.memory_space<semaphore_mem>> -> memref<1x!tpu.dma_semaphore, #tpu.memory_space<semaphore_mem>>
    %dma_wait3A_312 = tpu.memref_squeeze %dma_wait3A_311 : memref<1x!tpu.dma_semaphore, #tpu.memory_space<semaphore_mem>> -> memref<!tpu.dma_semaphore, #tpu.memory_space<semaphore_mem>>
    tpu.wait_indirect_dma semaphore(%dma_wait3A_312 : memref<!tpu.dma_semaphore, #tpu.memory_space<semaphore_mem>>) src(%dma_wait3A_304 : memref<128x128xf32, #tpu.memory_space<vmem>>) dst(%dma_wait3A_310 : memref<520x128xf32, #tpu.memory_space<vmem_shared>>)
    %dma_wait3A_313 = arith.constant 1 : i32
    %dma_wait3A_314 = arith.constant 1 : i32
    %dma_wait3A_315 = arith.constant 0 : i32
    %dma_wait3A_316 = tpu.memref_slice %arg7[%dma_wait3A_313, %dma_wait3A_315] : memref<25x128xi32, #tpu.memory_space<vmem>> -> memref<1x128xi32, #tpu.memory_space<vmem>>
    %dma_wait3A_317 = tpu.memref_squeeze %dma_wait3A_316 : memref<1x128xi32, #tpu.memory_space<vmem>> -> memref<128xi32, #tpu.memory_space<vmem>>
    %dma_wait3A_318 = arith.constant 0 : i32
    %dma_wait3A_319 = arith.constant 0 : i32
    %dma_wait3A_320 = tpu.memref_slice %arg11[%dma_wait3A_318, %dma_wait3A_319] : memref<520x128xf32, #tpu.memory_space<vmem_shared>> -> memref<520x128xf32, #tpu.memory_space<vmem_shared>>
    %dma_wait3A_321 = tpu.memref_slice %arg14[%dma_wait3A_314] : memref<5x!tpu.dma_semaphore, #tpu.memory_space<semaphore_mem>> -> memref<1x!tpu.dma_semaphore, #tpu.memory_space<semaphore_mem>>
    %dma_wait3A_322 = tpu.memref_squeeze %dma_wait3A_321 : memref<1x!tpu.dma_semaphore, #tpu.memory_space<semaphore_mem>> -> memref<!tpu.dma_semaphore, #tpu.memory_space<semaphore_mem>>
    tpu.wait_indirect_dma semaphore(%dma_wait3A_322 : memref<!tpu.dma_semaphore, #tpu.memory_space<semaphore_mem>>) src(%arg8 : memref<128x128xf32, #tpu.memory_space<vmem>>) dst(%dma_wait3A_320 : memref<520x128xf32, #tpu.memory_space<vmem_shared>>)
    %add3A_323 = arith.constant 192 : i32
    %add3A_324 = arith.addi %add3A, %add3A_323 : i32
    %mul3A_325 = arith.constant 128 : i32
    %mul3A_326 = arith.muli %add3A_324, %mul3A_325 : i32
    %min3A_327 = arith.constant 99872 : i32
    %min3A_328 = arith.minsi %mul3A_326, %min3A_327 : i32
    %dma_start3A_329 = arith.constant 1 : i32
    %dma_start3A_330 = arith.constant 1 : i32
    %dma_start3A_331 = arith.constant 0 : i32
    %dma_start3A_332 = arith.constant 0 : i32
    %dma_start3A_333 = tpu.memref_slice %arg6[%dma_start3A_329, %dma_start3A_331, %dma_start3A_332] : memref<5x128x128xf32, #tpu.memory_space<vmem>> -> memref<1x128x128xf32, #tpu.memory_space<vmem>>
    %dma_start3A_334 = tpu.memref_squeeze %dma_start3A_333 : memref<1x128x128xf32, #tpu.memory_space<vmem>> -> memref<128x128xf32, #tpu.memory_space<vmem>>
    %dma_start3A_335 = arith.constant 0 : i32
    %dma_start3A_336 = tpu.memref_slice %arg2[%min3A_328, %dma_start3A_335] : memref<100000x128xf32, #tpu.memory_space<hbm>> -> memref<128x128xf32, #tpu.memory_space<hbm>>
    %dma_start3A_337 = tpu.memref_slice %arg12[%dma_start3A_330] : memref<5x!tpu.dma_semaphore, #tpu.memory_space<semaphore_mem>> -> memref<1x!tpu.dma_semaphore, #tpu.memory_space<semaphore_mem>>
    %dma_start3A_338 = tpu.memref_squeeze %dma_start3A_337 : memref<1x!tpu.dma_semaphore, #tpu.memory_space<semaphore_mem>> -> memref<!tpu.dma_semaphore, #tpu.memory_space<semaphore_mem>>
    %dma_start3A_339 = arith.constant 0 : i32
    %dma_start3A_340 = arith.constant 0 : i32
    %dma_start3A_341 = tpu.memref_slice %arg6[%dma_start3A_329, %dma_start3A_339, %dma_start3A_340] : memref<5x128x128xf32, #tpu.memory_space<vmem>> -> memref<1x128x128xf32, #tpu.memory_space<vmem>>
    %dma_start3A_342 = tpu.memref_squeeze %dma_start3A_341 : memref<1x128x128xf32, #tpu.memory_space<vmem>> -> memref<128x128xf32, #tpu.memory_space<vmem>>
    %dma_start3A_343 = arith.constant 0 : i32
    %dma_start3A_344 = tpu.memref_slice %arg2[%min3A_328, %dma_start3A_343] : memref<100000x128xf32, #tpu.memory_space<hbm>> -> memref<128x128xf32, #tpu.memory_space<hbm>>
    tpu.enqueue_dma source(%dma_start3A_344 : memref<128x128xf32, #tpu.memory_space<hbm>>) target(%dma_start3A_342 : memref<128x128xf32, #tpu.memory_space<vmem>>) target_semaphore(%dma_start3A_338 : memref<!tpu.dma_semaphore, #tpu.memory_space<semaphore_mem>>)
    %dma_wait3A_345 = arith.constant 3 : i32
    %dma_wait3A_346 = arith.constant 3 : i32
    %dma_wait3A_347 = arith.constant 0 : i32
    %dma_wait3A_348 = arith.constant 0 : i32
    %dma_wait3A_349 = tpu.memref_slice %arg6[%dma_wait3A_345, %dma_wait3A_347, %dma_wait3A_348] : memref<5x128x128xf32, #tpu.memory_space<vmem>> -> memref<1x128x128xf32, #tpu.memory_space<vmem>>
    %dma_wait3A_350 = tpu.memref_squeeze %dma_wait3A_349 : memref<1x128x128xf32, #tpu.memory_space<vmem>> -> memref<128x128xf32, #tpu.memory_space<vmem>>
    %dma_wait3A_351 = arith.constant 0 : i32
    %dma_wait3A_352 = tpu.memref_slice %arg2[%min3A_70, %dma_wait3A_351] : memref<100000x128xf32, #tpu.memory_space<hbm>> -> memref<128x128xf32, #tpu.memory_space<hbm>>
    %dma_wait3A_353 = tpu.memref_slice %arg12[%dma_wait3A_346] : memref<5x!tpu.dma_semaphore, #tpu.memory_space<semaphore_mem>> -> memref<1x!tpu.dma_semaphore, #tpu.memory_space<semaphore_mem>>
    %dma_wait3A_354 = tpu.memref_squeeze %dma_wait3A_353 : memref<1x!tpu.dma_semaphore, #tpu.memory_space<semaphore_mem>> -> memref<!tpu.dma_semaphore, #tpu.memory_space<semaphore_mem>>
    %dma_wait3A_355 = arith.constant 0 : i32
    %dma_wait3A_356 = arith.constant 0 : i32
    %dma_wait3A_357 = tpu.memref_slice %arg6[%dma_wait3A_345, %dma_wait3A_355, %dma_wait3A_356] : memref<5x128x128xf32, #tpu.memory_space<vmem>> -> memref<1x128x128xf32, #tpu.memory_space<vmem>>
    %dma_wait3A_358 = tpu.memref_squeeze %dma_wait3A_357 : memref<1x128x128xf32, #tpu.memory_space<vmem>> -> memref<128x128xf32, #tpu.memory_space<vmem>>
    %dma_wait3A_359 = arith.constant 0 : i32
    %dma_wait3A_360 = tpu.memref_slice %arg2[%min3A_70, %dma_wait3A_359] : memref<100000x128xf32, #tpu.memory_space<hbm>> -> memref<128x128xf32, #tpu.memory_space<hbm>>
    tpu.wait_dma2 semaphore(%dma_wait3A_354 : memref<!tpu.dma_semaphore, #tpu.memory_space<semaphore_mem>>) src(%dma_wait3A_360 : memref<128x128xf32, #tpu.memory_space<hbm>>) dst(%dma_wait3A_358 : memref<128x128xf32, #tpu.memory_space<vmem>>)
    %dma_start3A_361 = arith.constant 3 : i32
    %dma_start3A_362 = arith.constant 3 : i32
    %dma_start3A_363 = arith.constant 3 : i32
    %dma_start3A_364 = arith.constant 0 : i32
    %dma_start3A_365 = arith.constant 0 : i32
    %dma_start3A_366 = tpu.memref_slice %arg6[%dma_start3A_361, %dma_start3A_364, %dma_start3A_365] : memref<5x128x128xf32, #tpu.memory_space<vmem>> -> memref<1x128x128xf32, #tpu.memory_space<vmem>>
    %dma_start3A_367 = tpu.memref_squeeze %dma_start3A_366 : memref<1x128x128xf32, #tpu.memory_space<vmem>> -> memref<128x128xf32, #tpu.memory_space<vmem>>
    %dma_start3A_368 = arith.constant 0 : i32
    %dma_start3A_369 = tpu.memref_slice %arg7[%dma_start3A_362, %dma_start3A_368] : memref<25x128xi32, #tpu.memory_space<vmem>> -> memref<1x128xi32, #tpu.memory_space<vmem>>
    %dma_start3A_370 = tpu.memref_squeeze %dma_start3A_369 : memref<1x128xi32, #tpu.memory_space<vmem>> -> memref<128xi32, #tpu.memory_space<vmem>>
    %dma_start3A_371 = arith.constant 0 : i32
    %dma_start3A_372 = arith.constant 0 : i32
    %dma_start3A_373 = tpu.memref_slice %arg10[%dma_start3A_371, %dma_start3A_372] : memref<520x128xf32, #tpu.memory_space<vmem_shared>> -> memref<520x128xf32, #tpu.memory_space<vmem_shared>>
    %dma_start3A_374 = tpu.memref_slice %arg13[%dma_start3A_363] : memref<5x!tpu.dma_semaphore, #tpu.memory_space<semaphore_mem>> -> memref<1x!tpu.dma_semaphore, #tpu.memory_space<semaphore_mem>>
    %dma_start3A_375 = tpu.memref_squeeze %dma_start3A_374 : memref<1x!tpu.dma_semaphore, #tpu.memory_space<semaphore_mem>> -> memref<!tpu.dma_semaphore, #tpu.memory_space<semaphore_mem>>
    tpu.enqueue_indirect_dma source(%dma_start3A_367 : memref<128x128xf32, #tpu.memory_space<vmem>>) target(%dma_start3A_373 : memref<520x128xf32, #tpu.memory_space<vmem_shared>>) offsets(%dma_start3A_370 : memref<128xi32, #tpu.memory_space<vmem>>) semaphore(%dma_start3A_375 : memref<!tpu.dma_semaphore, #tpu.memory_space<semaphore_mem>>) {add = true}
    %dma_start3A_376 = arith.constant 3 : i32
    %dma_start3A_377 = arith.constant 3 : i32
    %dma_start3A_378 = arith.constant 0 : i32
    %dma_start3A_379 = tpu.memref_slice %arg7[%dma_start3A_376, %dma_start3A_378] : memref<25x128xi32, #tpu.memory_space<vmem>> -> memref<1x128xi32, #tpu.memory_space<vmem>>
    %dma_start3A_380 = tpu.memref_squeeze %dma_start3A_379 : memref<1x128xi32, #tpu.memory_space<vmem>> -> memref<128xi32, #tpu.memory_space<vmem>>
    %dma_start3A_381 = arith.constant 0 : i32
    %dma_start3A_382 = arith.constant 0 : i32
    %dma_start3A_383 = tpu.memref_slice %arg11[%dma_start3A_381, %dma_start3A_382] : memref<520x128xf32, #tpu.memory_space<vmem_shared>> -> memref<520x128xf32, #tpu.memory_space<vmem_shared>>
    %dma_start3A_384 = tpu.memref_slice %arg14[%dma_start3A_377] : memref<5x!tpu.dma_semaphore, #tpu.memory_space<semaphore_mem>> -> memref<1x!tpu.dma_semaphore, #tpu.memory_space<semaphore_mem>>
    %dma_start3A_385 = tpu.memref_squeeze %dma_start3A_384 : memref<1x!tpu.dma_semaphore, #tpu.memory_space<semaphore_mem>> -> memref<!tpu.dma_semaphore, #tpu.memory_space<semaphore_mem>>
    tpu.enqueue_indirect_dma source(%arg8 : memref<128x128xf32, #tpu.memory_space<vmem>>) target(%dma_start3A_383 : memref<520x128xf32, #tpu.memory_space<vmem_shared>>) offsets(%dma_start3A_380 : memref<128xi32, #tpu.memory_space<vmem>>) semaphore(%dma_start3A_385 : memref<!tpu.dma_semaphore, #tpu.memory_space<semaphore_mem>>) {add = true}
    %dma_wait3A_386 = arith.constant 2 : i32
    %dma_wait3A_387 = arith.constant 2 : i32
    %dma_wait3A_388 = arith.constant 2 : i32
    %dma_wait3A_389 = arith.constant 0 : i32
    %dma_wait3A_390 = arith.constant 0 : i32
    %dma_wait3A_391 = tpu.memref_slice %arg6[%dma_wait3A_386, %dma_wait3A_389, %dma_wait3A_390] : memref<5x128x128xf32, #tpu.memory_space<vmem>> -> memref<1x128x128xf32, #tpu.memory_space<vmem>>
    %dma_wait3A_392 = tpu.memref_squeeze %dma_wait3A_391 : memref<1x128x128xf32, #tpu.memory_space<vmem>> -> memref<128x128xf32, #tpu.memory_space<vmem>>
    %dma_wait3A_393 = arith.constant 0 : i32
    %dma_wait3A_394 = tpu.memref_slice %arg7[%dma_wait3A_387, %dma_wait3A_393] : memref<25x128xi32, #tpu.memory_space<vmem>> -> memref<1x128xi32, #tpu.memory_space<vmem>>
    %dma_wait3A_395 = tpu.memref_squeeze %dma_wait3A_394 : memref<1x128xi32, #tpu.memory_space<vmem>> -> memref<128xi32, #tpu.memory_space<vmem>>
    %dma_wait3A_396 = arith.constant 0 : i32
    %dma_wait3A_397 = arith.constant 0 : i32
    %dma_wait3A_398 = tpu.memref_slice %arg10[%dma_wait3A_396, %dma_wait3A_397] : memref<520x128xf32, #tpu.memory_space<vmem_shared>> -> memref<520x128xf32, #tpu.memory_space<vmem_shared>>
    %dma_wait3A_399 = tpu.memref_slice %arg13[%dma_wait3A_388] : memref<5x!tpu.dma_semaphore, #tpu.memory_space<semaphore_mem>> -> memref<1x!tpu.dma_semaphore, #tpu.memory_space<semaphore_mem>>
    %dma_wait3A_400 = tpu.memref_squeeze %dma_wait3A_399 : memref<1x!tpu.dma_semaphore, #tpu.memory_space<semaphore_mem>> -> memref<!tpu.dma_semaphore, #tpu.memory_space<semaphore_mem>>
    tpu.wait_indirect_dma semaphore(%dma_wait3A_400 : memref<!tpu.dma_semaphore, #tpu.memory_space<semaphore_mem>>) src(%dma_wait3A_392 : memref<128x128xf32, #tpu.memory_space<vmem>>) dst(%dma_wait3A_398 : memref<520x128xf32, #tpu.memory_space<vmem_shared>>)
    %dma_wait3A_401 = arith.constant 2 : i32
    %dma_wait3A_402 = arith.constant 2 : i32
    %dma_wait3A_403 = arith.constant 0 : i32
    %dma_wait3A_404 = tpu.memref_slice %arg7[%dma_wait3A_401, %dma_wait3A_403] : memref<25x128xi32, #tpu.memory_space<vmem>> -> memref<1x128xi32, #tpu.memory_space<vmem>>
    %dma_wait3A_405 = tpu.memref_squeeze %dma_wait3A_404 : memref<1x128xi32, #tpu.memory_space<vmem>> -> memref<128xi32, #tpu.memory_space<vmem>>
    %dma_wait3A_406 = arith.constant 0 : i32
    %dma_wait3A_407 = arith.constant 0 : i32
    %dma_wait3A_408 = tpu.memref_slice %arg11[%dma_wait3A_406, %dma_wait3A_407] : memref<520x128xf32, #tpu.memory_space<vmem_shared>> -> memref<520x128xf32, #tpu.memory_space<vmem_shared>>
    %dma_wait3A_409 = tpu.memref_slice %arg14[%dma_wait3A_402] : memref<5x!tpu.dma_semaphore, #tpu.memory_space<semaphore_mem>> -> memref<1x!tpu.dma_semaphore, #tpu.memory_space<semaphore_mem>>
    %dma_wait3A_410 = tpu.memref_squeeze %dma_wait3A_409 : memref<1x!tpu.dma_semaphore, #tpu.memory_space<semaphore_mem>> -> memref<!tpu.dma_semaphore, #tpu.memory_space<semaphore_mem>>
    tpu.wait_indirect_dma semaphore(%dma_wait3A_410 : memref<!tpu.dma_semaphore, #tpu.memory_space<semaphore_mem>>) src(%arg8 : memref<128x128xf32, #tpu.memory_space<vmem>>) dst(%dma_wait3A_408 : memref<520x128xf32, #tpu.memory_space<vmem_shared>>)
    %add3A_411 = arith.constant 224 : i32
    %add3A_412 = arith.addi %add3A, %add3A_411 : i32
    %mul3A_413 = arith.constant 128 : i32
    %mul3A_414 = arith.muli %add3A_412, %mul3A_413 : i32
    %min3A_415 = arith.constant 99872 : i32
    %min3A_416 = arith.minsi %mul3A_414, %min3A_415 : i32
    %dma_start3A_417 = arith.constant 2 : i32
    %dma_start3A_418 = arith.constant 2 : i32
    %dma_start3A_419 = arith.constant 0 : i32
    %dma_start3A_420 = arith.constant 0 : i32
    %dma_start3A_421 = tpu.memref_slice %arg6[%dma_start3A_417, %dma_start3A_419, %dma_start3A_420] : memref<5x128x128xf32, #tpu.memory_space<vmem>> -> memref<1x128x128xf32, #tpu.memory_space<vmem>>
    %dma_start3A_422 = tpu.memref_squeeze %dma_start3A_421 : memref<1x128x128xf32, #tpu.memory_space<vmem>> -> memref<128x128xf32, #tpu.memory_space<vmem>>
    %dma_start3A_423 = arith.constant 0 : i32
    %dma_start3A_424 = tpu.memref_slice %arg2[%min3A_416, %dma_start3A_423] : memref<100000x128xf32, #tpu.memory_space<hbm>> -> memref<128x128xf32, #tpu.memory_space<hbm>>
    %dma_start3A_425 = tpu.memref_slice %arg12[%dma_start3A_418] : memref<5x!tpu.dma_semaphore, #tpu.memory_space<semaphore_mem>> -> memref<1x!tpu.dma_semaphore, #tpu.memory_space<semaphore_mem>>
    %dma_start3A_426 = tpu.memref_squeeze %dma_start3A_425 : memref<1x!tpu.dma_semaphore, #tpu.memory_space<semaphore_mem>> -> memref<!tpu.dma_semaphore, #tpu.memory_space<semaphore_mem>>
    %dma_start3A_427 = arith.constant 0 : i32
    %dma_start3A_428 = arith.constant 0 : i32
    %dma_start3A_429 = tpu.memref_slice %arg6[%dma_start3A_417, %dma_start3A_427, %dma_start3A_428] : memref<5x128x128xf32, #tpu.memory_space<vmem>> -> memref<1x128x128xf32, #tpu.memory_space<vmem>>
    %dma_start3A_430 = tpu.memref_squeeze %dma_start3A_429 : memref<1x128x128xf32, #tpu.memory_space<vmem>> -> memref<128x128xf32, #tpu.memory_space<vmem>>
    %dma_start3A_431 = arith.constant 0 : i32
    %dma_start3A_432 = tpu.memref_slice %arg2[%min3A_416, %dma_start3A_431] : memref<100000x128xf32, #tpu.memory_space<hbm>> -> memref<128x128xf32, #tpu.memory_space<hbm>>
    tpu.enqueue_dma source(%dma_start3A_432 : memref<128x128xf32, #tpu.memory_space<hbm>>) target(%dma_start3A_430 : memref<128x128xf32, #tpu.memory_space<vmem>>) target_semaphore(%dma_start3A_426 : memref<!tpu.dma_semaphore, #tpu.memory_space<semaphore_mem>>)
    %dma_wait3A_433 = arith.constant 4 : i32
    %dma_wait3A_434 = arith.constant 4 : i32
    %dma_wait3A_435 = arith.constant 0 : i32
    %dma_wait3A_436 = arith.constant 0 : i32
    %dma_wait3A_437 = tpu.memref_slice %arg6[%dma_wait3A_433, %dma_wait3A_435, %dma_wait3A_436] : memref<5x128x128xf32, #tpu.memory_space<vmem>> -> memref<1x128x128xf32, #tpu.memory_space<vmem>>
    %dma_wait3A_438 = tpu.memref_squeeze %dma_wait3A_437 : memref<1x128x128xf32, #tpu.memory_space<vmem>> -> memref<128x128xf32, #tpu.memory_space<vmem>>
    %dma_wait3A_439 = arith.constant 0 : i32
    %dma_wait3A_440 = tpu.memref_slice %arg2[%min3A_152, %dma_wait3A_439] : memref<100000x128xf32, #tpu.memory_space<hbm>> -> memref<128x128xf32, #tpu.memory_space<hbm>>
    %dma_wait3A_441 = tpu.memref_slice %arg12[%dma_wait3A_434] : memref<5x!tpu.dma_semaphore, #tpu.memory_space<semaphore_mem>> -> memref<1x!tpu.dma_semaphore, #tpu.memory_space<semaphore_mem>>
    %dma_wait3A_442 = tpu.memref_squeeze %dma_wait3A_441 : memref<1x!tpu.dma_semaphore, #tpu.memory_space<semaphore_mem>> -> memref<!tpu.dma_semaphore, #tpu.memory_space<semaphore_mem>>
    %dma_wait3A_443 = arith.constant 0 : i32
    %dma_wait3A_444 = arith.constant 0 : i32
    %dma_wait3A_445 = tpu.memref_slice %arg6[%dma_wait3A_433, %dma_wait3A_443, %dma_wait3A_444] : memref<5x128x128xf32, #tpu.memory_space<vmem>> -> memref<1x128x128xf32, #tpu.memory_space<vmem>>
    %dma_wait3A_446 = tpu.memref_squeeze %dma_wait3A_445 : memref<1x128x128xf32, #tpu.memory_space<vmem>> -> memref<128x128xf32, #tpu.memory_space<vmem>>
    %dma_wait3A_447 = arith.constant 0 : i32
    %dma_wait3A_448 = tpu.memref_slice %arg2[%min3A_152, %dma_wait3A_447] : memref<100000x128xf32, #tpu.memory_space<hbm>> -> memref<128x128xf32, #tpu.memory_space<hbm>>
    tpu.wait_dma2 semaphore(%dma_wait3A_442 : memref<!tpu.dma_semaphore, #tpu.memory_space<semaphore_mem>>) src(%dma_wait3A_448 : memref<128x128xf32, #tpu.memory_space<hbm>>) dst(%dma_wait3A_446 : memref<128x128xf32, #tpu.memory_space<vmem>>)
    %dma_start3A_449 = arith.constant 4 : i32
    %dma_start3A_450 = arith.constant 4 : i32
    %dma_start3A_451 = arith.constant 4 : i32
    %dma_start3A_452 = arith.constant 0 : i32
    %dma_start3A_453 = arith.constant 0 : i32
    %dma_start3A_454 = tpu.memref_slice %arg6[%dma_start3A_449, %dma_start3A_452, %dma_start3A_453] : memref<5x128x128xf32, #tpu.memory_space<vmem>> -> memref<1x128x128xf32, #tpu.memory_space<vmem>>
    %dma_start3A_455 = tpu.memref_squeeze %dma_start3A_454 : memref<1x128x128xf32, #tpu.memory_space<vmem>> -> memref<128x128xf32, #tpu.memory_space<vmem>>
    %dma_start3A_456 = arith.constant 0 : i32
    %dma_start3A_457 = tpu.memref_slice %arg7[%dma_start3A_450, %dma_start3A_456] : memref<25x128xi32, #tpu.memory_space<vmem>> -> memref<1x128xi32, #tpu.memory_space<vmem>>
    %dma_start3A_458 = tpu.memref_squeeze %dma_start3A_457 : memref<1x128xi32, #tpu.memory_space<vmem>> -> memref<128xi32, #tpu.memory_space<vmem>>
    %dma_start3A_459 = arith.constant 0 : i32
    %dma_start3A_460 = arith.constant 0 : i32
    %dma_start3A_461 = tpu.memref_slice %arg10[%dma_start3A_459, %dma_start3A_460] : memref<520x128xf32, #tpu.memory_space<vmem_shared>> -> memref<520x128xf32, #tpu.memory_space<vmem_shared>>
    %dma_start3A_462 = tpu.memref_slice %arg13[%dma_start3A_451] : memref<5x!tpu.dma_semaphore, #tpu.memory_space<semaphore_mem>> -> memref<1x!tpu.dma_semaphore, #tpu.memory_space<semaphore_mem>>
    %dma_start3A_463 = tpu.memref_squeeze %dma_start3A_462 : memref<1x!tpu.dma_semaphore, #tpu.memory_space<semaphore_mem>> -> memref<!tpu.dma_semaphore, #tpu.memory_space<semaphore_mem>>
    tpu.enqueue_indirect_dma source(%dma_start3A_455 : memref<128x128xf32, #tpu.memory_space<vmem>>) target(%dma_start3A_461 : memref<520x128xf32, #tpu.memory_space<vmem_shared>>) offsets(%dma_start3A_458 : memref<128xi32, #tpu.memory_space<vmem>>) semaphore(%dma_start3A_463 : memref<!tpu.dma_semaphore, #tpu.memory_space<semaphore_mem>>) {add = true}
    %dma_start3A_464 = arith.constant 4 : i32
    %dma_start3A_465 = arith.constant 4 : i32
    %dma_start3A_466 = arith.constant 0 : i32
    %dma_start3A_467 = tpu.memref_slice %arg7[%dma_start3A_464, %dma_start3A_466] : memref<25x128xi32, #tpu.memory_space<vmem>> -> memref<1x128xi32, #tpu.memory_space<vmem>>
    %dma_start3A_468 = tpu.memref_squeeze %dma_start3A_467 : memref<1x128xi32, #tpu.memory_space<vmem>> -> memref<128xi32, #tpu.memory_space<vmem>>
    %dma_start3A_469 = arith.constant 0 : i32
    %dma_start3A_470 = arith.constant 0 : i32
    %dma_start3A_471 = tpu.memref_slice %arg11[%dma_start3A_469, %dma_start3A_470] : memref<520x128xf32, #tpu.memory_space<vmem_shared>> -> memref<520x128xf32, #tpu.memory_space<vmem_shared>>
    %dma_start3A_472 = tpu.memref_slice %arg14[%dma_start3A_465] : memref<5x!tpu.dma_semaphore, #tpu.memory_space<semaphore_mem>> -> memref<1x!tpu.dma_semaphore, #tpu.memory_space<semaphore_mem>>
    %dma_start3A_473 = tpu.memref_squeeze %dma_start3A_472 : memref<1x!tpu.dma_semaphore, #tpu.memory_space<semaphore_mem>> -> memref<!tpu.dma_semaphore, #tpu.memory_space<semaphore_mem>>
    tpu.enqueue_indirect_dma source(%arg8 : memref<128x128xf32, #tpu.memory_space<vmem>>) target(%dma_start3A_471 : memref<520x128xf32, #tpu.memory_space<vmem_shared>>) offsets(%dma_start3A_468 : memref<128xi32, #tpu.memory_space<vmem>>) semaphore(%dma_start3A_473 : memref<!tpu.dma_semaphore, #tpu.memory_space<semaphore_mem>>) {add = true}
    %dma_wait3A_474 = arith.constant 3 : i32
    %dma_wait3A_475 = arith.constant 3 : i32
    %dma_wait3A_476 = arith.constant 3 : i32
    %dma_wait3A_477 = arith.constant 0 : i32
    %dma_wait3A_478 = arith.constant 0 : i32
    %dma_wait3A_479 = tpu.memref_slice %arg6[%dma_wait3A_474, %dma_wait3A_477, %dma_wait3A_478] : memref<5x128x128xf32, #tpu.memory_space<vmem>> -> memref<1x128x128xf32, #tpu.memory_space<vmem>>
    %dma_wait3A_480 = tpu.memref_squeeze %dma_wait3A_479 : memref<1x128x128xf32, #tpu.memory_space<vmem>> -> memref<128x128xf32, #tpu.memory_space<vmem>>
    %dma_wait3A_481 = arith.constant 0 : i32
    %dma_wait3A_482 = tpu.memref_slice %arg7[%dma_wait3A_475, %dma_wait3A_481] : memref<25x128xi32, #tpu.memory_space<vmem>> -> memref<1x128xi32, #tpu.memory_space<vmem>>
    %dma_wait3A_483 = tpu.memref_squeeze %dma_wait3A_482 : memref<1x128xi32, #tpu.memory_space<vmem>> -> memref<128xi32, #tpu.memory_space<vmem>>
    %dma_wait3A_484 = arith.constant 0 : i32
    %dma_wait3A_485 = arith.constant 0 : i32
    %dma_wait3A_486 = tpu.memref_slice %arg10[%dma_wait3A_484, %dma_wait3A_485] : memref<520x128xf32, #tpu.memory_space<vmem_shared>> -> memref<520x128xf32, #tpu.memory_space<vmem_shared>>
    %dma_wait3A_487 = tpu.memref_slice %arg13[%dma_wait3A_476] : memref<5x!tpu.dma_semaphore, #tpu.memory_space<semaphore_mem>> -> memref<1x!tpu.dma_semaphore, #tpu.memory_space<semaphore_mem>>
    %dma_wait3A_488 = tpu.memref_squeeze %dma_wait3A_487 : memref<1x!tpu.dma_semaphore, #tpu.memory_space<semaphore_mem>> -> memref<!tpu.dma_semaphore, #tpu.memory_space<semaphore_mem>>
    tpu.wait_indirect_dma semaphore(%dma_wait3A_488 : memref<!tpu.dma_semaphore, #tpu.memory_space<semaphore_mem>>) src(%dma_wait3A_480 : memref<128x128xf32, #tpu.memory_space<vmem>>) dst(%dma_wait3A_486 : memref<520x128xf32, #tpu.memory_space<vmem_shared>>)
    %dma_wait3A_489 = arith.constant 3 : i32
    %dma_wait3A_490 = arith.constant 3 : i32
    %dma_wait3A_491 = arith.constant 0 : i32
    %dma_wait3A_492 = tpu.memref_slice %arg7[%dma_wait3A_489, %dma_wait3A_491] : memref<25x128xi32, #tpu.memory_space<vmem>> -> memref<1x128xi32, #tpu.memory_space<vmem>>
    %dma_wait3A_493 = tpu.memref_squeeze %dma_wait3A_492 : memref<1x128xi32, #tpu.memory_space<vmem>> -> memref<128xi32, #tpu.memory_space<vmem>>
    %dma_wait3A_494 = arith.constant 0 : i32
    %dma_wait3A_495 = arith.constant 0 : i32
    %dma_wait3A_496 = tpu.memref_slice %arg11[%dma_wait3A_494, %dma_wait3A_495] : memref<520x128xf32, #tpu.memory_space<vmem_shared>> -> memref<520x128xf32, #tpu.memory_space<vmem_shared>>
    %dma_wait3A_497 = tpu.memref_slice %arg14[%dma_wait3A_490] : memref<5x!tpu.dma_semaphore, #tpu.memory_space<semaphore_mem>> -> memref<1x!tpu.dma_semaphore, #tpu.memory_space<semaphore_mem>>
    %dma_wait3A_498 = tpu.memref_squeeze %dma_wait3A_497 : memref<1x!tpu.dma_semaphore, #tpu.memory_space<semaphore_mem>> -> memref<!tpu.dma_semaphore, #tpu.memory_space<semaphore_mem>>
    tpu.wait_indirect_dma semaphore(%dma_wait3A_498 : memref<!tpu.dma_semaphore, #tpu.memory_space<semaphore_mem>>) src(%arg8 : memref<128x128xf32, #tpu.memory_space<vmem>>) dst(%dma_wait3A_496 : memref<520x128xf32, #tpu.memory_space<vmem_shared>>)
    %add3A_499 = arith.constant 256 : i32
    %add3A_500 = arith.addi %add3A, %add3A_499 : i32
    %mul3A_501 = arith.constant 128 : i32
    %mul3A_502 = arith.muli %add3A_500, %mul3A_501 : i32
    %min3A_503 = arith.constant 99872 : i32
    %min3A_504 = arith.minsi %mul3A_502, %min3A_503 : i32
    %dma_start3A_505 = arith.constant 3 : i32
    %dma_start3A_506 = arith.constant 3 : i32
    %dma_start3A_507 = arith.constant 0 : i32
    %dma_start3A_508 = arith.constant 0 : i32
    %dma_start3A_509 = tpu.memref_slice %arg6[%dma_start3A_505, %dma_start3A_507, %dma_start3A_508] : memref<5x128x128xf32, #tpu.memory_space<vmem>> -> memref<1x128x128xf32, #tpu.memory_space<vmem>>
    %dma_start3A_510 = tpu.memref_squeeze %dma_start3A_509 : memref<1x128x128xf32, #tpu.memory_space<vmem>> -> memref<128x128xf32, #tpu.memory_space<vmem>>
    %dma_start3A_511 = arith.constant 0 : i32
    %dma_start3A_512 = tpu.memref_slice %arg2[%min3A_504, %dma_start3A_511] : memref<100000x128xf32, #tpu.memory_space<hbm>> -> memref<128x128xf32, #tpu.memory_space<hbm>>
    %dma_start3A_513 = tpu.memref_slice %arg12[%dma_start3A_506] : memref<5x!tpu.dma_semaphore, #tpu.memory_space<semaphore_mem>> -> memref<1x!tpu.dma_semaphore, #tpu.memory_space<semaphore_mem>>
    %dma_start3A_514 = tpu.memref_squeeze %dma_start3A_513 : memref<1x!tpu.dma_semaphore, #tpu.memory_space<semaphore_mem>> -> memref<!tpu.dma_semaphore, #tpu.memory_space<semaphore_mem>>
    %dma_start3A_515 = arith.constant 0 : i32
    %dma_start3A_516 = arith.constant 0 : i32
    %dma_start3A_517 = tpu.memref_slice %arg6[%dma_start3A_505, %dma_start3A_515, %dma_start3A_516] : memref<5x128x128xf32, #tpu.memory_space<vmem>> -> memref<1x128x128xf32, #tpu.memory_space<vmem>>
    %dma_start3A_518 = tpu.memref_squeeze %dma_start3A_517 : memref<1x128x128xf32, #tpu.memory_space<vmem>> -> memref<128x128xf32, #tpu.memory_space<vmem>>
    %dma_start3A_519 = arith.constant 0 : i32
    %dma_start3A_520 = tpu.memref_slice %arg2[%min3A_504, %dma_start3A_519] : memref<100000x128xf32, #tpu.memory_space<hbm>> -> memref<128x128xf32, #tpu.memory_space<hbm>>
    tpu.enqueue_dma source(%dma_start3A_520 : memref<128x128xf32, #tpu.memory_space<hbm>>) target(%dma_start3A_518 : memref<128x128xf32, #tpu.memory_space<vmem>>) target_semaphore(%dma_start3A_514 : memref<!tpu.dma_semaphore, #tpu.memory_space<semaphore_mem>>)
    %dma_wait3A_521 = arith.constant 0 : i32
    %dma_wait3A_522 = arith.constant 0 : i32
    %dma_wait3A_523 = arith.constant 0 : i32
    %dma_wait3A_524 = arith.constant 0 : i32
    %dma_wait3A_525 = tpu.memref_slice %arg6[%dma_wait3A_521, %dma_wait3A_523, %dma_wait3A_524] : memref<5x128x128xf32, #tpu.memory_space<vmem>> -> memref<1x128x128xf32, #tpu.memory_space<vmem>>
    %dma_wait3A_526 = tpu.memref_squeeze %dma_wait3A_525 : memref<1x128x128xf32, #tpu.memory_space<vmem>> -> memref<128x128xf32, #tpu.memory_space<vmem>>
    %dma_wait3A_527 = arith.constant 0 : i32
    %dma_wait3A_528 = tpu.memref_slice %arg2[%min3A_240, %dma_wait3A_527] : memref<100000x128xf32, #tpu.memory_space<hbm>> -> memref<128x128xf32, #tpu.memory_space<hbm>>
    %dma_wait3A_529 = tpu.memref_slice %arg12[%dma_wait3A_522] : memref<5x!tpu.dma_semaphore, #tpu.memory_space<semaphore_mem>> -> memref<1x!tpu.dma_semaphore, #tpu.memory_space<semaphore_mem>>
    %dma_wait3A_530 = tpu.memref_squeeze %dma_wait3A_529 : memref<1x!tpu.dma_semaphore, #tpu.memory_space<semaphore_mem>> -> memref<!tpu.dma_semaphore, #tpu.memory_space<semaphore_mem>>
    %dma_wait3A_531 = arith.constant 0 : i32
    %dma_wait3A_532 = arith.constant 0 : i32
    %dma_wait3A_533 = tpu.memref_slice %arg6[%dma_wait3A_521, %dma_wait3A_531, %dma_wait3A_532] : memref<5x128x128xf32, #tpu.memory_space<vmem>> -> memref<1x128x128xf32, #tpu.memory_space<vmem>>
    %dma_wait3A_534 = tpu.memref_squeeze %dma_wait3A_533 : memref<1x128x128xf32, #tpu.memory_space<vmem>> -> memref<128x128xf32, #tpu.memory_space<vmem>>
    %dma_wait3A_535 = arith.constant 0 : i32
    %dma_wait3A_536 = tpu.memref_slice %arg2[%min3A_240, %dma_wait3A_535] : memref<100000x128xf32, #tpu.memory_space<hbm>> -> memref<128x128xf32, #tpu.memory_space<hbm>>
    tpu.wait_dma2 semaphore(%dma_wait3A_530 : memref<!tpu.dma_semaphore, #tpu.memory_space<semaphore_mem>>) src(%dma_wait3A_536 : memref<128x128xf32, #tpu.memory_space<hbm>>) dst(%dma_wait3A_534 : memref<128x128xf32, #tpu.memory_space<vmem>>)
    %dma_start3A_537 = arith.constant 0 : i32
    %dma_start3A_538 = arith.constant 5 : i32
    %dma_start3A_539 = arith.constant 0 : i32
    %dma_start3A_540 = arith.constant 0 : i32
    %dma_start3A_541 = arith.constant 0 : i32
    %dma_start3A_542 = tpu.memref_slice %arg6[%dma_start3A_537, %dma_start3A_540, %dma_start3A_541] : memref<5x128x128xf32, #tpu.memory_space<vmem>> -> memref<1x128x128xf32, #tpu.memory_space<vmem>>
    %dma_start3A_543 = tpu.memref_squeeze %dma_start3A_542 : memref<1x128x128xf32, #tpu.memory_space<vmem>> -> memref<128x128xf32, #tpu.memory_space<vmem>>
    %dma_start3A_544 = arith.constant 0 : i32
    %dma_start3A_545 = tpu.memref_slice %arg7[%dma_start3A_538, %dma_start3A_544] : memref<25x128xi32, #tpu.memory_space<vmem>> -> memref<1x128xi32, #tpu.memory_space<vmem>>
    %dma_start3A_546 = tpu.memref_squeeze %dma_start3A_545 : memref<1x128xi32, #tpu.memory_space<vmem>> -> memref<128xi32, #tpu.memory_space<vmem>>
    %dma_start3A_547 = arith.constant 0 : i32
    %dma_start3A_548 = arith.constant 0 : i32
    %dma_start3A_549 = tpu.memref_slice %arg10[%dma_start3A_547, %dma_start3A_548] : memref<520x128xf32, #tpu.memory_space<vmem_shared>> -> memref<520x128xf32, #tpu.memory_space<vmem_shared>>
    %dma_start3A_550 = tpu.memref_slice %arg13[%dma_start3A_539] : memref<5x!tpu.dma_semaphore, #tpu.memory_space<semaphore_mem>> -> memref<1x!tpu.dma_semaphore, #tpu.memory_space<semaphore_mem>>
    %dma_start3A_551 = tpu.memref_squeeze %dma_start3A_550 : memref<1x!tpu.dma_semaphore, #tpu.memory_space<semaphore_mem>> -> memref<!tpu.dma_semaphore, #tpu.memory_space<semaphore_mem>>
    tpu.enqueue_indirect_dma source(%dma_start3A_543 : memref<128x128xf32, #tpu.memory_space<vmem>>) target(%dma_start3A_549 : memref<520x128xf32, #tpu.memory_space<vmem_shared>>) offsets(%dma_start3A_546 : memref<128xi32, #tpu.memory_space<vmem>>) semaphore(%dma_start3A_551 : memref<!tpu.dma_semaphore, #tpu.memory_space<semaphore_mem>>) {add = true}
    %dma_start3A_552 = arith.constant 5 : i32
    %dma_start3A_553 = arith.constant 0 : i32
    %dma_start3A_554 = arith.constant 0 : i32
    %dma_start3A_555 = tpu.memref_slice %arg7[%dma_start3A_552, %dma_start3A_554] : memref<25x128xi32, #tpu.memory_space<vmem>> -> memref<1x128xi32, #tpu.memory_space<vmem>>
    %dma_start3A_556 = tpu.memref_squeeze %dma_start3A_555 : memref<1x128xi32, #tpu.memory_space<vmem>> -> memref<128xi32, #tpu.memory_space<vmem>>
    %dma_start3A_557 = arith.constant 0 : i32
    %dma_start3A_558 = arith.constant 0 : i32
    %dma_start3A_559 = tpu.memref_slice %arg11[%dma_start3A_557, %dma_start3A_558] : memref<520x128xf32, #tpu.memory_space<vmem_shared>> -> memref<520x128xf32, #tpu.memory_space<vmem_shared>>
    %dma_start3A_560 = tpu.memref_slice %arg14[%dma_start3A_553] : memref<5x!tpu.dma_semaphore, #tpu.memory_space<semaphore_mem>> -> memref<1x!tpu.dma_semaphore, #tpu.memory_space<semaphore_mem>>
    %dma_start3A_561 = tpu.memref_squeeze %dma_start3A_560 : memref<1x!tpu.dma_semaphore, #tpu.memory_space<semaphore_mem>> -> memref<!tpu.dma_semaphore, #tpu.memory_space<semaphore_mem>>
    tpu.enqueue_indirect_dma source(%arg8 : memref<128x128xf32, #tpu.memory_space<vmem>>) target(%dma_start3A_559 : memref<520x128xf32, #tpu.memory_space<vmem_shared>>) offsets(%dma_start3A_556 : memref<128xi32, #tpu.memory_space<vmem>>) semaphore(%dma_start3A_561 : memref<!tpu.dma_semaphore, #tpu.memory_space<semaphore_mem>>) {add = true}
    %dma_wait3A_562 = arith.constant 4 : i32
    %dma_wait3A_563 = arith.constant 4 : i32
    %dma_wait3A_564 = arith.constant 4 : i32
    %dma_wait3A_565 = arith.constant 0 : i32
    %dma_wait3A_566 = arith.constant 0 : i32
    %dma_wait3A_567 = tpu.memref_slice %arg6[%dma_wait3A_562, %dma_wait3A_565, %dma_wait3A_566] : memref<5x128x128xf32, #tpu.memory_space<vmem>> -> memref<1x128x128xf32, #tpu.memory_space<vmem>>
    %dma_wait3A_568 = tpu.memref_squeeze %dma_wait3A_567 : memref<1x128x128xf32, #tpu.memory_space<vmem>> -> memref<128x128xf32, #tpu.memory_space<vmem>>
    %dma_wait3A_569 = arith.constant 0 : i32
    %dma_wait3A_570 = tpu.memref_slice %arg7[%dma_wait3A_563, %dma_wait3A_569] : memref<25x128xi32, #tpu.memory_space<vmem>> -> memref<1x128xi32, #tpu.memory_space<vmem>>
    %dma_wait3A_571 = tpu.memref_squeeze %dma_wait3A_570 : memref<1x128xi32, #tpu.memory_space<vmem>> -> memref<128xi32, #tpu.memory_space<vmem>>
    %dma_wait3A_572 = arith.constant 0 : i32
    %dma_wait3A_573 = arith.constant 0 : i32
    %dma_wait3A_574 = tpu.memref_slice %arg10[%dma_wait3A_572, %dma_wait3A_573] : memref<520x128xf32, #tpu.memory_space<vmem_shared>> -> memref<520x128xf32, #tpu.memory_space<vmem_shared>>
    %dma_wait3A_575 = tpu.memref_slice %arg13[%dma_wait3A_564] : memref<5x!tpu.dma_semaphore, #tpu.memory_space<semaphore_mem>> -> memref<1x!tpu.dma_semaphore, #tpu.memory_space<semaphore_mem>>
    %dma_wait3A_576 = tpu.memref_squeeze %dma_wait3A_575 : memref<1x!tpu.dma_semaphore, #tpu.memory_space<semaphore_mem>> -> memref<!tpu.dma_semaphore, #tpu.memory_space<semaphore_mem>>
    tpu.wait_indirect_dma semaphore(%dma_wait3A_576 : memref<!tpu.dma_semaphore, #tpu.memory_space<semaphore_mem>>) src(%dma_wait3A_568 : memref<128x128xf32, #tpu.memory_space<vmem>>) dst(%dma_wait3A_574 : memref<520x128xf32, #tpu.memory_space<vmem_shared>>)
    %dma_wait3A_577 = arith.constant 4 : i32
    %dma_wait3A_578 = arith.constant 4 : i32
    %dma_wait3A_579 = arith.constant 0 : i32
    %dma_wait3A_580 = tpu.memref_slice %arg7[%dma_wait3A_577, %dma_wait3A_579] : memref<25x128xi32, #tpu.memory_space<vmem>> -> memref<1x128xi32, #tpu.memory_space<vmem>>
    %dma_wait3A_581 = tpu.memref_squeeze %dma_wait3A_580 : memref<1x128xi32, #tpu.memory_space<vmem>> -> memref<128xi32, #tpu.memory_space<vmem>>
    %dma_wait3A_582 = arith.constant 0 : i32
    %dma_wait3A_583 = arith.constant 0 : i32
    %dma_wait3A_584 = tpu.memref_slice %arg11[%dma_wait3A_582, %dma_wait3A_583] : memref<520x128xf32, #tpu.memory_space<vmem_shared>> -> memref<520x128xf32, #tpu.memory_space<vmem_shared>>
    %dma_wait3A_585 = tpu.memref_slice %arg14[%dma_wait3A_578] : memref<5x!tpu.dma_semaphore, #tpu.memory_space<semaphore_mem>> -> memref<1x!tpu.dma_semaphore, #tpu.memory_space<semaphore_mem>>
    %dma_wait3A_586 = tpu.memref_squeeze %dma_wait3A_585 : memref<1x!tpu.dma_semaphore, #tpu.memory_space<semaphore_mem>> -> memref<!tpu.dma_semaphore, #tpu.memory_space<semaphore_mem>>
    tpu.wait_indirect_dma semaphore(%dma_wait3A_586 : memref<!tpu.dma_semaphore, #tpu.memory_space<semaphore_mem>>) src(%arg8 : memref<128x128xf32, #tpu.memory_space<vmem>>) dst(%dma_wait3A_584 : memref<520x128xf32, #tpu.memory_space<vmem_shared>>)
    %add3A_587 = arith.constant 288 : i32
    %add3A_588 = arith.addi %add3A, %add3A_587 : i32
    %mul3A_589 = arith.constant 128 : i32
    %mul3A_590 = arith.muli %add3A_588, %mul3A_589 : i32
    %min3A_591 = arith.constant 99872 : i32
    %min3A_592 = arith.minsi %mul3A_590, %min3A_591 : i32
    %dma_start3A_593 = arith.constant 4 : i32
    %dma_start3A_594 = arith.constant 4 : i32
    %dma_start3A_595 = arith.constant 0 : i32
    %dma_start3A_596 = arith.constant 0 : i32
    %dma_start3A_597 = tpu.memref_slice %arg6[%dma_start3A_593, %dma_start3A_595, %dma_start3A_596] : memref<5x128x128xf32, #tpu.memory_space<vmem>> -> memref<1x128x128xf32, #tpu.memory_space<vmem>>
    %dma_start3A_598 = tpu.memref_squeeze %dma_start3A_597 : memref<1x128x128xf32, #tpu.memory_space<vmem>> -> memref<128x128xf32, #tpu.memory_space<vmem>>
    %dma_start3A_599 = arith.constant 0 : i32
    %dma_start3A_600 = tpu.memref_slice %arg2[%min3A_592, %dma_start3A_599] : memref<100000x128xf32, #tpu.memory_space<hbm>> -> memref<128x128xf32, #tpu.memory_space<hbm>>
    %dma_start3A_601 = tpu.memref_slice %arg12[%dma_start3A_594] : memref<5x!tpu.dma_semaphore, #tpu.memory_space<semaphore_mem>> -> memref<1x!tpu.dma_semaphore, #tpu.memory_space<semaphore_mem>>
    %dma_start3A_602 = tpu.memref_squeeze %dma_start3A_601 : memref<1x!tpu.dma_semaphore, #tpu.memory_space<semaphore_mem>> -> memref<!tpu.dma_semaphore, #tpu.memory_space<semaphore_mem>>
    %dma_start3A_603 = arith.constant 0 : i32
    %dma_start3A_604 = arith.constant 0 : i32
    %dma_start3A_605 = tpu.memref_slice %arg6[%dma_start3A_593, %dma_start3A_603, %dma_start3A_604] : memref<5x128x128xf32, #tpu.memory_space<vmem>> -> memref<1x128x128xf32, #tpu.memory_space<vmem>>
    %dma_start3A_606 = tpu.memref_squeeze %dma_start3A_605 : memref<1x128x128xf32, #tpu.memory_space<vmem>> -> memref<128x128xf32, #tpu.memory_space<vmem>>
    %dma_start3A_607 = arith.constant 0 : i32
    %dma_start3A_608 = tpu.memref_slice %arg2[%min3A_592, %dma_start3A_607] : memref<100000x128xf32, #tpu.memory_space<hbm>> -> memref<128x128xf32, #tpu.memory_space<hbm>>
    tpu.enqueue_dma source(%dma_start3A_608 : memref<128x128xf32, #tpu.memory_space<hbm>>) target(%dma_start3A_606 : memref<128x128xf32, #tpu.memory_space<vmem>>) target_semaphore(%dma_start3A_602 : memref<!tpu.dma_semaphore, #tpu.memory_space<semaphore_mem>>)
    %dma_wait3A_609 = arith.constant 1 : i32
    %dma_wait3A_610 = arith.constant 1 : i32
    %dma_wait3A_611 = arith.constant 0 : i32
    %dma_wait3A_612 = arith.constant 0 : i32
    %dma_wait3A_613 = tpu.memref_slice %arg6[%dma_wait3A_609, %dma_wait3A_611, %dma_wait3A_612] : memref<5x128x128xf32, #tpu.memory_space<vmem>> -> memref<1x128x128xf32, #tpu.memory_space<vmem>>
    %dma_wait3A_614 = tpu.memref_squeeze %dma_wait3A_613 : memref<1x128x128xf32, #tpu.memory_space<vmem>> -> memref<128x128xf32, #tpu.memory_space<vmem>>
    %dma_wait3A_615 = arith.constant 0 : i32
    %dma_wait3A_616 = tpu.memref_slice %arg2[%min3A_328, %dma_wait3A_615] : memref<100000x128xf32, #tpu.memory_space<hbm>> -> memref<128x128xf32, #tpu.memory_space<hbm>>
    %dma_wait3A_617 = tpu.memref_slice %arg12[%dma_wait3A_610] : memref<5x!tpu.dma_semaphore, #tpu.memory_space<semaphore_mem>> -> memref<1x!tpu.dma_semaphore, #tpu.memory_space<semaphore_mem>>
    %dma_wait3A_618 = tpu.memref_squeeze %dma_wait3A_617 : memref<1x!tpu.dma_semaphore, #tpu.memory_space<semaphore_mem>> -> memref<!tpu.dma_semaphore, #tpu.memory_space<semaphore_mem>>
    %dma_wait3A_619 = arith.constant 0 : i32
    %dma_wait3A_620 = arith.constant 0 : i32
    %dma_wait3A_621 = tpu.memref_slice %arg6[%dma_wait3A_609, %dma_wait3A_619, %dma_wait3A_620] : memref<5x128x128xf32, #tpu.memory_space<vmem>> -> memref<1x128x128xf32, #tpu.memory_space<vmem>>
    %dma_wait3A_622 = tpu.memref_squeeze %dma_wait3A_621 : memref<1x128x128xf32, #tpu.memory_space<vmem>> -> memref<128x128xf32, #tpu.memory_space<vmem>>
    %dma_wait3A_623 = arith.constant 0 : i32
    %dma_wait3A_624 = tpu.memref_slice %arg2[%min3A_328, %dma_wait3A_623] : memref<100000x128xf32, #tpu.memory_space<hbm>> -> memref<128x128xf32, #tpu.memory_space<hbm>>
    tpu.wait_dma2 semaphore(%dma_wait3A_618 : memref<!tpu.dma_semaphore, #tpu.memory_space<semaphore_mem>>) src(%dma_wait3A_624 : memref<128x128xf32, #tpu.memory_space<hbm>>) dst(%dma_wait3A_622 : memref<128x128xf32, #tpu.memory_space<vmem>>)
    %dma_start3A_625 = arith.constant 1 : i32
    %dma_start3A_626 = arith.constant 6 : i32
    %dma_start3A_627 = arith.constant 1 : i32
    %dma_start3A_628 = arith.constant 0 : i32
    %dma_start3A_629 = arith.constant 0 : i32
    %dma_start3A_630 = tpu.memref_slice %arg6[%dma_start3A_625, %dma_start3A_628, %dma_start3A_629] : memref<5x128x128xf32, #tpu.memory_space<vmem>> -> memref<1x128x128xf32, #tpu.memory_space<vmem>>
    %dma_start3A_631 = tpu.memref_squeeze %dma_start3A_630 : memref<1x128x128xf32, #tpu.memory_space<vmem>> -> memref<128x128xf32, #tpu.memory_space<vmem>>
    %dma_start3A_632 = arith.constant 0 : i32
    %dma_start3A_633 = tpu.memref_slice %arg7[%dma_start3A_626, %dma_start3A_632] : memref<25x128xi32, #tpu.memory_space<vmem>> -> memref<1x128xi32, #tpu.memory_space<vmem>>
    %dma_start3A_634 = tpu.memref_squeeze %dma_start3A_633 : memref<1x128xi32, #tpu.memory_space<vmem>> -> memref<128xi32, #tpu.memory_space<vmem>>
    %dma_start3A_635 = arith.constant 0 : i32
    %dma_start3A_636 = arith.constant 0 : i32
    %dma_start3A_637 = tpu.memref_slice %arg10[%dma_start3A_635, %dma_start3A_636] : memref<520x128xf32, #tpu.memory_space<vmem_shared>> -> memref<520x128xf32, #tpu.memory_space<vmem_shared>>
    %dma_start3A_638 = tpu.memref_slice %arg13[%dma_start3A_627] : memref<5x!tpu.dma_semaphore, #tpu.memory_space<semaphore_mem>> -> memref<1x!tpu.dma_semaphore, #tpu.memory_space<semaphore_mem>>
    %dma_start3A_639 = tpu.memref_squeeze %dma_start3A_638 : memref<1x!tpu.dma_semaphore, #tpu.memory_space<semaphore_mem>> -> memref<!tpu.dma_semaphore, #tpu.memory_space<semaphore_mem>>
    tpu.enqueue_indirect_dma source(%dma_start3A_631 : memref<128x128xf32, #tpu.memory_space<vmem>>) target(%dma_start3A_637 : memref<520x128xf32, #tpu.memory_space<vmem_shared>>) offsets(%dma_start3A_634 : memref<128xi32, #tpu.memory_space<vmem>>) semaphore(%dma_start3A_639 : memref<!tpu.dma_semaphore, #tpu.memory_space<semaphore_mem>>) {add = true}
    %dma_start3A_640 = arith.constant 6 : i32
    %dma_start3A_641 = arith.constant 1 : i32
    %dma_start3A_642 = arith.constant 0 : i32
    %dma_start3A_643 = tpu.memref_slice %arg7[%dma_start3A_640, %dma_start3A_642] : memref<25x128xi32, #tpu.memory_space<vmem>> -> memref<1x128xi32, #tpu.memory_space<vmem>>
    %dma_start3A_644 = tpu.memref_squeeze %dma_start3A_643 : memref<1x128xi32, #tpu.memory_space<vmem>> -> memref<128xi32, #tpu.memory_space<vmem>>
    %dma_start3A_645 = arith.constant 0 : i32
    %dma_start3A_646 = arith.constant 0 : i32
    %dma_start3A_647 = tpu.memref_slice %arg11[%dma_start3A_645, %dma_start3A_646] : memref<520x128xf32, #tpu.memory_space<vmem_shared>> -> memref<520x128xf32, #tpu.memory_space<vmem_shared>>
    %dma_start3A_648 = tpu.memref_slice %arg14[%dma_start3A_641] : memref<5x!tpu.dma_semaphore, #tpu.memory_space<semaphore_mem>> -> memref<1x!tpu.dma_semaphore, #tpu.memory_space<semaphore_mem>>
    %dma_start3A_649 = tpu.memref_squeeze %dma_start3A_648 : memref<1x!tpu.dma_semaphore, #tpu.memory_space<semaphore_mem>> -> memref<!tpu.dma_semaphore, #tpu.memory_space<semaphore_mem>>
    tpu.enqueue_indirect_dma source(%arg8 : memref<128x128xf32, #tpu.memory_space<vmem>>) target(%dma_start3A_647 : memref<520x128xf32, #tpu.memory_space<vmem_shared>>) offsets(%dma_start3A_644 : memref<128xi32, #tpu.memory_space<vmem>>) semaphore(%dma_start3A_649 : memref<!tpu.dma_semaphore, #tpu.memory_space<semaphore_mem>>) {add = true}
    %dma_wait3A_650 = arith.constant 0 : i32
    %dma_wait3A_651 = arith.constant 5 : i32
    %dma_wait3A_652 = arith.constant 0 : i32
    %dma_wait3A_653 = arith.constant 0 : i32
    %dma_wait3A_654 = arith.constant 0 : i32
    %dma_wait3A_655 = tpu.memref_slice %arg6[%dma_wait3A_650, %dma_wait3A_653, %dma_wait3A_654] : memref<5x128x128xf32, #tpu.memory_space<vmem>> -> memref<1x128x128xf32, #tpu.memory_space<vmem>>
    %dma_wait3A_656 = tpu.memref_squeeze %dma_wait3A_655 : memref<1x128x128xf32, #tpu.memory_space<vmem>> -> memref<128x128xf32, #tpu.memory_space<vmem>>
    %dma_wait3A_657 = arith.constant 0 : i32
    %dma_wait3A_658 = tpu.memref_slice %arg7[%dma_wait3A_651, %dma_wait3A_657] : memref<25x128xi32, #tpu.memory_space<vmem>> -> memref<1x128xi32, #tpu.memory_space<vmem>>
    %dma_wait3A_659 = tpu.memref_squeeze %dma_wait3A_658 : memref<1x128xi32, #tpu.memory_space<vmem>> -> memref<128xi32, #tpu.memory_space<vmem>>
    %dma_wait3A_660 = arith.constant 0 : i32
    %dma_wait3A_661 = arith.constant 0 : i32
    %dma_wait3A_662 = tpu.memref_slice %arg10[%dma_wait3A_660, %dma_wait3A_661] : memref<520x128xf32, #tpu.memory_space<vmem_shared>> -> memref<520x128xf32, #tpu.memory_space<vmem_shared>>
    %dma_wait3A_663 = tpu.memref_slice %arg13[%dma_wait3A_652] : memref<5x!tpu.dma_semaphore, #tpu.memory_space<semaphore_mem>> -> memref<1x!tpu.dma_semaphore, #tpu.memory_space<semaphore_mem>>
    %dma_wait3A_664 = tpu.memref_squeeze %dma_wait3A_663 : memref<1x!tpu.dma_semaphore, #tpu.memory_space<semaphore_mem>> -> memref<!tpu.dma_semaphore, #tpu.memory_space<semaphore_mem>>
    tpu.wait_indirect_dma semaphore(%dma_wait3A_664 : memref<!tpu.dma_semaphore, #tpu.memory_space<semaphore_mem>>) src(%dma_wait3A_656 : memref<128x128xf32, #tpu.memory_space<vmem>>) dst(%dma_wait3A_662 : memref<520x128xf32, #tpu.memory_space<vmem_shared>>)
    %dma_wait3A_665 = arith.constant 5 : i32
    %dma_wait3A_666 = arith.constant 0 : i32
    %dma_wait3A_667 = arith.constant 0 : i32
    %dma_wait3A_668 = tpu.memref_slice %arg7[%dma_wait3A_665, %dma_wait3A_667] : memref<25x128xi32, #tpu.memory_space<vmem>> -> memref<1x128xi32, #tpu.memory_space<vmem>>
    %dma_wait3A_669 = tpu.memref_squeeze %dma_wait3A_668 : memref<1x128xi32, #tpu.memory_space<vmem>> -> memref<128xi32, #tpu.memory_space<vmem>>
    %dma_wait3A_670 = arith.constant 0 : i32
    %dma_wait3A_671 = arith.constant 0 : i32
    %dma_wait3A_672 = tpu.memref_slice %arg11[%dma_wait3A_670, %dma_wait3A_671] : memref<520x128xf32, #tpu.memory_space<vmem_shared>> -> memref<520x128xf32, #tpu.memory_space<vmem_shared>>
    %dma_wait3A_673 = tpu.memref_slice %arg14[%dma_wait3A_666] : memref<5x!tpu.dma_semaphore, #tpu.memory_space<semaphore_mem>> -> memref<1x!tpu.dma_semaphore, #tpu.memory_space<semaphore_mem>>
    %dma_wait3A_674 = tpu.memref_squeeze %dma_wait3A_673 : memref<1x!tpu.dma_semaphore, #tpu.memory_space<semaphore_mem>> -> memref<!tpu.dma_semaphore, #tpu.memory_space<semaphore_mem>>
    tpu.wait_indirect_dma semaphore(%dma_wait3A_674 : memref<!tpu.dma_semaphore, #tpu.memory_space<semaphore_mem>>) src(%arg8 : memref<128x128xf32, #tpu.memory_space<vmem>>) dst(%dma_wait3A_672 : memref<520x128xf32, #tpu.memory_space<vmem_shared>>)
    %add3A_675 = arith.constant 320 : i32
    %add3A_676 = arith.addi %add3A, %add3A_675 : i32
    %mul3A_677 = arith.constant 128 : i32
    %mul3A_678 = arith.muli %add3A_676, %mul3A_677 : i32
    %min3A_679 = arith.constant 99872 : i32
    %min3A_680 = arith.minsi %mul3A_678, %min3A_679 : i32
    %dma_start3A_681 = arith.constant 0 : i32
    %dma_start3A_682 = arith.constant 0 : i32
    %dma_start3A_683 = arith.constant 0 : i32
    %dma_start3A_684 = arith.constant 0 : i32
    %dma_start3A_685 = tpu.memref_slice %arg6[%dma_start3A_681, %dma_start3A_683, %dma_start3A_684] : memref<5x128x128xf32, #tpu.memory_space<vmem>> -> memref<1x128x128xf32, #tpu.memory_space<vmem>>
    %dma_start3A_686 = tpu.memref_squeeze %dma_start3A_685 : memref<1x128x128xf32, #tpu.memory_space<vmem>> -> memref<128x128xf32, #tpu.memory_space<vmem>>
    %dma_start3A_687 = arith.constant 0 : i32
    %dma_start3A_688 = tpu.memref_slice %arg2[%min3A_680, %dma_start3A_687] : memref<100000x128xf32, #tpu.memory_space<hbm>> -> memref<128x128xf32, #tpu.memory_space<hbm>>
    %dma_start3A_689 = tpu.memref_slice %arg12[%dma_start3A_682] : memref<5x!tpu.dma_semaphore, #tpu.memory_space<semaphore_mem>> -> memref<1x!tpu.dma_semaphore, #tpu.memory_space<semaphore_mem>>
    %dma_start3A_690 = tpu.memref_squeeze %dma_start3A_689 : memref<1x!tpu.dma_semaphore, #tpu.memory_space<semaphore_mem>> -> memref<!tpu.dma_semaphore, #tpu.memory_space<semaphore_mem>>
    %dma_start3A_691 = arith.constant 0 : i32
    %dma_start3A_692 = arith.constant 0 : i32
    %dma_start3A_693 = tpu.memref_slice %arg6[%dma_start3A_681, %dma_start3A_691, %dma_start3A_692] : memref<5x128x128xf32, #tpu.memory_space<vmem>> -> memref<1x128x128xf32, #tpu.memory_space<vmem>>
    %dma_start3A_694 = tpu.memref_squeeze %dma_start3A_693 : memref<1x128x128xf32, #tpu.memory_space<vmem>> -> memref<128x128xf32, #tpu.memory_space<vmem>>
    %dma_start3A_695 = arith.constant 0 : i32
    %dma_start3A_696 = tpu.memref_slice %arg2[%min3A_680, %dma_start3A_695] : memref<100000x128xf32, #tpu.memory_space<hbm>> -> memref<128x128xf32, #tpu.memory_space<hbm>>
    tpu.enqueue_dma source(%dma_start3A_696 : memref<128x128xf32, #tpu.memory_space<hbm>>) target(%dma_start3A_694 : memref<128x128xf32, #tpu.memory_space<vmem>>) target_semaphore(%dma_start3A_690 : memref<!tpu.dma_semaphore, #tpu.memory_space<semaphore_mem>>)
    %dma_wait3A_697 = arith.constant 2 : i32
    %dma_wait3A_698 = arith.constant 2 : i32
    %dma_wait3A_699 = arith.constant 0 : i32
    %dma_wait3A_700 = arith.constant 0 : i32
    %dma_wait3A_701 = tpu.memref_slice %arg6[%dma_wait3A_697, %dma_wait3A_699, %dma_wait3A_700] : memref<5x128x128xf32, #tpu.memory_space<vmem>> -> memref<1x128x128xf32, #tpu.memory_space<vmem>>
    %dma_wait3A_702 = tpu.memref_squeeze %dma_wait3A_701 : memref<1x128x128xf32, #tpu.memory_space<vmem>> -> memref<128x128xf32, #tpu.memory_space<vmem>>
    %dma_wait3A_703 = arith.constant 0 : i32
    %dma_wait3A_704 = tpu.memref_slice %arg2[%min3A_416, %dma_wait3A_703] : memref<100000x128xf32, #tpu.memory_space<hbm>> -> memref<128x128xf32, #tpu.memory_space<hbm>>
    %dma_wait3A_705 = tpu.memref_slice %arg12[%dma_wait3A_698] : memref<5x!tpu.dma_semaphore, #tpu.memory_space<semaphore_mem>> -> memref<1x!tpu.dma_semaphore, #tpu.memory_space<semaphore_mem>>
    %dma_wait3A_706 = tpu.memref_squeeze %dma_wait3A_705 : memref<1x!tpu.dma_semaphore, #tpu.memory_space<semaphore_mem>> -> memref<!tpu.dma_semaphore, #tpu.memory_space<semaphore_mem>>
    %dma_wait3A_707 = arith.constant 0 : i32
    %dma_wait3A_708 = arith.constant 0 : i32
    %dma_wait3A_709 = tpu.memref_slice %arg6[%dma_wait3A_697, %dma_wait3A_707, %dma_wait3A_708] : memref<5x128x128xf32, #tpu.memory_space<vmem>> -> memref<1x128x128xf32, #tpu.memory_space<vmem>>
    %dma_wait3A_710 = tpu.memref_squeeze %dma_wait3A_709 : memref<1x128x128xf32, #tpu.memory_space<vmem>> -> memref<128x128xf32, #tpu.memory_space<vmem>>
    %dma_wait3A_711 = arith.constant 0 : i32
    %dma_wait3A_712 = tpu.memref_slice %arg2[%min3A_416, %dma_wait3A_711] : memref<100000x128xf32, #tpu.memory_space<hbm>> -> memref<128x128xf32, #tpu.memory_space<hbm>>
    tpu.wait_dma2 semaphore(%dma_wait3A_706 : memref<!tpu.dma_semaphore, #tpu.memory_space<semaphore_mem>>) src(%dma_wait3A_712 : memref<128x128xf32, #tpu.memory_space<hbm>>) dst(%dma_wait3A_710 : memref<128x128xf32, #tpu.memory_space<vmem>>)
    %dma_start3A_713 = arith.constant 2 : i32
    %dma_start3A_714 = arith.constant 7 : i32
    %dma_start3A_715 = arith.constant 2 : i32
    %dma_start3A_716 = arith.constant 0 : i32
    %dma_start3A_717 = arith.constant 0 : i32
    %dma_start3A_718 = tpu.memref_slice %arg6[%dma_start3A_713, %dma_start3A_716, %dma_start3A_717] : memref<5x128x128xf32, #tpu.memory_space<vmem>> -> memref<1x128x128xf32, #tpu.memory_space<vmem>>
    %dma_start3A_719 = tpu.memref_squeeze %dma_start3A_718 : memref<1x128x128xf32, #tpu.memory_space<vmem>> -> memref<128x128xf32, #tpu.memory_space<vmem>>
    %dma_start3A_720 = arith.constant 0 : i32
    %dma_start3A_721 = tpu.memref_slice %arg7[%dma_start3A_714, %dma_start3A_720] : memref<25x128xi32, #tpu.memory_space<vmem>> -> memref<1x128xi32, #tpu.memory_space<vmem>>
    %dma_start3A_722 = tpu.memref_squeeze %dma_start3A_721 : memref<1x128xi32, #tpu.memory_space<vmem>> -> memref<128xi32, #tpu.memory_space<vmem>>
    %dma_start3A_723 = arith.constant 0 : i32
    %dma_start3A_724 = arith.constant 0 : i32
    %dma_start3A_725 = tpu.memref_slice %arg10[%dma_start3A_723, %dma_start3A_724] : memref<520x128xf32, #tpu.memory_space<vmem_shared>> -> memref<520x128xf32, #tpu.memory_space<vmem_shared>>
    %dma_start3A_726 = tpu.memref_slice %arg13[%dma_start3A_715] : memref<5x!tpu.dma_semaphore, #tpu.memory_space<semaphore_mem>> -> memref<1x!tpu.dma_semaphore, #tpu.memory_space<semaphore_mem>>
    %dma_start3A_727 = tpu.memref_squeeze %dma_start3A_726 : memref<1x!tpu.dma_semaphore, #tpu.memory_space<semaphore_mem>> -> memref<!tpu.dma_semaphore, #tpu.memory_space<semaphore_mem>>
    tpu.enqueue_indirect_dma source(%dma_start3A_719 : memref<128x128xf32, #tpu.memory_space<vmem>>) target(%dma_start3A_725 : memref<520x128xf32, #tpu.memory_space<vmem_shared>>) offsets(%dma_start3A_722 : memref<128xi32, #tpu.memory_space<vmem>>) semaphore(%dma_start3A_727 : memref<!tpu.dma_semaphore, #tpu.memory_space<semaphore_mem>>) {add = true}
    %dma_start3A_728 = arith.constant 7 : i32
    %dma_start3A_729 = arith.constant 2 : i32
    %dma_start3A_730 = arith.constant 0 : i32
    %dma_start3A_731 = tpu.memref_slice %arg7[%dma_start3A_728, %dma_start3A_730] : memref<25x128xi32, #tpu.memory_space<vmem>> -> memref<1x128xi32, #tpu.memory_space<vmem>>
    %dma_start3A_732 = tpu.memref_squeeze %dma_start3A_731 : memref<1x128xi32, #tpu.memory_space<vmem>> -> memref<128xi32, #tpu.memory_space<vmem>>
    %dma_start3A_733 = arith.constant 0 : i32
    %dma_start3A_734 = arith.constant 0 : i32
    %dma_start3A_735 = tpu.memref_slice %arg11[%dma_start3A_733, %dma_start3A_734] : memref<520x128xf32, #tpu.memory_space<vmem_shared>> -> memref<520x128xf32, #tpu.memory_space<vmem_shared>>
    %dma_start3A_736 = tpu.memref_slice %arg14[%dma_start3A_729] : memref<5x!tpu.dma_semaphore, #tpu.memory_space<semaphore_mem>> -> memref<1x!tpu.dma_semaphore, #tpu.memory_space<semaphore_mem>>
    %dma_start3A_737 = tpu.memref_squeeze %dma_start3A_736 : memref<1x!tpu.dma_semaphore, #tpu.memory_space<semaphore_mem>> -> memref<!tpu.dma_semaphore, #tpu.memory_space<semaphore_mem>>
    tpu.enqueue_indirect_dma source(%arg8 : memref<128x128xf32, #tpu.memory_space<vmem>>) target(%dma_start3A_735 : memref<520x128xf32, #tpu.memory_space<vmem_shared>>) offsets(%dma_start3A_732 : memref<128xi32, #tpu.memory_space<vmem>>) semaphore(%dma_start3A_737 : memref<!tpu.dma_semaphore, #tpu.memory_space<semaphore_mem>>) {add = true}
    %dma_wait3A_738 = arith.constant 1 : i32
    %dma_wait3A_739 = arith.constant 6 : i32
    %dma_wait3A_740 = arith.constant 1 : i32
    %dma_wait3A_741 = arith.constant 0 : i32
    %dma_wait3A_742 = arith.constant 0 : i32
    %dma_wait3A_743 = tpu.memref_slice %arg6[%dma_wait3A_738, %dma_wait3A_741, %dma_wait3A_742] : memref<5x128x128xf32, #tpu.memory_space<vmem>> -> memref<1x128x128xf32, #tpu.memory_space<vmem>>
    %dma_wait3A_744 = tpu.memref_squeeze %dma_wait3A_743 : memref<1x128x128xf32, #tpu.memory_space<vmem>> -> memref<128x128xf32, #tpu.memory_space<vmem>>
    %dma_wait3A_745 = arith.constant 0 : i32
    %dma_wait3A_746 = tpu.memref_slice %arg7[%dma_wait3A_739, %dma_wait3A_745] : memref<25x128xi32, #tpu.memory_space<vmem>> -> memref<1x128xi32, #tpu.memory_space<vmem>>
    %dma_wait3A_747 = tpu.memref_squeeze %dma_wait3A_746 : memref<1x128xi32, #tpu.memory_space<vmem>> -> memref<128xi32, #tpu.memory_space<vmem>>
    %dma_wait3A_748 = arith.constant 0 : i32
    %dma_wait3A_749 = arith.constant 0 : i32
    %dma_wait3A_750 = tpu.memref_slice %arg10[%dma_wait3A_748, %dma_wait3A_749] : memref<520x128xf32, #tpu.memory_space<vmem_shared>> -> memref<520x128xf32, #tpu.memory_space<vmem_shared>>
    %dma_wait3A_751 = tpu.memref_slice %arg13[%dma_wait3A_740] : memref<5x!tpu.dma_semaphore, #tpu.memory_space<semaphore_mem>> -> memref<1x!tpu.dma_semaphore, #tpu.memory_space<semaphore_mem>>
    %dma_wait3A_752 = tpu.memref_squeeze %dma_wait3A_751 : memref<1x!tpu.dma_semaphore, #tpu.memory_space<semaphore_mem>> -> memref<!tpu.dma_semaphore, #tpu.memory_space<semaphore_mem>>
    tpu.wait_indirect_dma semaphore(%dma_wait3A_752 : memref<!tpu.dma_semaphore, #tpu.memory_space<semaphore_mem>>) src(%dma_wait3A_744 : memref<128x128xf32, #tpu.memory_space<vmem>>) dst(%dma_wait3A_750 : memref<520x128xf32, #tpu.memory_space<vmem_shared>>)
    %dma_wait3A_753 = arith.constant 6 : i32
    %dma_wait3A_754 = arith.constant 1 : i32
    %dma_wait3A_755 = arith.constant 0 : i32
    %dma_wait3A_756 = tpu.memref_slice %arg7[%dma_wait3A_753, %dma_wait3A_755] : memref<25x128xi32, #tpu.memory_space<vmem>> -> memref<1x128xi32, #tpu.memory_space<vmem>>
    %dma_wait3A_757 = tpu.memref_squeeze %dma_wait3A_756 : memref<1x128xi32, #tpu.memory_space<vmem>> -> memref<128xi32, #tpu.memory_space<vmem>>
    %dma_wait3A_758 = arith.constant 0 : i32
    %dma_wait3A_759 = arith.constant 0 : i32
    %dma_wait3A_760 = tpu.memref_slice %arg11[%dma_wait3A_758, %dma_wait3A_759] : memref<520x128xf32, #tpu.memory_space<vmem_shared>> -> memref<520x128xf32, #tpu.memory_space<vmem_shared>>
    %dma_wait3A_761 = tpu.memref_slice %arg14[%dma_wait3A_754] : memref<5x!tpu.dma_semaphore, #tpu.memory_space<semaphore_mem>> -> memref<1x!tpu.dma_semaphore, #tpu.memory_space<semaphore_mem>>
    %dma_wait3A_762 = tpu.memref_squeeze %dma_wait3A_761 : memref<1x!tpu.dma_semaphore, #tpu.memory_space<semaphore_mem>> -> memref<!tpu.dma_semaphore, #tpu.memory_space<semaphore_mem>>
    tpu.wait_indirect_dma semaphore(%dma_wait3A_762 : memref<!tpu.dma_semaphore, #tpu.memory_space<semaphore_mem>>) src(%arg8 : memref<128x128xf32, #tpu.memory_space<vmem>>) dst(%dma_wait3A_760 : memref<520x128xf32, #tpu.memory_space<vmem_shared>>)
    %add3A_763 = arith.constant 352 : i32
    %add3A_764 = arith.addi %add3A, %add3A_763 : i32
    %mul3A_765 = arith.constant 128 : i32
    %mul3A_766 = arith.muli %add3A_764, %mul3A_765 : i32
    %min3A_767 = arith.constant 99872 : i32
    %min3A_768 = arith.minsi %mul3A_766, %min3A_767 : i32
    %dma_start3A_769 = arith.constant 1 : i32
    %dma_start3A_770 = arith.constant 1 : i32
    %dma_start3A_771 = arith.constant 0 : i32
    %dma_start3A_772 = arith.constant 0 : i32
    %dma_start3A_773 = tpu.memref_slice %arg6[%dma_start3A_769, %dma_start3A_771, %dma_start3A_772] : memref<5x128x128xf32, #tpu.memory_space<vmem>> -> memref<1x128x128xf32, #tpu.memory_space<vmem>>
    %dma_start3A_774 = tpu.memref_squeeze %dma_start3A_773 : memref<1x128x128xf32, #tpu.memory_space<vmem>> -> memref<128x128xf32, #tpu.memory_space<vmem>>
    %dma_start3A_775 = arith.constant 0 : i32
    %dma_start3A_776 = tpu.memref_slice %arg2[%min3A_768, %dma_start3A_775] : memref<100000x128xf32, #tpu.memory_space<hbm>> -> memref<128x128xf32, #tpu.memory_space<hbm>>
    %dma_start3A_777 = tpu.memref_slice %arg12[%dma_start3A_770] : memref<5x!tpu.dma_semaphore, #tpu.memory_space<semaphore_mem>> -> memref<1x!tpu.dma_semaphore, #tpu.memory_space<semaphore_mem>>
    %dma_start3A_778 = tpu.memref_squeeze %dma_start3A_777 : memref<1x!tpu.dma_semaphore, #tpu.memory_space<semaphore_mem>> -> memref<!tpu.dma_semaphore, #tpu.memory_space<semaphore_mem>>
    %dma_start3A_779 = arith.constant 0 : i32
    %dma_start3A_780 = arith.constant 0 : i32
    %dma_start3A_781 = tpu.memref_slice %arg6[%dma_start3A_769, %dma_start3A_779, %dma_start3A_780] : memref<5x128x128xf32, #tpu.memory_space<vmem>> -> memref<1x128x128xf32, #tpu.memory_space<vmem>>
    %dma_start3A_782 = tpu.memref_squeeze %dma_start3A_781 : memref<1x128x128xf32, #tpu.memory_space<vmem>> -> memref<128x128xf32, #tpu.memory_space<vmem>>
    %dma_start3A_783 = arith.constant 0 : i32
    %dma_start3A_784 = tpu.memref_slice %arg2[%min3A_768, %dma_start3A_783] : memref<100000x128xf32, #tpu.memory_space<hbm>> -> memref<128x128xf32, #tpu.memory_space<hbm>>
    tpu.enqueue_dma source(%dma_start3A_784 : memref<128x128xf32, #tpu.memory_space<hbm>>) target(%dma_start3A_782 : memref<128x128xf32, #tpu.memory_space<vmem>>) target_semaphore(%dma_start3A_778 : memref<!tpu.dma_semaphore, #tpu.memory_space<semaphore_mem>>)
    %dma_wait3A_785 = arith.constant 3 : i32
    %dma_wait3A_786 = arith.constant 3 : i32
    %dma_wait3A_787 = arith.constant 0 : i32
    %dma_wait3A_788 = arith.constant 0 : i32
    %dma_wait3A_789 = tpu.memref_slice %arg6[%dma_wait3A_785, %dma_wait3A_787, %dma_wait3A_788] : memref<5x128x128xf32, #tpu.memory_space<vmem>> -> memref<1x128x128xf32, #tpu.memory_space<vmem>>
    %dma_wait3A_790 = tpu.memref_squeeze %dma_wait3A_789 : memref<1x128x128xf32, #tpu.memory_space<vmem>> -> memref<128x128xf32, #tpu.memory_space<vmem>>
    %dma_wait3A_791 = arith.constant 0 : i32
    %dma_wait3A_792 = tpu.memref_slice %arg2[%min3A_504, %dma_wait3A_791] : memref<100000x128xf32, #tpu.memory_space<hbm>> -> memref<128x128xf32, #tpu.memory_space<hbm>>
    %dma_wait3A_793 = tpu.memref_slice %arg12[%dma_wait3A_786] : memref<5x!tpu.dma_semaphore, #tpu.memory_space<semaphore_mem>> -> memref<1x!tpu.dma_semaphore, #tpu.memory_space<semaphore_mem>>
    %dma_wait3A_794 = tpu.memref_squeeze %dma_wait3A_793 : memref<1x!tpu.dma_semaphore, #tpu.memory_space<semaphore_mem>> -> memref<!tpu.dma_semaphore, #tpu.memory_space<semaphore_mem>>
    %dma_wait3A_795 = arith.constant 0 : i32
    %dma_wait3A_796 = arith.constant 0 : i32
    %dma_wait3A_797 = tpu.memref_slice %arg6[%dma_wait3A_785, %dma_wait3A_795, %dma_wait3A_796] : memref<5x128x128xf32, #tpu.memory_space<vmem>> -> memref<1x128x128xf32, #tpu.memory_space<vmem>>
    %dma_wait3A_798 = tpu.memref_squeeze %dma_wait3A_797 : memref<1x128x128xf32, #tpu.memory_space<vmem>> -> memref<128x128xf32, #tpu.memory_space<vmem>>
    %dma_wait3A_799 = arith.constant 0 : i32
    %dma_wait3A_800 = tpu.memref_slice %arg2[%min3A_504, %dma_wait3A_799] : memref<100000x128xf32, #tpu.memory_space<hbm>> -> memref<128x128xf32, #tpu.memory_space<hbm>>
    tpu.wait_dma2 semaphore(%dma_wait3A_794 : memref<!tpu.dma_semaphore, #tpu.memory_space<semaphore_mem>>) src(%dma_wait3A_800 : memref<128x128xf32, #tpu.memory_space<hbm>>) dst(%dma_wait3A_798 : memref<128x128xf32, #tpu.memory_space<vmem>>)
    %dma_start3A_801 = arith.constant 3 : i32
    %dma_start3A_802 = arith.constant 8 : i32
    %dma_start3A_803 = arith.constant 3 : i32
    %dma_start3A_804 = arith.constant 0 : i32
    %dma_start3A_805 = arith.constant 0 : i32
    %dma_start3A_806 = tpu.memref_slice %arg6[%dma_start3A_801, %dma_start3A_804, %dma_start3A_805] : memref<5x128x128xf32, #tpu.memory_space<vmem>> -> memref<1x128x128xf32, #tpu.memory_space<vmem>>
    %dma_start3A_807 = tpu.memref_squeeze %dma_start3A_806 : memref<1x128x128xf32, #tpu.memory_space<vmem>> -> memref<128x128xf32, #tpu.memory_space<vmem>>
    %dma_start3A_808 = arith.constant 0 : i32
    %dma_start3A_809 = tpu.memref_slice %arg7[%dma_start3A_802, %dma_start3A_808] : memref<25x128xi32, #tpu.memory_space<vmem>> -> memref<1x128xi32, #tpu.memory_space<vmem>>
    %dma_start3A_810 = tpu.memref_squeeze %dma_start3A_809 : memref<1x128xi32, #tpu.memory_space<vmem>> -> memref<128xi32, #tpu.memory_space<vmem>>
    %dma_start3A_811 = arith.constant 0 : i32
    %dma_start3A_812 = arith.constant 0 : i32
    %dma_start3A_813 = tpu.memref_slice %arg10[%dma_start3A_811, %dma_start3A_812] : memref<520x128xf32, #tpu.memory_space<vmem_shared>> -> memref<520x128xf32, #tpu.memory_space<vmem_shared>>
    %dma_start3A_814 = tpu.memref_slice %arg13[%dma_start3A_803] : memref<5x!tpu.dma_semaphore, #tpu.memory_space<semaphore_mem>> -> memref<1x!tpu.dma_semaphore, #tpu.memory_space<semaphore_mem>>
    %dma_start3A_815 = tpu.memref_squeeze %dma_start3A_814 : memref<1x!tpu.dma_semaphore, #tpu.memory_space<semaphore_mem>> -> memref<!tpu.dma_semaphore, #tpu.memory_space<semaphore_mem>>
    tpu.enqueue_indirect_dma source(%dma_start3A_807 : memref<128x128xf32, #tpu.memory_space<vmem>>) target(%dma_start3A_813 : memref<520x128xf32, #tpu.memory_space<vmem_shared>>) offsets(%dma_start3A_810 : memref<128xi32, #tpu.memory_space<vmem>>) semaphore(%dma_start3A_815 : memref<!tpu.dma_semaphore, #tpu.memory_space<semaphore_mem>>) {add = true}
    %dma_start3A_816 = arith.constant 8 : i32
    %dma_start3A_817 = arith.constant 3 : i32
    %dma_start3A_818 = arith.constant 0 : i32
    %dma_start3A_819 = tpu.memref_slice %arg7[%dma_start3A_816, %dma_start3A_818] : memref<25x128xi32, #tpu.memory_space<vmem>> -> memref<1x128xi32, #tpu.memory_space<vmem>>
    %dma_start3A_820 = tpu.memref_squeeze %dma_start3A_819 : memref<1x128xi32, #tpu.memory_space<vmem>> -> memref<128xi32, #tpu.memory_space<vmem>>
    %dma_start3A_821 = arith.constant 0 : i32
    %dma_start3A_822 = arith.constant 0 : i32
    %dma_start3A_823 = tpu.memref_slice %arg11[%dma_start3A_821, %dma_start3A_822] : memref<520x128xf32, #tpu.memory_space<vmem_shared>> -> memref<520x128xf32, #tpu.memory_space<vmem_shared>>
    %dma_start3A_824 = tpu.memref_slice %arg14[%dma_start3A_817] : memref<5x!tpu.dma_semaphore, #tpu.memory_space<semaphore_mem>> -> memref<1x!tpu.dma_semaphore, #tpu.memory_space<semaphore_mem>>
    %dma_start3A_825 = tpu.memref_squeeze %dma_start3A_824 : memref<1x!tpu.dma_semaphore, #tpu.memory_space<semaphore_mem>> -> memref<!tpu.dma_semaphore, #tpu.memory_space<semaphore_mem>>
    tpu.enqueue_indirect_dma source(%arg8 : memref<128x128xf32, #tpu.memory_space<vmem>>) target(%dma_start3A_823 : memref<520x128xf32, #tpu.memory_space<vmem_shared>>) offsets(%dma_start3A_820 : memref<128xi32, #tpu.memory_space<vmem>>) semaphore(%dma_start3A_825 : memref<!tpu.dma_semaphore, #tpu.memory_space<semaphore_mem>>) {add = true}
    %dma_wait3A_826 = arith.constant 2 : i32
    %dma_wait3A_827 = arith.constant 7 : i32
    %dma_wait3A_828 = arith.constant 2 : i32
    %dma_wait3A_829 = arith.constant 0 : i32
    %dma_wait3A_830 = arith.constant 0 : i32
    %dma_wait3A_831 = tpu.memref_slice %arg6[%dma_wait3A_826, %dma_wait3A_829, %dma_wait3A_830] : memref<5x128x128xf32, #tpu.memory_space<vmem>> -> memref<1x128x128xf32, #tpu.memory_space<vmem>>
    %dma_wait3A_832 = tpu.memref_squeeze %dma_wait3A_831 : memref<1x128x128xf32, #tpu.memory_space<vmem>> -> memref<128x128xf32, #tpu.memory_space<vmem>>
    %dma_wait3A_833 = arith.constant 0 : i32
    %dma_wait3A_834 = tpu.memref_slice %arg7[%dma_wait3A_827, %dma_wait3A_833] : memref<25x128xi32, #tpu.memory_space<vmem>> -> memref<1x128xi32, #tpu.memory_space<vmem>>
    %dma_wait3A_835 = tpu.memref_squeeze %dma_wait3A_834 : memref<1x128xi32, #tpu.memory_space<vmem>> -> memref<128xi32, #tpu.memory_space<vmem>>
    %dma_wait3A_836 = arith.constant 0 : i32
    %dma_wait3A_837 = arith.constant 0 : i32
    %dma_wait3A_838 = tpu.memref_slice %arg10[%dma_wait3A_836, %dma_wait3A_837] : memref<520x128xf32, #tpu.memory_space<vmem_shared>> -> memref<520x128xf32, #tpu.memory_space<vmem_shared>>
    %dma_wait3A_839 = tpu.memref_slice %arg13[%dma_wait3A_828] : memref<5x!tpu.dma_semaphore, #tpu.memory_space<semaphore_mem>> -> memref<1x!tpu.dma_semaphore, #tpu.memory_space<semaphore_mem>>
    %dma_wait3A_840 = tpu.memref_squeeze %dma_wait3A_839 : memref<1x!tpu.dma_semaphore, #tpu.memory_space<semaphore_mem>> -> memref<!tpu.dma_semaphore, #tpu.memory_space<semaphore_mem>>
    tpu.wait_indirect_dma semaphore(%dma_wait3A_840 : memref<!tpu.dma_semaphore, #tpu.memory_space<semaphore_mem>>) src(%dma_wait3A_832 : memref<128x128xf32, #tpu.memory_space<vmem>>) dst(%dma_wait3A_838 : memref<520x128xf32, #tpu.memory_space<vmem_shared>>)
    %dma_wait3A_841 = arith.constant 7 : i32
    %dma_wait3A_842 = arith.constant 2 : i32
    %dma_wait3A_843 = arith.constant 0 : i32
    %dma_wait3A_844 = tpu.memref_slice %arg7[%dma_wait3A_841, %dma_wait3A_843] : memref<25x128xi32, #tpu.memory_space<vmem>> -> memref<1x128xi32, #tpu.memory_space<vmem>>
    %dma_wait3A_845 = tpu.memref_squeeze %dma_wait3A_844 : memref<1x128xi32, #tpu.memory_space<vmem>> -> memref<128xi32, #tpu.memory_space<vmem>>
    %dma_wait3A_846 = arith.constant 0 : i32
    %dma_wait3A_847 = arith.constant 0 : i32
    %dma_wait3A_848 = tpu.memref_slice %arg11[%dma_wait3A_846, %dma_wait3A_847] : memref<520x128xf32, #tpu.memory_space<vmem_shared>> -> memref<520x128xf32, #tpu.memory_space<vmem_shared>>
    %dma_wait3A_849 = tpu.memref_slice %arg14[%dma_wait3A_842] : memref<5x!tpu.dma_semaphore, #tpu.memory_space<semaphore_mem>> -> memref<1x!tpu.dma_semaphore, #tpu.memory_space<semaphore_mem>>
    %dma_wait3A_850 = tpu.memref_squeeze %dma_wait3A_849 : memref<1x!tpu.dma_semaphore, #tpu.memory_space<semaphore_mem>> -> memref<!tpu.dma_semaphore, #tpu.memory_space<semaphore_mem>>
    tpu.wait_indirect_dma semaphore(%dma_wait3A_850 : memref<!tpu.dma_semaphore, #tpu.memory_space<semaphore_mem>>) src(%arg8 : memref<128x128xf32, #tpu.memory_space<vmem>>) dst(%dma_wait3A_848 : memref<520x128xf32, #tpu.memory_space<vmem_shared>>)
    %add3A_851 = arith.constant 384 : i32
    %add3A_852 = arith.addi %add3A, %add3A_851 : i32
    %mul3A_853 = arith.constant 128 : i32
    %mul3A_854 = arith.muli %add3A_852, %mul3A_853 : i32
    %min3A_855 = arith.constant 99872 : i32
    %min3A_856 = arith.minsi %mul3A_854, %min3A_855 : i32
    %dma_start3A_857 = arith.constant 2 : i32
    %dma_start3A_858 = arith.constant 2 : i32
    %dma_start3A_859 = arith.constant 0 : i32
    %dma_start3A_860 = arith.constant 0 : i32
    %dma_start3A_861 = tpu.memref_slice %arg6[%dma_start3A_857, %dma_start3A_859, %dma_start3A_860] : memref<5x128x128xf32, #tpu.memory_space<vmem>> -> memref<1x128x128xf32, #tpu.memory_space<vmem>>
    %dma_start3A_862 = tpu.memref_squeeze %dma_start3A_861 : memref<1x128x128xf32, #tpu.memory_space<vmem>> -> memref<128x128xf32, #tpu.memory_space<vmem>>
    %dma_start3A_863 = arith.constant 0 : i32
    %dma_start3A_864 = tpu.memref_slice %arg2[%min3A_856, %dma_start3A_863] : memref<100000x128xf32, #tpu.memory_space<hbm>> -> memref<128x128xf32, #tpu.memory_space<hbm>>
    %dma_start3A_865 = tpu.memref_slice %arg12[%dma_start3A_858] : memref<5x!tpu.dma_semaphore, #tpu.memory_space<semaphore_mem>> -> memref<1x!tpu.dma_semaphore, #tpu.memory_space<semaphore_mem>>
    %dma_start3A_866 = tpu.memref_squeeze %dma_start3A_865 : memref<1x!tpu.dma_semaphore, #tpu.memory_space<semaphore_mem>> -> memref<!tpu.dma_semaphore, #tpu.memory_space<semaphore_mem>>
    %dma_start3A_867 = arith.constant 0 : i32
    %dma_start3A_868 = arith.constant 0 : i32
    %dma_start3A_869 = tpu.memref_slice %arg6[%dma_start3A_857, %dma_start3A_867, %dma_start3A_868] : memref<5x128x128xf32, #tpu.memory_space<vmem>> -> memref<1x128x128xf32, #tpu.memory_space<vmem>>
    %dma_start3A_870 = tpu.memref_squeeze %dma_start3A_869 : memref<1x128x128xf32, #tpu.memory_space<vmem>> -> memref<128x128xf32, #tpu.memory_space<vmem>>
    %dma_start3A_871 = arith.constant 0 : i32
    %dma_start3A_872 = tpu.memref_slice %arg2[%min3A_856, %dma_start3A_871] : memref<100000x128xf32, #tpu.memory_space<hbm>> -> memref<128x128xf32, #tpu.memory_space<hbm>>
    tpu.enqueue_dma source(%dma_start3A_872 : memref<128x128xf32, #tpu.memory_space<hbm>>) target(%dma_start3A_870 : memref<128x128xf32, #tpu.memory_space<vmem>>) target_semaphore(%dma_start3A_866 : memref<!tpu.dma_semaphore, #tpu.memory_space<semaphore_mem>>)
    %dma_wait3A_873 = arith.constant 4 : i32
    %dma_wait3A_874 = arith.constant 4 : i32
    %dma_wait3A_875 = arith.constant 0 : i32
    %dma_wait3A_876 = arith.constant 0 : i32
    %dma_wait3A_877 = tpu.memref_slice %arg6[%dma_wait3A_873, %dma_wait3A_875, %dma_wait3A_876] : memref<5x128x128xf32, #tpu.memory_space<vmem>> -> memref<1x128x128xf32, #tpu.memory_space<vmem>>
    %dma_wait3A_878 = tpu.memref_squeeze %dma_wait3A_877 : memref<1x128x128xf32, #tpu.memory_space<vmem>> -> memref<128x128xf32, #tpu.memory_space<vmem>>
    %dma_wait3A_879 = arith.constant 0 : i32
    %dma_wait3A_880 = tpu.memref_slice %arg2[%min3A_592, %dma_wait3A_879] : memref<100000x128xf32, #tpu.memory_space<hbm>> -> memref<128x128xf32, #tpu.memory_space<hbm>>
    %dma_wait3A_881 = tpu.memref_slice %arg12[%dma_wait3A_874] : memref<5x!tpu.dma_semaphore, #tpu.memory_space<semaphore_mem>> -> memref<1x!tpu.dma_semaphore, #tpu.memory_space<semaphore_mem>>
    %dma_wait3A_882 = tpu.memref_squeeze %dma_wait3A_881 : memref<1x!tpu.dma_semaphore, #tpu.memory_space<semaphore_mem>> -> memref<!tpu.dma_semaphore, #tpu.memory_space<semaphore_mem>>
    %dma_wait3A_883 = arith.constant 0 : i32
    %dma_wait3A_884 = arith.constant 0 : i32
    %dma_wait3A_885 = tpu.memref_slice %arg6[%dma_wait3A_873, %dma_wait3A_883, %dma_wait3A_884] : memref<5x128x128xf32, #tpu.memory_space<vmem>> -> memref<1x128x128xf32, #tpu.memory_space<vmem>>
    %dma_wait3A_886 = tpu.memref_squeeze %dma_wait3A_885 : memref<1x128x128xf32, #tpu.memory_space<vmem>> -> memref<128x128xf32, #tpu.memory_space<vmem>>
    %dma_wait3A_887 = arith.constant 0 : i32
    %dma_wait3A_888 = tpu.memref_slice %arg2[%min3A_592, %dma_wait3A_887] : memref<100000x128xf32, #tpu.memory_space<hbm>> -> memref<128x128xf32, #tpu.memory_space<hbm>>
    tpu.wait_dma2 semaphore(%dma_wait3A_882 : memref<!tpu.dma_semaphore, #tpu.memory_space<semaphore_mem>>) src(%dma_wait3A_888 : memref<128x128xf32, #tpu.memory_space<hbm>>) dst(%dma_wait3A_886 : memref<128x128xf32, #tpu.memory_space<vmem>>)
    %dma_start3A_889 = arith.constant 4 : i32
    %dma_start3A_890 = arith.constant 9 : i32
    %dma_start3A_891 = arith.constant 4 : i32
    %dma_start3A_892 = arith.constant 0 : i32
    %dma_start3A_893 = arith.constant 0 : i32
    %dma_start3A_894 = tpu.memref_slice %arg6[%dma_start3A_889, %dma_start3A_892, %dma_start3A_893] : memref<5x128x128xf32, #tpu.memory_space<vmem>> -> memref<1x128x128xf32, #tpu.memory_space<vmem>>
    %dma_start3A_895 = tpu.memref_squeeze %dma_start3A_894 : memref<1x128x128xf32, #tpu.memory_space<vmem>> -> memref<128x128xf32, #tpu.memory_space<vmem>>
    %dma_start3A_896 = arith.constant 0 : i32
    %dma_start3A_897 = tpu.memref_slice %arg7[%dma_start3A_890, %dma_start3A_896] : memref<25x128xi32, #tpu.memory_space<vmem>> -> memref<1x128xi32, #tpu.memory_space<vmem>>
    %dma_start3A_898 = tpu.memref_squeeze %dma_start3A_897 : memref<1x128xi32, #tpu.memory_space<vmem>> -> memref<128xi32, #tpu.memory_space<vmem>>
    %dma_start3A_899 = arith.constant 0 : i32
    %dma_start3A_900 = arith.constant 0 : i32
    %dma_start3A_901 = tpu.memref_slice %arg10[%dma_start3A_899, %dma_start3A_900] : memref<520x128xf32, #tpu.memory_space<vmem_shared>> -> memref<520x128xf32, #tpu.memory_space<vmem_shared>>
    %dma_start3A_902 = tpu.memref_slice %arg13[%dma_start3A_891] : memref<5x!tpu.dma_semaphore, #tpu.memory_space<semaphore_mem>> -> memref<1x!tpu.dma_semaphore, #tpu.memory_space<semaphore_mem>>
    %dma_start3A_903 = tpu.memref_squeeze %dma_start3A_902 : memref<1x!tpu.dma_semaphore, #tpu.memory_space<semaphore_mem>> -> memref<!tpu.dma_semaphore, #tpu.memory_space<semaphore_mem>>
    tpu.enqueue_indirect_dma source(%dma_start3A_895 : memref<128x128xf32, #tpu.memory_space<vmem>>) target(%dma_start3A_901 : memref<520x128xf32, #tpu.memory_space<vmem_shared>>) offsets(%dma_start3A_898 : memref<128xi32, #tpu.memory_space<vmem>>) semaphore(%dma_start3A_903 : memref<!tpu.dma_semaphore, #tpu.memory_space<semaphore_mem>>) {add = true}
    %dma_start3A_904 = arith.constant 9 : i32
    %dma_start3A_905 = arith.constant 4 : i32
    %dma_start3A_906 = arith.constant 0 : i32
    %dma_start3A_907 = tpu.memref_slice %arg7[%dma_start3A_904, %dma_start3A_906] : memref<25x128xi32, #tpu.memory_space<vmem>> -> memref<1x128xi32, #tpu.memory_space<vmem>>
    %dma_start3A_908 = tpu.memref_squeeze %dma_start3A_907 : memref<1x128xi32, #tpu.memory_space<vmem>> -> memref<128xi32, #tpu.memory_space<vmem>>
    %dma_start3A_909 = arith.constant 0 : i32
    %dma_start3A_910 = arith.constant 0 : i32
    %dma_start3A_911 = tpu.memref_slice %arg11[%dma_start3A_909, %dma_start3A_910] : memref<520x128xf32, #tpu.memory_space<vmem_shared>> -> memref<520x128xf32, #tpu.memory_space<vmem_shared>>
    %dma_start3A_912 = tpu.memref_slice %arg14[%dma_start3A_905] : memref<5x!tpu.dma_semaphore, #tpu.memory_space<semaphore_mem>> -> memref<1x!tpu.dma_semaphore, #tpu.memory_space<semaphore_mem>>
    %dma_start3A_913 = tpu.memref_squeeze %dma_start3A_912 : memref<1x!tpu.dma_semaphore, #tpu.memory_space<semaphore_mem>> -> memref<!tpu.dma_semaphore, #tpu.memory_space<semaphore_mem>>
    tpu.enqueue_indirect_dma source(%arg8 : memref<128x128xf32, #tpu.memory_space<vmem>>) target(%dma_start3A_911 : memref<520x128xf32, #tpu.memory_space<vmem_shared>>) offsets(%dma_start3A_908 : memref<128xi32, #tpu.memory_space<vmem>>) semaphore(%dma_start3A_913 : memref<!tpu.dma_semaphore, #tpu.memory_space<semaphore_mem>>) {add = true}
    %dma_wait3A_914 = arith.constant 3 : i32
    %dma_wait3A_915 = arith.constant 8 : i32
    %dma_wait3A_916 = arith.constant 3 : i32
    %dma_wait3A_917 = arith.constant 0 : i32
    %dma_wait3A_918 = arith.constant 0 : i32
    %dma_wait3A_919 = tpu.memref_slice %arg6[%dma_wait3A_914, %dma_wait3A_917, %dma_wait3A_918] : memref<5x128x128xf32, #tpu.memory_space<vmem>> -> memref<1x128x128xf32, #tpu.memory_space<vmem>>
    %dma_wait3A_920 = tpu.memref_squeeze %dma_wait3A_919 : memref<1x128x128xf32, #tpu.memory_space<vmem>> -> memref<128x128xf32, #tpu.memory_space<vmem>>
    %dma_wait3A_921 = arith.constant 0 : i32
    %dma_wait3A_922 = tpu.memref_slice %arg7[%dma_wait3A_915, %dma_wait3A_921] : memref<25x128xi32, #tpu.memory_space<vmem>> -> memref<1x128xi32, #tpu.memory_space<vmem>>
    %dma_wait3A_923 = tpu.memref_squeeze %dma_wait3A_922 : memref<1x128xi32, #tpu.memory_space<vmem>> -> memref<128xi32, #tpu.memory_space<vmem>>
    %dma_wait3A_924 = arith.constant 0 : i32
    %dma_wait3A_925 = arith.constant 0 : i32
    %dma_wait3A_926 = tpu.memref_slice %arg10[%dma_wait3A_924, %dma_wait3A_925] : memref<520x128xf32, #tpu.memory_space<vmem_shared>> -> memref<520x128xf32, #tpu.memory_space<vmem_shared>>
    %dma_wait3A_927 = tpu.memref_slice %arg13[%dma_wait3A_916] : memref<5x!tpu.dma_semaphore, #tpu.memory_space<semaphore_mem>> -> memref<1x!tpu.dma_semaphore, #tpu.memory_space<semaphore_mem>>
    %dma_wait3A_928 = tpu.memref_squeeze %dma_wait3A_927 : memref<1x!tpu.dma_semaphore, #tpu.memory_space<semaphore_mem>> -> memref<!tpu.dma_semaphore, #tpu.memory_space<semaphore_mem>>
    tpu.wait_indirect_dma semaphore(%dma_wait3A_928 : memref<!tpu.dma_semaphore, #tpu.memory_space<semaphore_mem>>) src(%dma_wait3A_920 : memref<128x128xf32, #tpu.memory_space<vmem>>) dst(%dma_wait3A_926 : memref<520x128xf32, #tpu.memory_space<vmem_shared>>)
    %dma_wait3A_929 = arith.constant 8 : i32
    %dma_wait3A_930 = arith.constant 3 : i32
    %dma_wait3A_931 = arith.constant 0 : i32
    %dma_wait3A_932 = tpu.memref_slice %arg7[%dma_wait3A_929, %dma_wait3A_931] : memref<25x128xi32, #tpu.memory_space<vmem>> -> memref<1x128xi32, #tpu.memory_space<vmem>>
    %dma_wait3A_933 = tpu.memref_squeeze %dma_wait3A_932 : memref<1x128xi32, #tpu.memory_space<vmem>> -> memref<128xi32, #tpu.memory_space<vmem>>
    %dma_wait3A_934 = arith.constant 0 : i32
    %dma_wait3A_935 = arith.constant 0 : i32
    %dma_wait3A_936 = tpu.memref_slice %arg11[%dma_wait3A_934, %dma_wait3A_935] : memref<520x128xf32, #tpu.memory_space<vmem_shared>> -> memref<520x128xf32, #tpu.memory_space<vmem_shared>>
    %dma_wait3A_937 = tpu.memref_slice %arg14[%dma_wait3A_930] : memref<5x!tpu.dma_semaphore, #tpu.memory_space<semaphore_mem>> -> memref<1x!tpu.dma_semaphore, #tpu.memory_space<semaphore_mem>>
    %dma_wait3A_938 = tpu.memref_squeeze %dma_wait3A_937 : memref<1x!tpu.dma_semaphore, #tpu.memory_space<semaphore_mem>> -> memref<!tpu.dma_semaphore, #tpu.memory_space<semaphore_mem>>
    tpu.wait_indirect_dma semaphore(%dma_wait3A_938 : memref<!tpu.dma_semaphore, #tpu.memory_space<semaphore_mem>>) src(%arg8 : memref<128x128xf32, #tpu.memory_space<vmem>>) dst(%dma_wait3A_936 : memref<520x128xf32, #tpu.memory_space<vmem_shared>>)
    %add3A_939 = arith.constant 416 : i32
    %add3A_940 = arith.addi %add3A, %add3A_939 : i32
    %mul3A_941 = arith.constant 128 : i32
    %mul3A_942 = arith.muli %add3A_940, %mul3A_941 : i32
    %min3A_943 = arith.constant 99872 : i32
    %min3A_944 = arith.minsi %mul3A_942, %min3A_943 : i32
    %dma_start3A_945 = arith.constant 3 : i32
    %dma_start3A_946 = arith.constant 3 : i32
    %dma_start3A_947 = arith.constant 0 : i32
    %dma_start3A_948 = arith.constant 0 : i32
    %dma_start3A_949 = tpu.memref_slice %arg6[%dma_start3A_945, %dma_start3A_947, %dma_start3A_948] : memref<5x128x128xf32, #tpu.memory_space<vmem>> -> memref<1x128x128xf32, #tpu.memory_space<vmem>>
    %dma_start3A_950 = tpu.memref_squeeze %dma_start3A_949 : memref<1x128x128xf32, #tpu.memory_space<vmem>> -> memref<128x128xf32, #tpu.memory_space<vmem>>
    %dma_start3A_951 = arith.constant 0 : i32
    %dma_start3A_952 = tpu.memref_slice %arg2[%min3A_944, %dma_start3A_951] : memref<100000x128xf32, #tpu.memory_space<hbm>> -> memref<128x128xf32, #tpu.memory_space<hbm>>
    %dma_start3A_953 = tpu.memref_slice %arg12[%dma_start3A_946] : memref<5x!tpu.dma_semaphore, #tpu.memory_space<semaphore_mem>> -> memref<1x!tpu.dma_semaphore, #tpu.memory_space<semaphore_mem>>
    %dma_start3A_954 = tpu.memref_squeeze %dma_start3A_953 : memref<1x!tpu.dma_semaphore, #tpu.memory_space<semaphore_mem>> -> memref<!tpu.dma_semaphore, #tpu.memory_space<semaphore_mem>>
    %dma_start3A_955 = arith.constant 0 : i32
    %dma_start3A_956 = arith.constant 0 : i32
    %dma_start3A_957 = tpu.memref_slice %arg6[%dma_start3A_945, %dma_start3A_955, %dma_start3A_956] : memref<5x128x128xf32, #tpu.memory_space<vmem>> -> memref<1x128x128xf32, #tpu.memory_space<vmem>>
    %dma_start3A_958 = tpu.memref_squeeze %dma_start3A_957 : memref<1x128x128xf32, #tpu.memory_space<vmem>> -> memref<128x128xf32, #tpu.memory_space<vmem>>
    %dma_start3A_959 = arith.constant 0 : i32
    %dma_start3A_960 = tpu.memref_slice %arg2[%min3A_944, %dma_start3A_959] : memref<100000x128xf32, #tpu.memory_space<hbm>> -> memref<128x128xf32, #tpu.memory_space<hbm>>
    tpu.enqueue_dma source(%dma_start3A_960 : memref<128x128xf32, #tpu.memory_space<hbm>>) target(%dma_start3A_958 : memref<128x128xf32, #tpu.memory_space<vmem>>) target_semaphore(%dma_start3A_954 : memref<!tpu.dma_semaphore, #tpu.memory_space<semaphore_mem>>)
    %dma_wait3A_961 = arith.constant 0 : i32
    %dma_wait3A_962 = arith.constant 0 : i32
    %dma_wait3A_963 = arith.constant 0 : i32
    %dma_wait3A_964 = arith.constant 0 : i32
    %dma_wait3A_965 = tpu.memref_slice %arg6[%dma_wait3A_961, %dma_wait3A_963, %dma_wait3A_964] : memref<5x128x128xf32, #tpu.memory_space<vmem>> -> memref<1x128x128xf32, #tpu.memory_space<vmem>>
    %dma_wait3A_966 = tpu.memref_squeeze %dma_wait3A_965 : memref<1x128x128xf32, #tpu.memory_space<vmem>> -> memref<128x128xf32, #tpu.memory_space<vmem>>
    %dma_wait3A_967 = arith.constant 0 : i32
    %dma_wait3A_968 = tpu.memref_slice %arg2[%min3A_680, %dma_wait3A_967] : memref<100000x128xf32, #tpu.memory_space<hbm>> -> memref<128x128xf32, #tpu.memory_space<hbm>>
    %dma_wait3A_969 = tpu.memref_slice %arg12[%dma_wait3A_962] : memref<5x!tpu.dma_semaphore, #tpu.memory_space<semaphore_mem>> -> memref<1x!tpu.dma_semaphore, #tpu.memory_space<semaphore_mem>>
    %dma_wait3A_970 = tpu.memref_squeeze %dma_wait3A_969 : memref<1x!tpu.dma_semaphore, #tpu.memory_space<semaphore_mem>> -> memref<!tpu.dma_semaphore, #tpu.memory_space<semaphore_mem>>
    %dma_wait3A_971 = arith.constant 0 : i32
    %dma_wait3A_972 = arith.constant 0 : i32
    %dma_wait3A_973 = tpu.memref_slice %arg6[%dma_wait3A_961, %dma_wait3A_971, %dma_wait3A_972] : memref<5x128x128xf32, #tpu.memory_space<vmem>> -> memref<1x128x128xf32, #tpu.memory_space<vmem>>
    %dma_wait3A_974 = tpu.memref_squeeze %dma_wait3A_973 : memref<1x128x128xf32, #tpu.memory_space<vmem>> -> memref<128x128xf32, #tpu.memory_space<vmem>>
    %dma_wait3A_975 = arith.constant 0 : i32
    %dma_wait3A_976 = tpu.memref_slice %arg2[%min3A_680, %dma_wait3A_975] : memref<100000x128xf32, #tpu.memory_space<hbm>> -> memref<128x128xf32, #tpu.memory_space<hbm>>
    tpu.wait_dma2 semaphore(%dma_wait3A_970 : memref<!tpu.dma_semaphore, #tpu.memory_space<semaphore_mem>>) src(%dma_wait3A_976 : memref<128x128xf32, #tpu.memory_space<hbm>>) dst(%dma_wait3A_974 : memref<128x128xf32, #tpu.memory_space<vmem>>)
    %dma_start3A_977 = arith.constant 0 : i32
    %dma_start3A_978 = arith.constant 10 : i32
    %dma_start3A_979 = arith.constant 0 : i32
    %dma_start3A_980 = arith.constant 0 : i32
    %dma_start3A_981 = arith.constant 0 : i32
    %dma_start3A_982 = tpu.memref_slice %arg6[%dma_start3A_977, %dma_start3A_980, %dma_start3A_981] : memref<5x128x128xf32, #tpu.memory_space<vmem>> -> memref<1x128x128xf32, #tpu.memory_space<vmem>>
    %dma_start3A_983 = tpu.memref_squeeze %dma_start3A_982 : memref<1x128x128xf32, #tpu.memory_space<vmem>> -> memref<128x128xf32, #tpu.memory_space<vmem>>
    %dma_start3A_984 = arith.constant 0 : i32
    %dma_start3A_985 = tpu.memref_slice %arg7[%dma_start3A_978, %dma_start3A_984] : memref<25x128xi32, #tpu.memory_space<vmem>> -> memref<1x128xi32, #tpu.memory_space<vmem>>
    %dma_start3A_986 = tpu.memref_squeeze %dma_start3A_985 : memref<1x128xi32, #tpu.memory_space<vmem>> -> memref<128xi32, #tpu.memory_space<vmem>>
    %dma_start3A_987 = arith.constant 0 : i32
    %dma_start3A_988 = arith.constant 0 : i32
    %dma_start3A_989 = tpu.memref_slice %arg10[%dma_start3A_987, %dma_start3A_988] : memref<520x128xf32, #tpu.memory_space<vmem_shared>> -> memref<520x128xf32, #tpu.memory_space<vmem_shared>>
    %dma_start3A_990 = tpu.memref_slice %arg13[%dma_start3A_979] : memref<5x!tpu.dma_semaphore, #tpu.memory_space<semaphore_mem>> -> memref<1x!tpu.dma_semaphore, #tpu.memory_space<semaphore_mem>>
    %dma_start3A_991 = tpu.memref_squeeze %dma_start3A_990 : memref<1x!tpu.dma_semaphore, #tpu.memory_space<semaphore_mem>> -> memref<!tpu.dma_semaphore, #tpu.memory_space<semaphore_mem>>
    tpu.enqueue_indirect_dma source(%dma_start3A_983 : memref<128x128xf32, #tpu.memory_space<vmem>>) target(%dma_start3A_989 : memref<520x128xf32, #tpu.memory_space<vmem_shared>>) offsets(%dma_start3A_986 : memref<128xi32, #tpu.memory_space<vmem>>) semaphore(%dma_start3A_991 : memref<!tpu.dma_semaphore, #tpu.memory_space<semaphore_mem>>) {add = true}
    %dma_start3A_992 = arith.constant 10 : i32
    %dma_start3A_993 = arith.constant 0 : i32
    %dma_start3A_994 = arith.constant 0 : i32
    %dma_start3A_995 = tpu.memref_slice %arg7[%dma_start3A_992, %dma_start3A_994] : memref<25x128xi32, #tpu.memory_space<vmem>> -> memref<1x128xi32, #tpu.memory_space<vmem>>
    %dma_start3A_996 = tpu.memref_squeeze %dma_start3A_995 : memref<1x128xi32, #tpu.memory_space<vmem>> -> memref<128xi32, #tpu.memory_space<vmem>>
    %dma_start3A_997 = arith.constant 0 : i32
    %dma_start3A_998 = arith.constant 0 : i32
    %dma_start3A_999 = tpu.memref_slice %arg11[%dma_start3A_997, %dma_start3A_998] : memref<520x128xf32, #tpu.memory_space<vmem_shared>> -> memref<520x128xf32, #tpu.memory_space<vmem_shared>>
    %dma_start3A_1000 = tpu.memref_slice %arg14[%dma_start3A_993] : memref<5x!tpu.dma_semaphore, #tpu.memory_space<semaphore_mem>> -> memref<1x!tpu.dma_semaphore, #tpu.memory_space<semaphore_mem>>
    %dma_start3A_1001 = tpu.memref_squeeze %dma_start3A_1000 : memref<1x!tpu.dma_semaphore, #tpu.memory_space<semaphore_mem>> -> memref<!tpu.dma_semaphore, #tpu.memory_space<semaphore_mem>>
    tpu.enqueue_indirect_dma source(%arg8 : memref<128x128xf32, #tpu.memory_space<vmem>>) target(%dma_start3A_999 : memref<520x128xf32, #tpu.memory_space<vmem_shared>>) offsets(%dma_start3A_996 : memref<128xi32, #tpu.memory_space<vmem>>) semaphore(%dma_start3A_1001 : memref<!tpu.dma_semaphore, #tpu.memory_space<semaphore_mem>>) {add = true}
    %dma_wait3A_1002 = arith.constant 4 : i32
    %dma_wait3A_1003 = arith.constant 9 : i32
    %dma_wait3A_1004 = arith.constant 4 : i32
    %dma_wait3A_1005 = arith.constant 0 : i32
    %dma_wait3A_1006 = arith.constant 0 : i32
    %dma_wait3A_1007 = tpu.memref_slice %arg6[%dma_wait3A_1002, %dma_wait3A_1005, %dma_wait3A_1006] : memref<5x128x128xf32, #tpu.memory_space<vmem>> -> memref<1x128x128xf32, #tpu.memory_space<vmem>>
    %dma_wait3A_1008 = tpu.memref_squeeze %dma_wait3A_1007 : memref<1x128x128xf32, #tpu.memory_space<vmem>> -> memref<128x128xf32, #tpu.memory_space<vmem>>
    %dma_wait3A_1009 = arith.constant 0 : i32
    %dma_wait3A_1010 = tpu.memref_slice %arg7[%dma_wait3A_1003, %dma_wait3A_1009] : memref<25x128xi32, #tpu.memory_space<vmem>> -> memref<1x128xi32, #tpu.memory_space<vmem>>
    %dma_wait3A_1011 = tpu.memref_squeeze %dma_wait3A_1010 : memref<1x128xi32, #tpu.memory_space<vmem>> -> memref<128xi32, #tpu.memory_space<vmem>>
    %dma_wait3A_1012 = arith.constant 0 : i32
    %dma_wait3A_1013 = arith.constant 0 : i32
    %dma_wait3A_1014 = tpu.memref_slice %arg10[%dma_wait3A_1012, %dma_wait3A_1013] : memref<520x128xf32, #tpu.memory_space<vmem_shared>> -> memref<520x128xf32, #tpu.memory_space<vmem_shared>>
    %dma_wait3A_1015 = tpu.memref_slice %arg13[%dma_wait3A_1004] : memref<5x!tpu.dma_semaphore, #tpu.memory_space<semaphore_mem>> -> memref<1x!tpu.dma_semaphore, #tpu.memory_space<semaphore_mem>>
    %dma_wait3A_1016 = tpu.memref_squeeze %dma_wait3A_1015 : memref<1x!tpu.dma_semaphore, #tpu.memory_space<semaphore_mem>> -> memref<!tpu.dma_semaphore, #tpu.memory_space<semaphore_mem>>
    tpu.wait_indirect_dma semaphore(%dma_wait3A_1016 : memref<!tpu.dma_semaphore, #tpu.memory_space<semaphore_mem>>) src(%dma_wait3A_1008 : memref<128x128xf32, #tpu.memory_space<vmem>>) dst(%dma_wait3A_1014 : memref<520x128xf32, #tpu.memory_space<vmem_shared>>)
    %dma_wait3A_1017 = arith.constant 9 : i32
    %dma_wait3A_1018 = arith.constant 4 : i32
    %dma_wait3A_1019 = arith.constant 0 : i32
    %dma_wait3A_1020 = tpu.memref_slice %arg7[%dma_wait3A_1017, %dma_wait3A_1019] : memref<25x128xi32, #tpu.memory_space<vmem>> -> memref<1x128xi32, #tpu.memory_space<vmem>>
    %dma_wait3A_1021 = tpu.memref_squeeze %dma_wait3A_1020 : memref<1x128xi32, #tpu.memory_space<vmem>> -> memref<128xi32, #tpu.memory_space<vmem>>
    %dma_wait3A_1022 = arith.constant 0 : i32
    %dma_wait3A_1023 = arith.constant 0 : i32
    %dma_wait3A_1024 = tpu.memref_slice %arg11[%dma_wait3A_1022, %dma_wait3A_1023] : memref<520x128xf32, #tpu.memory_space<vmem_shared>> -> memref<520x128xf32, #tpu.memory_space<vmem_shared>>
    %dma_wait3A_1025 = tpu.memref_slice %arg14[%dma_wait3A_1018] : memref<5x!tpu.dma_semaphore, #tpu.memory_space<semaphore_mem>> -> memref<1x!tpu.dma_semaphore, #tpu.memory_space<semaphore_mem>>
    %dma_wait3A_1026 = tpu.memref_squeeze %dma_wait3A_1025 : memref<1x!tpu.dma_semaphore, #tpu.memory_space<semaphore_mem>> -> memref<!tpu.dma_semaphore, #tpu.memory_space<semaphore_mem>>
    tpu.wait_indirect_dma semaphore(%dma_wait3A_1026 : memref<!tpu.dma_semaphore, #tpu.memory_space<semaphore_mem>>) src(%arg8 : memref<128x128xf32, #tpu.memory_space<vmem>>) dst(%dma_wait3A_1024 : memref<520x128xf32, #tpu.memory_space<vmem_shared>>)
    %add3A_1027 = arith.constant 448 : i32
    %add3A_1028 = arith.addi %add3A, %add3A_1027 : i32
    %mul3A_1029 = arith.constant 128 : i32
    %mul3A_1030 = arith.muli %add3A_1028, %mul3A_1029 : i32
    %min3A_1031 = arith.constant 99872 : i32
    %min3A_1032 = arith.minsi %mul3A_1030, %min3A_1031 : i32
    %dma_start3A_1033 = arith.constant 4 : i32
    %dma_start3A_1034 = arith.constant 4 : i32
    %dma_start3A_1035 = arith.constant 0 : i32
    %dma_start3A_1036 = arith.constant 0 : i32
    %dma_start3A_1037 = tpu.memref_slice %arg6[%dma_start3A_1033, %dma_start3A_1035, %dma_start3A_1036] : memref<5x128x128xf32, #tpu.memory_space<vmem>> -> memref<1x128x128xf32, #tpu.memory_space<vmem>>
    %dma_start3A_1038 = tpu.memref_squeeze %dma_start3A_1037 : memref<1x128x128xf32, #tpu.memory_space<vmem>> -> memref<128x128xf32, #tpu.memory_space<vmem>>
    %dma_start3A_1039 = arith.constant 0 : i32
    %dma_start3A_1040 = tpu.memref_slice %arg2[%min3A_1032, %dma_start3A_1039] : memref<100000x128xf32, #tpu.memory_space<hbm>> -> memref<128x128xf32, #tpu.memory_space<hbm>>
    %dma_start3A_1041 = tpu.memref_slice %arg12[%dma_start3A_1034] : memref<5x!tpu.dma_semaphore, #tpu.memory_space<semaphore_mem>> -> memref<1x!tpu.dma_semaphore, #tpu.memory_space<semaphore_mem>>
    %dma_start3A_1042 = tpu.memref_squeeze %dma_start3A_1041 : memref<1x!tpu.dma_semaphore, #tpu.memory_space<semaphore_mem>> -> memref<!tpu.dma_semaphore, #tpu.memory_space<semaphore_mem>>
    %dma_start3A_1043 = arith.constant 0 : i32
    %dma_start3A_1044 = arith.constant 0 : i32
    %dma_start3A_1045 = tpu.memref_slice %arg6[%dma_start3A_1033, %dma_start3A_1043, %dma_start3A_1044] : memref<5x128x128xf32, #tpu.memory_space<vmem>> -> memref<1x128x128xf32, #tpu.memory_space<vmem>>
    %dma_start3A_1046 = tpu.memref_squeeze %dma_start3A_1045 : memref<1x128x128xf32, #tpu.memory_space<vmem>> -> memref<128x128xf32, #tpu.memory_space<vmem>>
    %dma_start3A_1047 = arith.constant 0 : i32
    %dma_start3A_1048 = tpu.memref_slice %arg2[%min3A_1032, %dma_start3A_1047] : memref<100000x128xf32, #tpu.memory_space<hbm>> -> memref<128x128xf32, #tpu.memory_space<hbm>>
    tpu.enqueue_dma source(%dma_start3A_1048 : memref<128x128xf32, #tpu.memory_space<hbm>>) target(%dma_start3A_1046 : memref<128x128xf32, #tpu.memory_space<vmem>>) target_semaphore(%dma_start3A_1042 : memref<!tpu.dma_semaphore, #tpu.memory_space<semaphore_mem>>)
    %dma_wait3A_1049 = arith.constant 1 : i32
    %dma_wait3A_1050 = arith.constant 1 : i32
    %dma_wait3A_1051 = arith.constant 0 : i32
    %dma_wait3A_1052 = arith.constant 0 : i32
    %dma_wait3A_1053 = tpu.memref_slice %arg6[%dma_wait3A_1049, %dma_wait3A_1051, %dma_wait3A_1052] : memref<5x128x128xf32, #tpu.memory_space<vmem>> -> memref<1x128x128xf32, #tpu.memory_space<vmem>>
    %dma_wait3A_1054 = tpu.memref_squeeze %dma_wait3A_1053 : memref<1x128x128xf32, #tpu.memory_space<vmem>> -> memref<128x128xf32, #tpu.memory_space<vmem>>
    %dma_wait3A_1055 = arith.constant 0 : i32
    %dma_wait3A_1056 = tpu.memref_slice %arg2[%min3A_768, %dma_wait3A_1055] : memref<100000x128xf32, #tpu.memory_space<hbm>> -> memref<128x128xf32, #tpu.memory_space<hbm>>
    %dma_wait3A_1057 = tpu.memref_slice %arg12[%dma_wait3A_1050] : memref<5x!tpu.dma_semaphore, #tpu.memory_space<semaphore_mem>> -> memref<1x!tpu.dma_semaphore, #tpu.memory_space<semaphore_mem>>
    %dma_wait3A_1058 = tpu.memref_squeeze %dma_wait3A_1057 : memref<1x!tpu.dma_semaphore, #tpu.memory_space<semaphore_mem>> -> memref<!tpu.dma_semaphore, #tpu.memory_space<semaphore_mem>>
    %dma_wait3A_1059 = arith.constant 0 : i32
    %dma_wait3A_1060 = arith.constant 0 : i32
    %dma_wait3A_1061 = tpu.memref_slice %arg6[%dma_wait3A_1049, %dma_wait3A_1059, %dma_wait3A_1060] : memref<5x128x128xf32, #tpu.memory_space<vmem>> -> memref<1x128x128xf32, #tpu.memory_space<vmem>>
    %dma_wait3A_1062 = tpu.memref_squeeze %dma_wait3A_1061 : memref<1x128x128xf32, #tpu.memory_space<vmem>> -> memref<128x128xf32, #tpu.memory_space<vmem>>
    %dma_wait3A_1063 = arith.constant 0 : i32
    %dma_wait3A_1064 = tpu.memref_slice %arg2[%min3A_768, %dma_wait3A_1063] : memref<100000x128xf32, #tpu.memory_space<hbm>> -> memref<128x128xf32, #tpu.memory_space<hbm>>
    tpu.wait_dma2 semaphore(%dma_wait3A_1058 : memref<!tpu.dma_semaphore, #tpu.memory_space<semaphore_mem>>) src(%dma_wait3A_1064 : memref<128x128xf32, #tpu.memory_space<hbm>>) dst(%dma_wait3A_1062 : memref<128x128xf32, #tpu.memory_space<vmem>>)
    %dma_start3A_1065 = arith.constant 1 : i32
    %dma_start3A_1066 = arith.constant 11 : i32
    %dma_start3A_1067 = arith.constant 1 : i32
    %dma_start3A_1068 = arith.constant 0 : i32
    %dma_start3A_1069 = arith.constant 0 : i32
    %dma_start3A_1070 = tpu.memref_slice %arg6[%dma_start3A_1065, %dma_start3A_1068, %dma_start3A_1069] : memref<5x128x128xf32, #tpu.memory_space<vmem>> -> memref<1x128x128xf32, #tpu.memory_space<vmem>>
    %dma_start3A_1071 = tpu.memref_squeeze %dma_start3A_1070 : memref<1x128x128xf32, #tpu.memory_space<vmem>> -> memref<128x128xf32, #tpu.memory_space<vmem>>
    %dma_start3A_1072 = arith.constant 0 : i32
    %dma_start3A_1073 = tpu.memref_slice %arg7[%dma_start3A_1066, %dma_start3A_1072] : memref<25x128xi32, #tpu.memory_space<vmem>> -> memref<1x128xi32, #tpu.memory_space<vmem>>
    %dma_start3A_1074 = tpu.memref_squeeze %dma_start3A_1073 : memref<1x128xi32, #tpu.memory_space<vmem>> -> memref<128xi32, #tpu.memory_space<vmem>>
    %dma_start3A_1075 = arith.constant 0 : i32
    %dma_start3A_1076 = arith.constant 0 : i32
    %dma_start3A_1077 = tpu.memref_slice %arg10[%dma_start3A_1075, %dma_start3A_1076] : memref<520x128xf32, #tpu.memory_space<vmem_shared>> -> memref<520x128xf32, #tpu.memory_space<vmem_shared>>
    %dma_start3A_1078 = tpu.memref_slice %arg13[%dma_start3A_1067] : memref<5x!tpu.dma_semaphore, #tpu.memory_space<semaphore_mem>> -> memref<1x!tpu.dma_semaphore, #tpu.memory_space<semaphore_mem>>
    %dma_start3A_1079 = tpu.memref_squeeze %dma_start3A_1078 : memref<1x!tpu.dma_semaphore, #tpu.memory_space<semaphore_mem>> -> memref<!tpu.dma_semaphore, #tpu.memory_space<semaphore_mem>>
    tpu.enqueue_indirect_dma source(%dma_start3A_1071 : memref<128x128xf32, #tpu.memory_space<vmem>>) target(%dma_start3A_1077 : memref<520x128xf32, #tpu.memory_space<vmem_shared>>) offsets(%dma_start3A_1074 : memref<128xi32, #tpu.memory_space<vmem>>) semaphore(%dma_start3A_1079 : memref<!tpu.dma_semaphore, #tpu.memory_space<semaphore_mem>>) {add = true}
    %dma_start3A_1080 = arith.constant 11 : i32
    %dma_start3A_1081 = arith.constant 1 : i32
    %dma_start3A_1082 = arith.constant 0 : i32
    %dma_start3A_1083 = tpu.memref_slice %arg7[%dma_start3A_1080, %dma_start3A_1082] : memref<25x128xi32, #tpu.memory_space<vmem>> -> memref<1x128xi32, #tpu.memory_space<vmem>>
    %dma_start3A_1084 = tpu.memref_squeeze %dma_start3A_1083 : memref<1x128xi32, #tpu.memory_space<vmem>> -> memref<128xi32, #tpu.memory_space<vmem>>
    %dma_start3A_1085 = arith.constant 0 : i32
    %dma_start3A_1086 = arith.constant 0 : i32
    %dma_start3A_1087 = tpu.memref_slice %arg11[%dma_start3A_1085, %dma_start3A_1086] : memref<520x128xf32, #tpu.memory_space<vmem_shared>> -> memref<520x128xf32, #tpu.memory_space<vmem_shared>>
    %dma_start3A_1088 = tpu.memref_slice %arg14[%dma_start3A_1081] : memref<5x!tpu.dma_semaphore, #tpu.memory_space<semaphore_mem>> -> memref<1x!tpu.dma_semaphore, #tpu.memory_space<semaphore_mem>>
    %dma_start3A_1089 = tpu.memref_squeeze %dma_start3A_1088 : memref<1x!tpu.dma_semaphore, #tpu.memory_space<semaphore_mem>> -> memref<!tpu.dma_semaphore, #tpu.memory_space<semaphore_mem>>
    tpu.enqueue_indirect_dma source(%arg8 : memref<128x128xf32, #tpu.memory_space<vmem>>) target(%dma_start3A_1087 : memref<520x128xf32, #tpu.memory_space<vmem_shared>>) offsets(%dma_start3A_1084 : memref<128xi32, #tpu.memory_space<vmem>>) semaphore(%dma_start3A_1089 : memref<!tpu.dma_semaphore, #tpu.memory_space<semaphore_mem>>) {add = true}
    %dma_wait3A_1090 = arith.constant 0 : i32
    %dma_wait3A_1091 = arith.constant 10 : i32
    %dma_wait3A_1092 = arith.constant 0 : i32
    %dma_wait3A_1093 = arith.constant 0 : i32
    %dma_wait3A_1094 = arith.constant 0 : i32
    %dma_wait3A_1095 = tpu.memref_slice %arg6[%dma_wait3A_1090, %dma_wait3A_1093, %dma_wait3A_1094] : memref<5x128x128xf32, #tpu.memory_space<vmem>> -> memref<1x128x128xf32, #tpu.memory_space<vmem>>
    %dma_wait3A_1096 = tpu.memref_squeeze %dma_wait3A_1095 : memref<1x128x128xf32, #tpu.memory_space<vmem>> -> memref<128x128xf32, #tpu.memory_space<vmem>>
    %dma_wait3A_1097 = arith.constant 0 : i32
    %dma_wait3A_1098 = tpu.memref_slice %arg7[%dma_wait3A_1091, %dma_wait3A_1097] : memref<25x128xi32, #tpu.memory_space<vmem>> -> memref<1x128xi32, #tpu.memory_space<vmem>>
    %dma_wait3A_1099 = tpu.memref_squeeze %dma_wait3A_1098 : memref<1x128xi32, #tpu.memory_space<vmem>> -> memref<128xi32, #tpu.memory_space<vmem>>
    %dma_wait3A_1100 = arith.constant 0 : i32
    %dma_wait3A_1101 = arith.constant 0 : i32
    %dma_wait3A_1102 = tpu.memref_slice %arg10[%dma_wait3A_1100, %dma_wait3A_1101] : memref<520x128xf32, #tpu.memory_space<vmem_shared>> -> memref<520x128xf32, #tpu.memory_space<vmem_shared>>
    %dma_wait3A_1103 = tpu.memref_slice %arg13[%dma_wait3A_1092] : memref<5x!tpu.dma_semaphore, #tpu.memory_space<semaphore_mem>> -> memref<1x!tpu.dma_semaphore, #tpu.memory_space<semaphore_mem>>
    %dma_wait3A_1104 = tpu.memref_squeeze %dma_wait3A_1103 : memref<1x!tpu.dma_semaphore, #tpu.memory_space<semaphore_mem>> -> memref<!tpu.dma_semaphore, #tpu.memory_space<semaphore_mem>>
    tpu.wait_indirect_dma semaphore(%dma_wait3A_1104 : memref<!tpu.dma_semaphore, #tpu.memory_space<semaphore_mem>>) src(%dma_wait3A_1096 : memref<128x128xf32, #tpu.memory_space<vmem>>) dst(%dma_wait3A_1102 : memref<520x128xf32, #tpu.memory_space<vmem_shared>>)
    %dma_wait3A_1105 = arith.constant 10 : i32
    %dma_wait3A_1106 = arith.constant 0 : i32
    %dma_wait3A_1107 = arith.constant 0 : i32
    %dma_wait3A_1108 = tpu.memref_slice %arg7[%dma_wait3A_1105, %dma_wait3A_1107] : memref<25x128xi32, #tpu.memory_space<vmem>> -> memref<1x128xi32, #tpu.memory_space<vmem>>
    %dma_wait3A_1109 = tpu.memref_squeeze %dma_wait3A_1108 : memref<1x128xi32, #tpu.memory_space<vmem>> -> memref<128xi32, #tpu.memory_space<vmem>>
    %dma_wait3A_1110 = arith.constant 0 : i32
    %dma_wait3A_1111 = arith.constant 0 : i32
    %dma_wait3A_1112 = tpu.memref_slice %arg11[%dma_wait3A_1110, %dma_wait3A_1111] : memref<520x128xf32, #tpu.memory_space<vmem_shared>> -> memref<520x128xf32, #tpu.memory_space<vmem_shared>>
    %dma_wait3A_1113 = tpu.memref_slice %arg14[%dma_wait3A_1106] : memref<5x!tpu.dma_semaphore, #tpu.memory_space<semaphore_mem>> -> memref<1x!tpu.dma_semaphore, #tpu.memory_space<semaphore_mem>>
    %dma_wait3A_1114 = tpu.memref_squeeze %dma_wait3A_1113 : memref<1x!tpu.dma_semaphore, #tpu.memory_space<semaphore_mem>> -> memref<!tpu.dma_semaphore, #tpu.memory_space<semaphore_mem>>
    tpu.wait_indirect_dma semaphore(%dma_wait3A_1114 : memref<!tpu.dma_semaphore, #tpu.memory_space<semaphore_mem>>) src(%arg8 : memref<128x128xf32, #tpu.memory_space<vmem>>) dst(%dma_wait3A_1112 : memref<520x128xf32, #tpu.memory_space<vmem_shared>>)
    %add3A_1115 = arith.constant 480 : i32
    %add3A_1116 = arith.addi %add3A, %add3A_1115 : i32
    %mul3A_1117 = arith.constant 128 : i32
    %mul3A_1118 = arith.muli %add3A_1116, %mul3A_1117 : i32
    %min3A_1119 = arith.constant 99872 : i32
    %min3A_1120 = arith.minsi %mul3A_1118, %min3A_1119 : i32
    %dma_start3A_1121 = arith.constant 0 : i32
    %dma_start3A_1122 = arith.constant 0 : i32
    %dma_start3A_1123 = arith.constant 0 : i32
    %dma_start3A_1124 = arith.constant 0 : i32
    %dma_start3A_1125 = tpu.memref_slice %arg6[%dma_start3A_1121, %dma_start3A_1123, %dma_start3A_1124] : memref<5x128x128xf32, #tpu.memory_space<vmem>> -> memref<1x128x128xf32, #tpu.memory_space<vmem>>
    %dma_start3A_1126 = tpu.memref_squeeze %dma_start3A_1125 : memref<1x128x128xf32, #tpu.memory_space<vmem>> -> memref<128x128xf32, #tpu.memory_space<vmem>>
    %dma_start3A_1127 = arith.constant 0 : i32
    %dma_start3A_1128 = tpu.memref_slice %arg2[%min3A_1120, %dma_start3A_1127] : memref<100000x128xf32, #tpu.memory_space<hbm>> -> memref<128x128xf32, #tpu.memory_space<hbm>>
    %dma_start3A_1129 = tpu.memref_slice %arg12[%dma_start3A_1122] : memref<5x!tpu.dma_semaphore, #tpu.memory_space<semaphore_mem>> -> memref<1x!tpu.dma_semaphore, #tpu.memory_space<semaphore_mem>>
    %dma_start3A_1130 = tpu.memref_squeeze %dma_start3A_1129 : memref<1x!tpu.dma_semaphore, #tpu.memory_space<semaphore_mem>> -> memref<!tpu.dma_semaphore, #tpu.memory_space<semaphore_mem>>
    %dma_start3A_1131 = arith.constant 0 : i32
    %dma_start3A_1132 = arith.constant 0 : i32
    %dma_start3A_1133 = tpu.memref_slice %arg6[%dma_start3A_1121, %dma_start3A_1131, %dma_start3A_1132] : memref<5x128x128xf32, #tpu.memory_space<vmem>> -> memref<1x128x128xf32, #tpu.memory_space<vmem>>
    %dma_start3A_1134 = tpu.memref_squeeze %dma_start3A_1133 : memref<1x128x128xf32, #tpu.memory_space<vmem>> -> memref<128x128xf32, #tpu.memory_space<vmem>>
    %dma_start3A_1135 = arith.constant 0 : i32
    %dma_start3A_1136 = tpu.memref_slice %arg2[%min3A_1120, %dma_start3A_1135] : memref<100000x128xf32, #tpu.memory_space<hbm>> -> memref<128x128xf32, #tpu.memory_space<hbm>>
    tpu.enqueue_dma source(%dma_start3A_1136 : memref<128x128xf32, #tpu.memory_space<hbm>>) target(%dma_start3A_1134 : memref<128x128xf32, #tpu.memory_space<vmem>>) target_semaphore(%dma_start3A_1130 : memref<!tpu.dma_semaphore, #tpu.memory_space<semaphore_mem>>)
    %dma_wait3A_1137 = arith.constant 2 : i32
    %dma_wait3A_1138 = arith.constant 2 : i32
    %dma_wait3A_1139 = arith.constant 0 : i32
    %dma_wait3A_1140 = arith.constant 0 : i32
    %dma_wait3A_1141 = tpu.memref_slice %arg6[%dma_wait3A_1137, %dma_wait3A_1139, %dma_wait3A_1140] : memref<5x128x128xf32, #tpu.memory_space<vmem>> -> memref<1x128x128xf32, #tpu.memory_space<vmem>>
    %dma_wait3A_1142 = tpu.memref_squeeze %dma_wait3A_1141 : memref<1x128x128xf32, #tpu.memory_space<vmem>> -> memref<128x128xf32, #tpu.memory_space<vmem>>
    %dma_wait3A_1143 = arith.constant 0 : i32
    %dma_wait3A_1144 = tpu.memref_slice %arg2[%min3A_856, %dma_wait3A_1143] : memref<100000x128xf32, #tpu.memory_space<hbm>> -> memref<128x128xf32, #tpu.memory_space<hbm>>
    %dma_wait3A_1145 = tpu.memref_slice %arg12[%dma_wait3A_1138] : memref<5x!tpu.dma_semaphore, #tpu.memory_space<semaphore_mem>> -> memref<1x!tpu.dma_semaphore, #tpu.memory_space<semaphore_mem>>
    %dma_wait3A_1146 = tpu.memref_squeeze %dma_wait3A_1145 : memref<1x!tpu.dma_semaphore, #tpu.memory_space<semaphore_mem>> -> memref<!tpu.dma_semaphore, #tpu.memory_space<semaphore_mem>>
    %dma_wait3A_1147 = arith.constant 0 : i32
    %dma_wait3A_1148 = arith.constant 0 : i32
    %dma_wait3A_1149 = tpu.memref_slice %arg6[%dma_wait3A_1137, %dma_wait3A_1147, %dma_wait3A_1148] : memref<5x128x128xf32, #tpu.memory_space<vmem>> -> memref<1x128x128xf32, #tpu.memory_space<vmem>>
    %dma_wait3A_1150 = tpu.memref_squeeze %dma_wait3A_1149 : memref<1x128x128xf32, #tpu.memory_space<vmem>> -> memref<128x128xf32, #tpu.memory_space<vmem>>
    %dma_wait3A_1151 = arith.constant 0 : i32
    %dma_wait3A_1152 = tpu.memref_slice %arg2[%min3A_856, %dma_wait3A_1151] : memref<100000x128xf32, #tpu.memory_space<hbm>> -> memref<128x128xf32, #tpu.memory_space<hbm>>
    tpu.wait_dma2 semaphore(%dma_wait3A_1146 : memref<!tpu.dma_semaphore, #tpu.memory_space<semaphore_mem>>) src(%dma_wait3A_1152 : memref<128x128xf32, #tpu.memory_space<hbm>>) dst(%dma_wait3A_1150 : memref<128x128xf32, #tpu.memory_space<vmem>>)
    %dma_start3A_1153 = arith.constant 2 : i32
    %dma_start3A_1154 = arith.constant 12 : i32
    %dma_start3A_1155 = arith.constant 2 : i32
    %dma_start3A_1156 = arith.constant 0 : i32
    %dma_start3A_1157 = arith.constant 0 : i32
    %dma_start3A_1158 = tpu.memref_slice %arg6[%dma_start3A_1153, %dma_start3A_1156, %dma_start3A_1157] : memref<5x128x128xf32, #tpu.memory_space<vmem>> -> memref<1x128x128xf32, #tpu.memory_space<vmem>>
    %dma_start3A_1159 = tpu.memref_squeeze %dma_start3A_1158 : memref<1x128x128xf32, #tpu.memory_space<vmem>> -> memref<128x128xf32, #tpu.memory_space<vmem>>
    %dma_start3A_1160 = arith.constant 0 : i32
    %dma_start3A_1161 = tpu.memref_slice %arg7[%dma_start3A_1154, %dma_start3A_1160] : memref<25x128xi32, #tpu.memory_space<vmem>> -> memref<1x128xi32, #tpu.memory_space<vmem>>
    %dma_start3A_1162 = tpu.memref_squeeze %dma_start3A_1161 : memref<1x128xi32, #tpu.memory_space<vmem>> -> memref<128xi32, #tpu.memory_space<vmem>>
    %dma_start3A_1163 = arith.constant 0 : i32
    %dma_start3A_1164 = arith.constant 0 : i32
    %dma_start3A_1165 = tpu.memref_slice %arg10[%dma_start3A_1163, %dma_start3A_1164] : memref<520x128xf32, #tpu.memory_space<vmem_shared>> -> memref<520x128xf32, #tpu.memory_space<vmem_shared>>
    %dma_start3A_1166 = tpu.memref_slice %arg13[%dma_start3A_1155] : memref<5x!tpu.dma_semaphore, #tpu.memory_space<semaphore_mem>> -> memref<1x!tpu.dma_semaphore, #tpu.memory_space<semaphore_mem>>
    %dma_start3A_1167 = tpu.memref_squeeze %dma_start3A_1166 : memref<1x!tpu.dma_semaphore, #tpu.memory_space<semaphore_mem>> -> memref<!tpu.dma_semaphore, #tpu.memory_space<semaphore_mem>>
    tpu.enqueue_indirect_dma source(%dma_start3A_1159 : memref<128x128xf32, #tpu.memory_space<vmem>>) target(%dma_start3A_1165 : memref<520x128xf32, #tpu.memory_space<vmem_shared>>) offsets(%dma_start3A_1162 : memref<128xi32, #tpu.memory_space<vmem>>) semaphore(%dma_start3A_1167 : memref<!tpu.dma_semaphore, #tpu.memory_space<semaphore_mem>>) {add = true}
    %dma_start3A_1168 = arith.constant 12 : i32
    %dma_start3A_1169 = arith.constant 2 : i32
    %dma_start3A_1170 = arith.constant 0 : i32
    %dma_start3A_1171 = tpu.memref_slice %arg7[%dma_start3A_1168, %dma_start3A_1170] : memref<25x128xi32, #tpu.memory_space<vmem>> -> memref<1x128xi32, #tpu.memory_space<vmem>>
    %dma_start3A_1172 = tpu.memref_squeeze %dma_start3A_1171 : memref<1x128xi32, #tpu.memory_space<vmem>> -> memref<128xi32, #tpu.memory_space<vmem>>
    %dma_start3A_1173 = arith.constant 0 : i32
    %dma_start3A_1174 = arith.constant 0 : i32
    %dma_start3A_1175 = tpu.memref_slice %arg11[%dma_start3A_1173, %dma_start3A_1174] : memref<520x128xf32, #tpu.memory_space<vmem_shared>> -> memref<520x128xf32, #tpu.memory_space<vmem_shared>>
    %dma_start3A_1176 = tpu.memref_slice %arg14[%dma_start3A_1169] : memref<5x!tpu.dma_semaphore, #tpu.memory_space<semaphore_mem>> -> memref<1x!tpu.dma_semaphore, #tpu.memory_space<semaphore_mem>>
    %dma_start3A_1177 = tpu.memref_squeeze %dma_start3A_1176 : memref<1x!tpu.dma_semaphore, #tpu.memory_space<semaphore_mem>> -> memref<!tpu.dma_semaphore, #tpu.memory_space<semaphore_mem>>
    tpu.enqueue_indirect_dma source(%arg8 : memref<128x128xf32, #tpu.memory_space<vmem>>) target(%dma_start3A_1175 : memref<520x128xf32, #tpu.memory_space<vmem_shared>>) offsets(%dma_start3A_1172 : memref<128xi32, #tpu.memory_space<vmem>>) semaphore(%dma_start3A_1177 : memref<!tpu.dma_semaphore, #tpu.memory_space<semaphore_mem>>) {add = true}
    %dma_wait3A_1178 = arith.constant 1 : i32
    %dma_wait3A_1179 = arith.constant 11 : i32
    %dma_wait3A_1180 = arith.constant 1 : i32
    %dma_wait3A_1181 = arith.constant 0 : i32
    %dma_wait3A_1182 = arith.constant 0 : i32
    %dma_wait3A_1183 = tpu.memref_slice %arg6[%dma_wait3A_1178, %dma_wait3A_1181, %dma_wait3A_1182] : memref<5x128x128xf32, #tpu.memory_space<vmem>> -> memref<1x128x128xf32, #tpu.memory_space<vmem>>
    %dma_wait3A_1184 = tpu.memref_squeeze %dma_wait3A_1183 : memref<1x128x128xf32, #tpu.memory_space<vmem>> -> memref<128x128xf32, #tpu.memory_space<vmem>>
    %dma_wait3A_1185 = arith.constant 0 : i32
    %dma_wait3A_1186 = tpu.memref_slice %arg7[%dma_wait3A_1179, %dma_wait3A_1185] : memref<25x128xi32, #tpu.memory_space<vmem>> -> memref<1x128xi32, #tpu.memory_space<vmem>>
    %dma_wait3A_1187 = tpu.memref_squeeze %dma_wait3A_1186 : memref<1x128xi32, #tpu.memory_space<vmem>> -> memref<128xi32, #tpu.memory_space<vmem>>
    %dma_wait3A_1188 = arith.constant 0 : i32
    %dma_wait3A_1189 = arith.constant 0 : i32
    %dma_wait3A_1190 = tpu.memref_slice %arg10[%dma_wait3A_1188, %dma_wait3A_1189] : memref<520x128xf32, #tpu.memory_space<vmem_shared>> -> memref<520x128xf32, #tpu.memory_space<vmem_shared>>
    %dma_wait3A_1191 = tpu.memref_slice %arg13[%dma_wait3A_1180] : memref<5x!tpu.dma_semaphore, #tpu.memory_space<semaphore_mem>> -> memref<1x!tpu.dma_semaphore, #tpu.memory_space<semaphore_mem>>
    %dma_wait3A_1192 = tpu.memref_squeeze %dma_wait3A_1191 : memref<1x!tpu.dma_semaphore, #tpu.memory_space<semaphore_mem>> -> memref<!tpu.dma_semaphore, #tpu.memory_space<semaphore_mem>>
    tpu.wait_indirect_dma semaphore(%dma_wait3A_1192 : memref<!tpu.dma_semaphore, #tpu.memory_space<semaphore_mem>>) src(%dma_wait3A_1184 : memref<128x128xf32, #tpu.memory_space<vmem>>) dst(%dma_wait3A_1190 : memref<520x128xf32, #tpu.memory_space<vmem_shared>>)
    %dma_wait3A_1193 = arith.constant 11 : i32
    %dma_wait3A_1194 = arith.constant 1 : i32
    %dma_wait3A_1195 = arith.constant 0 : i32
    %dma_wait3A_1196 = tpu.memref_slice %arg7[%dma_wait3A_1193, %dma_wait3A_1195] : memref<25x128xi32, #tpu.memory_space<vmem>> -> memref<1x128xi32, #tpu.memory_space<vmem>>
    %dma_wait3A_1197 = tpu.memref_squeeze %dma_wait3A_1196 : memref<1x128xi32, #tpu.memory_space<vmem>> -> memref<128xi32, #tpu.memory_space<vmem>>
    %dma_wait3A_1198 = arith.constant 0 : i32
    %dma_wait3A_1199 = arith.constant 0 : i32
    %dma_wait3A_1200 = tpu.memref_slice %arg11[%dma_wait3A_1198, %dma_wait3A_1199] : memref<520x128xf32, #tpu.memory_space<vmem_shared>> -> memref<520x128xf32, #tpu.memory_space<vmem_shared>>
    %dma_wait3A_1201 = tpu.memref_slice %arg14[%dma_wait3A_1194] : memref<5x!tpu.dma_semaphore, #tpu.memory_space<semaphore_mem>> -> memref<1x!tpu.dma_semaphore, #tpu.memory_space<semaphore_mem>>
    %dma_wait3A_1202 = tpu.memref_squeeze %dma_wait3A_1201 : memref<1x!tpu.dma_semaphore, #tpu.memory_space<semaphore_mem>> -> memref<!tpu.dma_semaphore, #tpu.memory_space<semaphore_mem>>
    tpu.wait_indirect_dma semaphore(%dma_wait3A_1202 : memref<!tpu.dma_semaphore, #tpu.memory_space<semaphore_mem>>) src(%arg8 : memref<128x128xf32, #tpu.memory_space<vmem>>) dst(%dma_wait3A_1200 : memref<520x128xf32, #tpu.memory_space<vmem_shared>>)
    %add3A_1203 = arith.constant 512 : i32
    %add3A_1204 = arith.addi %add3A, %add3A_1203 : i32
    %mul3A_1205 = arith.constant 128 : i32
    %mul3A_1206 = arith.muli %add3A_1204, %mul3A_1205 : i32
    %min3A_1207 = arith.constant 99872 : i32
    %min3A_1208 = arith.minsi %mul3A_1206, %min3A_1207 : i32
    %dma_start3A_1209 = arith.constant 1 : i32
    %dma_start3A_1210 = arith.constant 1 : i32
    %dma_start3A_1211 = arith.constant 0 : i32
    %dma_start3A_1212 = arith.constant 0 : i32
    %dma_start3A_1213 = tpu.memref_slice %arg6[%dma_start3A_1209, %dma_start3A_1211, %dma_start3A_1212] : memref<5x128x128xf32, #tpu.memory_space<vmem>> -> memref<1x128x128xf32, #tpu.memory_space<vmem>>
    %dma_start3A_1214 = tpu.memref_squeeze %dma_start3A_1213 : memref<1x128x128xf32, #tpu.memory_space<vmem>> -> memref<128x128xf32, #tpu.memory_space<vmem>>
    %dma_start3A_1215 = arith.constant 0 : i32
    %dma_start3A_1216 = tpu.memref_slice %arg2[%min3A_1208, %dma_start3A_1215] : memref<100000x128xf32, #tpu.memory_space<hbm>> -> memref<128x128xf32, #tpu.memory_space<hbm>>
    %dma_start3A_1217 = tpu.memref_slice %arg12[%dma_start3A_1210] : memref<5x!tpu.dma_semaphore, #tpu.memory_space<semaphore_mem>> -> memref<1x!tpu.dma_semaphore, #tpu.memory_space<semaphore_mem>>
    %dma_start3A_1218 = tpu.memref_squeeze %dma_start3A_1217 : memref<1x!tpu.dma_semaphore, #tpu.memory_space<semaphore_mem>> -> memref<!tpu.dma_semaphore, #tpu.memory_space<semaphore_mem>>
    %dma_start3A_1219 = arith.constant 0 : i32
    %dma_start3A_1220 = arith.constant 0 : i32
    %dma_start3A_1221 = tpu.memref_slice %arg6[%dma_start3A_1209, %dma_start3A_1219, %dma_start3A_1220] : memref<5x128x128xf32, #tpu.memory_space<vmem>> -> memref<1x128x128xf32, #tpu.memory_space<vmem>>
    %dma_start3A_1222 = tpu.memref_squeeze %dma_start3A_1221 : memref<1x128x128xf32, #tpu.memory_space<vmem>> -> memref<128x128xf32, #tpu.memory_space<vmem>>
    %dma_start3A_1223 = arith.constant 0 : i32
    %dma_start3A_1224 = tpu.memref_slice %arg2[%min3A_1208, %dma_start3A_1223] : memref<100000x128xf32, #tpu.memory_space<hbm>> -> memref<128x128xf32, #tpu.memory_space<hbm>>
    tpu.enqueue_dma source(%dma_start3A_1224 : memref<128x128xf32, #tpu.memory_space<hbm>>) target(%dma_start3A_1222 : memref<128x128xf32, #tpu.memory_space<vmem>>) target_semaphore(%dma_start3A_1218 : memref<!tpu.dma_semaphore, #tpu.memory_space<semaphore_mem>>)
    %dma_wait3A_1225 = arith.constant 3 : i32
    %dma_wait3A_1226 = arith.constant 3 : i32
    %dma_wait3A_1227 = arith.constant 0 : i32
    %dma_wait3A_1228 = arith.constant 0 : i32
    %dma_wait3A_1229 = tpu.memref_slice %arg6[%dma_wait3A_1225, %dma_wait3A_1227, %dma_wait3A_1228] : memref<5x128x128xf32, #tpu.memory_space<vmem>> -> memref<1x128x128xf32, #tpu.memory_space<vmem>>
    %dma_wait3A_1230 = tpu.memref_squeeze %dma_wait3A_1229 : memref<1x128x128xf32, #tpu.memory_space<vmem>> -> memref<128x128xf32, #tpu.memory_space<vmem>>
    %dma_wait3A_1231 = arith.constant 0 : i32
    %dma_wait3A_1232 = tpu.memref_slice %arg2[%min3A_944, %dma_wait3A_1231] : memref<100000x128xf32, #tpu.memory_space<hbm>> -> memref<128x128xf32, #tpu.memory_space<hbm>>
    %dma_wait3A_1233 = tpu.memref_slice %arg12[%dma_wait3A_1226] : memref<5x!tpu.dma_semaphore, #tpu.memory_space<semaphore_mem>> -> memref<1x!tpu.dma_semaphore, #tpu.memory_space<semaphore_mem>>
    %dma_wait3A_1234 = tpu.memref_squeeze %dma_wait3A_1233 : memref<1x!tpu.dma_semaphore, #tpu.memory_space<semaphore_mem>> -> memref<!tpu.dma_semaphore, #tpu.memory_space<semaphore_mem>>
    %dma_wait3A_1235 = arith.constant 0 : i32
    %dma_wait3A_1236 = arith.constant 0 : i32
    %dma_wait3A_1237 = tpu.memref_slice %arg6[%dma_wait3A_1225, %dma_wait3A_1235, %dma_wait3A_1236] : memref<5x128x128xf32, #tpu.memory_space<vmem>> -> memref<1x128x128xf32, #tpu.memory_space<vmem>>
    %dma_wait3A_1238 = tpu.memref_squeeze %dma_wait3A_1237 : memref<1x128x128xf32, #tpu.memory_space<vmem>> -> memref<128x128xf32, #tpu.memory_space<vmem>>
    %dma_wait3A_1239 = arith.constant 0 : i32
    %dma_wait3A_1240 = tpu.memref_slice %arg2[%min3A_944, %dma_wait3A_1239] : memref<100000x128xf32, #tpu.memory_space<hbm>> -> memref<128x128xf32, #tpu.memory_space<hbm>>
    tpu.wait_dma2 semaphore(%dma_wait3A_1234 : memref<!tpu.dma_semaphore, #tpu.memory_space<semaphore_mem>>) src(%dma_wait3A_1240 : memref<128x128xf32, #tpu.memory_space<hbm>>) dst(%dma_wait3A_1238 : memref<128x128xf32, #tpu.memory_space<vmem>>)
    %dma_start3A_1241 = arith.constant 3 : i32
    %dma_start3A_1242 = arith.constant 13 : i32
    %dma_start3A_1243 = arith.constant 3 : i32
    %dma_start3A_1244 = arith.constant 0 : i32
    %dma_start3A_1245 = arith.constant 0 : i32
    %dma_start3A_1246 = tpu.memref_slice %arg6[%dma_start3A_1241, %dma_start3A_1244, %dma_start3A_1245] : memref<5x128x128xf32, #tpu.memory_space<vmem>> -> memref<1x128x128xf32, #tpu.memory_space<vmem>>
    %dma_start3A_1247 = tpu.memref_squeeze %dma_start3A_1246 : memref<1x128x128xf32, #tpu.memory_space<vmem>> -> memref<128x128xf32, #tpu.memory_space<vmem>>
    %dma_start3A_1248 = arith.constant 0 : i32
    %dma_start3A_1249 = tpu.memref_slice %arg7[%dma_start3A_1242, %dma_start3A_1248] : memref<25x128xi32, #tpu.memory_space<vmem>> -> memref<1x128xi32, #tpu.memory_space<vmem>>
    %dma_start3A_1250 = tpu.memref_squeeze %dma_start3A_1249 : memref<1x128xi32, #tpu.memory_space<vmem>> -> memref<128xi32, #tpu.memory_space<vmem>>
    %dma_start3A_1251 = arith.constant 0 : i32
    %dma_start3A_1252 = arith.constant 0 : i32
    %dma_start3A_1253 = tpu.memref_slice %arg10[%dma_start3A_1251, %dma_start3A_1252] : memref<520x128xf32, #tpu.memory_space<vmem_shared>> -> memref<520x128xf32, #tpu.memory_space<vmem_shared>>
    %dma_start3A_1254 = tpu.memref_slice %arg13[%dma_start3A_1243] : memref<5x!tpu.dma_semaphore, #tpu.memory_space<semaphore_mem>> -> memref<1x!tpu.dma_semaphore, #tpu.memory_space<semaphore_mem>>
    %dma_start3A_1255 = tpu.memref_squeeze %dma_start3A_1254 : memref<1x!tpu.dma_semaphore, #tpu.memory_space<semaphore_mem>> -> memref<!tpu.dma_semaphore, #tpu.memory_space<semaphore_mem>>
    tpu.enqueue_indirect_dma source(%dma_start3A_1247 : memref<128x128xf32, #tpu.memory_space<vmem>>) target(%dma_start3A_1253 : memref<520x128xf32, #tpu.memory_space<vmem_shared>>) offsets(%dma_start3A_1250 : memref<128xi32, #tpu.memory_space<vmem>>) semaphore(%dma_start3A_1255 : memref<!tpu.dma_semaphore, #tpu.memory_space<semaphore_mem>>) {add = true}
    %dma_start3A_1256 = arith.constant 13 : i32
    %dma_start3A_1257 = arith.constant 3 : i32
    %dma_start3A_1258 = arith.constant 0 : i32
    %dma_start3A_1259 = tpu.memref_slice %arg7[%dma_start3A_1256, %dma_start3A_1258] : memref<25x128xi32, #tpu.memory_space<vmem>> -> memref<1x128xi32, #tpu.memory_space<vmem>>
    %dma_start3A_1260 = tpu.memref_squeeze %dma_start3A_1259 : memref<1x128xi32, #tpu.memory_space<vmem>> -> memref<128xi32, #tpu.memory_space<vmem>>
    %dma_start3A_1261 = arith.constant 0 : i32
    %dma_start3A_1262 = arith.constant 0 : i32
    %dma_start3A_1263 = tpu.memref_slice %arg11[%dma_start3A_1261, %dma_start3A_1262] : memref<520x128xf32, #tpu.memory_space<vmem_shared>> -> memref<520x128xf32, #tpu.memory_space<vmem_shared>>
    %dma_start3A_1264 = tpu.memref_slice %arg14[%dma_start3A_1257] : memref<5x!tpu.dma_semaphore, #tpu.memory_space<semaphore_mem>> -> memref<1x!tpu.dma_semaphore, #tpu.memory_space<semaphore_mem>>
    %dma_start3A_1265 = tpu.memref_squeeze %dma_start3A_1264 : memref<1x!tpu.dma_semaphore, #tpu.memory_space<semaphore_mem>> -> memref<!tpu.dma_semaphore, #tpu.memory_space<semaphore_mem>>
    tpu.enqueue_indirect_dma source(%arg8 : memref<128x128xf32, #tpu.memory_space<vmem>>) target(%dma_start3A_1263 : memref<520x128xf32, #tpu.memory_space<vmem_shared>>) offsets(%dma_start3A_1260 : memref<128xi32, #tpu.memory_space<vmem>>) semaphore(%dma_start3A_1265 : memref<!tpu.dma_semaphore, #tpu.memory_space<semaphore_mem>>) {add = true}
    %dma_wait3A_1266 = arith.constant 2 : i32
    %dma_wait3A_1267 = arith.constant 12 : i32
    %dma_wait3A_1268 = arith.constant 2 : i32
    %dma_wait3A_1269 = arith.constant 0 : i32
    %dma_wait3A_1270 = arith.constant 0 : i32
    %dma_wait3A_1271 = tpu.memref_slice %arg6[%dma_wait3A_1266, %dma_wait3A_1269, %dma_wait3A_1270] : memref<5x128x128xf32, #tpu.memory_space<vmem>> -> memref<1x128x128xf32, #tpu.memory_space<vmem>>
    %dma_wait3A_1272 = tpu.memref_squeeze %dma_wait3A_1271 : memref<1x128x128xf32, #tpu.memory_space<vmem>> -> memref<128x128xf32, #tpu.memory_space<vmem>>
    %dma_wait3A_1273 = arith.constant 0 : i32
    %dma_wait3A_1274 = tpu.memref_slice %arg7[%dma_wait3A_1267, %dma_wait3A_1273] : memref<25x128xi32, #tpu.memory_space<vmem>> -> memref<1x128xi32, #tpu.memory_space<vmem>>
    %dma_wait3A_1275 = tpu.memref_squeeze %dma_wait3A_1274 : memref<1x128xi32, #tpu.memory_space<vmem>> -> memref<128xi32, #tpu.memory_space<vmem>>
    %dma_wait3A_1276 = arith.constant 0 : i32
    %dma_wait3A_1277 = arith.constant 0 : i32
    %dma_wait3A_1278 = tpu.memref_slice %arg10[%dma_wait3A_1276, %dma_wait3A_1277] : memref<520x128xf32, #tpu.memory_space<vmem_shared>> -> memref<520x128xf32, #tpu.memory_space<vmem_shared>>
    %dma_wait3A_1279 = tpu.memref_slice %arg13[%dma_wait3A_1268] : memref<5x!tpu.dma_semaphore, #tpu.memory_space<semaphore_mem>> -> memref<1x!tpu.dma_semaphore, #tpu.memory_space<semaphore_mem>>
    %dma_wait3A_1280 = tpu.memref_squeeze %dma_wait3A_1279 : memref<1x!tpu.dma_semaphore, #tpu.memory_space<semaphore_mem>> -> memref<!tpu.dma_semaphore, #tpu.memory_space<semaphore_mem>>
    tpu.wait_indirect_dma semaphore(%dma_wait3A_1280 : memref<!tpu.dma_semaphore, #tpu.memory_space<semaphore_mem>>) src(%dma_wait3A_1272 : memref<128x128xf32, #tpu.memory_space<vmem>>) dst(%dma_wait3A_1278 : memref<520x128xf32, #tpu.memory_space<vmem_shared>>)
    %dma_wait3A_1281 = arith.constant 12 : i32
    %dma_wait3A_1282 = arith.constant 2 : i32
    %dma_wait3A_1283 = arith.constant 0 : i32
    %dma_wait3A_1284 = tpu.memref_slice %arg7[%dma_wait3A_1281, %dma_wait3A_1283] : memref<25x128xi32, #tpu.memory_space<vmem>> -> memref<1x128xi32, #tpu.memory_space<vmem>>
    %dma_wait3A_1285 = tpu.memref_squeeze %dma_wait3A_1284 : memref<1x128xi32, #tpu.memory_space<vmem>> -> memref<128xi32, #tpu.memory_space<vmem>>
    %dma_wait3A_1286 = arith.constant 0 : i32
    %dma_wait3A_1287 = arith.constant 0 : i32
    %dma_wait3A_1288 = tpu.memref_slice %arg11[%dma_wait3A_1286, %dma_wait3A_1287] : memref<520x128xf32, #tpu.memory_space<vmem_shared>> -> memref<520x128xf32, #tpu.memory_space<vmem_shared>>
    %dma_wait3A_1289 = tpu.memref_slice %arg14[%dma_wait3A_1282] : memref<5x!tpu.dma_semaphore, #tpu.memory_space<semaphore_mem>> -> memref<1x!tpu.dma_semaphore, #tpu.memory_space<semaphore_mem>>
    %dma_wait3A_1290 = tpu.memref_squeeze %dma_wait3A_1289 : memref<1x!tpu.dma_semaphore, #tpu.memory_space<semaphore_mem>> -> memref<!tpu.dma_semaphore, #tpu.memory_space<semaphore_mem>>
    tpu.wait_indirect_dma semaphore(%dma_wait3A_1290 : memref<!tpu.dma_semaphore, #tpu.memory_space<semaphore_mem>>) src(%arg8 : memref<128x128xf32, #tpu.memory_space<vmem>>) dst(%dma_wait3A_1288 : memref<520x128xf32, #tpu.memory_space<vmem_shared>>)
    %add3A_1291 = arith.constant 544 : i32
    %add3A_1292 = arith.addi %add3A, %add3A_1291 : i32
    %mul3A_1293 = arith.constant 128 : i32
    %mul3A_1294 = arith.muli %add3A_1292, %mul3A_1293 : i32
    %min3A_1295 = arith.constant 99872 : i32
    %min3A_1296 = arith.minsi %mul3A_1294, %min3A_1295 : i32
    %dma_start3A_1297 = arith.constant 2 : i32
    %dma_start3A_1298 = arith.constant 2 : i32
    %dma_start3A_1299 = arith.constant 0 : i32
    %dma_start3A_1300 = arith.constant 0 : i32
    %dma_start3A_1301 = tpu.memref_slice %arg6[%dma_start3A_1297, %dma_start3A_1299, %dma_start3A_1300] : memref<5x128x128xf32, #tpu.memory_space<vmem>> -> memref<1x128x128xf32, #tpu.memory_space<vmem>>
    %dma_start3A_1302 = tpu.memref_squeeze %dma_start3A_1301 : memref<1x128x128xf32, #tpu.memory_space<vmem>> -> memref<128x128xf32, #tpu.memory_space<vmem>>
    %dma_start3A_1303 = arith.constant 0 : i32
    %dma_start3A_1304 = tpu.memref_slice %arg2[%min3A_1296, %dma_start3A_1303] : memref<100000x128xf32, #tpu.memory_space<hbm>> -> memref<128x128xf32, #tpu.memory_space<hbm>>
    %dma_start3A_1305 = tpu.memref_slice %arg12[%dma_start3A_1298] : memref<5x!tpu.dma_semaphore, #tpu.memory_space<semaphore_mem>> -> memref<1x!tpu.dma_semaphore, #tpu.memory_space<semaphore_mem>>
    %dma_start3A_1306 = tpu.memref_squeeze %dma_start3A_1305 : memref<1x!tpu.dma_semaphore, #tpu.memory_space<semaphore_mem>> -> memref<!tpu.dma_semaphore, #tpu.memory_space<semaphore_mem>>
    %dma_start3A_1307 = arith.constant 0 : i32
    %dma_start3A_1308 = arith.constant 0 : i32
    %dma_start3A_1309 = tpu.memref_slice %arg6[%dma_start3A_1297, %dma_start3A_1307, %dma_start3A_1308] : memref<5x128x128xf32, #tpu.memory_space<vmem>> -> memref<1x128x128xf32, #tpu.memory_space<vmem>>
    %dma_start3A_1310 = tpu.memref_squeeze %dma_start3A_1309 : memref<1x128x128xf32, #tpu.memory_space<vmem>> -> memref<128x128xf32, #tpu.memory_space<vmem>>
    %dma_start3A_1311 = arith.constant 0 : i32
    %dma_start3A_1312 = tpu.memref_slice %arg2[%min3A_1296, %dma_start3A_1311] : memref<100000x128xf32, #tpu.memory_space<hbm>> -> memref<128x128xf32, #tpu.memory_space<hbm>>
    tpu.enqueue_dma source(%dma_start3A_1312 : memref<128x128xf32, #tpu.memory_space<hbm>>) target(%dma_start3A_1310 : memref<128x128xf32, #tpu.memory_space<vmem>>) target_semaphore(%dma_start3A_1306 : memref<!tpu.dma_semaphore, #tpu.memory_space<semaphore_mem>>)
    %dma_wait3A_1313 = arith.constant 4 : i32
    %dma_wait3A_1314 = arith.constant 4 : i32
    %dma_wait3A_1315 = arith.constant 0 : i32
    %dma_wait3A_1316 = arith.constant 0 : i32
    %dma_wait3A_1317 = tpu.memref_slice %arg6[%dma_wait3A_1313, %dma_wait3A_1315, %dma_wait3A_1316] : memref<5x128x128xf32, #tpu.memory_space<vmem>> -> memref<1x128x128xf32, #tpu.memory_space<vmem>>
    %dma_wait3A_1318 = tpu.memref_squeeze %dma_wait3A_1317 : memref<1x128x128xf32, #tpu.memory_space<vmem>> -> memref<128x128xf32, #tpu.memory_space<vmem>>
    %dma_wait3A_1319 = arith.constant 0 : i32
    %dma_wait3A_1320 = tpu.memref_slice %arg2[%min3A_1032, %dma_wait3A_1319] : memref<100000x128xf32, #tpu.memory_space<hbm>> -> memref<128x128xf32, #tpu.memory_space<hbm>>
    %dma_wait3A_1321 = tpu.memref_slice %arg12[%dma_wait3A_1314] : memref<5x!tpu.dma_semaphore, #tpu.memory_space<semaphore_mem>> -> memref<1x!tpu.dma_semaphore, #tpu.memory_space<semaphore_mem>>
    %dma_wait3A_1322 = tpu.memref_squeeze %dma_wait3A_1321 : memref<1x!tpu.dma_semaphore, #tpu.memory_space<semaphore_mem>> -> memref<!tpu.dma_semaphore, #tpu.memory_space<semaphore_mem>>
    %dma_wait3A_1323 = arith.constant 0 : i32
    %dma_wait3A_1324 = arith.constant 0 : i32
    %dma_wait3A_1325 = tpu.memref_slice %arg6[%dma_wait3A_1313, %dma_wait3A_1323, %dma_wait3A_1324] : memref<5x128x128xf32, #tpu.memory_space<vmem>> -> memref<1x128x128xf32, #tpu.memory_space<vmem>>
    %dma_wait3A_1326 = tpu.memref_squeeze %dma_wait3A_1325 : memref<1x128x128xf32, #tpu.memory_space<vmem>> -> memref<128x128xf32, #tpu.memory_space<vmem>>
    %dma_wait3A_1327 = arith.constant 0 : i32
    %dma_wait3A_1328 = tpu.memref_slice %arg2[%min3A_1032, %dma_wait3A_1327] : memref<100000x128xf32, #tpu.memory_space<hbm>> -> memref<128x128xf32, #tpu.memory_space<hbm>>
    tpu.wait_dma2 semaphore(%dma_wait3A_1322 : memref<!tpu.dma_semaphore, #tpu.memory_space<semaphore_mem>>) src(%dma_wait3A_1328 : memref<128x128xf32, #tpu.memory_space<hbm>>) dst(%dma_wait3A_1326 : memref<128x128xf32, #tpu.memory_space<vmem>>)
    %dma_start3A_1329 = arith.constant 4 : i32
    %dma_start3A_1330 = arith.constant 14 : i32
    %dma_start3A_1331 = arith.constant 4 : i32
    %dma_start3A_1332 = arith.constant 0 : i32
    %dma_start3A_1333 = arith.constant 0 : i32
    %dma_start3A_1334 = tpu.memref_slice %arg6[%dma_start3A_1329, %dma_start3A_1332, %dma_start3A_1333] : memref<5x128x128xf32, #tpu.memory_space<vmem>> -> memref<1x128x128xf32, #tpu.memory_space<vmem>>
    %dma_start3A_1335 = tpu.memref_squeeze %dma_start3A_1334 : memref<1x128x128xf32, #tpu.memory_space<vmem>> -> memref<128x128xf32, #tpu.memory_space<vmem>>
    %dma_start3A_1336 = arith.constant 0 : i32
    %dma_start3A_1337 = tpu.memref_slice %arg7[%dma_start3A_1330, %dma_start3A_1336] : memref<25x128xi32, #tpu.memory_space<vmem>> -> memref<1x128xi32, #tpu.memory_space<vmem>>
    %dma_start3A_1338 = tpu.memref_squeeze %dma_start3A_1337 : memref<1x128xi32, #tpu.memory_space<vmem>> -> memref<128xi32, #tpu.memory_space<vmem>>
    %dma_start3A_1339 = arith.constant 0 : i32
    %dma_start3A_1340 = arith.constant 0 : i32
    %dma_start3A_1341 = tpu.memref_slice %arg10[%dma_start3A_1339, %dma_start3A_1340] : memref<520x128xf32, #tpu.memory_space<vmem_shared>> -> memref<520x128xf32, #tpu.memory_space<vmem_shared>>
    %dma_start3A_1342 = tpu.memref_slice %arg13[%dma_start3A_1331] : memref<5x!tpu.dma_semaphore, #tpu.memory_space<semaphore_mem>> -> memref<1x!tpu.dma_semaphore, #tpu.memory_space<semaphore_mem>>
    %dma_start3A_1343 = tpu.memref_squeeze %dma_start3A_1342 : memref<1x!tpu.dma_semaphore, #tpu.memory_space<semaphore_mem>> -> memref<!tpu.dma_semaphore, #tpu.memory_space<semaphore_mem>>
    tpu.enqueue_indirect_dma source(%dma_start3A_1335 : memref<128x128xf32, #tpu.memory_space<vmem>>) target(%dma_start3A_1341 : memref<520x128xf32, #tpu.memory_space<vmem_shared>>) offsets(%dma_start3A_1338 : memref<128xi32, #tpu.memory_space<vmem>>) semaphore(%dma_start3A_1343 : memref<!tpu.dma_semaphore, #tpu.memory_space<semaphore_mem>>) {add = true}
    %dma_start3A_1344 = arith.constant 14 : i32
    %dma_start3A_1345 = arith.constant 4 : i32
    %dma_start3A_1346 = arith.constant 0 : i32
    %dma_start3A_1347 = tpu.memref_slice %arg7[%dma_start3A_1344, %dma_start3A_1346] : memref<25x128xi32, #tpu.memory_space<vmem>> -> memref<1x128xi32, #tpu.memory_space<vmem>>
    %dma_start3A_1348 = tpu.memref_squeeze %dma_start3A_1347 : memref<1x128xi32, #tpu.memory_space<vmem>> -> memref<128xi32, #tpu.memory_space<vmem>>
    %dma_start3A_1349 = arith.constant 0 : i32
    %dma_start3A_1350 = arith.constant 0 : i32
    %dma_start3A_1351 = tpu.memref_slice %arg11[%dma_start3A_1349, %dma_start3A_1350] : memref<520x128xf32, #tpu.memory_space<vmem_shared>> -> memref<520x128xf32, #tpu.memory_space<vmem_shared>>
    %dma_start3A_1352 = tpu.memref_slice %arg14[%dma_start3A_1345] : memref<5x!tpu.dma_semaphore, #tpu.memory_space<semaphore_mem>> -> memref<1x!tpu.dma_semaphore, #tpu.memory_space<semaphore_mem>>
    %dma_start3A_1353 = tpu.memref_squeeze %dma_start3A_1352 : memref<1x!tpu.dma_semaphore, #tpu.memory_space<semaphore_mem>> -> memref<!tpu.dma_semaphore, #tpu.memory_space<semaphore_mem>>
    tpu.enqueue_indirect_dma source(%arg8 : memref<128x128xf32, #tpu.memory_space<vmem>>) target(%dma_start3A_1351 : memref<520x128xf32, #tpu.memory_space<vmem_shared>>) offsets(%dma_start3A_1348 : memref<128xi32, #tpu.memory_space<vmem>>) semaphore(%dma_start3A_1353 : memref<!tpu.dma_semaphore, #tpu.memory_space<semaphore_mem>>) {add = true}
    %dma_wait3A_1354 = arith.constant 3 : i32
    %dma_wait3A_1355 = arith.constant 13 : i32
    %dma_wait3A_1356 = arith.constant 3 : i32
    %dma_wait3A_1357 = arith.constant 0 : i32
    %dma_wait3A_1358 = arith.constant 0 : i32
    %dma_wait3A_1359 = tpu.memref_slice %arg6[%dma_wait3A_1354, %dma_wait3A_1357, %dma_wait3A_1358] : memref<5x128x128xf32, #tpu.memory_space<vmem>> -> memref<1x128x128xf32, #tpu.memory_space<vmem>>
    %dma_wait3A_1360 = tpu.memref_squeeze %dma_wait3A_1359 : memref<1x128x128xf32, #tpu.memory_space<vmem>> -> memref<128x128xf32, #tpu.memory_space<vmem>>
    %dma_wait3A_1361 = arith.constant 0 : i32
    %dma_wait3A_1362 = tpu.memref_slice %arg7[%dma_wait3A_1355, %dma_wait3A_1361] : memref<25x128xi32, #tpu.memory_space<vmem>> -> memref<1x128xi32, #tpu.memory_space<vmem>>
    %dma_wait3A_1363 = tpu.memref_squeeze %dma_wait3A_1362 : memref<1x128xi32, #tpu.memory_space<vmem>> -> memref<128xi32, #tpu.memory_space<vmem>>
    %dma_wait3A_1364 = arith.constant 0 : i32
    %dma_wait3A_1365 = arith.constant 0 : i32
    %dma_wait3A_1366 = tpu.memref_slice %arg10[%dma_wait3A_1364, %dma_wait3A_1365] : memref<520x128xf32, #tpu.memory_space<vmem_shared>> -> memref<520x128xf32, #tpu.memory_space<vmem_shared>>
    %dma_wait3A_1367 = tpu.memref_slice %arg13[%dma_wait3A_1356] : memref<5x!tpu.dma_semaphore, #tpu.memory_space<semaphore_mem>> -> memref<1x!tpu.dma_semaphore, #tpu.memory_space<semaphore_mem>>
    %dma_wait3A_1368 = tpu.memref_squeeze %dma_wait3A_1367 : memref<1x!tpu.dma_semaphore, #tpu.memory_space<semaphore_mem>> -> memref<!tpu.dma_semaphore, #tpu.memory_space<semaphore_mem>>
    tpu.wait_indirect_dma semaphore(%dma_wait3A_1368 : memref<!tpu.dma_semaphore, #tpu.memory_space<semaphore_mem>>) src(%dma_wait3A_1360 : memref<128x128xf32, #tpu.memory_space<vmem>>) dst(%dma_wait3A_1366 : memref<520x128xf32, #tpu.memory_space<vmem_shared>>)
    %dma_wait3A_1369 = arith.constant 13 : i32
    %dma_wait3A_1370 = arith.constant 3 : i32
    %dma_wait3A_1371 = arith.constant 0 : i32
    %dma_wait3A_1372 = tpu.memref_slice %arg7[%dma_wait3A_1369, %dma_wait3A_1371] : memref<25x128xi32, #tpu.memory_space<vmem>> -> memref<1x128xi32, #tpu.memory_space<vmem>>
    %dma_wait3A_1373 = tpu.memref_squeeze %dma_wait3A_1372 : memref<1x128xi32, #tpu.memory_space<vmem>> -> memref<128xi32, #tpu.memory_space<vmem>>
    %dma_wait3A_1374 = arith.constant 0 : i32
    %dma_wait3A_1375 = arith.constant 0 : i32
    %dma_wait3A_1376 = tpu.memref_slice %arg11[%dma_wait3A_1374, %dma_wait3A_1375] : memref<520x128xf32, #tpu.memory_space<vmem_shared>> -> memref<520x128xf32, #tpu.memory_space<vmem_shared>>
    %dma_wait3A_1377 = tpu.memref_slice %arg14[%dma_wait3A_1370] : memref<5x!tpu.dma_semaphore, #tpu.memory_space<semaphore_mem>> -> memref<1x!tpu.dma_semaphore, #tpu.memory_space<semaphore_mem>>
    %dma_wait3A_1378 = tpu.memref_squeeze %dma_wait3A_1377 : memref<1x!tpu.dma_semaphore, #tpu.memory_space<semaphore_mem>> -> memref<!tpu.dma_semaphore, #tpu.memory_space<semaphore_mem>>
    tpu.wait_indirect_dma semaphore(%dma_wait3A_1378 : memref<!tpu.dma_semaphore, #tpu.memory_space<semaphore_mem>>) src(%arg8 : memref<128x128xf32, #tpu.memory_space<vmem>>) dst(%dma_wait3A_1376 : memref<520x128xf32, #tpu.memory_space<vmem_shared>>)
    %add3A_1379 = arith.constant 576 : i32
    %add3A_1380 = arith.addi %add3A, %add3A_1379 : i32
    %mul3A_1381 = arith.constant 128 : i32
    %mul3A_1382 = arith.muli %add3A_1380, %mul3A_1381 : i32
    %min3A_1383 = arith.constant 99872 : i32
    %min3A_1384 = arith.minsi %mul3A_1382, %min3A_1383 : i32
    %dma_start3A_1385 = arith.constant 3 : i32
    %dma_start3A_1386 = arith.constant 3 : i32
    %dma_start3A_1387 = arith.constant 0 : i32
    %dma_start3A_1388 = arith.constant 0 : i32
    %dma_start3A_1389 = tpu.memref_slice %arg6[%dma_start3A_1385, %dma_start3A_1387, %dma_start3A_1388] : memref<5x128x128xf32, #tpu.memory_space<vmem>> -> memref<1x128x128xf32, #tpu.memory_space<vmem>>
    %dma_start3A_1390 = tpu.memref_squeeze %dma_start3A_1389 : memref<1x128x128xf32, #tpu.memory_space<vmem>> -> memref<128x128xf32, #tpu.memory_space<vmem>>
    %dma_start3A_1391 = arith.constant 0 : i32
    %dma_start3A_1392 = tpu.memref_slice %arg2[%min3A_1384, %dma_start3A_1391] : memref<100000x128xf32, #tpu.memory_space<hbm>> -> memref<128x128xf32, #tpu.memory_space<hbm>>
    %dma_start3A_1393 = tpu.memref_slice %arg12[%dma_start3A_1386] : memref<5x!tpu.dma_semaphore, #tpu.memory_space<semaphore_mem>> -> memref<1x!tpu.dma_semaphore, #tpu.memory_space<semaphore_mem>>
    %dma_start3A_1394 = tpu.memref_squeeze %dma_start3A_1393 : memref<1x!tpu.dma_semaphore, #tpu.memory_space<semaphore_mem>> -> memref<!tpu.dma_semaphore, #tpu.memory_space<semaphore_mem>>
    %dma_start3A_1395 = arith.constant 0 : i32
    %dma_start3A_1396 = arith.constant 0 : i32
    %dma_start3A_1397 = tpu.memref_slice %arg6[%dma_start3A_1385, %dma_start3A_1395, %dma_start3A_1396] : memref<5x128x128xf32, #tpu.memory_space<vmem>> -> memref<1x128x128xf32, #tpu.memory_space<vmem>>
    %dma_start3A_1398 = tpu.memref_squeeze %dma_start3A_1397 : memref<1x128x128xf32, #tpu.memory_space<vmem>> -> memref<128x128xf32, #tpu.memory_space<vmem>>
    %dma_start3A_1399 = arith.constant 0 : i32
    %dma_start3A_1400 = tpu.memref_slice %arg2[%min3A_1384, %dma_start3A_1399] : memref<100000x128xf32, #tpu.memory_space<hbm>> -> memref<128x128xf32, #tpu.memory_space<hbm>>
    tpu.enqueue_dma source(%dma_start3A_1400 : memref<128x128xf32, #tpu.memory_space<hbm>>) target(%dma_start3A_1398 : memref<128x128xf32, #tpu.memory_space<vmem>>) target_semaphore(%dma_start3A_1394 : memref<!tpu.dma_semaphore, #tpu.memory_space<semaphore_mem>>)
    %dma_wait3A_1401 = arith.constant 0 : i32
    %dma_wait3A_1402 = arith.constant 0 : i32
    %dma_wait3A_1403 = arith.constant 0 : i32
    %dma_wait3A_1404 = arith.constant 0 : i32
    %dma_wait3A_1405 = tpu.memref_slice %arg6[%dma_wait3A_1401, %dma_wait3A_1403, %dma_wait3A_1404] : memref<5x128x128xf32, #tpu.memory_space<vmem>> -> memref<1x128x128xf32, #tpu.memory_space<vmem>>
    %dma_wait3A_1406 = tpu.memref_squeeze %dma_wait3A_1405 : memref<1x128x128xf32, #tpu.memory_space<vmem>> -> memref<128x128xf32, #tpu.memory_space<vmem>>
    %dma_wait3A_1407 = arith.constant 0 : i32
    %dma_wait3A_1408 = tpu.memref_slice %arg2[%min3A_1120, %dma_wait3A_1407] : memref<100000x128xf32, #tpu.memory_space<hbm>> -> memref<128x128xf32, #tpu.memory_space<hbm>>
    %dma_wait3A_1409 = tpu.memref_slice %arg12[%dma_wait3A_1402] : memref<5x!tpu.dma_semaphore, #tpu.memory_space<semaphore_mem>> -> memref<1x!tpu.dma_semaphore, #tpu.memory_space<semaphore_mem>>
    %dma_wait3A_1410 = tpu.memref_squeeze %dma_wait3A_1409 : memref<1x!tpu.dma_semaphore, #tpu.memory_space<semaphore_mem>> -> memref<!tpu.dma_semaphore, #tpu.memory_space<semaphore_mem>>
    %dma_wait3A_1411 = arith.constant 0 : i32
    %dma_wait3A_1412 = arith.constant 0 : i32
    %dma_wait3A_1413 = tpu.memref_slice %arg6[%dma_wait3A_1401, %dma_wait3A_1411, %dma_wait3A_1412] : memref<5x128x128xf32, #tpu.memory_space<vmem>> -> memref<1x128x128xf32, #tpu.memory_space<vmem>>
    %dma_wait3A_1414 = tpu.memref_squeeze %dma_wait3A_1413 : memref<1x128x128xf32, #tpu.memory_space<vmem>> -> memref<128x128xf32, #tpu.memory_space<vmem>>
    %dma_wait3A_1415 = arith.constant 0 : i32
    %dma_wait3A_1416 = tpu.memref_slice %arg2[%min3A_1120, %dma_wait3A_1415] : memref<100000x128xf32, #tpu.memory_space<hbm>> -> memref<128x128xf32, #tpu.memory_space<hbm>>
    tpu.wait_dma2 semaphore(%dma_wait3A_1410 : memref<!tpu.dma_semaphore, #tpu.memory_space<semaphore_mem>>) src(%dma_wait3A_1416 : memref<128x128xf32, #tpu.memory_space<hbm>>) dst(%dma_wait3A_1414 : memref<128x128xf32, #tpu.memory_space<vmem>>)
    %dma_start3A_1417 = arith.constant 0 : i32
    %dma_start3A_1418 = arith.constant 15 : i32
    %dma_start3A_1419 = arith.constant 0 : i32
    %dma_start3A_1420 = arith.constant 0 : i32
    %dma_start3A_1421 = arith.constant 0 : i32
    %dma_start3A_1422 = tpu.memref_slice %arg6[%dma_start3A_1417, %dma_start3A_1420, %dma_start3A_1421] : memref<5x128x128xf32, #tpu.memory_space<vmem>> -> memref<1x128x128xf32, #tpu.memory_space<vmem>>
    %dma_start3A_1423 = tpu.memref_squeeze %dma_start3A_1422 : memref<1x128x128xf32, #tpu.memory_space<vmem>> -> memref<128x128xf32, #tpu.memory_space<vmem>>
    %dma_start3A_1424 = arith.constant 0 : i32
    %dma_start3A_1425 = tpu.memref_slice %arg7[%dma_start3A_1418, %dma_start3A_1424] : memref<25x128xi32, #tpu.memory_space<vmem>> -> memref<1x128xi32, #tpu.memory_space<vmem>>
    %dma_start3A_1426 = tpu.memref_squeeze %dma_start3A_1425 : memref<1x128xi32, #tpu.memory_space<vmem>> -> memref<128xi32, #tpu.memory_space<vmem>>
    %dma_start3A_1427 = arith.constant 0 : i32
    %dma_start3A_1428 = arith.constant 0 : i32
    %dma_start3A_1429 = tpu.memref_slice %arg10[%dma_start3A_1427, %dma_start3A_1428] : memref<520x128xf32, #tpu.memory_space<vmem_shared>> -> memref<520x128xf32, #tpu.memory_space<vmem_shared>>
    %dma_start3A_1430 = tpu.memref_slice %arg13[%dma_start3A_1419] : memref<5x!tpu.dma_semaphore, #tpu.memory_space<semaphore_mem>> -> memref<1x!tpu.dma_semaphore, #tpu.memory_space<semaphore_mem>>
    %dma_start3A_1431 = tpu.memref_squeeze %dma_start3A_1430 : memref<1x!tpu.dma_semaphore, #tpu.memory_space<semaphore_mem>> -> memref<!tpu.dma_semaphore, #tpu.memory_space<semaphore_mem>>
    tpu.enqueue_indirect_dma source(%dma_start3A_1423 : memref<128x128xf32, #tpu.memory_space<vmem>>) target(%dma_start3A_1429 : memref<520x128xf32, #tpu.memory_space<vmem_shared>>) offsets(%dma_start3A_1426 : memref<128xi32, #tpu.memory_space<vmem>>) semaphore(%dma_start3A_1431 : memref<!tpu.dma_semaphore, #tpu.memory_space<semaphore_mem>>) {add = true}
    %dma_start3A_1432 = arith.constant 15 : i32
    %dma_start3A_1433 = arith.constant 0 : i32
    %dma_start3A_1434 = arith.constant 0 : i32
    %dma_start3A_1435 = tpu.memref_slice %arg7[%dma_start3A_1432, %dma_start3A_1434] : memref<25x128xi32, #tpu.memory_space<vmem>> -> memref<1x128xi32, #tpu.memory_space<vmem>>
    %dma_start3A_1436 = tpu.memref_squeeze %dma_start3A_1435 : memref<1x128xi32, #tpu.memory_space<vmem>> -> memref<128xi32, #tpu.memory_space<vmem>>
    %dma_start3A_1437 = arith.constant 0 : i32
    %dma_start3A_1438 = arith.constant 0 : i32
    %dma_start3A_1439 = tpu.memref_slice %arg11[%dma_start3A_1437, %dma_start3A_1438] : memref<520x128xf32, #tpu.memory_space<vmem_shared>> -> memref<520x128xf32, #tpu.memory_space<vmem_shared>>
    %dma_start3A_1440 = tpu.memref_slice %arg14[%dma_start3A_1433] : memref<5x!tpu.dma_semaphore, #tpu.memory_space<semaphore_mem>> -> memref<1x!tpu.dma_semaphore, #tpu.memory_space<semaphore_mem>>
    %dma_start3A_1441 = tpu.memref_squeeze %dma_start3A_1440 : memref<1x!tpu.dma_semaphore, #tpu.memory_space<semaphore_mem>> -> memref<!tpu.dma_semaphore, #tpu.memory_space<semaphore_mem>>
    tpu.enqueue_indirect_dma source(%arg8 : memref<128x128xf32, #tpu.memory_space<vmem>>) target(%dma_start3A_1439 : memref<520x128xf32, #tpu.memory_space<vmem_shared>>) offsets(%dma_start3A_1436 : memref<128xi32, #tpu.memory_space<vmem>>) semaphore(%dma_start3A_1441 : memref<!tpu.dma_semaphore, #tpu.memory_space<semaphore_mem>>) {add = true}
    %dma_wait3A_1442 = arith.constant 4 : i32
    %dma_wait3A_1443 = arith.constant 14 : i32
    %dma_wait3A_1444 = arith.constant 4 : i32
    %dma_wait3A_1445 = arith.constant 0 : i32
    %dma_wait3A_1446 = arith.constant 0 : i32
    %dma_wait3A_1447 = tpu.memref_slice %arg6[%dma_wait3A_1442, %dma_wait3A_1445, %dma_wait3A_1446] : memref<5x128x128xf32, #tpu.memory_space<vmem>> -> memref<1x128x128xf32, #tpu.memory_space<vmem>>
    %dma_wait3A_1448 = tpu.memref_squeeze %dma_wait3A_1447 : memref<1x128x128xf32, #tpu.memory_space<vmem>> -> memref<128x128xf32, #tpu.memory_space<vmem>>
    %dma_wait3A_1449 = arith.constant 0 : i32
    %dma_wait3A_1450 = tpu.memref_slice %arg7[%dma_wait3A_1443, %dma_wait3A_1449] : memref<25x128xi32, #tpu.memory_space<vmem>> -> memref<1x128xi32, #tpu.memory_space<vmem>>
    %dma_wait3A_1451 = tpu.memref_squeeze %dma_wait3A_1450 : memref<1x128xi32, #tpu.memory_space<vmem>> -> memref<128xi32, #tpu.memory_space<vmem>>
    %dma_wait3A_1452 = arith.constant 0 : i32
    %dma_wait3A_1453 = arith.constant 0 : i32
    %dma_wait3A_1454 = tpu.memref_slice %arg10[%dma_wait3A_1452, %dma_wait3A_1453] : memref<520x128xf32, #tpu.memory_space<vmem_shared>> -> memref<520x128xf32, #tpu.memory_space<vmem_shared>>
    %dma_wait3A_1455 = tpu.memref_slice %arg13[%dma_wait3A_1444] : memref<5x!tpu.dma_semaphore, #tpu.memory_space<semaphore_mem>> -> memref<1x!tpu.dma_semaphore, #tpu.memory_space<semaphore_mem>>
    %dma_wait3A_1456 = tpu.memref_squeeze %dma_wait3A_1455 : memref<1x!tpu.dma_semaphore, #tpu.memory_space<semaphore_mem>> -> memref<!tpu.dma_semaphore, #tpu.memory_space<semaphore_mem>>
    tpu.wait_indirect_dma semaphore(%dma_wait3A_1456 : memref<!tpu.dma_semaphore, #tpu.memory_space<semaphore_mem>>) src(%dma_wait3A_1448 : memref<128x128xf32, #tpu.memory_space<vmem>>) dst(%dma_wait3A_1454 : memref<520x128xf32, #tpu.memory_space<vmem_shared>>)
    %dma_wait3A_1457 = arith.constant 14 : i32
    %dma_wait3A_1458 = arith.constant 4 : i32
    %dma_wait3A_1459 = arith.constant 0 : i32
    %dma_wait3A_1460 = tpu.memref_slice %arg7[%dma_wait3A_1457, %dma_wait3A_1459] : memref<25x128xi32, #tpu.memory_space<vmem>> -> memref<1x128xi32, #tpu.memory_space<vmem>>
    %dma_wait3A_1461 = tpu.memref_squeeze %dma_wait3A_1460 : memref<1x128xi32, #tpu.memory_space<vmem>> -> memref<128xi32, #tpu.memory_space<vmem>>
    %dma_wait3A_1462 = arith.constant 0 : i32
    %dma_wait3A_1463 = arith.constant 0 : i32
    %dma_wait3A_1464 = tpu.memref_slice %arg11[%dma_wait3A_1462, %dma_wait3A_1463] : memref<520x128xf32, #tpu.memory_space<vmem_shared>> -> memref<520x128xf32, #tpu.memory_space<vmem_shared>>
    %dma_wait3A_1465 = tpu.memref_slice %arg14[%dma_wait3A_1458] : memref<5x!tpu.dma_semaphore, #tpu.memory_space<semaphore_mem>> -> memref<1x!tpu.dma_semaphore, #tpu.memory_space<semaphore_mem>>
    %dma_wait3A_1466 = tpu.memref_squeeze %dma_wait3A_1465 : memref<1x!tpu.dma_semaphore, #tpu.memory_space<semaphore_mem>> -> memref<!tpu.dma_semaphore, #tpu.memory_space<semaphore_mem>>
    tpu.wait_indirect_dma semaphore(%dma_wait3A_1466 : memref<!tpu.dma_semaphore, #tpu.memory_space<semaphore_mem>>) src(%arg8 : memref<128x128xf32, #tpu.memory_space<vmem>>) dst(%dma_wait3A_1464 : memref<520x128xf32, #tpu.memory_space<vmem_shared>>)
    %add3A_1467 = arith.constant 608 : i32
    %add3A_1468 = arith.addi %add3A, %add3A_1467 : i32
    %mul3A_1469 = arith.constant 128 : i32
    %mul3A_1470 = arith.muli %add3A_1468, %mul3A_1469 : i32
    %min3A_1471 = arith.constant 99872 : i32
    %min3A_1472 = arith.minsi %mul3A_1470, %min3A_1471 : i32
    %dma_start3A_1473 = arith.constant 4 : i32
    %dma_start3A_1474 = arith.constant 4 : i32
    %dma_start3A_1475 = arith.constant 0 : i32
    %dma_start3A_1476 = arith.constant 0 : i32
    %dma_start3A_1477 = tpu.memref_slice %arg6[%dma_start3A_1473, %dma_start3A_1475, %dma_start3A_1476] : memref<5x128x128xf32, #tpu.memory_space<vmem>> -> memref<1x128x128xf32, #tpu.memory_space<vmem>>
    %dma_start3A_1478 = tpu.memref_squeeze %dma_start3A_1477 : memref<1x128x128xf32, #tpu.memory_space<vmem>> -> memref<128x128xf32, #tpu.memory_space<vmem>>
    %dma_start3A_1479 = arith.constant 0 : i32
    %dma_start3A_1480 = tpu.memref_slice %arg2[%min3A_1472, %dma_start3A_1479] : memref<100000x128xf32, #tpu.memory_space<hbm>> -> memref<128x128xf32, #tpu.memory_space<hbm>>
    %dma_start3A_1481 = tpu.memref_slice %arg12[%dma_start3A_1474] : memref<5x!tpu.dma_semaphore, #tpu.memory_space<semaphore_mem>> -> memref<1x!tpu.dma_semaphore, #tpu.memory_space<semaphore_mem>>
    %dma_start3A_1482 = tpu.memref_squeeze %dma_start3A_1481 : memref<1x!tpu.dma_semaphore, #tpu.memory_space<semaphore_mem>> -> memref<!tpu.dma_semaphore, #tpu.memory_space<semaphore_mem>>
    %dma_start3A_1483 = arith.constant 0 : i32
    %dma_start3A_1484 = arith.constant 0 : i32
    %dma_start3A_1485 = tpu.memref_slice %arg6[%dma_start3A_1473, %dma_start3A_1483, %dma_start3A_1484] : memref<5x128x128xf32, #tpu.memory_space<vmem>> -> memref<1x128x128xf32, #tpu.memory_space<vmem>>
    %dma_start3A_1486 = tpu.memref_squeeze %dma_start3A_1485 : memref<1x128x128xf32, #tpu.memory_space<vmem>> -> memref<128x128xf32, #tpu.memory_space<vmem>>
    %dma_start3A_1487 = arith.constant 0 : i32
    %dma_start3A_1488 = tpu.memref_slice %arg2[%min3A_1472, %dma_start3A_1487] : memref<100000x128xf32, #tpu.memory_space<hbm>> -> memref<128x128xf32, #tpu.memory_space<hbm>>
    tpu.enqueue_dma source(%dma_start3A_1488 : memref<128x128xf32, #tpu.memory_space<hbm>>) target(%dma_start3A_1486 : memref<128x128xf32, #tpu.memory_space<vmem>>) target_semaphore(%dma_start3A_1482 : memref<!tpu.dma_semaphore, #tpu.memory_space<semaphore_mem>>)
    %dma_wait3A_1489 = arith.constant 1 : i32
    %dma_wait3A_1490 = arith.constant 1 : i32
    %dma_wait3A_1491 = arith.constant 0 : i32
    %dma_wait3A_1492 = arith.constant 0 : i32
    %dma_wait3A_1493 = tpu.memref_slice %arg6[%dma_wait3A_1489, %dma_wait3A_1491, %dma_wait3A_1492] : memref<5x128x128xf32, #tpu.memory_space<vmem>> -> memref<1x128x128xf32, #tpu.memory_space<vmem>>
    %dma_wait3A_1494 = tpu.memref_squeeze %dma_wait3A_1493 : memref<1x128x128xf32, #tpu.memory_space<vmem>> -> memref<128x128xf32, #tpu.memory_space<vmem>>
    %dma_wait3A_1495 = arith.constant 0 : i32
    %dma_wait3A_1496 = tpu.memref_slice %arg2[%min3A_1208, %dma_wait3A_1495] : memref<100000x128xf32, #tpu.memory_space<hbm>> -> memref<128x128xf32, #tpu.memory_space<hbm>>
    %dma_wait3A_1497 = tpu.memref_slice %arg12[%dma_wait3A_1490] : memref<5x!tpu.dma_semaphore, #tpu.memory_space<semaphore_mem>> -> memref<1x!tpu.dma_semaphore, #tpu.memory_space<semaphore_mem>>
    %dma_wait3A_1498 = tpu.memref_squeeze %dma_wait3A_1497 : memref<1x!tpu.dma_semaphore, #tpu.memory_space<semaphore_mem>> -> memref<!tpu.dma_semaphore, #tpu.memory_space<semaphore_mem>>
    %dma_wait3A_1499 = arith.constant 0 : i32
    %dma_wait3A_1500 = arith.constant 0 : i32
    %dma_wait3A_1501 = tpu.memref_slice %arg6[%dma_wait3A_1489, %dma_wait3A_1499, %dma_wait3A_1500] : memref<5x128x128xf32, #tpu.memory_space<vmem>> -> memref<1x128x128xf32, #tpu.memory_space<vmem>>
    %dma_wait3A_1502 = tpu.memref_squeeze %dma_wait3A_1501 : memref<1x128x128xf32, #tpu.memory_space<vmem>> -> memref<128x128xf32, #tpu.memory_space<vmem>>
    %dma_wait3A_1503 = arith.constant 0 : i32
    %dma_wait3A_1504 = tpu.memref_slice %arg2[%min3A_1208, %dma_wait3A_1503] : memref<100000x128xf32, #tpu.memory_space<hbm>> -> memref<128x128xf32, #tpu.memory_space<hbm>>
    tpu.wait_dma2 semaphore(%dma_wait3A_1498 : memref<!tpu.dma_semaphore, #tpu.memory_space<semaphore_mem>>) src(%dma_wait3A_1504 : memref<128x128xf32, #tpu.memory_space<hbm>>) dst(%dma_wait3A_1502 : memref<128x128xf32, #tpu.memory_space<vmem>>)
    %dma_start3A_1505 = arith.constant 1 : i32
    %dma_start3A_1506 = arith.constant 16 : i32
    %dma_start3A_1507 = arith.constant 1 : i32
    %dma_start3A_1508 = arith.constant 0 : i32
    %dma_start3A_1509 = arith.constant 0 : i32
    %dma_start3A_1510 = tpu.memref_slice %arg6[%dma_start3A_1505, %dma_start3A_1508, %dma_start3A_1509] : memref<5x128x128xf32, #tpu.memory_space<vmem>> -> memref<1x128x128xf32, #tpu.memory_space<vmem>>
    %dma_start3A_1511 = tpu.memref_squeeze %dma_start3A_1510 : memref<1x128x128xf32, #tpu.memory_space<vmem>> -> memref<128x128xf32, #tpu.memory_space<vmem>>
    %dma_start3A_1512 = arith.constant 0 : i32
    %dma_start3A_1513 = tpu.memref_slice %arg7[%dma_start3A_1506, %dma_start3A_1512] : memref<25x128xi32, #tpu.memory_space<vmem>> -> memref<1x128xi32, #tpu.memory_space<vmem>>
    %dma_start3A_1514 = tpu.memref_squeeze %dma_start3A_1513 : memref<1x128xi32, #tpu.memory_space<vmem>> -> memref<128xi32, #tpu.memory_space<vmem>>
    %dma_start3A_1515 = arith.constant 0 : i32
    %dma_start3A_1516 = arith.constant 0 : i32
    %dma_start3A_1517 = tpu.memref_slice %arg10[%dma_start3A_1515, %dma_start3A_1516] : memref<520x128xf32, #tpu.memory_space<vmem_shared>> -> memref<520x128xf32, #tpu.memory_space<vmem_shared>>
    %dma_start3A_1518 = tpu.memref_slice %arg13[%dma_start3A_1507] : memref<5x!tpu.dma_semaphore, #tpu.memory_space<semaphore_mem>> -> memref<1x!tpu.dma_semaphore, #tpu.memory_space<semaphore_mem>>
    %dma_start3A_1519 = tpu.memref_squeeze %dma_start3A_1518 : memref<1x!tpu.dma_semaphore, #tpu.memory_space<semaphore_mem>> -> memref<!tpu.dma_semaphore, #tpu.memory_space<semaphore_mem>>
    tpu.enqueue_indirect_dma source(%dma_start3A_1511 : memref<128x128xf32, #tpu.memory_space<vmem>>) target(%dma_start3A_1517 : memref<520x128xf32, #tpu.memory_space<vmem_shared>>) offsets(%dma_start3A_1514 : memref<128xi32, #tpu.memory_space<vmem>>) semaphore(%dma_start3A_1519 : memref<!tpu.dma_semaphore, #tpu.memory_space<semaphore_mem>>) {add = true}
    %dma_start3A_1520 = arith.constant 16 : i32
    %dma_start3A_1521 = arith.constant 1 : i32
    %dma_start3A_1522 = arith.constant 0 : i32
    %dma_start3A_1523 = tpu.memref_slice %arg7[%dma_start3A_1520, %dma_start3A_1522] : memref<25x128xi32, #tpu.memory_space<vmem>> -> memref<1x128xi32, #tpu.memory_space<vmem>>
    %dma_start3A_1524 = tpu.memref_squeeze %dma_start3A_1523 : memref<1x128xi32, #tpu.memory_space<vmem>> -> memref<128xi32, #tpu.memory_space<vmem>>
    %dma_start3A_1525 = arith.constant 0 : i32
    %dma_start3A_1526 = arith.constant 0 : i32
    %dma_start3A_1527 = tpu.memref_slice %arg11[%dma_start3A_1525, %dma_start3A_1526] : memref<520x128xf32, #tpu.memory_space<vmem_shared>> -> memref<520x128xf32, #tpu.memory_space<vmem_shared>>
    %dma_start3A_1528 = tpu.memref_slice %arg14[%dma_start3A_1521] : memref<5x!tpu.dma_semaphore, #tpu.memory_space<semaphore_mem>> -> memref<1x!tpu.dma_semaphore, #tpu.memory_space<semaphore_mem>>
    %dma_start3A_1529 = tpu.memref_squeeze %dma_start3A_1528 : memref<1x!tpu.dma_semaphore, #tpu.memory_space<semaphore_mem>> -> memref<!tpu.dma_semaphore, #tpu.memory_space<semaphore_mem>>
    tpu.enqueue_indirect_dma source(%arg8 : memref<128x128xf32, #tpu.memory_space<vmem>>) target(%dma_start3A_1527 : memref<520x128xf32, #tpu.memory_space<vmem_shared>>) offsets(%dma_start3A_1524 : memref<128xi32, #tpu.memory_space<vmem>>) semaphore(%dma_start3A_1529 : memref<!tpu.dma_semaphore, #tpu.memory_space<semaphore_mem>>) {add = true}
    %dma_wait3A_1530 = arith.constant 0 : i32
    %dma_wait3A_1531 = arith.constant 15 : i32
    %dma_wait3A_1532 = arith.constant 0 : i32
    %dma_wait3A_1533 = arith.constant 0 : i32
    %dma_wait3A_1534 = arith.constant 0 : i32
    %dma_wait3A_1535 = tpu.memref_slice %arg6[%dma_wait3A_1530, %dma_wait3A_1533, %dma_wait3A_1534] : memref<5x128x128xf32, #tpu.memory_space<vmem>> -> memref<1x128x128xf32, #tpu.memory_space<vmem>>
    %dma_wait3A_1536 = tpu.memref_squeeze %dma_wait3A_1535 : memref<1x128x128xf32, #tpu.memory_space<vmem>> -> memref<128x128xf32, #tpu.memory_space<vmem>>
    %dma_wait3A_1537 = arith.constant 0 : i32
    %dma_wait3A_1538 = tpu.memref_slice %arg7[%dma_wait3A_1531, %dma_wait3A_1537] : memref<25x128xi32, #tpu.memory_space<vmem>> -> memref<1x128xi32, #tpu.memory_space<vmem>>
    %dma_wait3A_1539 = tpu.memref_squeeze %dma_wait3A_1538 : memref<1x128xi32, #tpu.memory_space<vmem>> -> memref<128xi32, #tpu.memory_space<vmem>>
    %dma_wait3A_1540 = arith.constant 0 : i32
    %dma_wait3A_1541 = arith.constant 0 : i32
    %dma_wait3A_1542 = tpu.memref_slice %arg10[%dma_wait3A_1540, %dma_wait3A_1541] : memref<520x128xf32, #tpu.memory_space<vmem_shared>> -> memref<520x128xf32, #tpu.memory_space<vmem_shared>>
    %dma_wait3A_1543 = tpu.memref_slice %arg13[%dma_wait3A_1532] : memref<5x!tpu.dma_semaphore, #tpu.memory_space<semaphore_mem>> -> memref<1x!tpu.dma_semaphore, #tpu.memory_space<semaphore_mem>>
    %dma_wait3A_1544 = tpu.memref_squeeze %dma_wait3A_1543 : memref<1x!tpu.dma_semaphore, #tpu.memory_space<semaphore_mem>> -> memref<!tpu.dma_semaphore, #tpu.memory_space<semaphore_mem>>
    tpu.wait_indirect_dma semaphore(%dma_wait3A_1544 : memref<!tpu.dma_semaphore, #tpu.memory_space<semaphore_mem>>) src(%dma_wait3A_1536 : memref<128x128xf32, #tpu.memory_space<vmem>>) dst(%dma_wait3A_1542 : memref<520x128xf32, #tpu.memory_space<vmem_shared>>)
    %dma_wait3A_1545 = arith.constant 15 : i32
    %dma_wait3A_1546 = arith.constant 0 : i32
    %dma_wait3A_1547 = arith.constant 0 : i32
    %dma_wait3A_1548 = tpu.memref_slice %arg7[%dma_wait3A_1545, %dma_wait3A_1547] : memref<25x128xi32, #tpu.memory_space<vmem>> -> memref<1x128xi32, #tpu.memory_space<vmem>>
    %dma_wait3A_1549 = tpu.memref_squeeze %dma_wait3A_1548 : memref<1x128xi32, #tpu.memory_space<vmem>> -> memref<128xi32, #tpu.memory_space<vmem>>
    %dma_wait3A_1550 = arith.constant 0 : i32
    %dma_wait3A_1551 = arith.constant 0 : i32
    %dma_wait3A_1552 = tpu.memref_slice %arg11[%dma_wait3A_1550, %dma_wait3A_1551] : memref<520x128xf32, #tpu.memory_space<vmem_shared>> -> memref<520x128xf32, #tpu.memory_space<vmem_shared>>
    %dma_wait3A_1553 = tpu.memref_slice %arg14[%dma_wait3A_1546] : memref<5x!tpu.dma_semaphore, #tpu.memory_space<semaphore_mem>> -> memref<1x!tpu.dma_semaphore, #tpu.memory_space<semaphore_mem>>
    %dma_wait3A_1554 = tpu.memref_squeeze %dma_wait3A_1553 : memref<1x!tpu.dma_semaphore, #tpu.memory_space<semaphore_mem>> -> memref<!tpu.dma_semaphore, #tpu.memory_space<semaphore_mem>>
    tpu.wait_indirect_dma semaphore(%dma_wait3A_1554 : memref<!tpu.dma_semaphore, #tpu.memory_space<semaphore_mem>>) src(%arg8 : memref<128x128xf32, #tpu.memory_space<vmem>>) dst(%dma_wait3A_1552 : memref<520x128xf32, #tpu.memory_space<vmem_shared>>)
    %add3A_1555 = arith.constant 640 : i32
    %add3A_1556 = arith.addi %add3A, %add3A_1555 : i32
    %mul3A_1557 = arith.constant 128 : i32
    %mul3A_1558 = arith.muli %add3A_1556, %mul3A_1557 : i32
    %min3A_1559 = arith.constant 99872 : i32
    %min3A_1560 = arith.minsi %mul3A_1558, %min3A_1559 : i32
    %dma_start3A_1561 = arith.constant 0 : i32
    %dma_start3A_1562 = arith.constant 0 : i32
    %dma_start3A_1563 = arith.constant 0 : i32
    %dma_start3A_1564 = arith.constant 0 : i32
    %dma_start3A_1565 = tpu.memref_slice %arg6[%dma_start3A_1561, %dma_start3A_1563, %dma_start3A_1564] : memref<5x128x128xf32, #tpu.memory_space<vmem>> -> memref<1x128x128xf32, #tpu.memory_space<vmem>>
    %dma_start3A_1566 = tpu.memref_squeeze %dma_start3A_1565 : memref<1x128x128xf32, #tpu.memory_space<vmem>> -> memref<128x128xf32, #tpu.memory_space<vmem>>
    %dma_start3A_1567 = arith.constant 0 : i32
    %dma_start3A_1568 = tpu.memref_slice %arg2[%min3A_1560, %dma_start3A_1567] : memref<100000x128xf32, #tpu.memory_space<hbm>> -> memref<128x128xf32, #tpu.memory_space<hbm>>
    %dma_start3A_1569 = tpu.memref_slice %arg12[%dma_start3A_1562] : memref<5x!tpu.dma_semaphore, #tpu.memory_space<semaphore_mem>> -> memref<1x!tpu.dma_semaphore, #tpu.memory_space<semaphore_mem>>
    %dma_start3A_1570 = tpu.memref_squeeze %dma_start3A_1569 : memref<1x!tpu.dma_semaphore, #tpu.memory_space<semaphore_mem>> -> memref<!tpu.dma_semaphore, #tpu.memory_space<semaphore_mem>>
    %dma_start3A_1571 = arith.constant 0 : i32
    %dma_start3A_1572 = arith.constant 0 : i32
    %dma_start3A_1573 = tpu.memref_slice %arg6[%dma_start3A_1561, %dma_start3A_1571, %dma_start3A_1572] : memref<5x128x128xf32, #tpu.memory_space<vmem>> -> memref<1x128x128xf32, #tpu.memory_space<vmem>>
    %dma_start3A_1574 = tpu.memref_squeeze %dma_start3A_1573 : memref<1x128x128xf32, #tpu.memory_space<vmem>> -> memref<128x128xf32, #tpu.memory_space<vmem>>
    %dma_start3A_1575 = arith.constant 0 : i32
    %dma_start3A_1576 = tpu.memref_slice %arg2[%min3A_1560, %dma_start3A_1575] : memref<100000x128xf32, #tpu.memory_space<hbm>> -> memref<128x128xf32, #tpu.memory_space<hbm>>
    tpu.enqueue_dma source(%dma_start3A_1576 : memref<128x128xf32, #tpu.memory_space<hbm>>) target(%dma_start3A_1574 : memref<128x128xf32, #tpu.memory_space<vmem>>) target_semaphore(%dma_start3A_1570 : memref<!tpu.dma_semaphore, #tpu.memory_space<semaphore_mem>>)
    %dma_wait3A_1577 = arith.constant 2 : i32
    %dma_wait3A_1578 = arith.constant 2 : i32
    %dma_wait3A_1579 = arith.constant 0 : i32
    %dma_wait3A_1580 = arith.constant 0 : i32
    %dma_wait3A_1581 = tpu.memref_slice %arg6[%dma_wait3A_1577, %dma_wait3A_1579, %dma_wait3A_1580] : memref<5x128x128xf32, #tpu.memory_space<vmem>> -> memref<1x128x128xf32, #tpu.memory_space<vmem>>
    %dma_wait3A_1582 = tpu.memref_squeeze %dma_wait3A_1581 : memref<1x128x128xf32, #tpu.memory_space<vmem>> -> memref<128x128xf32, #tpu.memory_space<vmem>>
    %dma_wait3A_1583 = arith.constant 0 : i32
    %dma_wait3A_1584 = tpu.memref_slice %arg2[%min3A_1296, %dma_wait3A_1583] : memref<100000x128xf32, #tpu.memory_space<hbm>> -> memref<128x128xf32, #tpu.memory_space<hbm>>
    %dma_wait3A_1585 = tpu.memref_slice %arg12[%dma_wait3A_1578] : memref<5x!tpu.dma_semaphore, #tpu.memory_space<semaphore_mem>> -> memref<1x!tpu.dma_semaphore, #tpu.memory_space<semaphore_mem>>
    %dma_wait3A_1586 = tpu.memref_squeeze %dma_wait3A_1585 : memref<1x!tpu.dma_semaphore, #tpu.memory_space<semaphore_mem>> -> memref<!tpu.dma_semaphore, #tpu.memory_space<semaphore_mem>>
    %dma_wait3A_1587 = arith.constant 0 : i32
    %dma_wait3A_1588 = arith.constant 0 : i32
    %dma_wait3A_1589 = tpu.memref_slice %arg6[%dma_wait3A_1577, %dma_wait3A_1587, %dma_wait3A_1588] : memref<5x128x128xf32, #tpu.memory_space<vmem>> -> memref<1x128x128xf32, #tpu.memory_space<vmem>>
    %dma_wait3A_1590 = tpu.memref_squeeze %dma_wait3A_1589 : memref<1x128x128xf32, #tpu.memory_space<vmem>> -> memref<128x128xf32, #tpu.memory_space<vmem>>
    %dma_wait3A_1591 = arith.constant 0 : i32
    %dma_wait3A_1592 = tpu.memref_slice %arg2[%min3A_1296, %dma_wait3A_1591] : memref<100000x128xf32, #tpu.memory_space<hbm>> -> memref<128x128xf32, #tpu.memory_space<hbm>>
    tpu.wait_dma2 semaphore(%dma_wait3A_1586 : memref<!tpu.dma_semaphore, #tpu.memory_space<semaphore_mem>>) src(%dma_wait3A_1592 : memref<128x128xf32, #tpu.memory_space<hbm>>) dst(%dma_wait3A_1590 : memref<128x128xf32, #tpu.memory_space<vmem>>)
    %dma_start3A_1593 = arith.constant 2 : i32
    %dma_start3A_1594 = arith.constant 17 : i32
    %dma_start3A_1595 = arith.constant 2 : i32
    %dma_start3A_1596 = arith.constant 0 : i32
    %dma_start3A_1597 = arith.constant 0 : i32
    %dma_start3A_1598 = tpu.memref_slice %arg6[%dma_start3A_1593, %dma_start3A_1596, %dma_start3A_1597] : memref<5x128x128xf32, #tpu.memory_space<vmem>> -> memref<1x128x128xf32, #tpu.memory_space<vmem>>
    %dma_start3A_1599 = tpu.memref_squeeze %dma_start3A_1598 : memref<1x128x128xf32, #tpu.memory_space<vmem>> -> memref<128x128xf32, #tpu.memory_space<vmem>>
    %dma_start3A_1600 = arith.constant 0 : i32
    %dma_start3A_1601 = tpu.memref_slice %arg7[%dma_start3A_1594, %dma_start3A_1600] : memref<25x128xi32, #tpu.memory_space<vmem>> -> memref<1x128xi32, #tpu.memory_space<vmem>>
    %dma_start3A_1602 = tpu.memref_squeeze %dma_start3A_1601 : memref<1x128xi32, #tpu.memory_space<vmem>> -> memref<128xi32, #tpu.memory_space<vmem>>
    %dma_start3A_1603 = arith.constant 0 : i32
    %dma_start3A_1604 = arith.constant 0 : i32
    %dma_start3A_1605 = tpu.memref_slice %arg10[%dma_start3A_1603, %dma_start3A_1604] : memref<520x128xf32, #tpu.memory_space<vmem_shared>> -> memref<520x128xf32, #tpu.memory_space<vmem_shared>>
    %dma_start3A_1606 = tpu.memref_slice %arg13[%dma_start3A_1595] : memref<5x!tpu.dma_semaphore, #tpu.memory_space<semaphore_mem>> -> memref<1x!tpu.dma_semaphore, #tpu.memory_space<semaphore_mem>>
    %dma_start3A_1607 = tpu.memref_squeeze %dma_start3A_1606 : memref<1x!tpu.dma_semaphore, #tpu.memory_space<semaphore_mem>> -> memref<!tpu.dma_semaphore, #tpu.memory_space<semaphore_mem>>
    tpu.enqueue_indirect_dma source(%dma_start3A_1599 : memref<128x128xf32, #tpu.memory_space<vmem>>) target(%dma_start3A_1605 : memref<520x128xf32, #tpu.memory_space<vmem_shared>>) offsets(%dma_start3A_1602 : memref<128xi32, #tpu.memory_space<vmem>>) semaphore(%dma_start3A_1607 : memref<!tpu.dma_semaphore, #tpu.memory_space<semaphore_mem>>) {add = true}
    %dma_start3A_1608 = arith.constant 17 : i32
    %dma_start3A_1609 = arith.constant 2 : i32
    %dma_start3A_1610 = arith.constant 0 : i32
    %dma_start3A_1611 = tpu.memref_slice %arg7[%dma_start3A_1608, %dma_start3A_1610] : memref<25x128xi32, #tpu.memory_space<vmem>> -> memref<1x128xi32, #tpu.memory_space<vmem>>
    %dma_start3A_1612 = tpu.memref_squeeze %dma_start3A_1611 : memref<1x128xi32, #tpu.memory_space<vmem>> -> memref<128xi32, #tpu.memory_space<vmem>>
    %dma_start3A_1613 = arith.constant 0 : i32
    %dma_start3A_1614 = arith.constant 0 : i32
    %dma_start3A_1615 = tpu.memref_slice %arg11[%dma_start3A_1613, %dma_start3A_1614] : memref<520x128xf32, #tpu.memory_space<vmem_shared>> -> memref<520x128xf32, #tpu.memory_space<vmem_shared>>
    %dma_start3A_1616 = tpu.memref_slice %arg14[%dma_start3A_1609] : memref<5x!tpu.dma_semaphore, #tpu.memory_space<semaphore_mem>> -> memref<1x!tpu.dma_semaphore, #tpu.memory_space<semaphore_mem>>
    %dma_start3A_1617 = tpu.memref_squeeze %dma_start3A_1616 : memref<1x!tpu.dma_semaphore, #tpu.memory_space<semaphore_mem>> -> memref<!tpu.dma_semaphore, #tpu.memory_space<semaphore_mem>>
    tpu.enqueue_indirect_dma source(%arg8 : memref<128x128xf32, #tpu.memory_space<vmem>>) target(%dma_start3A_1615 : memref<520x128xf32, #tpu.memory_space<vmem_shared>>) offsets(%dma_start3A_1612 : memref<128xi32, #tpu.memory_space<vmem>>) semaphore(%dma_start3A_1617 : memref<!tpu.dma_semaphore, #tpu.memory_space<semaphore_mem>>) {add = true}
    %dma_wait3A_1618 = arith.constant 1 : i32
    %dma_wait3A_1619 = arith.constant 16 : i32
    %dma_wait3A_1620 = arith.constant 1 : i32
    %dma_wait3A_1621 = arith.constant 0 : i32
    %dma_wait3A_1622 = arith.constant 0 : i32
    %dma_wait3A_1623 = tpu.memref_slice %arg6[%dma_wait3A_1618, %dma_wait3A_1621, %dma_wait3A_1622] : memref<5x128x128xf32, #tpu.memory_space<vmem>> -> memref<1x128x128xf32, #tpu.memory_space<vmem>>
    %dma_wait3A_1624 = tpu.memref_squeeze %dma_wait3A_1623 : memref<1x128x128xf32, #tpu.memory_space<vmem>> -> memref<128x128xf32, #tpu.memory_space<vmem>>
    %dma_wait3A_1625 = arith.constant 0 : i32
    %dma_wait3A_1626 = tpu.memref_slice %arg7[%dma_wait3A_1619, %dma_wait3A_1625] : memref<25x128xi32, #tpu.memory_space<vmem>> -> memref<1x128xi32, #tpu.memory_space<vmem>>
    %dma_wait3A_1627 = tpu.memref_squeeze %dma_wait3A_1626 : memref<1x128xi32, #tpu.memory_space<vmem>> -> memref<128xi32, #tpu.memory_space<vmem>>
    %dma_wait3A_1628 = arith.constant 0 : i32
    %dma_wait3A_1629 = arith.constant 0 : i32
    %dma_wait3A_1630 = tpu.memref_slice %arg10[%dma_wait3A_1628, %dma_wait3A_1629] : memref<520x128xf32, #tpu.memory_space<vmem_shared>> -> memref<520x128xf32, #tpu.memory_space<vmem_shared>>
    %dma_wait3A_1631 = tpu.memref_slice %arg13[%dma_wait3A_1620] : memref<5x!tpu.dma_semaphore, #tpu.memory_space<semaphore_mem>> -> memref<1x!tpu.dma_semaphore, #tpu.memory_space<semaphore_mem>>
    %dma_wait3A_1632 = tpu.memref_squeeze %dma_wait3A_1631 : memref<1x!tpu.dma_semaphore, #tpu.memory_space<semaphore_mem>> -> memref<!tpu.dma_semaphore, #tpu.memory_space<semaphore_mem>>
    tpu.wait_indirect_dma semaphore(%dma_wait3A_1632 : memref<!tpu.dma_semaphore, #tpu.memory_space<semaphore_mem>>) src(%dma_wait3A_1624 : memref<128x128xf32, #tpu.memory_space<vmem>>) dst(%dma_wait3A_1630 : memref<520x128xf32, #tpu.memory_space<vmem_shared>>)
    %dma_wait3A_1633 = arith.constant 16 : i32
    %dma_wait3A_1634 = arith.constant 1 : i32
    %dma_wait3A_1635 = arith.constant 0 : i32
    %dma_wait3A_1636 = tpu.memref_slice %arg7[%dma_wait3A_1633, %dma_wait3A_1635] : memref<25x128xi32, #tpu.memory_space<vmem>> -> memref<1x128xi32, #tpu.memory_space<vmem>>
    %dma_wait3A_1637 = tpu.memref_squeeze %dma_wait3A_1636 : memref<1x128xi32, #tpu.memory_space<vmem>> -> memref<128xi32, #tpu.memory_space<vmem>>
    %dma_wait3A_1638 = arith.constant 0 : i32
    %dma_wait3A_1639 = arith.constant 0 : i32
    %dma_wait3A_1640 = tpu.memref_slice %arg11[%dma_wait3A_1638, %dma_wait3A_1639] : memref<520x128xf32, #tpu.memory_space<vmem_shared>> -> memref<520x128xf32, #tpu.memory_space<vmem_shared>>
    %dma_wait3A_1641 = tpu.memref_slice %arg14[%dma_wait3A_1634] : memref<5x!tpu.dma_semaphore, #tpu.memory_space<semaphore_mem>> -> memref<1x!tpu.dma_semaphore, #tpu.memory_space<semaphore_mem>>
    %dma_wait3A_1642 = tpu.memref_squeeze %dma_wait3A_1641 : memref<1x!tpu.dma_semaphore, #tpu.memory_space<semaphore_mem>> -> memref<!tpu.dma_semaphore, #tpu.memory_space<semaphore_mem>>
    tpu.wait_indirect_dma semaphore(%dma_wait3A_1642 : memref<!tpu.dma_semaphore, #tpu.memory_space<semaphore_mem>>) src(%arg8 : memref<128x128xf32, #tpu.memory_space<vmem>>) dst(%dma_wait3A_1640 : memref<520x128xf32, #tpu.memory_space<vmem_shared>>)
    %add3A_1643 = arith.constant 672 : i32
    %add3A_1644 = arith.addi %add3A, %add3A_1643 : i32
    %mul3A_1645 = arith.constant 128 : i32
    %mul3A_1646 = arith.muli %add3A_1644, %mul3A_1645 : i32
    %min3A_1647 = arith.constant 99872 : i32
    %min3A_1648 = arith.minsi %mul3A_1646, %min3A_1647 : i32
    %dma_start3A_1649 = arith.constant 1 : i32
    %dma_start3A_1650 = arith.constant 1 : i32
    %dma_start3A_1651 = arith.constant 0 : i32
    %dma_start3A_1652 = arith.constant 0 : i32
    %dma_start3A_1653 = tpu.memref_slice %arg6[%dma_start3A_1649, %dma_start3A_1651, %dma_start3A_1652] : memref<5x128x128xf32, #tpu.memory_space<vmem>> -> memref<1x128x128xf32, #tpu.memory_space<vmem>>
    %dma_start3A_1654 = tpu.memref_squeeze %dma_start3A_1653 : memref<1x128x128xf32, #tpu.memory_space<vmem>> -> memref<128x128xf32, #tpu.memory_space<vmem>>
    %dma_start3A_1655 = arith.constant 0 : i32
    %dma_start3A_1656 = tpu.memref_slice %arg2[%min3A_1648, %dma_start3A_1655] : memref<100000x128xf32, #tpu.memory_space<hbm>> -> memref<128x128xf32, #tpu.memory_space<hbm>>
    %dma_start3A_1657 = tpu.memref_slice %arg12[%dma_start3A_1650] : memref<5x!tpu.dma_semaphore, #tpu.memory_space<semaphore_mem>> -> memref<1x!tpu.dma_semaphore, #tpu.memory_space<semaphore_mem>>
    %dma_start3A_1658 = tpu.memref_squeeze %dma_start3A_1657 : memref<1x!tpu.dma_semaphore, #tpu.memory_space<semaphore_mem>> -> memref<!tpu.dma_semaphore, #tpu.memory_space<semaphore_mem>>
    %dma_start3A_1659 = arith.constant 0 : i32
    %dma_start3A_1660 = arith.constant 0 : i32
    %dma_start3A_1661 = tpu.memref_slice %arg6[%dma_start3A_1649, %dma_start3A_1659, %dma_start3A_1660] : memref<5x128x128xf32, #tpu.memory_space<vmem>> -> memref<1x128x128xf32, #tpu.memory_space<vmem>>
    %dma_start3A_1662 = tpu.memref_squeeze %dma_start3A_1661 : memref<1x128x128xf32, #tpu.memory_space<vmem>> -> memref<128x128xf32, #tpu.memory_space<vmem>>
    %dma_start3A_1663 = arith.constant 0 : i32
    %dma_start3A_1664 = tpu.memref_slice %arg2[%min3A_1648, %dma_start3A_1663] : memref<100000x128xf32, #tpu.memory_space<hbm>> -> memref<128x128xf32, #tpu.memory_space<hbm>>
    tpu.enqueue_dma source(%dma_start3A_1664 : memref<128x128xf32, #tpu.memory_space<hbm>>) target(%dma_start3A_1662 : memref<128x128xf32, #tpu.memory_space<vmem>>) target_semaphore(%dma_start3A_1658 : memref<!tpu.dma_semaphore, #tpu.memory_space<semaphore_mem>>)
    %dma_wait3A_1665 = arith.constant 3 : i32
    %dma_wait3A_1666 = arith.constant 3 : i32
    %dma_wait3A_1667 = arith.constant 0 : i32
    %dma_wait3A_1668 = arith.constant 0 : i32
    %dma_wait3A_1669 = tpu.memref_slice %arg6[%dma_wait3A_1665, %dma_wait3A_1667, %dma_wait3A_1668] : memref<5x128x128xf32, #tpu.memory_space<vmem>> -> memref<1x128x128xf32, #tpu.memory_space<vmem>>
    %dma_wait3A_1670 = tpu.memref_squeeze %dma_wait3A_1669 : memref<1x128x128xf32, #tpu.memory_space<vmem>> -> memref<128x128xf32, #tpu.memory_space<vmem>>
    %dma_wait3A_1671 = arith.constant 0 : i32
    %dma_wait3A_1672 = tpu.memref_slice %arg2[%min3A_1384, %dma_wait3A_1671] : memref<100000x128xf32, #tpu.memory_space<hbm>> -> memref<128x128xf32, #tpu.memory_space<hbm>>
    %dma_wait3A_1673 = tpu.memref_slice %arg12[%dma_wait3A_1666] : memref<5x!tpu.dma_semaphore, #tpu.memory_space<semaphore_mem>> -> memref<1x!tpu.dma_semaphore, #tpu.memory_space<semaphore_mem>>
    %dma_wait3A_1674 = tpu.memref_squeeze %dma_wait3A_1673 : memref<1x!tpu.dma_semaphore, #tpu.memory_space<semaphore_mem>> -> memref<!tpu.dma_semaphore, #tpu.memory_space<semaphore_mem>>
    %dma_wait3A_1675 = arith.constant 0 : i32
    %dma_wait3A_1676 = arith.constant 0 : i32
    %dma_wait3A_1677 = tpu.memref_slice %arg6[%dma_wait3A_1665, %dma_wait3A_1675, %dma_wait3A_1676] : memref<5x128x128xf32, #tpu.memory_space<vmem>> -> memref<1x128x128xf32, #tpu.memory_space<vmem>>
    %dma_wait3A_1678 = tpu.memref_squeeze %dma_wait3A_1677 : memref<1x128x128xf32, #tpu.memory_space<vmem>> -> memref<128x128xf32, #tpu.memory_space<vmem>>
    %dma_wait3A_1679 = arith.constant 0 : i32
    %dma_wait3A_1680 = tpu.memref_slice %arg2[%min3A_1384, %dma_wait3A_1679] : memref<100000x128xf32, #tpu.memory_space<hbm>> -> memref<128x128xf32, #tpu.memory_space<hbm>>
    tpu.wait_dma2 semaphore(%dma_wait3A_1674 : memref<!tpu.dma_semaphore, #tpu.memory_space<semaphore_mem>>) src(%dma_wait3A_1680 : memref<128x128xf32, #tpu.memory_space<hbm>>) dst(%dma_wait3A_1678 : memref<128x128xf32, #tpu.memory_space<vmem>>)
    %dma_start3A_1681 = arith.constant 3 : i32
    %dma_start3A_1682 = arith.constant 18 : i32
    %dma_start3A_1683 = arith.constant 3 : i32
    %dma_start3A_1684 = arith.constant 0 : i32
    %dma_start3A_1685 = arith.constant 0 : i32
    %dma_start3A_1686 = tpu.memref_slice %arg6[%dma_start3A_1681, %dma_start3A_1684, %dma_start3A_1685] : memref<5x128x128xf32, #tpu.memory_space<vmem>> -> memref<1x128x128xf32, #tpu.memory_space<vmem>>
    %dma_start3A_1687 = tpu.memref_squeeze %dma_start3A_1686 : memref<1x128x128xf32, #tpu.memory_space<vmem>> -> memref<128x128xf32, #tpu.memory_space<vmem>>
    %dma_start3A_1688 = arith.constant 0 : i32
    %dma_start3A_1689 = tpu.memref_slice %arg7[%dma_start3A_1682, %dma_start3A_1688] : memref<25x128xi32, #tpu.memory_space<vmem>> -> memref<1x128xi32, #tpu.memory_space<vmem>>
    %dma_start3A_1690 = tpu.memref_squeeze %dma_start3A_1689 : memref<1x128xi32, #tpu.memory_space<vmem>> -> memref<128xi32, #tpu.memory_space<vmem>>
    %dma_start3A_1691 = arith.constant 0 : i32
    %dma_start3A_1692 = arith.constant 0 : i32
    %dma_start3A_1693 = tpu.memref_slice %arg10[%dma_start3A_1691, %dma_start3A_1692] : memref<520x128xf32, #tpu.memory_space<vmem_shared>> -> memref<520x128xf32, #tpu.memory_space<vmem_shared>>
    %dma_start3A_1694 = tpu.memref_slice %arg13[%dma_start3A_1683] : memref<5x!tpu.dma_semaphore, #tpu.memory_space<semaphore_mem>> -> memref<1x!tpu.dma_semaphore, #tpu.memory_space<semaphore_mem>>
    %dma_start3A_1695 = tpu.memref_squeeze %dma_start3A_1694 : memref<1x!tpu.dma_semaphore, #tpu.memory_space<semaphore_mem>> -> memref<!tpu.dma_semaphore, #tpu.memory_space<semaphore_mem>>
    tpu.enqueue_indirect_dma source(%dma_start3A_1687 : memref<128x128xf32, #tpu.memory_space<vmem>>) target(%dma_start3A_1693 : memref<520x128xf32, #tpu.memory_space<vmem_shared>>) offsets(%dma_start3A_1690 : memref<128xi32, #tpu.memory_space<vmem>>) semaphore(%dma_start3A_1695 : memref<!tpu.dma_semaphore, #tpu.memory_space<semaphore_mem>>) {add = true}
    %dma_start3A_1696 = arith.constant 18 : i32
    %dma_start3A_1697 = arith.constant 3 : i32
    %dma_start3A_1698 = arith.constant 0 : i32
    %dma_start3A_1699 = tpu.memref_slice %arg7[%dma_start3A_1696, %dma_start3A_1698] : memref<25x128xi32, #tpu.memory_space<vmem>> -> memref<1x128xi32, #tpu.memory_space<vmem>>
    %dma_start3A_1700 = tpu.memref_squeeze %dma_start3A_1699 : memref<1x128xi32, #tpu.memory_space<vmem>> -> memref<128xi32, #tpu.memory_space<vmem>>
    %dma_start3A_1701 = arith.constant 0 : i32
    %dma_start3A_1702 = arith.constant 0 : i32
    %dma_start3A_1703 = tpu.memref_slice %arg11[%dma_start3A_1701, %dma_start3A_1702] : memref<520x128xf32, #tpu.memory_space<vmem_shared>> -> memref<520x128xf32, #tpu.memory_space<vmem_shared>>
    %dma_start3A_1704 = tpu.memref_slice %arg14[%dma_start3A_1697] : memref<5x!tpu.dma_semaphore, #tpu.memory_space<semaphore_mem>> -> memref<1x!tpu.dma_semaphore, #tpu.memory_space<semaphore_mem>>
    %dma_start3A_1705 = tpu.memref_squeeze %dma_start3A_1704 : memref<1x!tpu.dma_semaphore, #tpu.memory_space<semaphore_mem>> -> memref<!tpu.dma_semaphore, #tpu.memory_space<semaphore_mem>>
    tpu.enqueue_indirect_dma source(%arg8 : memref<128x128xf32, #tpu.memory_space<vmem>>) target(%dma_start3A_1703 : memref<520x128xf32, #tpu.memory_space<vmem_shared>>) offsets(%dma_start3A_1700 : memref<128xi32, #tpu.memory_space<vmem>>) semaphore(%dma_start3A_1705 : memref<!tpu.dma_semaphore, #tpu.memory_space<semaphore_mem>>) {add = true}
    %dma_wait3A_1706 = arith.constant 2 : i32
    %dma_wait3A_1707 = arith.constant 17 : i32
    %dma_wait3A_1708 = arith.constant 2 : i32
    %dma_wait3A_1709 = arith.constant 0 : i32
    %dma_wait3A_1710 = arith.constant 0 : i32
    %dma_wait3A_1711 = tpu.memref_slice %arg6[%dma_wait3A_1706, %dma_wait3A_1709, %dma_wait3A_1710] : memref<5x128x128xf32, #tpu.memory_space<vmem>> -> memref<1x128x128xf32, #tpu.memory_space<vmem>>
    %dma_wait3A_1712 = tpu.memref_squeeze %dma_wait3A_1711 : memref<1x128x128xf32, #tpu.memory_space<vmem>> -> memref<128x128xf32, #tpu.memory_space<vmem>>
    %dma_wait3A_1713 = arith.constant 0 : i32
    %dma_wait3A_1714 = tpu.memref_slice %arg7[%dma_wait3A_1707, %dma_wait3A_1713] : memref<25x128xi32, #tpu.memory_space<vmem>> -> memref<1x128xi32, #tpu.memory_space<vmem>>
    %dma_wait3A_1715 = tpu.memref_squeeze %dma_wait3A_1714 : memref<1x128xi32, #tpu.memory_space<vmem>> -> memref<128xi32, #tpu.memory_space<vmem>>
    %dma_wait3A_1716 = arith.constant 0 : i32
    %dma_wait3A_1717 = arith.constant 0 : i32
    %dma_wait3A_1718 = tpu.memref_slice %arg10[%dma_wait3A_1716, %dma_wait3A_1717] : memref<520x128xf32, #tpu.memory_space<vmem_shared>> -> memref<520x128xf32, #tpu.memory_space<vmem_shared>>
    %dma_wait3A_1719 = tpu.memref_slice %arg13[%dma_wait3A_1708] : memref<5x!tpu.dma_semaphore, #tpu.memory_space<semaphore_mem>> -> memref<1x!tpu.dma_semaphore, #tpu.memory_space<semaphore_mem>>
    %dma_wait3A_1720 = tpu.memref_squeeze %dma_wait3A_1719 : memref<1x!tpu.dma_semaphore, #tpu.memory_space<semaphore_mem>> -> memref<!tpu.dma_semaphore, #tpu.memory_space<semaphore_mem>>
    tpu.wait_indirect_dma semaphore(%dma_wait3A_1720 : memref<!tpu.dma_semaphore, #tpu.memory_space<semaphore_mem>>) src(%dma_wait3A_1712 : memref<128x128xf32, #tpu.memory_space<vmem>>) dst(%dma_wait3A_1718 : memref<520x128xf32, #tpu.memory_space<vmem_shared>>)
    %dma_wait3A_1721 = arith.constant 17 : i32
    %dma_wait3A_1722 = arith.constant 2 : i32
    %dma_wait3A_1723 = arith.constant 0 : i32
    %dma_wait3A_1724 = tpu.memref_slice %arg7[%dma_wait3A_1721, %dma_wait3A_1723] : memref<25x128xi32, #tpu.memory_space<vmem>> -> memref<1x128xi32, #tpu.memory_space<vmem>>
    %dma_wait3A_1725 = tpu.memref_squeeze %dma_wait3A_1724 : memref<1x128xi32, #tpu.memory_space<vmem>> -> memref<128xi32, #tpu.memory_space<vmem>>
    %dma_wait3A_1726 = arith.constant 0 : i32
    %dma_wait3A_1727 = arith.constant 0 : i32
    %dma_wait3A_1728 = tpu.memref_slice %arg11[%dma_wait3A_1726, %dma_wait3A_1727] : memref<520x128xf32, #tpu.memory_space<vmem_shared>> -> memref<520x128xf32, #tpu.memory_space<vmem_shared>>
    %dma_wait3A_1729 = tpu.memref_slice %arg14[%dma_wait3A_1722] : memref<5x!tpu.dma_semaphore, #tpu.memory_space<semaphore_mem>> -> memref<1x!tpu.dma_semaphore, #tpu.memory_space<semaphore_mem>>
    %dma_wait3A_1730 = tpu.memref_squeeze %dma_wait3A_1729 : memref<1x!tpu.dma_semaphore, #tpu.memory_space<semaphore_mem>> -> memref<!tpu.dma_semaphore, #tpu.memory_space<semaphore_mem>>
    tpu.wait_indirect_dma semaphore(%dma_wait3A_1730 : memref<!tpu.dma_semaphore, #tpu.memory_space<semaphore_mem>>) src(%arg8 : memref<128x128xf32, #tpu.memory_space<vmem>>) dst(%dma_wait3A_1728 : memref<520x128xf32, #tpu.memory_space<vmem_shared>>)
    %add3A_1731 = arith.constant 704 : i32
    %add3A_1732 = arith.addi %add3A, %add3A_1731 : i32
    %mul3A_1733 = arith.constant 128 : i32
    %mul3A_1734 = arith.muli %add3A_1732, %mul3A_1733 : i32
    %min3A_1735 = arith.constant 99872 : i32
    %min3A_1736 = arith.minsi %mul3A_1734, %min3A_1735 : i32
    %dma_start3A_1737 = arith.constant 2 : i32
    %dma_start3A_1738 = arith.constant 2 : i32
    %dma_start3A_1739 = arith.constant 0 : i32
    %dma_start3A_1740 = arith.constant 0 : i32
    %dma_start3A_1741 = tpu.memref_slice %arg6[%dma_start3A_1737, %dma_start3A_1739, %dma_start3A_1740] : memref<5x128x128xf32, #tpu.memory_space<vmem>> -> memref<1x128x128xf32, #tpu.memory_space<vmem>>
    %dma_start3A_1742 = tpu.memref_squeeze %dma_start3A_1741 : memref<1x128x128xf32, #tpu.memory_space<vmem>> -> memref<128x128xf32, #tpu.memory_space<vmem>>
    %dma_start3A_1743 = arith.constant 0 : i32
    %dma_start3A_1744 = tpu.memref_slice %arg2[%min3A_1736, %dma_start3A_1743] : memref<100000x128xf32, #tpu.memory_space<hbm>> -> memref<128x128xf32, #tpu.memory_space<hbm>>
    %dma_start3A_1745 = tpu.memref_slice %arg12[%dma_start3A_1738] : memref<5x!tpu.dma_semaphore, #tpu.memory_space<semaphore_mem>> -> memref<1x!tpu.dma_semaphore, #tpu.memory_space<semaphore_mem>>
    %dma_start3A_1746 = tpu.memref_squeeze %dma_start3A_1745 : memref<1x!tpu.dma_semaphore, #tpu.memory_space<semaphore_mem>> -> memref<!tpu.dma_semaphore, #tpu.memory_space<semaphore_mem>>
    %dma_start3A_1747 = arith.constant 0 : i32
    %dma_start3A_1748 = arith.constant 0 : i32
    %dma_start3A_1749 = tpu.memref_slice %arg6[%dma_start3A_1737, %dma_start3A_1747, %dma_start3A_1748] : memref<5x128x128xf32, #tpu.memory_space<vmem>> -> memref<1x128x128xf32, #tpu.memory_space<vmem>>
    %dma_start3A_1750 = tpu.memref_squeeze %dma_start3A_1749 : memref<1x128x128xf32, #tpu.memory_space<vmem>> -> memref<128x128xf32, #tpu.memory_space<vmem>>
    %dma_start3A_1751 = arith.constant 0 : i32
    %dma_start3A_1752 = tpu.memref_slice %arg2[%min3A_1736, %dma_start3A_1751] : memref<100000x128xf32, #tpu.memory_space<hbm>> -> memref<128x128xf32, #tpu.memory_space<hbm>>
    tpu.enqueue_dma source(%dma_start3A_1752 : memref<128x128xf32, #tpu.memory_space<hbm>>) target(%dma_start3A_1750 : memref<128x128xf32, #tpu.memory_space<vmem>>) target_semaphore(%dma_start3A_1746 : memref<!tpu.dma_semaphore, #tpu.memory_space<semaphore_mem>>)
    %dma_wait3A_1753 = arith.constant 4 : i32
    %dma_wait3A_1754 = arith.constant 4 : i32
    %dma_wait3A_1755 = arith.constant 0 : i32
    %dma_wait3A_1756 = arith.constant 0 : i32
    %dma_wait3A_1757 = tpu.memref_slice %arg6[%dma_wait3A_1753, %dma_wait3A_1755, %dma_wait3A_1756] : memref<5x128x128xf32, #tpu.memory_space<vmem>> -> memref<1x128x128xf32, #tpu.memory_space<vmem>>
    %dma_wait3A_1758 = tpu.memref_squeeze %dma_wait3A_1757 : memref<1x128x128xf32, #tpu.memory_space<vmem>> -> memref<128x128xf32, #tpu.memory_space<vmem>>
    %dma_wait3A_1759 = arith.constant 0 : i32
    %dma_wait3A_1760 = tpu.memref_slice %arg2[%min3A_1472, %dma_wait3A_1759] : memref<100000x128xf32, #tpu.memory_space<hbm>> -> memref<128x128xf32, #tpu.memory_space<hbm>>
    %dma_wait3A_1761 = tpu.memref_slice %arg12[%dma_wait3A_1754] : memref<5x!tpu.dma_semaphore, #tpu.memory_space<semaphore_mem>> -> memref<1x!tpu.dma_semaphore, #tpu.memory_space<semaphore_mem>>
    %dma_wait3A_1762 = tpu.memref_squeeze %dma_wait3A_1761 : memref<1x!tpu.dma_semaphore, #tpu.memory_space<semaphore_mem>> -> memref<!tpu.dma_semaphore, #tpu.memory_space<semaphore_mem>>
    %dma_wait3A_1763 = arith.constant 0 : i32
    %dma_wait3A_1764 = arith.constant 0 : i32
    %dma_wait3A_1765 = tpu.memref_slice %arg6[%dma_wait3A_1753, %dma_wait3A_1763, %dma_wait3A_1764] : memref<5x128x128xf32, #tpu.memory_space<vmem>> -> memref<1x128x128xf32, #tpu.memory_space<vmem>>
    %dma_wait3A_1766 = tpu.memref_squeeze %dma_wait3A_1765 : memref<1x128x128xf32, #tpu.memory_space<vmem>> -> memref<128x128xf32, #tpu.memory_space<vmem>>
    %dma_wait3A_1767 = arith.constant 0 : i32
    %dma_wait3A_1768 = tpu.memref_slice %arg2[%min3A_1472, %dma_wait3A_1767] : memref<100000x128xf32, #tpu.memory_space<hbm>> -> memref<128x128xf32, #tpu.memory_space<hbm>>
    tpu.wait_dma2 semaphore(%dma_wait3A_1762 : memref<!tpu.dma_semaphore, #tpu.memory_space<semaphore_mem>>) src(%dma_wait3A_1768 : memref<128x128xf32, #tpu.memory_space<hbm>>) dst(%dma_wait3A_1766 : memref<128x128xf32, #tpu.memory_space<vmem>>)
    %dma_start3A_1769 = arith.constant 4 : i32
    %dma_start3A_1770 = arith.constant 19 : i32
    %dma_start3A_1771 = arith.constant 4 : i32
    %dma_start3A_1772 = arith.constant 0 : i32
    %dma_start3A_1773 = arith.constant 0 : i32
    %dma_start3A_1774 = tpu.memref_slice %arg6[%dma_start3A_1769, %dma_start3A_1772, %dma_start3A_1773] : memref<5x128x128xf32, #tpu.memory_space<vmem>> -> memref<1x128x128xf32, #tpu.memory_space<vmem>>
    %dma_start3A_1775 = tpu.memref_squeeze %dma_start3A_1774 : memref<1x128x128xf32, #tpu.memory_space<vmem>> -> memref<128x128xf32, #tpu.memory_space<vmem>>
    %dma_start3A_1776 = arith.constant 0 : i32
    %dma_start3A_1777 = tpu.memref_slice %arg7[%dma_start3A_1770, %dma_start3A_1776] : memref<25x128xi32, #tpu.memory_space<vmem>> -> memref<1x128xi32, #tpu.memory_space<vmem>>
    %dma_start3A_1778 = tpu.memref_squeeze %dma_start3A_1777 : memref<1x128xi32, #tpu.memory_space<vmem>> -> memref<128xi32, #tpu.memory_space<vmem>>
    %dma_start3A_1779 = arith.constant 0 : i32
    %dma_start3A_1780 = arith.constant 0 : i32
    %dma_start3A_1781 = tpu.memref_slice %arg10[%dma_start3A_1779, %dma_start3A_1780] : memref<520x128xf32, #tpu.memory_space<vmem_shared>> -> memref<520x128xf32, #tpu.memory_space<vmem_shared>>
    %dma_start3A_1782 = tpu.memref_slice %arg13[%dma_start3A_1771] : memref<5x!tpu.dma_semaphore, #tpu.memory_space<semaphore_mem>> -> memref<1x!tpu.dma_semaphore, #tpu.memory_space<semaphore_mem>>
    %dma_start3A_1783 = tpu.memref_squeeze %dma_start3A_1782 : memref<1x!tpu.dma_semaphore, #tpu.memory_space<semaphore_mem>> -> memref<!tpu.dma_semaphore, #tpu.memory_space<semaphore_mem>>
    tpu.enqueue_indirect_dma source(%dma_start3A_1775 : memref<128x128xf32, #tpu.memory_space<vmem>>) target(%dma_start3A_1781 : memref<520x128xf32, #tpu.memory_space<vmem_shared>>) offsets(%dma_start3A_1778 : memref<128xi32, #tpu.memory_space<vmem>>) semaphore(%dma_start3A_1783 : memref<!tpu.dma_semaphore, #tpu.memory_space<semaphore_mem>>) {add = true}
    %dma_start3A_1784 = arith.constant 19 : i32
    %dma_start3A_1785 = arith.constant 4 : i32
    %dma_start3A_1786 = arith.constant 0 : i32
    %dma_start3A_1787 = tpu.memref_slice %arg7[%dma_start3A_1784, %dma_start3A_1786] : memref<25x128xi32, #tpu.memory_space<vmem>> -> memref<1x128xi32, #tpu.memory_space<vmem>>
    %dma_start3A_1788 = tpu.memref_squeeze %dma_start3A_1787 : memref<1x128xi32, #tpu.memory_space<vmem>> -> memref<128xi32, #tpu.memory_space<vmem>>
    %dma_start3A_1789 = arith.constant 0 : i32
    %dma_start3A_1790 = arith.constant 0 : i32
    %dma_start3A_1791 = tpu.memref_slice %arg11[%dma_start3A_1789, %dma_start3A_1790] : memref<520x128xf32, #tpu.memory_space<vmem_shared>> -> memref<520x128xf32, #tpu.memory_space<vmem_shared>>
    %dma_start3A_1792 = tpu.memref_slice %arg14[%dma_start3A_1785] : memref<5x!tpu.dma_semaphore, #tpu.memory_space<semaphore_mem>> -> memref<1x!tpu.dma_semaphore, #tpu.memory_space<semaphore_mem>>
    %dma_start3A_1793 = tpu.memref_squeeze %dma_start3A_1792 : memref<1x!tpu.dma_semaphore, #tpu.memory_space<semaphore_mem>> -> memref<!tpu.dma_semaphore, #tpu.memory_space<semaphore_mem>>
    tpu.enqueue_indirect_dma source(%arg8 : memref<128x128xf32, #tpu.memory_space<vmem>>) target(%dma_start3A_1791 : memref<520x128xf32, #tpu.memory_space<vmem_shared>>) offsets(%dma_start3A_1788 : memref<128xi32, #tpu.memory_space<vmem>>) semaphore(%dma_start3A_1793 : memref<!tpu.dma_semaphore, #tpu.memory_space<semaphore_mem>>) {add = true}
    %dma_wait3A_1794 = arith.constant 3 : i32
    %dma_wait3A_1795 = arith.constant 18 : i32
    %dma_wait3A_1796 = arith.constant 3 : i32
    %dma_wait3A_1797 = arith.constant 0 : i32
    %dma_wait3A_1798 = arith.constant 0 : i32
    %dma_wait3A_1799 = tpu.memref_slice %arg6[%dma_wait3A_1794, %dma_wait3A_1797, %dma_wait3A_1798] : memref<5x128x128xf32, #tpu.memory_space<vmem>> -> memref<1x128x128xf32, #tpu.memory_space<vmem>>
    %dma_wait3A_1800 = tpu.memref_squeeze %dma_wait3A_1799 : memref<1x128x128xf32, #tpu.memory_space<vmem>> -> memref<128x128xf32, #tpu.memory_space<vmem>>
    %dma_wait3A_1801 = arith.constant 0 : i32
    %dma_wait3A_1802 = tpu.memref_slice %arg7[%dma_wait3A_1795, %dma_wait3A_1801] : memref<25x128xi32, #tpu.memory_space<vmem>> -> memref<1x128xi32, #tpu.memory_space<vmem>>
    %dma_wait3A_1803 = tpu.memref_squeeze %dma_wait3A_1802 : memref<1x128xi32, #tpu.memory_space<vmem>> -> memref<128xi32, #tpu.memory_space<vmem>>
    %dma_wait3A_1804 = arith.constant 0 : i32
    %dma_wait3A_1805 = arith.constant 0 : i32
    %dma_wait3A_1806 = tpu.memref_slice %arg10[%dma_wait3A_1804, %dma_wait3A_1805] : memref<520x128xf32, #tpu.memory_space<vmem_shared>> -> memref<520x128xf32, #tpu.memory_space<vmem_shared>>
    %dma_wait3A_1807 = tpu.memref_slice %arg13[%dma_wait3A_1796] : memref<5x!tpu.dma_semaphore, #tpu.memory_space<semaphore_mem>> -> memref<1x!tpu.dma_semaphore, #tpu.memory_space<semaphore_mem>>
    %dma_wait3A_1808 = tpu.memref_squeeze %dma_wait3A_1807 : memref<1x!tpu.dma_semaphore, #tpu.memory_space<semaphore_mem>> -> memref<!tpu.dma_semaphore, #tpu.memory_space<semaphore_mem>>
    tpu.wait_indirect_dma semaphore(%dma_wait3A_1808 : memref<!tpu.dma_semaphore, #tpu.memory_space<semaphore_mem>>) src(%dma_wait3A_1800 : memref<128x128xf32, #tpu.memory_space<vmem>>) dst(%dma_wait3A_1806 : memref<520x128xf32, #tpu.memory_space<vmem_shared>>)
    %dma_wait3A_1809 = arith.constant 18 : i32
    %dma_wait3A_1810 = arith.constant 3 : i32
    %dma_wait3A_1811 = arith.constant 0 : i32
    %dma_wait3A_1812 = tpu.memref_slice %arg7[%dma_wait3A_1809, %dma_wait3A_1811] : memref<25x128xi32, #tpu.memory_space<vmem>> -> memref<1x128xi32, #tpu.memory_space<vmem>>
    %dma_wait3A_1813 = tpu.memref_squeeze %dma_wait3A_1812 : memref<1x128xi32, #tpu.memory_space<vmem>> -> memref<128xi32, #tpu.memory_space<vmem>>
    %dma_wait3A_1814 = arith.constant 0 : i32
    %dma_wait3A_1815 = arith.constant 0 : i32
    %dma_wait3A_1816 = tpu.memref_slice %arg11[%dma_wait3A_1814, %dma_wait3A_1815] : memref<520x128xf32, #tpu.memory_space<vmem_shared>> -> memref<520x128xf32, #tpu.memory_space<vmem_shared>>
    %dma_wait3A_1817 = tpu.memref_slice %arg14[%dma_wait3A_1810] : memref<5x!tpu.dma_semaphore, #tpu.memory_space<semaphore_mem>> -> memref<1x!tpu.dma_semaphore, #tpu.memory_space<semaphore_mem>>
    %dma_wait3A_1818 = tpu.memref_squeeze %dma_wait3A_1817 : memref<1x!tpu.dma_semaphore, #tpu.memory_space<semaphore_mem>> -> memref<!tpu.dma_semaphore, #tpu.memory_space<semaphore_mem>>
    tpu.wait_indirect_dma semaphore(%dma_wait3A_1818 : memref<!tpu.dma_semaphore, #tpu.memory_space<semaphore_mem>>) src(%arg8 : memref<128x128xf32, #tpu.memory_space<vmem>>) dst(%dma_wait3A_1816 : memref<520x128xf32, #tpu.memory_space<vmem_shared>>)
    %add3A_1819 = arith.constant 736 : i32
    %add3A_1820 = arith.addi %add3A, %add3A_1819 : i32
    %mul3A_1821 = arith.constant 128 : i32
    %mul3A_1822 = arith.muli %add3A_1820, %mul3A_1821 : i32
    %min3A_1823 = arith.constant 99872 : i32
    %min3A_1824 = arith.minsi %mul3A_1822, %min3A_1823 : i32
    %dma_start3A_1825 = arith.constant 3 : i32
    %dma_start3A_1826 = arith.constant 3 : i32
    %dma_start3A_1827 = arith.constant 0 : i32
    %dma_start3A_1828 = arith.constant 0 : i32
    %dma_start3A_1829 = tpu.memref_slice %arg6[%dma_start3A_1825, %dma_start3A_1827, %dma_start3A_1828] : memref<5x128x128xf32, #tpu.memory_space<vmem>> -> memref<1x128x128xf32, #tpu.memory_space<vmem>>
    %dma_start3A_1830 = tpu.memref_squeeze %dma_start3A_1829 : memref<1x128x128xf32, #tpu.memory_space<vmem>> -> memref<128x128xf32, #tpu.memory_space<vmem>>
    %dma_start3A_1831 = arith.constant 0 : i32
    %dma_start3A_1832 = tpu.memref_slice %arg2[%min3A_1824, %dma_start3A_1831] : memref<100000x128xf32, #tpu.memory_space<hbm>> -> memref<128x128xf32, #tpu.memory_space<hbm>>
    %dma_start3A_1833 = tpu.memref_slice %arg12[%dma_start3A_1826] : memref<5x!tpu.dma_semaphore, #tpu.memory_space<semaphore_mem>> -> memref<1x!tpu.dma_semaphore, #tpu.memory_space<semaphore_mem>>
    %dma_start3A_1834 = tpu.memref_squeeze %dma_start3A_1833 : memref<1x!tpu.dma_semaphore, #tpu.memory_space<semaphore_mem>> -> memref<!tpu.dma_semaphore, #tpu.memory_space<semaphore_mem>>
    %dma_start3A_1835 = arith.constant 0 : i32
    %dma_start3A_1836 = arith.constant 0 : i32
    %dma_start3A_1837 = tpu.memref_slice %arg6[%dma_start3A_1825, %dma_start3A_1835, %dma_start3A_1836] : memref<5x128x128xf32, #tpu.memory_space<vmem>> -> memref<1x128x128xf32, #tpu.memory_space<vmem>>
    %dma_start3A_1838 = tpu.memref_squeeze %dma_start3A_1837 : memref<1x128x128xf32, #tpu.memory_space<vmem>> -> memref<128x128xf32, #tpu.memory_space<vmem>>
    %dma_start3A_1839 = arith.constant 0 : i32
    %dma_start3A_1840 = tpu.memref_slice %arg2[%min3A_1824, %dma_start3A_1839] : memref<100000x128xf32, #tpu.memory_space<hbm>> -> memref<128x128xf32, #tpu.memory_space<hbm>>
    tpu.enqueue_dma source(%dma_start3A_1840 : memref<128x128xf32, #tpu.memory_space<hbm>>) target(%dma_start3A_1838 : memref<128x128xf32, #tpu.memory_space<vmem>>) target_semaphore(%dma_start3A_1834 : memref<!tpu.dma_semaphore, #tpu.memory_space<semaphore_mem>>)
    %dma_wait3A_1841 = arith.constant 0 : i32
    %dma_wait3A_1842 = arith.constant 0 : i32
    %dma_wait3A_1843 = arith.constant 0 : i32
    %dma_wait3A_1844 = arith.constant 0 : i32
    %dma_wait3A_1845 = tpu.memref_slice %arg6[%dma_wait3A_1841, %dma_wait3A_1843, %dma_wait3A_1844] : memref<5x128x128xf32, #tpu.memory_space<vmem>> -> memref<1x128x128xf32, #tpu.memory_space<vmem>>
    %dma_wait3A_1846 = tpu.memref_squeeze %dma_wait3A_1845 : memref<1x128x128xf32, #tpu.memory_space<vmem>> -> memref<128x128xf32, #tpu.memory_space<vmem>>
    %dma_wait3A_1847 = arith.constant 0 : i32
    %dma_wait3A_1848 = tpu.memref_slice %arg2[%min3A_1560, %dma_wait3A_1847] : memref<100000x128xf32, #tpu.memory_space<hbm>> -> memref<128x128xf32, #tpu.memory_space<hbm>>
    %dma_wait3A_1849 = tpu.memref_slice %arg12[%dma_wait3A_1842] : memref<5x!tpu.dma_semaphore, #tpu.memory_space<semaphore_mem>> -> memref<1x!tpu.dma_semaphore, #tpu.memory_space<semaphore_mem>>
    %dma_wait3A_1850 = tpu.memref_squeeze %dma_wait3A_1849 : memref<1x!tpu.dma_semaphore, #tpu.memory_space<semaphore_mem>> -> memref<!tpu.dma_semaphore, #tpu.memory_space<semaphore_mem>>
    %dma_wait3A_1851 = arith.constant 0 : i32
    %dma_wait3A_1852 = arith.constant 0 : i32
    %dma_wait3A_1853 = tpu.memref_slice %arg6[%dma_wait3A_1841, %dma_wait3A_1851, %dma_wait3A_1852] : memref<5x128x128xf32, #tpu.memory_space<vmem>> -> memref<1x128x128xf32, #tpu.memory_space<vmem>>
    %dma_wait3A_1854 = tpu.memref_squeeze %dma_wait3A_1853 : memref<1x128x128xf32, #tpu.memory_space<vmem>> -> memref<128x128xf32, #tpu.memory_space<vmem>>
    %dma_wait3A_1855 = arith.constant 0 : i32
    %dma_wait3A_1856 = tpu.memref_slice %arg2[%min3A_1560, %dma_wait3A_1855] : memref<100000x128xf32, #tpu.memory_space<hbm>> -> memref<128x128xf32, #tpu.memory_space<hbm>>
    tpu.wait_dma2 semaphore(%dma_wait3A_1850 : memref<!tpu.dma_semaphore, #tpu.memory_space<semaphore_mem>>) src(%dma_wait3A_1856 : memref<128x128xf32, #tpu.memory_space<hbm>>) dst(%dma_wait3A_1854 : memref<128x128xf32, #tpu.memory_space<vmem>>)
    %dma_start3A_1857 = arith.constant 0 : i32
    %dma_start3A_1858 = arith.constant 20 : i32
    %dma_start3A_1859 = arith.constant 0 : i32
    %dma_start3A_1860 = arith.constant 0 : i32
    %dma_start3A_1861 = arith.constant 0 : i32
    %dma_start3A_1862 = tpu.memref_slice %arg6[%dma_start3A_1857, %dma_start3A_1860, %dma_start3A_1861] : memref<5x128x128xf32, #tpu.memory_space<vmem>> -> memref<1x128x128xf32, #tpu.memory_space<vmem>>
    %dma_start3A_1863 = tpu.memref_squeeze %dma_start3A_1862 : memref<1x128x128xf32, #tpu.memory_space<vmem>> -> memref<128x128xf32, #tpu.memory_space<vmem>>
    %dma_start3A_1864 = arith.constant 0 : i32
    %dma_start3A_1865 = tpu.memref_slice %arg7[%dma_start3A_1858, %dma_start3A_1864] : memref<25x128xi32, #tpu.memory_space<vmem>> -> memref<1x128xi32, #tpu.memory_space<vmem>>
    %dma_start3A_1866 = tpu.memref_squeeze %dma_start3A_1865 : memref<1x128xi32, #tpu.memory_space<vmem>> -> memref<128xi32, #tpu.memory_space<vmem>>
    %dma_start3A_1867 = arith.constant 0 : i32
    %dma_start3A_1868 = arith.constant 0 : i32
    %dma_start3A_1869 = tpu.memref_slice %arg10[%dma_start3A_1867, %dma_start3A_1868] : memref<520x128xf32, #tpu.memory_space<vmem_shared>> -> memref<520x128xf32, #tpu.memory_space<vmem_shared>>
    %dma_start3A_1870 = tpu.memref_slice %arg13[%dma_start3A_1859] : memref<5x!tpu.dma_semaphore, #tpu.memory_space<semaphore_mem>> -> memref<1x!tpu.dma_semaphore, #tpu.memory_space<semaphore_mem>>
    %dma_start3A_1871 = tpu.memref_squeeze %dma_start3A_1870 : memref<1x!tpu.dma_semaphore, #tpu.memory_space<semaphore_mem>> -> memref<!tpu.dma_semaphore, #tpu.memory_space<semaphore_mem>>
    tpu.enqueue_indirect_dma source(%dma_start3A_1863 : memref<128x128xf32, #tpu.memory_space<vmem>>) target(%dma_start3A_1869 : memref<520x128xf32, #tpu.memory_space<vmem_shared>>) offsets(%dma_start3A_1866 : memref<128xi32, #tpu.memory_space<vmem>>) semaphore(%dma_start3A_1871 : memref<!tpu.dma_semaphore, #tpu.memory_space<semaphore_mem>>) {add = true}
    %dma_start3A_1872 = arith.constant 20 : i32
    %dma_start3A_1873 = arith.constant 0 : i32
    %dma_start3A_1874 = arith.constant 0 : i32
    %dma_start3A_1875 = tpu.memref_slice %arg7[%dma_start3A_1872, %dma_start3A_1874] : memref<25x128xi32, #tpu.memory_space<vmem>> -> memref<1x128xi32, #tpu.memory_space<vmem>>
    %dma_start3A_1876 = tpu.memref_squeeze %dma_start3A_1875 : memref<1x128xi32, #tpu.memory_space<vmem>> -> memref<128xi32, #tpu.memory_space<vmem>>
    %dma_start3A_1877 = arith.constant 0 : i32
    %dma_start3A_1878 = arith.constant 0 : i32
    %dma_start3A_1879 = tpu.memref_slice %arg11[%dma_start3A_1877, %dma_start3A_1878] : memref<520x128xf32, #tpu.memory_space<vmem_shared>> -> memref<520x128xf32, #tpu.memory_space<vmem_shared>>
    %dma_start3A_1880 = tpu.memref_slice %arg14[%dma_start3A_1873] : memref<5x!tpu.dma_semaphore, #tpu.memory_space<semaphore_mem>> -> memref<1x!tpu.dma_semaphore, #tpu.memory_space<semaphore_mem>>
    %dma_start3A_1881 = tpu.memref_squeeze %dma_start3A_1880 : memref<1x!tpu.dma_semaphore, #tpu.memory_space<semaphore_mem>> -> memref<!tpu.dma_semaphore, #tpu.memory_space<semaphore_mem>>
    tpu.enqueue_indirect_dma source(%arg8 : memref<128x128xf32, #tpu.memory_space<vmem>>) target(%dma_start3A_1879 : memref<520x128xf32, #tpu.memory_space<vmem_shared>>) offsets(%dma_start3A_1876 : memref<128xi32, #tpu.memory_space<vmem>>) semaphore(%dma_start3A_1881 : memref<!tpu.dma_semaphore, #tpu.memory_space<semaphore_mem>>) {add = true}
    %dma_wait3A_1882 = arith.constant 4 : i32
    %dma_wait3A_1883 = arith.constant 19 : i32
    %dma_wait3A_1884 = arith.constant 4 : i32
    %dma_wait3A_1885 = arith.constant 0 : i32
    %dma_wait3A_1886 = arith.constant 0 : i32
    %dma_wait3A_1887 = tpu.memref_slice %arg6[%dma_wait3A_1882, %dma_wait3A_1885, %dma_wait3A_1886] : memref<5x128x128xf32, #tpu.memory_space<vmem>> -> memref<1x128x128xf32, #tpu.memory_space<vmem>>
    %dma_wait3A_1888 = tpu.memref_squeeze %dma_wait3A_1887 : memref<1x128x128xf32, #tpu.memory_space<vmem>> -> memref<128x128xf32, #tpu.memory_space<vmem>>
    %dma_wait3A_1889 = arith.constant 0 : i32
    %dma_wait3A_1890 = tpu.memref_slice %arg7[%dma_wait3A_1883, %dma_wait3A_1889] : memref<25x128xi32, #tpu.memory_space<vmem>> -> memref<1x128xi32, #tpu.memory_space<vmem>>
    %dma_wait3A_1891 = tpu.memref_squeeze %dma_wait3A_1890 : memref<1x128xi32, #tpu.memory_space<vmem>> -> memref<128xi32, #tpu.memory_space<vmem>>
    %dma_wait3A_1892 = arith.constant 0 : i32
    %dma_wait3A_1893 = arith.constant 0 : i32
    %dma_wait3A_1894 = tpu.memref_slice %arg10[%dma_wait3A_1892, %dma_wait3A_1893] : memref<520x128xf32, #tpu.memory_space<vmem_shared>> -> memref<520x128xf32, #tpu.memory_space<vmem_shared>>
    %dma_wait3A_1895 = tpu.memref_slice %arg13[%dma_wait3A_1884] : memref<5x!tpu.dma_semaphore, #tpu.memory_space<semaphore_mem>> -> memref<1x!tpu.dma_semaphore, #tpu.memory_space<semaphore_mem>>
    %dma_wait3A_1896 = tpu.memref_squeeze %dma_wait3A_1895 : memref<1x!tpu.dma_semaphore, #tpu.memory_space<semaphore_mem>> -> memref<!tpu.dma_semaphore, #tpu.memory_space<semaphore_mem>>
    tpu.wait_indirect_dma semaphore(%dma_wait3A_1896 : memref<!tpu.dma_semaphore, #tpu.memory_space<semaphore_mem>>) src(%dma_wait3A_1888 : memref<128x128xf32, #tpu.memory_space<vmem>>) dst(%dma_wait3A_1894 : memref<520x128xf32, #tpu.memory_space<vmem_shared>>)
    %dma_wait3A_1897 = arith.constant 19 : i32
    %dma_wait3A_1898 = arith.constant 4 : i32
    %dma_wait3A_1899 = arith.constant 0 : i32
    %dma_wait3A_1900 = tpu.memref_slice %arg7[%dma_wait3A_1897, %dma_wait3A_1899] : memref<25x128xi32, #tpu.memory_space<vmem>> -> memref<1x128xi32, #tpu.memory_space<vmem>>
    %dma_wait3A_1901 = tpu.memref_squeeze %dma_wait3A_1900 : memref<1x128xi32, #tpu.memory_space<vmem>> -> memref<128xi32, #tpu.memory_space<vmem>>
    %dma_wait3A_1902 = arith.constant 0 : i32
    %dma_wait3A_1903 = arith.constant 0 : i32
    %dma_wait3A_1904 = tpu.memref_slice %arg11[%dma_wait3A_1902, %dma_wait3A_1903] : memref<520x128xf32, #tpu.memory_space<vmem_shared>> -> memref<520x128xf32, #tpu.memory_space<vmem_shared>>
    %dma_wait3A_1905 = tpu.memref_slice %arg14[%dma_wait3A_1898] : memref<5x!tpu.dma_semaphore, #tpu.memory_space<semaphore_mem>> -> memref<1x!tpu.dma_semaphore, #tpu.memory_space<semaphore_mem>>
    %dma_wait3A_1906 = tpu.memref_squeeze %dma_wait3A_1905 : memref<1x!tpu.dma_semaphore, #tpu.memory_space<semaphore_mem>> -> memref<!tpu.dma_semaphore, #tpu.memory_space<semaphore_mem>>
    tpu.wait_indirect_dma semaphore(%dma_wait3A_1906 : memref<!tpu.dma_semaphore, #tpu.memory_space<semaphore_mem>>) src(%arg8 : memref<128x128xf32, #tpu.memory_space<vmem>>) dst(%dma_wait3A_1904 : memref<520x128xf32, #tpu.memory_space<vmem_shared>>)
    %add3A_1907 = arith.constant 768 : i32
    %add3A_1908 = arith.addi %add3A, %add3A_1907 : i32
    %mul3A_1909 = arith.constant 128 : i32
    %mul3A_1910 = arith.muli %add3A_1908, %mul3A_1909 : i32
    %min3A_1911 = arith.constant 99872 : i32
    %min3A_1912 = arith.minsi %mul3A_1910, %min3A_1911 : i32
    %dma_start3A_1913 = arith.constant 4 : i32
    %dma_start3A_1914 = arith.constant 4 : i32
    %dma_start3A_1915 = arith.constant 0 : i32
    %dma_start3A_1916 = arith.constant 0 : i32
    %dma_start3A_1917 = tpu.memref_slice %arg6[%dma_start3A_1913, %dma_start3A_1915, %dma_start3A_1916] : memref<5x128x128xf32, #tpu.memory_space<vmem>> -> memref<1x128x128xf32, #tpu.memory_space<vmem>>
    %dma_start3A_1918 = tpu.memref_squeeze %dma_start3A_1917 : memref<1x128x128xf32, #tpu.memory_space<vmem>> -> memref<128x128xf32, #tpu.memory_space<vmem>>
    %dma_start3A_1919 = arith.constant 0 : i32
    %dma_start3A_1920 = tpu.memref_slice %arg2[%min3A_1912, %dma_start3A_1919] : memref<100000x128xf32, #tpu.memory_space<hbm>> -> memref<128x128xf32, #tpu.memory_space<hbm>>
    %dma_start3A_1921 = tpu.memref_slice %arg12[%dma_start3A_1914] : memref<5x!tpu.dma_semaphore, #tpu.memory_space<semaphore_mem>> -> memref<1x!tpu.dma_semaphore, #tpu.memory_space<semaphore_mem>>
    %dma_start3A_1922 = tpu.memref_squeeze %dma_start3A_1921 : memref<1x!tpu.dma_semaphore, #tpu.memory_space<semaphore_mem>> -> memref<!tpu.dma_semaphore, #tpu.memory_space<semaphore_mem>>
    %dma_start3A_1923 = arith.constant 0 : i32
    %dma_start3A_1924 = arith.constant 0 : i32
    %dma_start3A_1925 = tpu.memref_slice %arg6[%dma_start3A_1913, %dma_start3A_1923, %dma_start3A_1924] : memref<5x128x128xf32, #tpu.memory_space<vmem>> -> memref<1x128x128xf32, #tpu.memory_space<vmem>>
    %dma_start3A_1926 = tpu.memref_squeeze %dma_start3A_1925 : memref<1x128x128xf32, #tpu.memory_space<vmem>> -> memref<128x128xf32, #tpu.memory_space<vmem>>
    %dma_start3A_1927 = arith.constant 0 : i32
    %dma_start3A_1928 = tpu.memref_slice %arg2[%min3A_1912, %dma_start3A_1927] : memref<100000x128xf32, #tpu.memory_space<hbm>> -> memref<128x128xf32, #tpu.memory_space<hbm>>
    tpu.enqueue_dma source(%dma_start3A_1928 : memref<128x128xf32, #tpu.memory_space<hbm>>) target(%dma_start3A_1926 : memref<128x128xf32, #tpu.memory_space<vmem>>) target_semaphore(%dma_start3A_1922 : memref<!tpu.dma_semaphore, #tpu.memory_space<semaphore_mem>>)
    %dma_wait3A_1929 = arith.constant 1 : i32
    %dma_wait3A_1930 = arith.constant 1 : i32
    %dma_wait3A_1931 = arith.constant 0 : i32
    %dma_wait3A_1932 = arith.constant 0 : i32
    %dma_wait3A_1933 = tpu.memref_slice %arg6[%dma_wait3A_1929, %dma_wait3A_1931, %dma_wait3A_1932] : memref<5x128x128xf32, #tpu.memory_space<vmem>> -> memref<1x128x128xf32, #tpu.memory_space<vmem>>
    %dma_wait3A_1934 = tpu.memref_squeeze %dma_wait3A_1933 : memref<1x128x128xf32, #tpu.memory_space<vmem>> -> memref<128x128xf32, #tpu.memory_space<vmem>>
    %dma_wait3A_1935 = arith.constant 0 : i32
    %dma_wait3A_1936 = tpu.memref_slice %arg2[%min3A_1648, %dma_wait3A_1935] : memref<100000x128xf32, #tpu.memory_space<hbm>> -> memref<128x128xf32, #tpu.memory_space<hbm>>
    %dma_wait3A_1937 = tpu.memref_slice %arg12[%dma_wait3A_1930] : memref<5x!tpu.dma_semaphore, #tpu.memory_space<semaphore_mem>> -> memref<1x!tpu.dma_semaphore, #tpu.memory_space<semaphore_mem>>
    %dma_wait3A_1938 = tpu.memref_squeeze %dma_wait3A_1937 : memref<1x!tpu.dma_semaphore, #tpu.memory_space<semaphore_mem>> -> memref<!tpu.dma_semaphore, #tpu.memory_space<semaphore_mem>>
    %dma_wait3A_1939 = arith.constant 0 : i32
    %dma_wait3A_1940 = arith.constant 0 : i32
    %dma_wait3A_1941 = tpu.memref_slice %arg6[%dma_wait3A_1929, %dma_wait3A_1939, %dma_wait3A_1940] : memref<5x128x128xf32, #tpu.memory_space<vmem>> -> memref<1x128x128xf32, #tpu.memory_space<vmem>>
    %dma_wait3A_1942 = tpu.memref_squeeze %dma_wait3A_1941 : memref<1x128x128xf32, #tpu.memory_space<vmem>> -> memref<128x128xf32, #tpu.memory_space<vmem>>
    %dma_wait3A_1943 = arith.constant 0 : i32
    %dma_wait3A_1944 = tpu.memref_slice %arg2[%min3A_1648, %dma_wait3A_1943] : memref<100000x128xf32, #tpu.memory_space<hbm>> -> memref<128x128xf32, #tpu.memory_space<hbm>>
    tpu.wait_dma2 semaphore(%dma_wait3A_1938 : memref<!tpu.dma_semaphore, #tpu.memory_space<semaphore_mem>>) src(%dma_wait3A_1944 : memref<128x128xf32, #tpu.memory_space<hbm>>) dst(%dma_wait3A_1942 : memref<128x128xf32, #tpu.memory_space<vmem>>)
    %dma_start3A_1945 = arith.constant 1 : i32
    %dma_start3A_1946 = arith.constant 21 : i32
    %dma_start3A_1947 = arith.constant 1 : i32
    %dma_start3A_1948 = arith.constant 0 : i32
    %dma_start3A_1949 = arith.constant 0 : i32
    %dma_start3A_1950 = tpu.memref_slice %arg6[%dma_start3A_1945, %dma_start3A_1948, %dma_start3A_1949] : memref<5x128x128xf32, #tpu.memory_space<vmem>> -> memref<1x128x128xf32, #tpu.memory_space<vmem>>
    %dma_start3A_1951 = tpu.memref_squeeze %dma_start3A_1950 : memref<1x128x128xf32, #tpu.memory_space<vmem>> -> memref<128x128xf32, #tpu.memory_space<vmem>>
    %dma_start3A_1952 = arith.constant 0 : i32
    %dma_start3A_1953 = tpu.memref_slice %arg7[%dma_start3A_1946, %dma_start3A_1952] : memref<25x128xi32, #tpu.memory_space<vmem>> -> memref<1x128xi32, #tpu.memory_space<vmem>>
    %dma_start3A_1954 = tpu.memref_squeeze %dma_start3A_1953 : memref<1x128xi32, #tpu.memory_space<vmem>> -> memref<128xi32, #tpu.memory_space<vmem>>
    %dma_start3A_1955 = arith.constant 0 : i32
    %dma_start3A_1956 = arith.constant 0 : i32
    %dma_start3A_1957 = tpu.memref_slice %arg10[%dma_start3A_1955, %dma_start3A_1956] : memref<520x128xf32, #tpu.memory_space<vmem_shared>> -> memref<520x128xf32, #tpu.memory_space<vmem_shared>>
    %dma_start3A_1958 = tpu.memref_slice %arg13[%dma_start3A_1947] : memref<5x!tpu.dma_semaphore, #tpu.memory_space<semaphore_mem>> -> memref<1x!tpu.dma_semaphore, #tpu.memory_space<semaphore_mem>>
    %dma_start3A_1959 = tpu.memref_squeeze %dma_start3A_1958 : memref<1x!tpu.dma_semaphore, #tpu.memory_space<semaphore_mem>> -> memref<!tpu.dma_semaphore, #tpu.memory_space<semaphore_mem>>
    tpu.enqueue_indirect_dma source(%dma_start3A_1951 : memref<128x128xf32, #tpu.memory_space<vmem>>) target(%dma_start3A_1957 : memref<520x128xf32, #tpu.memory_space<vmem_shared>>) offsets(%dma_start3A_1954 : memref<128xi32, #tpu.memory_space<vmem>>) semaphore(%dma_start3A_1959 : memref<!tpu.dma_semaphore, #tpu.memory_space<semaphore_mem>>) {add = true}
    %dma_start3A_1960 = arith.constant 21 : i32
    %dma_start3A_1961 = arith.constant 1 : i32
    %dma_start3A_1962 = arith.constant 0 : i32
    %dma_start3A_1963 = tpu.memref_slice %arg7[%dma_start3A_1960, %dma_start3A_1962] : memref<25x128xi32, #tpu.memory_space<vmem>> -> memref<1x128xi32, #tpu.memory_space<vmem>>
    %dma_start3A_1964 = tpu.memref_squeeze %dma_start3A_1963 : memref<1x128xi32, #tpu.memory_space<vmem>> -> memref<128xi32, #tpu.memory_space<vmem>>
    %dma_start3A_1965 = arith.constant 0 : i32
    %dma_start3A_1966 = arith.constant 0 : i32
    %dma_start3A_1967 = tpu.memref_slice %arg11[%dma_start3A_1965, %dma_start3A_1966] : memref<520x128xf32, #tpu.memory_space<vmem_shared>> -> memref<520x128xf32, #tpu.memory_space<vmem_shared>>
    %dma_start3A_1968 = tpu.memref_slice %arg14[%dma_start3A_1961] : memref<5x!tpu.dma_semaphore, #tpu.memory_space<semaphore_mem>> -> memref<1x!tpu.dma_semaphore, #tpu.memory_space<semaphore_mem>>
    %dma_start3A_1969 = tpu.memref_squeeze %dma_start3A_1968 : memref<1x!tpu.dma_semaphore, #tpu.memory_space<semaphore_mem>> -> memref<!tpu.dma_semaphore, #tpu.memory_space<semaphore_mem>>
    tpu.enqueue_indirect_dma source(%arg8 : memref<128x128xf32, #tpu.memory_space<vmem>>) target(%dma_start3A_1967 : memref<520x128xf32, #tpu.memory_space<vmem_shared>>) offsets(%dma_start3A_1964 : memref<128xi32, #tpu.memory_space<vmem>>) semaphore(%dma_start3A_1969 : memref<!tpu.dma_semaphore, #tpu.memory_space<semaphore_mem>>) {add = true}
    %dma_wait3A_1970 = arith.constant 2 : i32
    %dma_wait3A_1971 = arith.constant 2 : i32
    %dma_wait3A_1972 = arith.constant 0 : i32
    %dma_wait3A_1973 = arith.constant 0 : i32
    %dma_wait3A_1974 = tpu.memref_slice %arg6[%dma_wait3A_1970, %dma_wait3A_1972, %dma_wait3A_1973] : memref<5x128x128xf32, #tpu.memory_space<vmem>> -> memref<1x128x128xf32, #tpu.memory_space<vmem>>
    %dma_wait3A_1975 = tpu.memref_squeeze %dma_wait3A_1974 : memref<1x128x128xf32, #tpu.memory_space<vmem>> -> memref<128x128xf32, #tpu.memory_space<vmem>>
    %dma_wait3A_1976 = arith.constant 0 : i32
    %dma_wait3A_1977 = tpu.memref_slice %arg2[%min3A_1736, %dma_wait3A_1976] : memref<100000x128xf32, #tpu.memory_space<hbm>> -> memref<128x128xf32, #tpu.memory_space<hbm>>
    %dma_wait3A_1978 = tpu.memref_slice %arg12[%dma_wait3A_1971] : memref<5x!tpu.dma_semaphore, #tpu.memory_space<semaphore_mem>> -> memref<1x!tpu.dma_semaphore, #tpu.memory_space<semaphore_mem>>
    %dma_wait3A_1979 = tpu.memref_squeeze %dma_wait3A_1978 : memref<1x!tpu.dma_semaphore, #tpu.memory_space<semaphore_mem>> -> memref<!tpu.dma_semaphore, #tpu.memory_space<semaphore_mem>>
    %dma_wait3A_1980 = arith.constant 0 : i32
    %dma_wait3A_1981 = arith.constant 0 : i32
    %dma_wait3A_1982 = tpu.memref_slice %arg6[%dma_wait3A_1970, %dma_wait3A_1980, %dma_wait3A_1981] : memref<5x128x128xf32, #tpu.memory_space<vmem>> -> memref<1x128x128xf32, #tpu.memory_space<vmem>>
    %dma_wait3A_1983 = tpu.memref_squeeze %dma_wait3A_1982 : memref<1x128x128xf32, #tpu.memory_space<vmem>> -> memref<128x128xf32, #tpu.memory_space<vmem>>
    %dma_wait3A_1984 = arith.constant 0 : i32
    %dma_wait3A_1985 = tpu.memref_slice %arg2[%min3A_1736, %dma_wait3A_1984] : memref<100000x128xf32, #tpu.memory_space<hbm>> -> memref<128x128xf32, #tpu.memory_space<hbm>>
    tpu.wait_dma2 semaphore(%dma_wait3A_1979 : memref<!tpu.dma_semaphore, #tpu.memory_space<semaphore_mem>>) src(%dma_wait3A_1985 : memref<128x128xf32, #tpu.memory_space<hbm>>) dst(%dma_wait3A_1983 : memref<128x128xf32, #tpu.memory_space<vmem>>)
    %dma_start3A_1986 = arith.constant 2 : i32
    %dma_start3A_1987 = arith.constant 22 : i32
    %dma_start3A_1988 = arith.constant 2 : i32
    %dma_start3A_1989 = arith.constant 0 : i32
    %dma_start3A_1990 = arith.constant 0 : i32
    %dma_start3A_1991 = tpu.memref_slice %arg6[%dma_start3A_1986, %dma_start3A_1989, %dma_start3A_1990] : memref<5x128x128xf32, #tpu.memory_space<vmem>> -> memref<1x128x128xf32, #tpu.memory_space<vmem>>
    %dma_start3A_1992 = tpu.memref_squeeze %dma_start3A_1991 : memref<1x128x128xf32, #tpu.memory_space<vmem>> -> memref<128x128xf32, #tpu.memory_space<vmem>>
    %dma_start3A_1993 = arith.constant 0 : i32
    %dma_start3A_1994 = tpu.memref_slice %arg7[%dma_start3A_1987, %dma_start3A_1993] : memref<25x128xi32, #tpu.memory_space<vmem>> -> memref<1x128xi32, #tpu.memory_space<vmem>>
    %dma_start3A_1995 = tpu.memref_squeeze %dma_start3A_1994 : memref<1x128xi32, #tpu.memory_space<vmem>> -> memref<128xi32, #tpu.memory_space<vmem>>
    %dma_start3A_1996 = arith.constant 0 : i32
    %dma_start3A_1997 = arith.constant 0 : i32
    %dma_start3A_1998 = tpu.memref_slice %arg10[%dma_start3A_1996, %dma_start3A_1997] : memref<520x128xf32, #tpu.memory_space<vmem_shared>> -> memref<520x128xf32, #tpu.memory_space<vmem_shared>>
    %dma_start3A_1999 = tpu.memref_slice %arg13[%dma_start3A_1988] : memref<5x!tpu.dma_semaphore, #tpu.memory_space<semaphore_mem>> -> memref<1x!tpu.dma_semaphore, #tpu.memory_space<semaphore_mem>>
    %dma_start3A_2000 = tpu.memref_squeeze %dma_start3A_1999 : memref<1x!tpu.dma_semaphore, #tpu.memory_space<semaphore_mem>> -> memref<!tpu.dma_semaphore, #tpu.memory_space<semaphore_mem>>
    tpu.enqueue_indirect_dma source(%dma_start3A_1992 : memref<128x128xf32, #tpu.memory_space<vmem>>) target(%dma_start3A_1998 : memref<520x128xf32, #tpu.memory_space<vmem_shared>>) offsets(%dma_start3A_1995 : memref<128xi32, #tpu.memory_space<vmem>>) semaphore(%dma_start3A_2000 : memref<!tpu.dma_semaphore, #tpu.memory_space<semaphore_mem>>) {add = true}
    %dma_start3A_2001 = arith.constant 22 : i32
    %dma_start3A_2002 = arith.constant 2 : i32
    %dma_start3A_2003 = arith.constant 0 : i32
    %dma_start3A_2004 = tpu.memref_slice %arg7[%dma_start3A_2001, %dma_start3A_2003] : memref<25x128xi32, #tpu.memory_space<vmem>> -> memref<1x128xi32, #tpu.memory_space<vmem>>
    %dma_start3A_2005 = tpu.memref_squeeze %dma_start3A_2004 : memref<1x128xi32, #tpu.memory_space<vmem>> -> memref<128xi32, #tpu.memory_space<vmem>>
    %dma_start3A_2006 = arith.constant 0 : i32
    %dma_start3A_2007 = arith.constant 0 : i32
    %dma_start3A_2008 = tpu.memref_slice %arg11[%dma_start3A_2006, %dma_start3A_2007] : memref<520x128xf32, #tpu.memory_space<vmem_shared>> -> memref<520x128xf32, #tpu.memory_space<vmem_shared>>
    %dma_start3A_2009 = tpu.memref_slice %arg14[%dma_start3A_2002] : memref<5x!tpu.dma_semaphore, #tpu.memory_space<semaphore_mem>> -> memref<1x!tpu.dma_semaphore, #tpu.memory_space<semaphore_mem>>
    %dma_start3A_2010 = tpu.memref_squeeze %dma_start3A_2009 : memref<1x!tpu.dma_semaphore, #tpu.memory_space<semaphore_mem>> -> memref<!tpu.dma_semaphore, #tpu.memory_space<semaphore_mem>>
    tpu.enqueue_indirect_dma source(%arg8 : memref<128x128xf32, #tpu.memory_space<vmem>>) target(%dma_start3A_2008 : memref<520x128xf32, #tpu.memory_space<vmem_shared>>) offsets(%dma_start3A_2005 : memref<128xi32, #tpu.memory_space<vmem>>) semaphore(%dma_start3A_2010 : memref<!tpu.dma_semaphore, #tpu.memory_space<semaphore_mem>>) {add = true}
    %dma_wait3A_2011 = arith.constant 3 : i32
    %dma_wait3A_2012 = arith.constant 3 : i32
    %dma_wait3A_2013 = arith.constant 0 : i32
    %dma_wait3A_2014 = arith.constant 0 : i32
    %dma_wait3A_2015 = tpu.memref_slice %arg6[%dma_wait3A_2011, %dma_wait3A_2013, %dma_wait3A_2014] : memref<5x128x128xf32, #tpu.memory_space<vmem>> -> memref<1x128x128xf32, #tpu.memory_space<vmem>>
    %dma_wait3A_2016 = tpu.memref_squeeze %dma_wait3A_2015 : memref<1x128x128xf32, #tpu.memory_space<vmem>> -> memref<128x128xf32, #tpu.memory_space<vmem>>
    %dma_wait3A_2017 = arith.constant 0 : i32
    %dma_wait3A_2018 = tpu.memref_slice %arg2[%min3A_1824, %dma_wait3A_2017] : memref<100000x128xf32, #tpu.memory_space<hbm>> -> memref<128x128xf32, #tpu.memory_space<hbm>>
    %dma_wait3A_2019 = tpu.memref_slice %arg12[%dma_wait3A_2012] : memref<5x!tpu.dma_semaphore, #tpu.memory_space<semaphore_mem>> -> memref<1x!tpu.dma_semaphore, #tpu.memory_space<semaphore_mem>>
    %dma_wait3A_2020 = tpu.memref_squeeze %dma_wait3A_2019 : memref<1x!tpu.dma_semaphore, #tpu.memory_space<semaphore_mem>> -> memref<!tpu.dma_semaphore, #tpu.memory_space<semaphore_mem>>
    %dma_wait3A_2021 = arith.constant 0 : i32
    %dma_wait3A_2022 = arith.constant 0 : i32
    %dma_wait3A_2023 = tpu.memref_slice %arg6[%dma_wait3A_2011, %dma_wait3A_2021, %dma_wait3A_2022] : memref<5x128x128xf32, #tpu.memory_space<vmem>> -> memref<1x128x128xf32, #tpu.memory_space<vmem>>
    %dma_wait3A_2024 = tpu.memref_squeeze %dma_wait3A_2023 : memref<1x128x128xf32, #tpu.memory_space<vmem>> -> memref<128x128xf32, #tpu.memory_space<vmem>>
    %dma_wait3A_2025 = arith.constant 0 : i32
    %dma_wait3A_2026 = tpu.memref_slice %arg2[%min3A_1824, %dma_wait3A_2025] : memref<100000x128xf32, #tpu.memory_space<hbm>> -> memref<128x128xf32, #tpu.memory_space<hbm>>
    tpu.wait_dma2 semaphore(%dma_wait3A_2020 : memref<!tpu.dma_semaphore, #tpu.memory_space<semaphore_mem>>) src(%dma_wait3A_2026 : memref<128x128xf32, #tpu.memory_space<hbm>>) dst(%dma_wait3A_2024 : memref<128x128xf32, #tpu.memory_space<vmem>>)
    %dma_start3A_2027 = arith.constant 3 : i32
    %dma_start3A_2028 = arith.constant 23 : i32
    %dma_start3A_2029 = arith.constant 3 : i32
    %dma_start3A_2030 = arith.constant 0 : i32
    %dma_start3A_2031 = arith.constant 0 : i32
    %dma_start3A_2032 = tpu.memref_slice %arg6[%dma_start3A_2027, %dma_start3A_2030, %dma_start3A_2031] : memref<5x128x128xf32, #tpu.memory_space<vmem>> -> memref<1x128x128xf32, #tpu.memory_space<vmem>>
    %dma_start3A_2033 = tpu.memref_squeeze %dma_start3A_2032 : memref<1x128x128xf32, #tpu.memory_space<vmem>> -> memref<128x128xf32, #tpu.memory_space<vmem>>
    %dma_start3A_2034 = arith.constant 0 : i32
    %dma_start3A_2035 = tpu.memref_slice %arg7[%dma_start3A_2028, %dma_start3A_2034] : memref<25x128xi32, #tpu.memory_space<vmem>> -> memref<1x128xi32, #tpu.memory_space<vmem>>
    %dma_start3A_2036 = tpu.memref_squeeze %dma_start3A_2035 : memref<1x128xi32, #tpu.memory_space<vmem>> -> memref<128xi32, #tpu.memory_space<vmem>>
    %dma_start3A_2037 = arith.constant 0 : i32
    %dma_start3A_2038 = arith.constant 0 : i32
    %dma_start3A_2039 = tpu.memref_slice %arg10[%dma_start3A_2037, %dma_start3A_2038] : memref<520x128xf32, #tpu.memory_space<vmem_shared>> -> memref<520x128xf32, #tpu.memory_space<vmem_shared>>
    %dma_start3A_2040 = tpu.memref_slice %arg13[%dma_start3A_2029] : memref<5x!tpu.dma_semaphore, #tpu.memory_space<semaphore_mem>> -> memref<1x!tpu.dma_semaphore, #tpu.memory_space<semaphore_mem>>
    %dma_start3A_2041 = tpu.memref_squeeze %dma_start3A_2040 : memref<1x!tpu.dma_semaphore, #tpu.memory_space<semaphore_mem>> -> memref<!tpu.dma_semaphore, #tpu.memory_space<semaphore_mem>>
    tpu.enqueue_indirect_dma source(%dma_start3A_2033 : memref<128x128xf32, #tpu.memory_space<vmem>>) target(%dma_start3A_2039 : memref<520x128xf32, #tpu.memory_space<vmem_shared>>) offsets(%dma_start3A_2036 : memref<128xi32, #tpu.memory_space<vmem>>) semaphore(%dma_start3A_2041 : memref<!tpu.dma_semaphore, #tpu.memory_space<semaphore_mem>>) {add = true}
    %dma_start3A_2042 = arith.constant 23 : i32
    %dma_start3A_2043 = arith.constant 3 : i32
    %dma_start3A_2044 = arith.constant 0 : i32
    %dma_start3A_2045 = tpu.memref_slice %arg7[%dma_start3A_2042, %dma_start3A_2044] : memref<25x128xi32, #tpu.memory_space<vmem>> -> memref<1x128xi32, #tpu.memory_space<vmem>>
    %dma_start3A_2046 = tpu.memref_squeeze %dma_start3A_2045 : memref<1x128xi32, #tpu.memory_space<vmem>> -> memref<128xi32, #tpu.memory_space<vmem>>
    %dma_start3A_2047 = arith.constant 0 : i32
    %dma_start3A_2048 = arith.constant 0 : i32
    %dma_start3A_2049 = tpu.memref_slice %arg11[%dma_start3A_2047, %dma_start3A_2048] : memref<520x128xf32, #tpu.memory_space<vmem_shared>> -> memref<520x128xf32, #tpu.memory_space<vmem_shared>>
    %dma_start3A_2050 = tpu.memref_slice %arg14[%dma_start3A_2043] : memref<5x!tpu.dma_semaphore, #tpu.memory_space<semaphore_mem>> -> memref<1x!tpu.dma_semaphore, #tpu.memory_space<semaphore_mem>>
    %dma_start3A_2051 = tpu.memref_squeeze %dma_start3A_2050 : memref<1x!tpu.dma_semaphore, #tpu.memory_space<semaphore_mem>> -> memref<!tpu.dma_semaphore, #tpu.memory_space<semaphore_mem>>
    tpu.enqueue_indirect_dma source(%arg8 : memref<128x128xf32, #tpu.memory_space<vmem>>) target(%dma_start3A_2049 : memref<520x128xf32, #tpu.memory_space<vmem_shared>>) offsets(%dma_start3A_2046 : memref<128xi32, #tpu.memory_space<vmem>>) semaphore(%dma_start3A_2051 : memref<!tpu.dma_semaphore, #tpu.memory_space<semaphore_mem>>) {add = true}
    %dma_wait3A_2052 = arith.constant 4 : i32
    %dma_wait3A_2053 = arith.constant 4 : i32
    %dma_wait3A_2054 = arith.constant 0 : i32
    %dma_wait3A_2055 = arith.constant 0 : i32
    %dma_wait3A_2056 = tpu.memref_slice %arg6[%dma_wait3A_2052, %dma_wait3A_2054, %dma_wait3A_2055] : memref<5x128x128xf32, #tpu.memory_space<vmem>> -> memref<1x128x128xf32, #tpu.memory_space<vmem>>
    %dma_wait3A_2057 = tpu.memref_squeeze %dma_wait3A_2056 : memref<1x128x128xf32, #tpu.memory_space<vmem>> -> memref<128x128xf32, #tpu.memory_space<vmem>>
    %dma_wait3A_2058 = arith.constant 0 : i32
    %dma_wait3A_2059 = tpu.memref_slice %arg2[%min3A_1912, %dma_wait3A_2058] : memref<100000x128xf32, #tpu.memory_space<hbm>> -> memref<128x128xf32, #tpu.memory_space<hbm>>
    %dma_wait3A_2060 = tpu.memref_slice %arg12[%dma_wait3A_2053] : memref<5x!tpu.dma_semaphore, #tpu.memory_space<semaphore_mem>> -> memref<1x!tpu.dma_semaphore, #tpu.memory_space<semaphore_mem>>
    %dma_wait3A_2061 = tpu.memref_squeeze %dma_wait3A_2060 : memref<1x!tpu.dma_semaphore, #tpu.memory_space<semaphore_mem>> -> memref<!tpu.dma_semaphore, #tpu.memory_space<semaphore_mem>>
    %dma_wait3A_2062 = arith.constant 0 : i32
    %dma_wait3A_2063 = arith.constant 0 : i32
    %dma_wait3A_2064 = tpu.memref_slice %arg6[%dma_wait3A_2052, %dma_wait3A_2062, %dma_wait3A_2063] : memref<5x128x128xf32, #tpu.memory_space<vmem>> -> memref<1x128x128xf32, #tpu.memory_space<vmem>>
    %dma_wait3A_2065 = tpu.memref_squeeze %dma_wait3A_2064 : memref<1x128x128xf32, #tpu.memory_space<vmem>> -> memref<128x128xf32, #tpu.memory_space<vmem>>
    %dma_wait3A_2066 = arith.constant 0 : i32
    %dma_wait3A_2067 = tpu.memref_slice %arg2[%min3A_1912, %dma_wait3A_2066] : memref<100000x128xf32, #tpu.memory_space<hbm>> -> memref<128x128xf32, #tpu.memory_space<hbm>>
    tpu.wait_dma2 semaphore(%dma_wait3A_2061 : memref<!tpu.dma_semaphore, #tpu.memory_space<semaphore_mem>>) src(%dma_wait3A_2067 : memref<128x128xf32, #tpu.memory_space<hbm>>) dst(%dma_wait3A_2065 : memref<128x128xf32, #tpu.memory_space<vmem>>)
    %dma_start3A_2068 = arith.constant 4 : i32
    %dma_start3A_2069 = arith.constant 24 : i32
    %dma_start3A_2070 = arith.constant 4 : i32
    %dma_start3A_2071 = arith.constant 0 : i32
    %dma_start3A_2072 = arith.constant 0 : i32
    %dma_start3A_2073 = tpu.memref_slice %arg6[%dma_start3A_2068, %dma_start3A_2071, %dma_start3A_2072] : memref<5x128x128xf32, #tpu.memory_space<vmem>> -> memref<1x128x128xf32, #tpu.memory_space<vmem>>
    %dma_start3A_2074 = tpu.memref_squeeze %dma_start3A_2073 : memref<1x128x128xf32, #tpu.memory_space<vmem>> -> memref<128x128xf32, #tpu.memory_space<vmem>>
    %dma_start3A_2075 = arith.constant 0 : i32
    %dma_start3A_2076 = tpu.memref_slice %arg7[%dma_start3A_2069, %dma_start3A_2075] : memref<25x128xi32, #tpu.memory_space<vmem>> -> memref<1x128xi32, #tpu.memory_space<vmem>>
    %dma_start3A_2077 = tpu.memref_squeeze %dma_start3A_2076 : memref<1x128xi32, #tpu.memory_space<vmem>> -> memref<128xi32, #tpu.memory_space<vmem>>
    %dma_start3A_2078 = arith.constant 0 : i32
    %dma_start3A_2079 = arith.constant 0 : i32
    %dma_start3A_2080 = tpu.memref_slice %arg10[%dma_start3A_2078, %dma_start3A_2079] : memref<520x128xf32, #tpu.memory_space<vmem_shared>> -> memref<520x128xf32, #tpu.memory_space<vmem_shared>>
    %dma_start3A_2081 = tpu.memref_slice %arg13[%dma_start3A_2070] : memref<5x!tpu.dma_semaphore, #tpu.memory_space<semaphore_mem>> -> memref<1x!tpu.dma_semaphore, #tpu.memory_space<semaphore_mem>>
    %dma_start3A_2082 = tpu.memref_squeeze %dma_start3A_2081 : memref<1x!tpu.dma_semaphore, #tpu.memory_space<semaphore_mem>> -> memref<!tpu.dma_semaphore, #tpu.memory_space<semaphore_mem>>
    tpu.enqueue_indirect_dma source(%dma_start3A_2074 : memref<128x128xf32, #tpu.memory_space<vmem>>) target(%dma_start3A_2080 : memref<520x128xf32, #tpu.memory_space<vmem_shared>>) offsets(%dma_start3A_2077 : memref<128xi32, #tpu.memory_space<vmem>>) semaphore(%dma_start3A_2082 : memref<!tpu.dma_semaphore, #tpu.memory_space<semaphore_mem>>) {add = true}
    %dma_start3A_2083 = arith.constant 24 : i32
    %dma_start3A_2084 = arith.constant 4 : i32
    %dma_start3A_2085 = arith.constant 0 : i32
    %dma_start3A_2086 = tpu.memref_slice %arg7[%dma_start3A_2083, %dma_start3A_2085] : memref<25x128xi32, #tpu.memory_space<vmem>> -> memref<1x128xi32, #tpu.memory_space<vmem>>
    %dma_start3A_2087 = tpu.memref_squeeze %dma_start3A_2086 : memref<1x128xi32, #tpu.memory_space<vmem>> -> memref<128xi32, #tpu.memory_space<vmem>>
    %dma_start3A_2088 = arith.constant 0 : i32
    %dma_start3A_2089 = arith.constant 0 : i32
    %dma_start3A_2090 = tpu.memref_slice %arg11[%dma_start3A_2088, %dma_start3A_2089] : memref<520x128xf32, #tpu.memory_space<vmem_shared>> -> memref<520x128xf32, #tpu.memory_space<vmem_shared>>
    %dma_start3A_2091 = tpu.memref_slice %arg14[%dma_start3A_2084] : memref<5x!tpu.dma_semaphore, #tpu.memory_space<semaphore_mem>> -> memref<1x!tpu.dma_semaphore, #tpu.memory_space<semaphore_mem>>
    %dma_start3A_2092 = tpu.memref_squeeze %dma_start3A_2091 : memref<1x!tpu.dma_semaphore, #tpu.memory_space<semaphore_mem>> -> memref<!tpu.dma_semaphore, #tpu.memory_space<semaphore_mem>>
    tpu.enqueue_indirect_dma source(%arg8 : memref<128x128xf32, #tpu.memory_space<vmem>>) target(%dma_start3A_2090 : memref<520x128xf32, #tpu.memory_space<vmem_shared>>) offsets(%dma_start3A_2087 : memref<128xi32, #tpu.memory_space<vmem>>) semaphore(%dma_start3A_2092 : memref<!tpu.dma_semaphore, #tpu.memory_space<semaphore_mem>>) {add = true}
    %dma_wait3A_2093 = arith.constant 0 : i32
    %dma_wait3A_2094 = arith.constant 20 : i32
    %dma_wait3A_2095 = arith.constant 0 : i32
    %dma_wait3A_2096 = arith.constant 0 : i32
    %dma_wait3A_2097 = arith.constant 0 : i32
    %dma_wait3A_2098 = tpu.memref_slice %arg6[%dma_wait3A_2093, %dma_wait3A_2096, %dma_wait3A_2097] : memref<5x128x128xf32, #tpu.memory_space<vmem>> -> memref<1x128x128xf32, #tpu.memory_space<vmem>>
    %dma_wait3A_2099 = tpu.memref_squeeze %dma_wait3A_2098 : memref<1x128x128xf32, #tpu.memory_space<vmem>> -> memref<128x128xf32, #tpu.memory_space<vmem>>
    %dma_wait3A_2100 = arith.constant 0 : i32
    %dma_wait3A_2101 = tpu.memref_slice %arg7[%dma_wait3A_2094, %dma_wait3A_2100] : memref<25x128xi32, #tpu.memory_space<vmem>> -> memref<1x128xi32, #tpu.memory_space<vmem>>
    %dma_wait3A_2102 = tpu.memref_squeeze %dma_wait3A_2101 : memref<1x128xi32, #tpu.memory_space<vmem>> -> memref<128xi32, #tpu.memory_space<vmem>>
    %dma_wait3A_2103 = arith.constant 0 : i32
    %dma_wait3A_2104 = arith.constant 0 : i32
    %dma_wait3A_2105 = tpu.memref_slice %arg10[%dma_wait3A_2103, %dma_wait3A_2104] : memref<520x128xf32, #tpu.memory_space<vmem_shared>> -> memref<520x128xf32, #tpu.memory_space<vmem_shared>>
    %dma_wait3A_2106 = tpu.memref_slice %arg13[%dma_wait3A_2095] : memref<5x!tpu.dma_semaphore, #tpu.memory_space<semaphore_mem>> -> memref<1x!tpu.dma_semaphore, #tpu.memory_space<semaphore_mem>>
    %dma_wait3A_2107 = tpu.memref_squeeze %dma_wait3A_2106 : memref<1x!tpu.dma_semaphore, #tpu.memory_space<semaphore_mem>> -> memref<!tpu.dma_semaphore, #tpu.memory_space<semaphore_mem>>
    tpu.wait_indirect_dma semaphore(%dma_wait3A_2107 : memref<!tpu.dma_semaphore, #tpu.memory_space<semaphore_mem>>) src(%dma_wait3A_2099 : memref<128x128xf32, #tpu.memory_space<vmem>>) dst(%dma_wait3A_2105 : memref<520x128xf32, #tpu.memory_space<vmem_shared>>)
    %dma_wait3A_2108 = arith.constant 20 : i32
    %dma_wait3A_2109 = arith.constant 0 : i32
    %dma_wait3A_2110 = arith.constant 0 : i32
    %dma_wait3A_2111 = tpu.memref_slice %arg7[%dma_wait3A_2108, %dma_wait3A_2110] : memref<25x128xi32, #tpu.memory_space<vmem>> -> memref<1x128xi32, #tpu.memory_space<vmem>>
    %dma_wait3A_2112 = tpu.memref_squeeze %dma_wait3A_2111 : memref<1x128xi32, #tpu.memory_space<vmem>> -> memref<128xi32, #tpu.memory_space<vmem>>
    %dma_wait3A_2113 = arith.constant 0 : i32
    %dma_wait3A_2114 = arith.constant 0 : i32
    %dma_wait3A_2115 = tpu.memref_slice %arg11[%dma_wait3A_2113, %dma_wait3A_2114] : memref<520x128xf32, #tpu.memory_space<vmem_shared>> -> memref<520x128xf32, #tpu.memory_space<vmem_shared>>
    %dma_wait3A_2116 = tpu.memref_slice %arg14[%dma_wait3A_2109] : memref<5x!tpu.dma_semaphore, #tpu.memory_space<semaphore_mem>> -> memref<1x!tpu.dma_semaphore, #tpu.memory_space<semaphore_mem>>
    %dma_wait3A_2117 = tpu.memref_squeeze %dma_wait3A_2116 : memref<1x!tpu.dma_semaphore, #tpu.memory_space<semaphore_mem>> -> memref<!tpu.dma_semaphore, #tpu.memory_space<semaphore_mem>>
    tpu.wait_indirect_dma semaphore(%dma_wait3A_2117 : memref<!tpu.dma_semaphore, #tpu.memory_space<semaphore_mem>>) src(%arg8 : memref<128x128xf32, #tpu.memory_space<vmem>>) dst(%dma_wait3A_2115 : memref<520x128xf32, #tpu.memory_space<vmem_shared>>)
    %dma_wait3A_2118 = arith.constant 1 : i32
    %dma_wait3A_2119 = arith.constant 21 : i32
    %dma_wait3A_2120 = arith.constant 1 : i32
    %dma_wait3A_2121 = arith.constant 0 : i32
    %dma_wait3A_2122 = arith.constant 0 : i32
    %dma_wait3A_2123 = tpu.memref_slice %arg6[%dma_wait3A_2118, %dma_wait3A_2121, %dma_wait3A_2122] : memref<5x128x128xf32, #tpu.memory_space<vmem>> -> memref<1x128x128xf32, #tpu.memory_space<vmem>>
    %dma_wait3A_2124 = tpu.memref_squeeze %dma_wait3A_2123 : memref<1x128x128xf32, #tpu.memory_space<vmem>> -> memref<128x128xf32, #tpu.memory_space<vmem>>
    %dma_wait3A_2125 = arith.constant 0 : i32
    %dma_wait3A_2126 = tpu.memref_slice %arg7[%dma_wait3A_2119, %dma_wait3A_2125] : memref<25x128xi32, #tpu.memory_space<vmem>> -> memref<1x128xi32, #tpu.memory_space<vmem>>
    %dma_wait3A_2127 = tpu.memref_squeeze %dma_wait3A_2126 : memref<1x128xi32, #tpu.memory_space<vmem>> -> memref<128xi32, #tpu.memory_space<vmem>>
    %dma_wait3A_2128 = arith.constant 0 : i32
    %dma_wait3A_2129 = arith.constant 0 : i32
    %dma_wait3A_2130 = tpu.memref_slice %arg10[%dma_wait3A_2128, %dma_wait3A_2129] : memref<520x128xf32, #tpu.memory_space<vmem_shared>> -> memref<520x128xf32, #tpu.memory_space<vmem_shared>>
    %dma_wait3A_2131 = tpu.memref_slice %arg13[%dma_wait3A_2120] : memref<5x!tpu.dma_semaphore, #tpu.memory_space<semaphore_mem>> -> memref<1x!tpu.dma_semaphore, #tpu.memory_space<semaphore_mem>>
    %dma_wait3A_2132 = tpu.memref_squeeze %dma_wait3A_2131 : memref<1x!tpu.dma_semaphore, #tpu.memory_space<semaphore_mem>> -> memref<!tpu.dma_semaphore, #tpu.memory_space<semaphore_mem>>
    tpu.wait_indirect_dma semaphore(%dma_wait3A_2132 : memref<!tpu.dma_semaphore, #tpu.memory_space<semaphore_mem>>) src(%dma_wait3A_2124 : memref<128x128xf32, #tpu.memory_space<vmem>>) dst(%dma_wait3A_2130 : memref<520x128xf32, #tpu.memory_space<vmem_shared>>)
    %dma_wait3A_2133 = arith.constant 21 : i32
    %dma_wait3A_2134 = arith.constant 1 : i32
    %dma_wait3A_2135 = arith.constant 0 : i32
    %dma_wait3A_2136 = tpu.memref_slice %arg7[%dma_wait3A_2133, %dma_wait3A_2135] : memref<25x128xi32, #tpu.memory_space<vmem>> -> memref<1x128xi32, #tpu.memory_space<vmem>>
    %dma_wait3A_2137 = tpu.memref_squeeze %dma_wait3A_2136 : memref<1x128xi32, #tpu.memory_space<vmem>> -> memref<128xi32, #tpu.memory_space<vmem>>
    %dma_wait3A_2138 = arith.constant 0 : i32
    %dma_wait3A_2139 = arith.constant 0 : i32
    %dma_wait3A_2140 = tpu.memref_slice %arg11[%dma_wait3A_2138, %dma_wait3A_2139] : memref<520x128xf32, #tpu.memory_space<vmem_shared>> -> memref<520x128xf32, #tpu.memory_space<vmem_shared>>
    %dma_wait3A_2141 = tpu.memref_slice %arg14[%dma_wait3A_2134] : memref<5x!tpu.dma_semaphore, #tpu.memory_space<semaphore_mem>> -> memref<1x!tpu.dma_semaphore, #tpu.memory_space<semaphore_mem>>
    %dma_wait3A_2142 = tpu.memref_squeeze %dma_wait3A_2141 : memref<1x!tpu.dma_semaphore, #tpu.memory_space<semaphore_mem>> -> memref<!tpu.dma_semaphore, #tpu.memory_space<semaphore_mem>>
    tpu.wait_indirect_dma semaphore(%dma_wait3A_2142 : memref<!tpu.dma_semaphore, #tpu.memory_space<semaphore_mem>>) src(%arg8 : memref<128x128xf32, #tpu.memory_space<vmem>>) dst(%dma_wait3A_2140 : memref<520x128xf32, #tpu.memory_space<vmem_shared>>)
    %dma_wait3A_2143 = arith.constant 2 : i32
    %dma_wait3A_2144 = arith.constant 22 : i32
    %dma_wait3A_2145 = arith.constant 2 : i32
    %dma_wait3A_2146 = arith.constant 0 : i32
    %dma_wait3A_2147 = arith.constant 0 : i32
    %dma_wait3A_2148 = tpu.memref_slice %arg6[%dma_wait3A_2143, %dma_wait3A_2146, %dma_wait3A_2147] : memref<5x128x128xf32, #tpu.memory_space<vmem>> -> memref<1x128x128xf32, #tpu.memory_space<vmem>>
    %dma_wait3A_2149 = tpu.memref_squeeze %dma_wait3A_2148 : memref<1x128x128xf32, #tpu.memory_space<vmem>> -> memref<128x128xf32, #tpu.memory_space<vmem>>
    %dma_wait3A_2150 = arith.constant 0 : i32
    %dma_wait3A_2151 = tpu.memref_slice %arg7[%dma_wait3A_2144, %dma_wait3A_2150] : memref<25x128xi32, #tpu.memory_space<vmem>> -> memref<1x128xi32, #tpu.memory_space<vmem>>
    %dma_wait3A_2152 = tpu.memref_squeeze %dma_wait3A_2151 : memref<1x128xi32, #tpu.memory_space<vmem>> -> memref<128xi32, #tpu.memory_space<vmem>>
    %dma_wait3A_2153 = arith.constant 0 : i32
    %dma_wait3A_2154 = arith.constant 0 : i32
    %dma_wait3A_2155 = tpu.memref_slice %arg10[%dma_wait3A_2153, %dma_wait3A_2154] : memref<520x128xf32, #tpu.memory_space<vmem_shared>> -> memref<520x128xf32, #tpu.memory_space<vmem_shared>>
    %dma_wait3A_2156 = tpu.memref_slice %arg13[%dma_wait3A_2145] : memref<5x!tpu.dma_semaphore, #tpu.memory_space<semaphore_mem>> -> memref<1x!tpu.dma_semaphore, #tpu.memory_space<semaphore_mem>>
    %dma_wait3A_2157 = tpu.memref_squeeze %dma_wait3A_2156 : memref<1x!tpu.dma_semaphore, #tpu.memory_space<semaphore_mem>> -> memref<!tpu.dma_semaphore, #tpu.memory_space<semaphore_mem>>
    tpu.wait_indirect_dma semaphore(%dma_wait3A_2157 : memref<!tpu.dma_semaphore, #tpu.memory_space<semaphore_mem>>) src(%dma_wait3A_2149 : memref<128x128xf32, #tpu.memory_space<vmem>>) dst(%dma_wait3A_2155 : memref<520x128xf32, #tpu.memory_space<vmem_shared>>)
    %dma_wait3A_2158 = arith.constant 22 : i32
    %dma_wait3A_2159 = arith.constant 2 : i32
    %dma_wait3A_2160 = arith.constant 0 : i32
    %dma_wait3A_2161 = tpu.memref_slice %arg7[%dma_wait3A_2158, %dma_wait3A_2160] : memref<25x128xi32, #tpu.memory_space<vmem>> -> memref<1x128xi32, #tpu.memory_space<vmem>>
    %dma_wait3A_2162 = tpu.memref_squeeze %dma_wait3A_2161 : memref<1x128xi32, #tpu.memory_space<vmem>> -> memref<128xi32, #tpu.memory_space<vmem>>
    %dma_wait3A_2163 = arith.constant 0 : i32
    %dma_wait3A_2164 = arith.constant 0 : i32
    %dma_wait3A_2165 = tpu.memref_slice %arg11[%dma_wait3A_2163, %dma_wait3A_2164] : memref<520x128xf32, #tpu.memory_space<vmem_shared>> -> memref<520x128xf32, #tpu.memory_space<vmem_shared>>
    %dma_wait3A_2166 = tpu.memref_slice %arg14[%dma_wait3A_2159] : memref<5x!tpu.dma_semaphore, #tpu.memory_space<semaphore_mem>> -> memref<1x!tpu.dma_semaphore, #tpu.memory_space<semaphore_mem>>
    %dma_wait3A_2167 = tpu.memref_squeeze %dma_wait3A_2166 : memref<1x!tpu.dma_semaphore, #tpu.memory_space<semaphore_mem>> -> memref<!tpu.dma_semaphore, #tpu.memory_space<semaphore_mem>>
    tpu.wait_indirect_dma semaphore(%dma_wait3A_2167 : memref<!tpu.dma_semaphore, #tpu.memory_space<semaphore_mem>>) src(%arg8 : memref<128x128xf32, #tpu.memory_space<vmem>>) dst(%dma_wait3A_2165 : memref<520x128xf32, #tpu.memory_space<vmem_shared>>)
    %dma_wait3A_2168 = arith.constant 3 : i32
    %dma_wait3A_2169 = arith.constant 23 : i32
    %dma_wait3A_2170 = arith.constant 3 : i32
    %dma_wait3A_2171 = arith.constant 0 : i32
    %dma_wait3A_2172 = arith.constant 0 : i32
    %dma_wait3A_2173 = tpu.memref_slice %arg6[%dma_wait3A_2168, %dma_wait3A_2171, %dma_wait3A_2172] : memref<5x128x128xf32, #tpu.memory_space<vmem>> -> memref<1x128x128xf32, #tpu.memory_space<vmem>>
    %dma_wait3A_2174 = tpu.memref_squeeze %dma_wait3A_2173 : memref<1x128x128xf32, #tpu.memory_space<vmem>> -> memref<128x128xf32, #tpu.memory_space<vmem>>
    %dma_wait3A_2175 = arith.constant 0 : i32
    %dma_wait3A_2176 = tpu.memref_slice %arg7[%dma_wait3A_2169, %dma_wait3A_2175] : memref<25x128xi32, #tpu.memory_space<vmem>> -> memref<1x128xi32, #tpu.memory_space<vmem>>
    %dma_wait3A_2177 = tpu.memref_squeeze %dma_wait3A_2176 : memref<1x128xi32, #tpu.memory_space<vmem>> -> memref<128xi32, #tpu.memory_space<vmem>>
    %dma_wait3A_2178 = arith.constant 0 : i32
    %dma_wait3A_2179 = arith.constant 0 : i32
    %dma_wait3A_2180 = tpu.memref_slice %arg10[%dma_wait3A_2178, %dma_wait3A_2179] : memref<520x128xf32, #tpu.memory_space<vmem_shared>> -> memref<520x128xf32, #tpu.memory_space<vmem_shared>>
    %dma_wait3A_2181 = tpu.memref_slice %arg13[%dma_wait3A_2170] : memref<5x!tpu.dma_semaphore, #tpu.memory_space<semaphore_mem>> -> memref<1x!tpu.dma_semaphore, #tpu.memory_space<semaphore_mem>>
    %dma_wait3A_2182 = tpu.memref_squeeze %dma_wait3A_2181 : memref<1x!tpu.dma_semaphore, #tpu.memory_space<semaphore_mem>> -> memref<!tpu.dma_semaphore, #tpu.memory_space<semaphore_mem>>
    tpu.wait_indirect_dma semaphore(%dma_wait3A_2182 : memref<!tpu.dma_semaphore, #tpu.memory_space<semaphore_mem>>) src(%dma_wait3A_2174 : memref<128x128xf32, #tpu.memory_space<vmem>>) dst(%dma_wait3A_2180 : memref<520x128xf32, #tpu.memory_space<vmem_shared>>)
    %dma_wait3A_2183 = arith.constant 23 : i32
    %dma_wait3A_2184 = arith.constant 3 : i32
    %dma_wait3A_2185 = arith.constant 0 : i32
    %dma_wait3A_2186 = tpu.memref_slice %arg7[%dma_wait3A_2183, %dma_wait3A_2185] : memref<25x128xi32, #tpu.memory_space<vmem>> -> memref<1x128xi32, #tpu.memory_space<vmem>>
    %dma_wait3A_2187 = tpu.memref_squeeze %dma_wait3A_2186 : memref<1x128xi32, #tpu.memory_space<vmem>> -> memref<128xi32, #tpu.memory_space<vmem>>
    %dma_wait3A_2188 = arith.constant 0 : i32
    %dma_wait3A_2189 = arith.constant 0 : i32
    %dma_wait3A_2190 = tpu.memref_slice %arg11[%dma_wait3A_2188, %dma_wait3A_2189] : memref<520x128xf32, #tpu.memory_space<vmem_shared>> -> memref<520x128xf32, #tpu.memory_space<vmem_shared>>
    %dma_wait3A_2191 = tpu.memref_slice %arg14[%dma_wait3A_2184] : memref<5x!tpu.dma_semaphore, #tpu.memory_space<semaphore_mem>> -> memref<1x!tpu.dma_semaphore, #tpu.memory_space<semaphore_mem>>
    %dma_wait3A_2192 = tpu.memref_squeeze %dma_wait3A_2191 : memref<1x!tpu.dma_semaphore, #tpu.memory_space<semaphore_mem>> -> memref<!tpu.dma_semaphore, #tpu.memory_space<semaphore_mem>>
    tpu.wait_indirect_dma semaphore(%dma_wait3A_2192 : memref<!tpu.dma_semaphore, #tpu.memory_space<semaphore_mem>>) src(%arg8 : memref<128x128xf32, #tpu.memory_space<vmem>>) dst(%dma_wait3A_2190 : memref<520x128xf32, #tpu.memory_space<vmem_shared>>)
    %dma_wait3A_2193 = arith.constant 4 : i32
    %dma_wait3A_2194 = arith.constant 24 : i32
    %dma_wait3A_2195 = arith.constant 4 : i32
    %dma_wait3A_2196 = arith.constant 0 : i32
    %dma_wait3A_2197 = arith.constant 0 : i32
    %dma_wait3A_2198 = tpu.memref_slice %arg6[%dma_wait3A_2193, %dma_wait3A_2196, %dma_wait3A_2197] : memref<5x128x128xf32, #tpu.memory_space<vmem>> -> memref<1x128x128xf32, #tpu.memory_space<vmem>>
    %dma_wait3A_2199 = tpu.memref_squeeze %dma_wait3A_2198 : memref<1x128x128xf32, #tpu.memory_space<vmem>> -> memref<128x128xf32, #tpu.memory_space<vmem>>
    %dma_wait3A_2200 = arith.constant 0 : i32
    %dma_wait3A_2201 = tpu.memref_slice %arg7[%dma_wait3A_2194, %dma_wait3A_2200] : memref<25x128xi32, #tpu.memory_space<vmem>> -> memref<1x128xi32, #tpu.memory_space<vmem>>
    %dma_wait3A_2202 = tpu.memref_squeeze %dma_wait3A_2201 : memref<1x128xi32, #tpu.memory_space<vmem>> -> memref<128xi32, #tpu.memory_space<vmem>>
    %dma_wait3A_2203 = arith.constant 0 : i32
    %dma_wait3A_2204 = arith.constant 0 : i32
    %dma_wait3A_2205 = tpu.memref_slice %arg10[%dma_wait3A_2203, %dma_wait3A_2204] : memref<520x128xf32, #tpu.memory_space<vmem_shared>> -> memref<520x128xf32, #tpu.memory_space<vmem_shared>>
    %dma_wait3A_2206 = tpu.memref_slice %arg13[%dma_wait3A_2195] : memref<5x!tpu.dma_semaphore, #tpu.memory_space<semaphore_mem>> -> memref<1x!tpu.dma_semaphore, #tpu.memory_space<semaphore_mem>>
    %dma_wait3A_2207 = tpu.memref_squeeze %dma_wait3A_2206 : memref<1x!tpu.dma_semaphore, #tpu.memory_space<semaphore_mem>> -> memref<!tpu.dma_semaphore, #tpu.memory_space<semaphore_mem>>
    tpu.wait_indirect_dma semaphore(%dma_wait3A_2207 : memref<!tpu.dma_semaphore, #tpu.memory_space<semaphore_mem>>) src(%dma_wait3A_2199 : memref<128x128xf32, #tpu.memory_space<vmem>>) dst(%dma_wait3A_2205 : memref<520x128xf32, #tpu.memory_space<vmem_shared>>)
    %dma_wait3A_2208 = arith.constant 24 : i32
    %dma_wait3A_2209 = arith.constant 4 : i32
    %dma_wait3A_2210 = arith.constant 0 : i32
    %dma_wait3A_2211 = tpu.memref_slice %arg7[%dma_wait3A_2208, %dma_wait3A_2210] : memref<25x128xi32, #tpu.memory_space<vmem>> -> memref<1x128xi32, #tpu.memory_space<vmem>>
    %dma_wait3A_2212 = tpu.memref_squeeze %dma_wait3A_2211 : memref<1x128xi32, #tpu.memory_space<vmem>> -> memref<128xi32, #tpu.memory_space<vmem>>
    %dma_wait3A_2213 = arith.constant 0 : i32
    %dma_wait3A_2214 = arith.constant 0 : i32
    %dma_wait3A_2215 = tpu.memref_slice %arg11[%dma_wait3A_2213, %dma_wait3A_2214] : memref<520x128xf32, #tpu.memory_space<vmem_shared>> -> memref<520x128xf32, #tpu.memory_space<vmem_shared>>
    %dma_wait3A_2216 = tpu.memref_slice %arg14[%dma_wait3A_2209] : memref<5x!tpu.dma_semaphore, #tpu.memory_space<semaphore_mem>> -> memref<1x!tpu.dma_semaphore, #tpu.memory_space<semaphore_mem>>
    %dma_wait3A_2217 = tpu.memref_squeeze %dma_wait3A_2216 : memref<1x!tpu.dma_semaphore, #tpu.memory_space<semaphore_mem>> -> memref<!tpu.dma_semaphore, #tpu.memory_space<semaphore_mem>>
    tpu.wait_indirect_dma semaphore(%dma_wait3A_2217 : memref<!tpu.dma_semaphore, #tpu.memory_space<semaphore_mem>>) src(%arg8 : memref<128x128xf32, #tpu.memory_space<vmem>>) dst(%dma_wait3A_2215 : memref<520x128xf32, #tpu.memory_space<vmem_shared>>)
    %barrier3A_2218 = arith.constant 0 : index
    tpu.barrier barrier_id(%barrier3A_2218)
    %mul3A_2219 = arith.constant 32 : i32
    %mul3A_2220 = arith.muli %arg1, %mul3A_2219 : i32
    %mul3A_2221 = arith.constant 32 : i32
    %mul3A_2222 = arith.muli %arg1, %mul3A_2221 : i32
    "tpu.region"() ({
      %run_scoped3A = tpu.sem_alloc : memref<!tpu.dma_semaphore, #tpu.memory_space<semaphore_mem>>
      %dma_start3A_2227 = arith.constant 0 : i32
      %dma_start3A_2228 = tpu.memref_slice %arg4[%arg0, %mul3A_2222, %dma_start3A_2227] : memref<2x512x128xf32, #tpu.memory_space<hbm>> -> memref<1x32x128xf32, #tpu.memory_space<hbm>>
      %dma_start3A_2229 = tpu.memref_squeeze %dma_start3A_2228 : memref<1x32x128xf32, #tpu.memory_space<hbm>> -> memref<32x128xf32, #tpu.memory_space<hbm>>
      %dma_start3A_2230 = arith.constant 0 : i32
      %dma_start3A_2231 = tpu.memref_slice %arg10[%mul3A_2220, %dma_start3A_2230] : memref<520x128xf32, #tpu.memory_space<vmem_shared>> -> memref<32x128xf32, #tpu.memory_space<vmem_shared>>
      tpu.enqueue_dma source(%dma_start3A_2231 : memref<32x128xf32, #tpu.memory_space<vmem_shared>>) target(%dma_start3A_2229 : memref<32x128xf32, #tpu.memory_space<hbm>>) target_semaphore(%run_scoped3A : memref<!tpu.dma_semaphore, #tpu.memory_space<semaphore_mem>>)
      %dma_wait3A_2232 = arith.constant 0 : i32
      %dma_wait3A_2233 = tpu.memref_slice %arg4[%arg0, %mul3A_2222, %dma_wait3A_2232] : memref<2x512x128xf32, #tpu.memory_space<hbm>> -> memref<1x32x128xf32, #tpu.memory_space<hbm>>
      %dma_wait3A_2234 = tpu.memref_squeeze %dma_wait3A_2233 : memref<1x32x128xf32, #tpu.memory_space<hbm>> -> memref<32x128xf32, #tpu.memory_space<hbm>>
      %dma_wait3A_2235 = arith.constant 0 : i32
      %dma_wait3A_2236 = tpu.memref_slice %arg10[%mul3A_2220, %dma_wait3A_2235] : memref<520x128xf32, #tpu.memory_space<vmem_shared>> -> memref<32x128xf32, #tpu.memory_space<vmem_shared>>
      tpu.wait_dma2 semaphore(%run_scoped3A : memref<!tpu.dma_semaphore, #tpu.memory_space<semaphore_mem>>) src(%dma_wait3A_2236 : memref<32x128xf32, #tpu.memory_space<vmem_shared>>) dst(%dma_wait3A_2234 : memref<32x128xf32, #tpu.memory_space<hbm>>)
      tpu.yield
    }) : () -> ()
    %mul3A_2223 = arith.constant 32 : i32
    %mul3A_2224 = arith.muli %arg1, %mul3A_2223 : i32
    %mul3A_2225 = arith.constant 32 : i32
    %mul3A_2226 = arith.muli %arg1, %mul3A_2225 : i32
    "tpu.region"() ({
      %run_scoped3A = tpu.sem_alloc : memref<!tpu.dma_semaphore, #tpu.memory_space<semaphore_mem>>
      %dma_start3A_2227 = arith.constant 0 : i32
      %dma_start3A_2228 = tpu.memref_slice %arg5[%arg0, %mul3A_2226, %dma_start3A_2227] : memref<2x512x128xf32, #tpu.memory_space<hbm>> -> memref<1x32x128xf32, #tpu.memory_space<hbm>>
      %dma_start3A_2229 = tpu.memref_squeeze %dma_start3A_2228 : memref<1x32x128xf32, #tpu.memory_space<hbm>> -> memref<32x128xf32, #tpu.memory_space<hbm>>
      %dma_start3A_2230 = arith.constant 0 : i32
      %dma_start3A_2231 = tpu.memref_slice %arg11[%mul3A_2224, %dma_start3A_2230] : memref<520x128xf32, #tpu.memory_space<vmem_shared>> -> memref<32x128xf32, #tpu.memory_space<vmem_shared>>
      tpu.enqueue_dma source(%dma_start3A_2231 : memref<32x128xf32, #tpu.memory_space<vmem_shared>>) target(%dma_start3A_2229 : memref<32x128xf32, #tpu.memory_space<hbm>>) target_semaphore(%run_scoped3A : memref<!tpu.dma_semaphore, #tpu.memory_space<semaphore_mem>>)
      %dma_wait3A_2232 = arith.constant 0 : i32
      %dma_wait3A_2233 = tpu.memref_slice %arg5[%arg0, %mul3A_2226, %dma_wait3A_2232] : memref<2x512x128xf32, #tpu.memory_space<hbm>> -> memref<1x32x128xf32, #tpu.memory_space<hbm>>
      %dma_wait3A_2234 = tpu.memref_squeeze %dma_wait3A_2233 : memref<1x32x128xf32, #tpu.memory_space<hbm>> -> memref<32x128xf32, #tpu.memory_space<hbm>>
      %dma_wait3A_2235 = arith.constant 0 : i32
      %dma_wait3A_2236 = tpu.memref_slice %arg11[%mul3A_2224, %dma_wait3A_2235] : memref<520x128xf32, #tpu.memory_space<vmem_shared>> -> memref<32x128xf32, #tpu.memory_space<vmem_shared>>
      tpu.wait_dma2 semaphore(%run_scoped3A : memref<!tpu.dma_semaphore, #tpu.memory_space<semaphore_mem>>) src(%dma_wait3A_2236 : memref<32x128xf32, #tpu.memory_space<vmem_shared>>) dst(%dma_wait3A_2234 : memref<32x128xf32, #tpu.memory_space<hbm>>)
      tpu.yield
    }) : () -> ()
    return
  }
}

module attributes {stable_mosaic.version = 14 : i64} {
  func.func @_merge_body(%arg0: memref<2x512x128xf32, #tpu.memory_space<vmem>>, %arg1: memref<2x512x128xf32, #tpu.memory_space<vmem>>, %arg2: memref<512x128xf32, #tpu.memory_space<vmem>>) attributes {dimension_semantics = [], scalar_prefetch = 0 : i64, scratch_operands = 0 : i64, tpu.core_type = #tpu.core_type<tc>} {
    %get3A = arith.constant 0 : index
    %get3A_0 = arith.constant 0 : index
    %get3A_1 = arith.constant 0 : index
    %get3A_2 = vector.load %arg0[%get3A, %get3A_0, %get3A_1] : memref<2x512x128xf32, #tpu.memory_space<vmem>>, vector<1x512x128xf32>
    %get3A_3 = vector.shape_cast %get3A_2 : vector<1x512x128xf32> to vector<512x128xf32>
    %get3A_4 = arith.constant 1 : index
    %get3A_5 = arith.constant 0 : index
    %get3A_6 = arith.constant 0 : index
    %get3A_7 = vector.load %arg0[%get3A_4, %get3A_5, %get3A_6] : memref<2x512x128xf32, #tpu.memory_space<vmem>>, vector<1x512x128xf32>
    %get3A_8 = vector.shape_cast %get3A_7 : vector<1x512x128xf32> to vector<512x128xf32>
    %add3A = arith.addf %get3A_3, %get3A_8 : vector<512x128xf32>
    %get3A_9 = arith.constant 0 : index
    %get3A_10 = arith.constant 0 : index
    %get3A_11 = arith.constant 0 : index
    %get3A_12 = vector.load %arg1[%get3A_9, %get3A_10, %get3A_11] : memref<2x512x128xf32, #tpu.memory_space<vmem>>, vector<1x512x1xf32>
    %get3A_13 = vector.shape_cast %get3A_12 : vector<1x512x1xf32> to vector<512x1xf32>
    %get3A_14 = arith.constant 1 : index
    %get3A_15 = arith.constant 0 : index
    %get3A_16 = arith.constant 0 : index
    %get3A_17 = vector.load %arg1[%get3A_14, %get3A_15, %get3A_16] : memref<2x512x128xf32, #tpu.memory_space<vmem>>, vector<1x512x1xf32>
    %get3A_18 = vector.shape_cast %get3A_17 : vector<1x512x1xf32> to vector<512x1xf32>
    %add3A_19 = arith.addf %get3A_13, %get3A_18 : vector<512x1xf32>
    %max3A = arith.constant 1.000000e+00 : f32
    %max3A_20 = vector.broadcast %max3A : f32 to vector<512x1xf32>
    %max3A_21 = arith.maximumf %add3A_19, %max3A_20 : vector<512x1xf32>
    %div3A = vector.broadcast %max3A_21 : vector<512x1xf32> to vector<512x128xf32>
    %div3A_22 = arith.divf %add3A, %div3A : vector<512x128xf32>
    %swap3A = arith.constant 0 : index
    %swap3A_23 = arith.constant 0 : index
    %swap3A_24 = vector.load %arg2[%swap3A, %swap3A_23] : memref<512x128xf32, #tpu.memory_space<vmem>>, vector<512x128xf32>
    tpu.vector_store %arg2[%swap3A, %swap3A_23], %div3A_22 {strides = array<i32>} : memref<512x128xf32, #tpu.memory_space<vmem>>, vector<512x128xf32>,
    return
  }
}

</mosaic_0001>

<sc_bundles>
// kernel: kernel.4.cloned.1.call-start
scs
__scs_entry_jumppad:
0x0: {  	(pc) =	sbr.rel $0x88, $3  }
0x1: {  	(tag) =	ssettag $0x0;
	lr =	simm.s32 $0x1  }
0x2: {  	[smem:$0x3F9F] =	sst lr;
	_ =	strace $0xD0000000  }
0x3: {  	_ = 	snop  }
0x4: {  	_ = 	snop  }
0x5: {  	_ = 	snop  }
0x6: {  	_ = 	snop  }
0x7: {  	_ = 	snop  }
__scs_overlays_trampoline_lowered:
0x8: {  	[smem:$0x3FAE] =	sst s0  }
0x9: {  	[smem:$0x3FAF] =	sst s1  }
0xa: {  	[smem:$0x3FB0] =	sst s2  }
0xb: {  	[smem:$0x3FB1] =	sst s3  }
0xc: {  	[smem:$0x3FB2] =	sst s4  }
0xd: {  	[smem:$0x3FB3] =	sst s5  }
0xe: {  	[smem:$0x3FB4] =	sst s6  }
0xf: {  	[smem:$0x3FB5] =	sst s7  }
0x10: {  	[smem:$0x3FB6] =	sst s8  }
0x11: {  	[smem:$0x3FB7] =	sst s9;
	s0 =	simm.s32 @!p0 $0x0  }
0x12: {  	s1 =	sld [smem:$0x3F9D];
	s0 =	simm.s32 @p0 $0x1  }
0x13: {  	[smem:$0x3FB8] =	sst s0;
	s0 =	simm.s32 @!p1 $0x0  }
0x14: {  	s2 =	sld [smem:$0x3F9C];
	s0 =	simm.s32 @p1 $0x1  }
0x15: {  	[smem:$0x3FB9] =	sst s0;
	s0 =	simm.s32 @!p2 $0x0  }
0x16: {  	s3 =	sld [smem:$0x3FDB];
	s0 =	simm.s32 @p2 $0x1  }
0x17: {  	s4 =	simm.s32 $0x1BF5;
	[smem:$0x3FBB] =	sst s0  }
0x18: {  	s0 =	sld [smem:$0x3F9E];
	_ =	swait.ge [sflag:s4], $0x0  }
0x19: {  	s7 =	sld [smem:$0x3F9F]  }
0x1a: {  	s8 =	sadd.s32 $0xFFFFE003, lr  }
0x1b: {  	s9 =	sadd.s32 $0xFFFFFEF7, lr;
	s5 =	simm.s32 $0xFFFFFFFF;
	p2 =	slt.u32 s8, $0xFFFFF086  }
0x1c: {  	p1 =	slt.u32 s9, $0xF7A;
	s5 =	simm.s32 @!p2 $0x0  }
0x1d: {  	s5 =	simm.s32 @p1 $0x1;
	p0 =	seq.s32 s7, s2  }
0x1e: {  	s7 =	smul.u32 @!p0 $0xF7A, s2;
	p2 =	seq.s32 @!p0 s5, $0x0  }
0x1f: {  	s9 =	smul.u32 $0xF7A, s1;
	s8 =	simm.s32 @!p0 $0x1BF5;
	p2 =	por !p2, p0  }
0x20: {  	[sflag:s8] =	ssyncset.s32 @!p0 $0xFFFFF086;
	s6 =	sadd.s32 @!p0 s3, s7;
	s7 =	simm.s32 @!p0 $0x108  }
0x21: {  	s3 =	sadd.s32 s3, s9;
	s6 =	sadd.s32 @!p0 $0x88, s6;
	s7 =	simm.s32 @p2 $0x1082  }
0x22: {  	[simem:s7], [sflag:s8] =	dma.local @!p0 [hbm:s6], $0xF7A  }
0x23: {  	s9 =	sor.u32 $0xD0000000, s2;
	s6 =	simm.s32 $0x108;
	_ =	swait.ge @!p0 [sflag:s8], $0x0  }
0x24: {  	s3 =	sadd.s32 $0x88, s3;
	s6 =	simm.s32 @!p1 $0x1082;
	[sflag:s4] =	ssyncset.s32 $0xFFFFF086  }
0x25: {  	[simem:s6], [sflag:s4] =	dma.local [hbm:s3], $0xF7A  }
0x26: {  	[smem:$0x3F9F] =	sst s1;
	(tag) =	ssettag s2;
	_ =	strace s9  }
0x27: {  	s1 =	sld [smem:$0x3FAF]  }
0x28: {  	s2 =	sld [smem:$0x3FB0]  }
0x29: {  	s4 =	sld [smem:$0x3FB2]  }
0x2a: {  	p0 =	seq.s32 s5, $0x0;
	s5 =	sld [smem:$0x3FB3]  }
0x2b: {  	s6 =	sld [smem:$0x3FB4]  }
0x2c: {  	s7 =	sld [smem:$0x3FB5]  }
0x2d: {  	s3 =	simm.s32 $0x108;
	s8 =	sld [smem:$0x3FB6]  }
0x2e: {  	s3 =	simm.s32 @!p0 $0x1082;
	s9 =	sld [smem:$0x3FB7]  }
0x2f: {  	lr =	sadd.s32 s0, s3;
	s0 =	sld [smem:$0x3FAE]  }
0x30: {  	s3 =	sld [smem:$0x3FB1]  }
0x31: {  	[smem:$0x3FBA] =	sst s10  }
0x32: {  	s10 =	sld [smem:$0x3FB8];
	_ =	sdelay $0x3  }
0x33: {  	p0 =	seq.s32 s10, $0x1;
	s10 =	sld [smem:$0x3FBA];
	_ =	sdelay $0x3  }
0x34: {  	[smem:$0x3FBA] =	sst s10  }
0x35: {  	s10 =	sld [smem:$0x3FB9];
	_ =	sdelay $0x3  }
0x36: {  	p1 =	seq.s32 s10, $0x1;
	s10 =	sld [smem:$0x3FBA];
	_ =	sdelay $0x3  }
0x37: {  	[smem:$0x3FBA] =	sst s10  }
0x38: {  	s10 =	sld [smem:$0x3FBB]  }
0x39: {  	_ = 	snop;
	(pc) =	sbr.ind lr, $3  }
0x3a: {  	_ = 	snop  }
0x3b: {  	_ = 	snop  }
0x3c: {  	p2 =	seq.s32 s10, $0x1;
	s10 =	sld [smem:$0x3FBA]  }
0x3d: {  	_ =	shalt  }
0x3e: {  	_ =	shalt  }
0x3f: {  	_ =	shalt  }
0x40: {  	_ =	shalt  }
0x41: {  	_ =	shalt  }
0x42: {  	_ =	shalt  }
0x43: {  	_ =	shalt  }
0x44: {  	_ =	shalt  }
0x45: {  	_ =	shalt  }
0x46: {  	_ =	shalt  }
0x47: {  	_ =	shalt  }
0x48: {  	_ =	shalt  }
0x49: {  	_ =	shalt  }
0x4a: {  	_ =	shalt  }
0x4b: {  	_ =	shalt  }
0x4c: {  	_ =	shalt  }
0x4d: {  	_ =	shalt  }
0x4e: {  	_ =	shalt  }
0x4f: {  	_ =	shalt  }
0x50: {  	_ =	shalt  }
0x51: {  	_ =	shalt  }
0x52: {  	_ =	shalt  }
0x53: {  	_ =	shalt  }
0x54: {  	_ =	shalt  }
0x55: {  	_ =	shalt  }
0x56: {  	_ =	shalt  }
0x57: {  	_ =	shalt  }
0x58: {  	_ =	shalt  }
0x59: {  	_ =	shalt  }
0x5a: {  	_ =	shalt  }
0x5b: {  	_ =	shalt  }
0x5c: {  	_ =	shalt  }
0x5d: {  	_ =	shalt  }
0x5e: {  	_ =	shalt  }
0x5f: {  	_ =	shalt  }
0x60: {  	_ =	shalt  }
0x61: {  	_ =	shalt  }
0x62: {  	_ =	shalt  }
0x63: {  	_ =	shalt  }
0x64: {  	_ =	shalt  }
0x65: {  	_ =	shalt  }
0x66: {  	_ =	shalt  }
0x67: {  	_ =	shalt  }
0x68: {  	_ =	shalt  }
0x69: {  	_ =	shalt  }
0x6a: {  	_ =	shalt  }
0x6b: {  	_ =	shalt  }
0x6c: {  	_ =	shalt  }
0x6d: {  	_ =	shalt  }
0x6e: {  	_ =	shalt  }
0x6f: {  	_ =	shalt  }
0x70: {  	_ =	shalt  }
0x71: {  	_ =	shalt  }
0x72: {  	_ =	shalt  }
0x73: {  	_ =	shalt  }
0x74: {  	_ =	shalt  }
0x75: {  	_ =	shalt  }
0x76: {  	_ =	shalt  }
0x77: {  	_ =	shalt  }
0x78: {  	_ =	shalt  }
0x79: {  	_ =	shalt  }
0x7a: {  	_ =	shalt  }
0x7b: {  	_ =	shalt  }
0x7c: {  	_ =	shalt  }
0x7d: {  	_ =	shalt  }
0x7e: {  	_ =	shalt  }
0x7f: {  	_ =	shalt  }
0x80: {  	_ =	shalt  }
0x81: {  	_ =	shalt  }
0x82: {  	_ =	shalt  }
0x83: {  	_ =	shalt  }
0x84: {  	_ =	shalt  }
0x85: {  	_ =	shalt  }
0x86: {  	_ =	shalt  }
0x87: {  	_ =	shalt  }
.Lfunc_end0:
.L_simem_size_0:
called_computation_lowered:
.L_overlay_start_0:
0x88: {  	s2 =	sld [smem:$0x3FD9]  }
0x89: {  	s3 =	sld [smem:$0x3FFE];
	_ =	sdelay $0x1  }
0x8a: {  	s1 =	srdreg.scid  }
0x8b: {  	s0 =	sand.u32 $0x1, s1  }
0x8c: {  	s17 =	sshll.u32 s0, $0xA;
	s2 =	sadd.s32 s3, s2  }
0x8d: {  	s2 =	sadd.s32 s2, s17  }
0x8e: {  	[smem:$0x3FC6] =	sst s2  }
0x8f: {  	_ = 	snop  }
0x90: {  	s2 =	sld [smem:$0x3FC9];
	(tm) =	ssettm $0x1  }
0x91: {  	s18 =	sld [smem:$0x3FFB];
	_ =	sdelay $0x3  }
0x92: {  	_ =	strace s18  }
0x93: {  	s3 =	sld [smem:$0x3FFC];
	_ =	sdelay $0x3  }
0x94: {  	_ =	strace s3  }
0x95: {  	s3 =	sld [smem:$0x3FFD];
	_ =	sdelay $0x3  }
0x96: {  	_ =	strace s3  }
0x97: {  	_ =	strace $0x8FFFFFFF  }
0x98: {  	s19 =	sld [smem:$0x3FDB];
	_ =	sdelay $0x1  }
0x99: {  	s4 =	simm.s32 $_scs_section_size  }
0x9a: {  	s5 =	simm.s32 $_size__tile_overlayer_lowered;
	s6 =	simm.s32 $_tile_overlayer_lowered  }
0x9b: {  	s22 =	simm.s32 $0x1BFF;
	s21 =	sshll.u32 s6, $0x1;
	s3 =	sadd.s32 s4, s19  }
0x9c: {  	s7 =	simm.s32 $0x0;
	s20 =	sshll.u32 s5, $0x1;
	s5 =	sadd.s32 s21, s3  }
0x9d: {  	[timem:s7], [sflag:s22] =	dma.local [hbm:s5], s20  }
0x9e: {  	_ =	swait.ge [sflag:s22], s20  }
0x9f: {  	s4 =	ssub.s32 $0x0, s20;
	[sflag:s22] =	ssyncset.done $0x0  }
0xa0: {  	[sflag:s22] =	ssyncadd.s32 s4;
	_ =	sdelay $0x1  }
0xa1: {  	s23 =	simm.s32 $0x1B8B  }
0xa2: {  	_ =	swait.ge [sflag:s23], $0x1  }
0xa3: {  	[sflag:s23] =	ssyncset.done $0x0  }
0xa4: {  	s25 =	simm.s32 $0x1B8E;
	s24 =	sld [smem:$0x3FFE];
	[sflag:s23] =	ssyncadd.s32 $0xFFFFFFFF  }
0xa5: {  	s26 =	simm.s32 $execute0_lowered;
	[smem:$0x3FD2] =	sst s25  }
0xa6: {  	s5 =	sshll.u32 s26, $0x1;
	_ =	strace $0x80000046;
	[dreg:$0x1] =	wrdreg $0xFFFFFFFF  }
0xa7: {  	s28 =	simm.s32 $_size_execute0_lowered;
	s3 =	sadd.s32 s3, s5;
	[dreg:$0x0] =	wrdreg $0x0  }
0xa8: {  	s5 =	sshll.u32 s28, $0x1;
	[dreg:$0x2] =	wrdreg s3  }
0xa9: {  	[dreg:$0x3] =	wrdreg s5  }
0xaa: {  	[dreg:$0x4] =	wrdreg $0xC0  }
0xab: {  	_ =	task [dreg:s7], $0x5FFFF  }
0xac: {  	[dreg:$0x1] =	wrdreg $0xFFFFFFFF  }
0xad: {  	[dreg:$0x0] =	wrdreg $0x60  }
0xae: {  	[dreg:$0x2] =	wrdreg s2  }
0xaf: {  	[dreg:$0x3] =	wrdreg s24  }
0xb0: {  	[dreg:$0x4] =	wrdreg $0x1A4000  }
0xb1: {  	[dreg:$0x5] =	wrdreg $0x1B4400  }
0xb2: {  	[dreg:$0x6] =	wrdreg $0x9  }
0xb3: {  	_ =	task.clear_ibuf [dreg:s7], $0x7FFFF;
	_ =	strace $0x90000046  }
0xb4: {  	s29 =	simm.s32 $0x9;
	_ =	strace $0x80000048  }
0xb5: {  	_ =	swait.ge [sflag:s29], $0x1  }
0xb6: {  	[sflag:s29] =	ssyncadd.s32 $0xFFFFFFFF  }
0xb7: {  	_ =	strace $0x90000048  }
0xb8: {  	_ =	sfence  }
0xb9: {  	s30 =	sld [smem:$0x0];
	_ =	sdelay $0x2  }
0xba: {  	s31 =	sshll.u32 s1, $0xD;
	s1 =	sshrl.u32 s1, $0x2  }
0xbb: {  	s3 =	sand.u32 $0x4000, s31;
	s1 =	sadd.s32 s1, s30  }
0xbc: {  	s0 =	sor.u32 s3, s0;
	s1 =	sshll.u32 s1, $0x11  }
0xbd: {  	s0 =	sor.u32 s1, s0  }
0xbe: {  	s0 =	sadd.s32 $0x8F2B, s0  }
0xbf: {  	[sflag:s0] =	ssyncadd.remote.s32 $0x1  }
0xc0: {  	_ =	sfence.sel $0xFFFF  }
0xc1: {  	[dreg:$0x0] =	wrdreg $0xFFFFFFFF;
	(pc) =	sbr.abs _section_cstart, $3  }
0xc2: {  	[dreg:$0x1] =	wrdreg $0xFFFFFFFF  }
0xc3: {  	_ =	task.clear_ibuf [dreg:s7], $0x2FFFF;
	_ =	strace $0x9FFFFFFF  }
0xc4: {  	(tm) =	ssettm $0x7FFFFFFF  }
0xc5: {  	_ =	shalt  }
tec
execute0_lowered:
.L_overlay_start_1:
0x0: {  	(tag) =	ssettag $0x1  }
0x1: {  	s0 =	rddreg [dreg:$0x0]  }
0x2: {  	s4 =	rddreg [dreg:$0x1]  }
0x3: {  	s1 =	rddreg [dreg:$0x2]  }
0x4: {  	s2 =	rddreg [dreg:$0x3];
	s3 =	srdreg.scid  }
0x5: {  	s12 =	stileid.u32;
	s5 =	sand.u32 $0x1, s3;
	s3 =	simm.s32 $0x0  }
0x6: {  	s17 =	sadd.s32 $0x10000, s1;
	s18 =	sadd.s32 $0x10000, s2;
	s6 =	sshll.u32 s5, $0x4  }
0x7: {  	[smem:$0x7FF] =	sst s3;
	s9 =	sshll.u32 s5, $0x10;
	s6 =	sor.u32 s12, s6  }
0x8: {  	_ =	strace $0x80000047;
	[dreg:$0x9] =	wrdreg s17;
	s11 =	sshll.u32 s6, $0xB  }
0x9: {  	s10 =	ssub.s32 $0x2, s5;
	[dreg:$0xa] =	wrdreg s18;
	s5 =	sadd.s32 s0, s11  }
0xa: {  	s28 =	simm.s32 $0x3;
	s14 =	sadd.s32 $0x10000, s5;
	[dreg:$0xb] =	wrdreg s5  }
0xb: {  	s7 =	sshll.u32 s6, $0x9;
	s15 =	sadd.s32 $0x20000, s5;
	[dreg:$0x5] =	wrdreg s14  }
0xc: {  	s7 =	sadd.s32 s7, s4;
	s16 =	sadd.s32 $0x30000, s5;
	[dreg:$0x6] =	wrdreg s15  }
0xd: {  	s30 =	simm.s32 $0x7;
	s7 =	sadd.s32 $0xC00, s7;
	[dreg:$0x7] =	wrdreg s16  }
0xe: {  	s31 =	simm.s32 $0xC;
	s19 =	sadd.s32 $0x40000, s5;
	[dreg:$0x8] =	wrdreg s7  }
0xf: {  	s8 =	sshll.u32 s12, $0xC;
	s20 =	sadd.s32 $0x50000, s5;
	[dreg:$0xc] =	wrdreg s19  }
0x10: {  	s9 =	sor.u32 s8, s9;
	s21 =	sadd.s32 $0x60000, s5;
	[dreg:$0xd] =	wrdreg s20  }
0x11: {  	s13 =	sshrl.u32 s10, $0x1;
	s22 =	sadd.s32 $0x70000, s5;
	[dreg:$0xe] =	wrdreg s21  }
0x12: {  	s9 =	sshrl.u32 s9, $0x3;
	s23 =	sadd.s32 $0x80000, s5;
	[dreg:$0xf] =	wrdreg s22  }
0x13: {  	s4 =	sadd.s32 s9, s4;
	s24 =	sadd.s32 $0x90000, s5;
	[dreg:$0x10] =	wrdreg s23  }
0x14: {  	s9 =	ssub.s32 s10, s13;
	s25 =	sadd.s32 $0xA0000, s5;
	[dreg:$0x11] =	wrdreg s24  }
0x15: {  	s10 =	sadd.s32 s8, s1;
	s26 =	sadd.s32 $0xB0000, s5;
	[dreg:$0x12] =	wrdreg s25  }
0x16: {  	s11 =	sadd.s32 s8, s2;
	s8 =	sadd.s32 $0x4C00, s4;
	[dreg:$0x13] =	wrdreg s26  }
0x17: {  	s29 =	simm.s32 $0xA;
	s13 =	sadd.s32 $0x8C00, s4;
	[dreg:$0x15] =	wrdreg s8  }
0x18: {  	p0 =	sne.s32 s12, $0x0;
	s17 =	sadd.s32 $0xE0000, s5;
	[dreg:$0x16] =	wrdreg s13  }
0x19: {  	s12 =	simm.s32 $0xE;
	s18 =	sadd.s32 $0xF0000, s5;
	[dreg:$0x1a] =	wrdreg s17  }
0x1a: {  	s6 =	sshll.u32 s6, $0x7;
	s14 =	smax.u32 s9, $0x1;
	[dreg:$0x1b] =	wrdreg s18  }
0x1b: {  	s6 =	smin.u32 s6, $0x620;
	s15 =	sadd.s32 $0xC0000, s5;
	[dreg:$0x17] =	wrdreg s14  }
0x1c: {  	s6 =	sshll.u32 s6, $0x4;
	s16 =	sadd.s32 $0xD0000, s5;
	[dreg:$0x18] =	wrdreg s15  }
0x1d: {  	s4 =	simm.s32 $0xF;
	s19 =	sadd.s32 $0x100000, s5;
	[dreg:$0x19] =	wrdreg s16  }
0x1e: {  	s0 =	sadd.s32 s6, s0;
	s20 =	sadd.s32 $0x110000, s5;
	[dreg:$0x1c] =	wrdreg s19  }
0x1f: {  	s21 =	sadd.s32 $0x120000, s5;
	s22 =	sadd.s32 $0x130000, s5;
	[dreg:$0x1d] =	wrdreg s20  }
0x20: {  	s23 =	sadd.s32 $0x140000, s5;
	s24 =	sadd.s32 $0x150000, s5;
	[dreg:$0x1e] =	wrdreg s21  }
0x21: {  	s25 =	sadd.s32 $0x160000, s5;
	s26 =	sadd.s32 $0x170000, s5;
	[dreg:$0x1f] =	wrdreg s22  }
0x22: {  	s13 =	simm.s32 $0x4000;
	s18 =	simm.s32 $0x14000;
	[smem:$0x7FA] =	sst s23  }
0x23: {  	s17 =	simm.s32 $0x10;
	s6 =	simm.s32 $0x8;
	[smem:$0x7FB] =	sst s24  }
0x24: {  	s7 =	simm.s32 $0xD;
	s8 =	simm.s32 $0x5;
	[smem:$0x7FC] =	sst s25  }
0x25: {  	s9 =	simm.s32 $0x9;
	s0 =	sadd.s32 $0x180000, s0;
	[smem:$0x7FD] =	sst s26  }
0x26: {  	s14 =	simm.s32 $0x8000;
	s15 =	simm.s32 $0xC000;
	s19 =	simm.s32 $0x1  }
0x27: {  	s20 =	simm.s32 $0x80;
	s21 =	simm.s32 $0x15000;
	s22 =	simm.s32 $0x10000  }
0x28: {  	s23 =	simm.s32 $0x2;
	s25 =	simm.s32 $0x6;
	s26 =	simm.s32 $0xB  }
0x29: {  	v0 =	vimm.f32 $0.0e+00;
	v1 =	vimm.f32 $1.000000000e+00;
	s24 =	simm.s32 $0x0;
	[dreg:$0x14] =	wrdreg s0;
	s0 =	simm.s32 $0x4  }
.LBB2_1:
0x2a: {  	s5 =	rddreg [dreg:$0xb]  }
0x2b: {  	[tilespmem:s3], [sflag:$0x1] =	stream.linear.gather [hbm4b:s5+s3], $0x4000, $0x38;
	[tilespmem:$0x1C480] =	vst v63  }
0x2c: {  	s16 =	rddreg [dreg:$0x5]  }
0x2d: {  	[tilespmem:s13], [sflag:$0x2] =	stream.linear.gather [hbm4b:s16+s3], $0x4000, $0x38;
	[tilespmem:$0x1C480] =	vst v63  }
0x2e: {  	s5 =	rddreg [dreg:$0x6]  }
0x2f: {  	[tilespmem:s14], [sflag:$0x3] =	stream.linear.gather [hbm4b:s5+s3], $0x4000, $0x38;
	[tilespmem:$0x1C480] =	vst v63  }
0x30: {  	s5 =	rddreg [dreg:$0x7]  }
0x31: {  	[tilespmem:s15], [sflag:$0x4] =	stream.linear.gather [hbm4b:s5+s3], $0x4000, $0x38;
	[tilespmem:$0x1C480] =	vst v63  }
0x32: {  	s5 =	rddreg [dreg:$0x8]  }
0x33: {  	[tilespmem:s18], [sflag:$0x10] =	stream.linear.gather [hbm4b:s5+s3], $0xC80, $0x38;
	[tilespmem:$0x1C480] =	vst v63  }
0x34: {  	_ =	swait.ge [sflag:s17], $0xC80  }
0x35: {  	[sflag:s17] =	ssyncset.done $0x0  }
0x36: {  	s16 =	simm.s32 $0x200;
	s18 =	simm.s32 $0x0;
	[sflag:s17] =	ssyncadd.s32 $0xFFFFF380  }
.LBB2_2:
0x37: {  	p1 =	sne.s32 s16, $0x4000;
	[tilespmem:s18+$0x19070] =	vst v0  }
0x38: {  	[tilespmem:s18+$0x19000] =	vst v0  }
0x39: {  	[tilespmem:s18+$0x19010] =	vst v0  }
.Ltmp0:
0x3a: {  	[tilespmem:s18+$0x19020] =	vst v0;
	(pc) =	sbr.rel @p1 .LBB2_2-.Ltmp0, $4  }
0x3b: {  	[tilespmem:s18+$0x19030] =	vst v0  }
0x3c: {  	[tilespmem:s18+$0x19040] =	vst v0  }
0x3d: {  	[tilespmem:s18+$0x19050] =	vst v0  }
0x3e: {  	[tilespmem:s18+$0x19060] =	vst v0;
	s18 =	sshra.s32 s16, $0x2;
	s16 =	sadd.s32 $0x200, s16  }
0x3f: {  	[tilespmem:s18+$0x19070] =	vst v0  }
0x40: {  	[tilespmem:s18+$0x19000] =	vst v0  }
0x41: {  	[tilespmem:s18+$0x19010] =	vst v0  }
0x42: {  	[tilespmem:s18+$0x19020] =	vst v0  }
0x43: {  	[tilespmem:s18+$0x19030] =	vst v0  }
0x44: {  	[tilespmem:s18+$0x19040] =	vst v0  }
0x45: {  	[tilespmem:s18+$0x19050] =	vst v0  }
0x46: {  	[tilespmem:s18+$0x19060] =	vst v0;
	s18 =	simm.s32 $0x0;
	s16 =	simm.s32 $0x200  }
.LBB2_4:
0x47: {  	p1 =	sne.s32 s16, $0xFE00;
	[tilespmem:s18+$0x15070] =	vst v1  }
0x48: {  	[tilespmem:s18+$0x15000] =	vst v1  }
0x49: {  	[tilespmem:s18+$0x15010] =	vst v1  }
.Ltmp1:
0x4a: {  	[tilespmem:s18+$0x15020] =	vst v1;
	(pc) =	sbr.rel @p1 .LBB2_4-.Ltmp1, $4  }
0x4b: {  	[tilespmem:s18+$0x15030] =	vst v1  }
0x4c: {  	[tilespmem:s18+$0x15040] =	vst v1  }
0x4d: {  	[tilespmem:s18+$0x15050] =	vst v1  }
0x4e: {  	[tilespmem:s18+$0x15060] =	vst v1;
	s18 =	sshra.s32 s16, $0x2;
	s16 =	sadd.s32 $0x200, s16  }
0x4f: {  	[tilespmem:s18+$0x15070] =	vst v1  }
0x50: {  	[tilespmem:s18+$0x15000] =	vst v1  }
0x51: {  	[tilespmem:s18+$0x15010] =	vst v1  }
0x52: {  	[tilespmem:s18+$0x15020] =	vst v1  }
0x53: {  	[tilespmem:s18+$0x15030] =	vst v1  }
0x54: {  	[tilespmem:s18+$0x15040] =	vst v1  }
0x55: {  	[tilespmem:s18+$0x15050] =	vst v1  }
0x56: {  	[tilespmem:s18+$0x15060] =	vst v1;
	s5 =	simm.s32 $0x19000  }
0x57: {  	[spmem:s10] =	stream.linear.scatter [tilespmem:s5], [sflag:$0x10], $0x1000, $0x38;
	[tilespmem:$0x1C480] =	vst v63  }
0x58: {  	_ =	swait.ge [sflag:s17], $0x1000  }
0x59: {  	[sflag:s17] =	ssyncset.done $0x0  }
0x5a: {  	[sflag:s17] =	ssyncadd.s32 $0xFFFFF000  }
0x5b: {  	[spmem:s11] =	stream.linear.scatter [tilespmem:s5], [sflag:$0x10], $0x1000, $0x38;
	[tilespmem:$0x1C480] =	vst v63  }
0x5c: {  	_ =	swait.ge [sflag:s17], $0x1000  }
0x5d: {  	[sflag:s17] =	ssyncset.done $0x0  }
0x5e: {  	s16 =	simm.s32 @!p0 $0x19000;
	s18 =	rddreg [dreg:$0x9];
	[sflag:s17] =	ssyncadd.s32 $0xFFFFF000  }
0x5f: {  	[spmem:s18] =	stream.linear.scatter @!p0 [tilespmem:s16], [sflag:$0x10], $0x400, $0x38;
	[tilespmem:$0x1C480] =	vst v63  }
0x60: {  	s18 =	simm.s32 @!p0 $0x10  }
0x61: {  	_ =	swait.ge @!p0 [sflag:s18], $0x400  }
0x62: {  	[sflag:s18] =	ssyncset.done @!p0 $0x0  }
0x63: {  	s5 =	rddreg [dreg:$0xa];
	[sflag:s18] =	ssyncadd.s32 @!p0 $0xFFFFFC00  }
0x64: {  	[spmem:s5] =	stream.linear.scatter @!p0 [tilespmem:s16], [sflag:$0x10], $0x400, $0x38;
	[tilespmem:$0x1C480] =	vst v63  }
0x65: {  	_ =	swait.ge @!p0 [sflag:s18], $0x400  }
0x66: {  	[sflag:s18] =	ssyncset.done @!p0 $0x0  }
0x67: {  	[sflag:s18] =	ssyncadd.s32 @!p0 $0xFFFFFC00  }
0x68: {  	[bflag:$0x0] =	sbarrier.arrive $0xFFFF  }
0x69: {  	_ =	swait.ge [sflag:s19], $0x4000  }
0x6a: {  	[sflag:s19] =	ssyncset.done $0x0  }
0x6b: {  	s16 =	simm.s32 $0x14000;
	[sflag:s19] =	ssyncadd.s32 $0xFFFFC000  }
0x6c: {  	[spmem:s1] =	stream.indirect.scatter.add.f32 [tilespmem:s3], [sflag:$0x6], $0x80, s16, s20, $0xb8;
	[tilespmem:$0x1C480] =	vst v63  }
0x6d: {  	_ = 	snop  }
0x6e: {  	[spmem:s2] =	stream.indirect.scatter.add.f32 [tilespmem:s21], [sflag:$0xB], $0x80, s16, s20, $0xb8;
	[tilespmem:$0x1C480] =	vst v63  }
0x6f: {  	s18 =	rddreg [dreg:$0xc]  }
0x70: {  	[tilespmem:s22], [sflag:$0x5] =	stream.linear.gather [hbm4b:s18+s3], $0x4000, $0x38;
	[tilespmem:$0x1C480] =	vst v63  }
0x71: {  	_ =	swait.ge [sflag:s23], $0x4000  }
0x72: {  	[sflag:s23] =	ssyncset.done $0x0  }
0x73: {  	s16 =	simm.s32 $0x14080;
	[sflag:s23] =	ssyncadd.s32 $0xFFFFC000  }
0x74: {  	[spmem:s1] =	stream.indirect.scatter.add.f32 [tilespmem:s13], [sflag:$0x7], $0x80, s16, s20, $0xb8;
	[tilespmem:$0x1C480] =	vst v63  }
0x75: {  	_ = 	snop  }
0x76: {  	[spmem:s2] =	stream.indirect.scatter.add.f32 [tilespmem:s21], [sflag:$0xC], $0x80, s16, s20, $0xb8;
	[tilespmem:$0x1C480] =	vst v63  }
0x77: {  	_ =	swait.ge [sflag:s25], $0x4000  }
0x78: {  	[sflag:s25] =	ssyncset.done $0x0  }
0x79: {  	[sflag:s25] =	ssyncadd.s32 $0xFFFFC000  }
0x7a: {  	_ =	swait.ge [sflag:s26], $0x4000  }
0x7b: {  	[sflag:s26] =	ssyncset.done $0x0  }
0x7c: {  	s18 =	rddreg [dreg:$0xd];
	[sflag:s26] =	ssyncadd.s32 $0xFFFFC000  }
0x7d: {  	[tilespmem:s3], [sflag:$0x1] =	stream.linear.gather [hbm4b:s18+s3], $0x4000, $0x38;
	[tilespmem:$0x1C480] =	vst v63  }
0x7e: {  	_ =	swait.ge [sflag:s28], $0x4000  }
0x7f: {  	[sflag:s28] =	ssyncset.done $0x0  }
0x80: {  	s16 =	simm.s32 $0x14100;
	[sflag:s28] =	ssyncadd.s32 $0xFFFFC000  }
0x81: {  	[spmem:s1] =	stream.indirect.scatter.add.f32 [tilespmem:s14], [sflag:$0x8], $0x80, s16, s20, $0xb8;
	[tilespmem:$0x1C480] =	vst v63  }
0x82: {  	_ = 	snop  }
0x83: {  	[spmem:s2] =	stream.indirect.scatter.add.f32 [tilespmem:s21], [sflag:$0xD], $0x80, s16, s20, $0xb8;
	[tilespmem:$0x1C480] =	vst v63  }
0x84: {  	_ =	swait.ge [sflag:s30], $0x4000  }
0x85: {  	[sflag:s30] =	ssyncset.done $0x0  }
0x86: {  	[sflag:s30] =	ssyncadd.s32 $0xFFFFC000  }
0x87: {  	_ =	swait.ge [sflag:s31], $0x4000  }
0x88: {  	[sflag:s31] =	ssyncset.done $0x0  }
0x89: {  	s18 =	rddreg [dreg:$0xe];
	[sflag:s31] =	ssyncadd.s32 $0xFFFFC000  }
0x8a: {  	[tilespmem:s13], [sflag:$0x2] =	stream.linear.gather [hbm4b:s18+s3], $0x4000, $0x38;
	[tilespmem:$0x1C480] =	vst v63  }
0x8b: {  	_ =	swait.ge [sflag:s0], $0x4000  }
0x8c: {  	[sflag:s0] =	ssyncset.done $0x0  }
0x8d: {  	s16 =	simm.s32 $0x14180;
	[sflag:s0] =	ssyncadd.s32 $0xFFFFC000  }
0x8e: {  	[spmem:s1] =	stream.indirect.scatter.add.f32 [tilespmem:s15], [sflag:$0x9], $0x80, s16, s20, $0xb8;
	[tilespmem:$0x1C480] =	vst v63  }
0x8f: {  	_ = 	snop  }
0x90: {  	[spmem:s2] =	stream.indirect.scatter.add.f32 [tilespmem:s21], [sflag:$0xE], $0x80, s16, s20, $0xb8;
	[tilespmem:$0x1C480] =	vst v63  }
0x91: {  	_ =	swait.ge [sflag:s6], $0x4000  }
0x92: {  	[sflag:s6] =	ssyncset.done $0x0  }
0x93: {  	[sflag:s6] =	ssyncadd.s32 $0xFFFFC000  }
0x94: {  	_ =	swait.ge [sflag:s7], $0x4000  }
0x95: {  	[sflag:s7] =	ssyncset.done $0x0  }
0x96: {  	s18 =	rddreg [dreg:$0xf];
	[sflag:s7] =	ssyncadd.s32 $0xFFFFC000  }
0x97: {  	[tilespmem:s14], [sflag:$0x3] =	stream.linear.gather [hbm4b:s18+s3], $0x4000, $0x38;
	[tilespmem:$0x1C480] =	vst v63  }
0x98: {  	_ =	swait.ge [sflag:s8], $0x4000  }
0x99: {  	[sflag:s8] =	ssyncset.done $0x0  }
0x9a: {  	s16 =	simm.s32 $0x14200;
	[sflag:s8] =	ssyncadd.s32 $0xFFFFC000  }
0x9b: {  	[spmem:s1] =	stream.indirect.scatter.add.f32 [tilespmem:s22], [sflag:$0xA], $0x80, s16, s20, $0xb8;
	[tilespmem:$0x1C480] =	vst v63  }
0x9c: {  	_ = 	snop  }
0x9d: {  	[spmem:s2] =	stream.indirect.scatter.add.f32 [tilespmem:s21], [sflag:$0xF], $0x80, s16, s20, $0xb8;
	[tilespmem:$0x1C480] =	vst v63  }
0x9e: {  	_ =	swait.ge [sflag:s9], $0x4000  }
0x9f: {  	[sflag:s9] =	ssyncset.done $0x0  }
0xa0: {  	[sflag:s9] =	ssyncadd.s32 $0xFFFFC000  }
0xa1: {  	_ =	swait.ge [sflag:s12], $0x4000  }
0xa2: {  	[sflag:s12] =	ssyncset.done $0x0  }
0xa3: {  	s18 =	rddreg [dreg:$0x10];
	[sflag:s12] =	ssyncadd.s32 $0xFFFFC000  }
0xa4: {  	[tilespmem:s15], [sflag:$0x4] =	stream.linear.gather [hbm4b:s18+s3], $0x4000, $0x38;
	[tilespmem:$0x1C480] =	vst v63  }
0xa5: {  	_ =	swait.ge [sflag:s19], $0x4000  }
0xa6: {  	[sflag:s19] =	ssyncset.done $0x0  }
0xa7: {  	s16 =	simm.s32 $0x14280;
	[sflag:s19] =	ssyncadd.s32 $0xFFFFC000  }
0xa8: {  	[spmem:s1] =	stream.indirect.scatter.add.f32 [tilespmem:s3], [sflag:$0x6], $0x80, s16, s20, $0xb8;
	[tilespmem:$0x1C480] =	vst v63  }
0xa9: {  	_ = 	snop  }
0xaa: {  	[spmem:s2] =	stream.indirect.scatter.add.f32 [tilespmem:s21], [sflag:$0xB], $0x80, s16, s20, $0xb8;
	[tilespmem:$0x1C480] =	vst v63  }
0xab: {  	_ =	swait.ge [sflag:s29], $0x4000  }
0xac: {  	[sflag:s29] =	ssyncset.done $0x0  }
0xad: {  	[sflag:s29] =	ssyncadd.s32 $0xFFFFC000  }
0xae: {  	_ =	swait.ge [sflag:s4], $0x4000  }
0xaf: {  	[sflag:s4] =	ssyncset.done $0x0  }
0xb0: {  	s18 =	rddreg [dreg:$0x11];
	[sflag:s4] =	ssyncadd.s32 $0xFFFFC000  }
0xb1: {  	[tilespmem:s22], [sflag:$0x5] =	stream.linear.gather [hbm4b:s18+s3], $0x4000, $0x38;
	[tilespmem:$0x1C480] =	vst v63  }
0xb2: {  	_ =	swait.ge [sflag:s23], $0x4000  }
0xb3: {  	[sflag:s23] =	ssyncset.done $0x0  }
0xb4: {  	s16 =	simm.s32 $0x14300;
	[sflag:s23] =	ssyncadd.s32 $0xFFFFC000  }
0xb5: {  	[spmem:s1] =	stream.indirect.scatter.add.f32 [tilespmem:s13], [sflag:$0x7], $0x80, s16, s20, $0xb8;
	[tilespmem:$0x1C480] =	vst v63  }
0xb6: {  	_ = 	snop  }
0xb7: {  	[spmem:s2] =	stream.indirect.scatter.add.f32 [tilespmem:s21], [sflag:$0xC], $0x80, s16, s20, $0xb8;
	[tilespmem:$0x1C480] =	vst v63  }
0xb8: {  	_ =	swait.ge [sflag:s25], $0x4000  }
0xb9: {  	[sflag:s25] =	ssyncset.done $0x0  }
0xba: {  	[sflag:s25] =	ssyncadd.s32 $0xFFFFC000  }
0xbb: {  	_ =	swait.ge [sflag:s26], $0x4000  }
0xbc: {  	[sflag:s26] =	ssyncset.done $0x0  }
0xbd: {  	s18 =	rddreg [dreg:$0x12];
	[sflag:s26] =	ssyncadd.s32 $0xFFFFC000  }
0xbe: {  	[tilespmem:s3], [sflag:$0x1] =	stream.linear.gather [hbm4b:s18+s3], $0x4000, $0x38;
	[tilespmem:$0x1C480] =	vst v63  }
0xbf: {  	_ =	swait.ge [sflag:s28], $0x4000  }
0xc0: {  	[sflag:s28] =	ssyncset.done $0x0  }
0xc1: {  	s16 =	simm.s32 $0x14380;
	[sflag:s28] =	ssyncadd.s32 $0xFFFFC000  }
0xc2: {  	[spmem:s1] =	stream.indirect.scatter.add.f32 [tilespmem:s14], [sflag:$0x8], $0x80, s16, s20, $0xb8;
	[tilespmem:$0x1C480] =	vst v63  }
0xc3: {  	_ = 	snop  }
0xc4: {  	[spmem:s2] =	stream.indirect.scatter.add.f32 [tilespmem:s21], [sflag:$0xD], $0x80, s16, s20, $0xb8;
	[tilespmem:$0x1C480] =	vst v63  }
0xc5: {  	_ =	swait.ge [sflag:s30], $0x4000  }
0xc6: {  	[sflag:s30] =	ssyncset.done $0x0  }
0xc7: {  	[sflag:s30] =	ssyncadd.s32 $0xFFFFC000  }
0xc8: {  	_ =	swait.ge [sflag:s31], $0x4000  }
0xc9: {  	[sflag:s31] =	ssyncset.done $0x0  }
0xca: {  	s18 =	rddreg [dreg:$0x13];
	[sflag:s31] =	ssyncadd.s32 $0xFFFFC000  }
0xcb: {  	[tilespmem:s13], [sflag:$0x2] =	stream.linear.gather [hbm4b:s18+s3], $0x4000, $0x38;
	[tilespmem:$0x1C480] =	vst v63  }
0xcc: {  	_ =	swait.ge [sflag:s0], $0x4000  }
0xcd: {  	[sflag:s0] =	ssyncset.done $0x0  }
0xce: {  	s16 =	simm.s32 $0x14400;
	[sflag:s0] =	ssyncadd.s32 $0xFFFFC000  }
0xcf: {  	[spmem:s1] =	stream.indirect.scatter.add.f32 [tilespmem:s15], [sflag:$0x9], $0x80, s16, s20, $0xb8;
	[tilespmem:$0x1C480] =	vst v63  }
0xd0: {  	_ = 	snop  }
0xd1: {  	[spmem:s2] =	stream.indirect.scatter.add.f32 [tilespmem:s21], [sflag:$0xE], $0x80, s16, s20, $0xb8;
	[tilespmem:$0x1C480] =	vst v63  }
0xd2: {  	_ =	swait.ge [sflag:s6], $0x4000  }
0xd3: {  	[sflag:s6] =	ssyncset.done $0x0  }
0xd4: {  	[sflag:s6] =	ssyncadd.s32 $0xFFFFC000  }
0xd5: {  	_ =	swait.ge [sflag:s7], $0x4000  }
0xd6: {  	[sflag:s7] =	ssyncset.done $0x0  }
0xd7: {  	s18 =	rddreg [dreg:$0x18];
	[sflag:s7] =	ssyncadd.s32 $0xFFFFC000  }
0xd8: {  	[tilespmem:s14], [sflag:$0x3] =	stream.linear.gather [hbm4b:s18+s3], $0x4000, $0x38;
	[tilespmem:$0x1C480] =	vst v63  }
0xd9: {  	_ =	swait.ge [sflag:s8], $0x4000  }
0xda: {  	[sflag:s8] =	ssyncset.done $0x0  }
0xdb: {  	s16 =	simm.s32 $0x14480;
	[sflag:s8] =	ssyncadd.s32 $0xFFFFC000  }
0xdc: {  	[spmem:s1] =	stream.indirect.scatter.add.f32 [tilespmem:s22], [sflag:$0xA], $0x80, s16, s20, $0xb8;
	[tilespmem:$0x1C480] =	vst v63  }
0xdd: {  	_ = 	snop  }
0xde: {  	[spmem:s2] =	stream.indirect.scatter.add.f32 [tilespmem:s21], [sflag:$0xF], $0x80, s16, s20, $0xb8;
	[tilespmem:$0x1C480] =	vst v63  }
0xdf: {  	_ =	swait.ge [sflag:s9], $0x4000  }
0xe0: {  	[sflag:s9] =	ssyncset.done $0x0  }
0xe1: {  	[sflag:s9] =	ssyncadd.s32 $0xFFFFC000  }
0xe2: {  	_ =	swait.ge [sflag:s12], $0x4000  }
0xe3: {  	[sflag:s12] =	ssyncset.done $0x0  }
0xe4: {  	s18 =	rddreg [dreg:$0x19];
	[sflag:s12] =	ssyncadd.s32 $0xFFFFC000  }
0xe5: {  	[tilespmem:s15], [sflag:$0x4] =	stream.linear.gather [hbm4b:s18+s3], $0x4000, $0x38;
	[tilespmem:$0x1C480] =	vst v63  }
0xe6: {  	_ =	swait.ge [sflag:s19], $0x4000  }
0xe7: {  	[sflag:s19] =	ssyncset.done $0x0  }
0xe8: {  	s16 =	simm.s32 $0x14500;
	[sflag:s19] =	ssyncadd.s32 $0xFFFFC000  }
0xe9: {  	[spmem:s1] =	stream.indirect.scatter.add.f32 [tilespmem:s3], [sflag:$0x6], $0x80, s16, s20, $0xb8;
	[tilespmem:$0x1C480] =	vst v63  }
0xea: {  	_ = 	snop  }
0xeb: {  	[spmem:s2] =	stream.indirect.scatter.add.f32 [tilespmem:s21], [sflag:$0xB], $0x80, s16, s20, $0xb8;
	[tilespmem:$0x1C480] =	vst v63  }
0xec: {  	_ =	swait.ge [sflag:s29], $0x4000  }
0xed: {  	[sflag:s29] =	ssyncset.done $0x0  }
0xee: {  	[sflag:s29] =	ssyncadd.s32 $0xFFFFC000  }
0xef: {  	_ =	swait.ge [sflag:s4], $0x4000  }
0xf0: {  	[sflag:s4] =	ssyncset.done $0x0  }
0xf1: {  	s18 =	rddreg [dreg:$0x1a];
	[sflag:s4] =	ssyncadd.s32 $0xFFFFC000  }
0xf2: {  	[tilespmem:s22], [sflag:$0x5] =	stream.linear.gather [hbm4b:s18+s3], $0x4000, $0x38;
	[tilespmem:$0x1C480] =	vst v63  }
0xf3: {  	_ =	swait.ge [sflag:s23], $0x4000  }
0xf4: {  	[sflag:s23] =	ssyncset.done $0x0  }
0xf5: {  	s16 =	simm.s32 $0x14580;
	[sflag:s23] =	ssyncadd.s32 $0xFFFFC000  }
0xf6: {  	[spmem:s1] =	stream.indirect.scatter.add.f32 [tilespmem:s13], [sflag:$0x7], $0x80, s16, s20, $0xb8;
	[tilespmem:$0x1C480] =	vst v63  }
0xf7: {  	_ = 	snop  }
0xf8: {  	[spmem:s2] =	stream.indirect.scatter.add.f32 [tilespmem:s21], [sflag:$0xC], $0x80, s16, s20, $0xb8;
	[tilespmem:$0x1C480] =	vst v63  }
0xf9: {  	_ =	swait.ge [sflag:s25], $0x4000  }
0xfa: {  	[sflag:s25] =	ssyncset.done $0x0  }
0xfb: {  	[sflag:s25] =	ssyncadd.s32 $0xFFFFC000  }
0xfc: {  	_ =	swait.ge [sflag:s26], $0x4000  }
0xfd: {  	[sflag:s26] =	ssyncset.done $0x0  }
0xfe: {  	s18 =	rddreg [dreg:$0x1b];
	[sflag:s26] =	ssyncadd.s32 $0xFFFFC000  }
0xff: {  	[tilespmem:s3], [sflag:$0x1] =	stream.linear.gather [hbm4b:s18+s3], $0x4000, $0x38;
	[tilespmem:$0x1C480] =	vst v63  }
0x100: {  	_ =	swait.ge [sflag:s28], $0x4000  }
0x101: {  	[sflag:s28] =	ssyncset.done $0x0  }
0x102: {  	s16 =	simm.s32 $0x14600;
	[sflag:s28] =	ssyncadd.s32 $0xFFFFC000  }
0x103: {  	[spmem:s1] =	stream.indirect.scatter.add.f32 [tilespmem:s14], [sflag:$0x8], $0x80, s16, s20, $0xb8;
	[tilespmem:$0x1C480] =	vst v63  }
0x104: {  	_ = 	snop  }
0x105: {  	[spmem:s2] =	stream.indirect.scatter.add.f32 [tilespmem:s21], [sflag:$0xD], $0x80, s16, s20, $0xb8;
	[tilespmem:$0x1C480] =	vst v63  }
0x106: {  	_ =	swait.ge [sflag:s30], $0x4000  }
0x107: {  	[sflag:s30] =	ssyncset.done $0x0  }
0x108: {  	[sflag:s30] =	ssyncadd.s32 $0xFFFFC000  }
0x109: {  	_ =	swait.ge [sflag:s31], $0x4000  }
0x10a: {  	[sflag:s31] =	ssyncset.done $0x0  }
0x10b: {  	s18 =	rddreg [dreg:$0x1c];
	[sflag:s31] =	ssyncadd.s32 $0xFFFFC000  }
0x10c: {  	[tilespmem:s13], [sflag:$0x2] =	stream.linear.gather [hbm4b:s18+s3], $0x4000, $0x38;
	[tilespmem:$0x1C480] =	vst v63  }
0x10d: {  	_ =	swait.ge [sflag:s0], $0x4000  }
0x10e: {  	[sflag:s0] =	ssyncset.done $0x0  }
0x10f: {  	s16 =	simm.s32 $0x14680;
	[sflag:s0] =	ssyncadd.s32 $0xFFFFC000  }
0x110: {  	[spmem:s1] =	stream.indirect.scatter.add.f32 [tilespmem:s15], [sflag:$0x9], $0x80, s16, s20, $0xb8;
	[tilespmem:$0x1C480] =	vst v63  }
0x111: {  	_ = 	snop  }
0x112: {  	[spmem:s2] =	stream.indirect.scatter.add.f32 [tilespmem:s21], [sflag:$0xE], $0x80, s16, s20, $0xb8;
	[tilespmem:$0x1C480] =	vst v63  }
0x113: {  	_ =	swait.ge [sflag:s6], $0x4000  }
0x114: {  	[sflag:s6] =	ssyncset.done $0x0  }
0x115: {  	[sflag:s6] =	ssyncadd.s32 $0xFFFFC000  }
0x116: {  	_ =	swait.ge [sflag:s7], $0x4000  }
0x117: {  	[sflag:s7] =	ssyncset.done $0x0  }
0x118: {  	s18 =	rddreg [dreg:$0x1d];
	[sflag:s7] =	ssyncadd.s32 $0xFFFFC000  }
0x119: {  	[tilespmem:s14], [sflag:$0x3] =	stream.linear.gather [hbm4b:s18+s3], $0x4000, $0x38;
	[tilespmem:$0x1C480] =	vst v63  }
0x11a: {  	_ =	swait.ge [sflag:s8], $0x4000  }
0x11b: {  	[sflag:s8] =	ssyncset.done $0x0  }
0x11c: {  	s16 =	simm.s32 $0x14700;
	[sflag:s8] =	ssyncadd.s32 $0xFFFFC000  }
0x11d: {  	[spmem:s1] =	stream.indirect.scatter.add.f32 [tilespmem:s22], [sflag:$0xA], $0x80, s16, s20, $0xb8;
	[tilespmem:$0x1C480] =	vst v63  }
0x11e: {  	_ = 	snop  }
0x11f: {  	[spmem:s2] =	stream.indirect.scatter.add.f32 [tilespmem:s21], [sflag:$0xF], $0x80, s16, s20, $0xb8;
	[tilespmem:$0x1C480] =	vst v63  }
0x120: {  	_ =	swait.ge [sflag:s9], $0x4000  }
0x121: {  	[sflag:s9] =	ssyncset.done $0x0  }
0x122: {  	[sflag:s9] =	ssyncadd.s32 $0xFFFFC000  }
0x123: {  	_ =	swait.ge [sflag:s12], $0x4000  }
0x124: {  	[sflag:s12] =	ssyncset.done $0x0  }
0x125: {  	s18 =	rddreg [dreg:$0x1e];
	[sflag:s12] =	ssyncadd.s32 $0xFFFFC000  }
0x126: {  	[tilespmem:s15], [sflag:$0x4] =	stream.linear.gather [hbm4b:s18+s3], $0x4000, $0x38;
	[tilespmem:$0x1C480] =	vst v63  }
0x127: {  	_ =	swait.ge [sflag:s19], $0x4000  }
0x128: {  	[sflag:s19] =	ssyncset.done $0x0  }
0x129: {  	s16 =	simm.s32 $0x14780;
	[sflag:s19] =	ssyncadd.s32 $0xFFFFC000  }
0x12a: {  	[spmem:s1] =	stream.indirect.scatter.add.f32 [tilespmem:s3], [sflag:$0x6], $0x80, s16, s20, $0xb8;
	[tilespmem:$0x1C480] =	vst v63  }
0x12b: {  	_ = 	snop  }
0x12c: {  	[spmem:s2] =	stream.indirect.scatter.add.f32 [tilespmem:s21], [sflag:$0xB], $0x80, s16, s20, $0xb8;
	[tilespmem:$0x1C480] =	vst v63  }
0x12d: {  	_ =	swait.ge [sflag:s29], $0x4000  }
0x12e: {  	[sflag:s29] =	ssyncset.done $0x0  }
0x12f: {  	[sflag:s29] =	ssyncadd.s32 $0xFFFFC000  }
0x130: {  	_ =	swait.ge [sflag:s4], $0x4000  }
0x131: {  	[sflag:s4] =	ssyncset.done $0x0  }
0x132: {  	s18 =	rddreg [dreg:$0x1f];
	[sflag:s4] =	ssyncadd.s32 $0xFFFFC000  }
0x133: {  	[tilespmem:s22], [sflag:$0x5] =	stream.linear.gather [hbm4b:s18+s3], $0x4000, $0x38;
	[tilespmem:$0x1C480] =	vst v63  }
0x134: {  	_ =	swait.ge [sflag:s23], $0x4000  }
0x135: {  	[sflag:s23] =	ssyncset.done $0x0  }
0x136: {  	s16 =	simm.s32 $0x14800;
	[sflag:s23] =	ssyncadd.s32 $0xFFFFC000  }
0x137: {  	[spmem:s1] =	stream.indirect.scatter.add.f32 [tilespmem:s13], [sflag:$0x7], $0x80, s16, s20, $0xb8;
	[tilespmem:$0x1C480] =	vst v63  }
0x138: {  	_ = 	snop  }
0x139: {  	[spmem:s2] =	stream.indirect.scatter.add.f32 [tilespmem:s21], [sflag:$0xC], $0x80, s16, s20, $0xb8;
	[tilespmem:$0x1C480] =	vst v63  }
0x13a: {  	_ =	swait.ge [sflag:s25], $0x4000  }
0x13b: {  	[sflag:s25] =	ssyncset.done $0x0  }
0x13c: {  	[sflag:s25] =	ssyncadd.s32 $0xFFFFC000  }
0x13d: {  	_ =	swait.ge [sflag:s26], $0x4000  }
0x13e: {  	s18 =	sld [smem:$0x7FA]  }
0x13f: {  	[sflag:s26] =	ssyncset.done $0x0  }
0x140: {  	[sflag:s26] =	ssyncadd.s32 $0xFFFFC000  }
0x141: {  	[tilespmem:s3], [sflag:$0x1] =	stream.linear.gather [hbm4b:s18+s3], $0x4000, $0x38;
	[tilespmem:$0x1C480] =	vst v63  }
0x142: {  	_ =	swait.ge [sflag:s28], $0x4000  }
0x143: {  	[sflag:s28] =	ssyncset.done $0x0  }
0x144: {  	s16 =	simm.s32 $0x14880;
	[sflag:s28] =	ssyncadd.s32 $0xFFFFC000  }
0x145: {  	[spmem:s1] =	stream.indirect.scatter.add.f32 [tilespmem:s14], [sflag:$0x8], $0x80, s16, s20, $0xb8;
	[tilespmem:$0x1C480] =	vst v63  }
0x146: {  	_ = 	snop  }
0x147: {  	[spmem:s2] =	stream.indirect.scatter.add.f32 [tilespmem:s21], [sflag:$0xD], $0x80, s16, s20, $0xb8;
	[tilespmem:$0x1C480] =	vst v63  }
0x148: {  	_ =	swait.ge [sflag:s30], $0x4000  }
0x149: {  	[sflag:s30] =	ssyncset.done $0x0  }
0x14a: {  	[sflag:s30] =	ssyncadd.s32 $0xFFFFC000  }
0x14b: {  	_ =	swait.ge [sflag:s31], $0x4000  }
0x14c: {  	s18 =	sld [smem:$0x7FB]  }
0x14d: {  	[sflag:s31] =	ssyncset.done $0x0  }
0x14e: {  	[sflag:s31] =	ssyncadd.s32 $0xFFFFC000  }
0x14f: {  	[tilespmem:s13], [sflag:$0x2] =	stream.linear.gather [hbm4b:s18+s3], $0x4000, $0x38;
	[tilespmem:$0x1C480] =	vst v63  }
0x150: {  	_ =	swait.ge [sflag:s0], $0x4000  }
0x151: {  	[sflag:s0] =	ssyncset.done $0x0  }
0x152: {  	s16 =	simm.s32 $0x14900;
	[sflag:s0] =	ssyncadd.s32 $0xFFFFC000  }
0x153: {  	[spmem:s1] =	stream.indirect.scatter.add.f32 [tilespmem:s15], [sflag:$0x9], $0x80, s16, s20, $0xb8;
	[tilespmem:$0x1C480] =	vst v63  }
0x154: {  	_ = 	snop  }
0x155: {  	[spmem:s2] =	stream.indirect.scatter.add.f32 [tilespmem:s21], [sflag:$0xE], $0x80, s16, s20, $0xb8;
	[tilespmem:$0x1C480] =	vst v63  }
0x156: {  	_ =	swait.ge [sflag:s6], $0x4000  }
0x157: {  	[sflag:s6] =	ssyncset.done $0x0  }
0x158: {  	[sflag:s6] =	ssyncadd.s32 $0xFFFFC000  }
0x159: {  	_ =	swait.ge [sflag:s7], $0x4000  }
0x15a: {  	s18 =	sld [smem:$0x7FC]  }
0x15b: {  	[sflag:s7] =	ssyncset.done $0x0  }
0x15c: {  	[sflag:s7] =	ssyncadd.s32 $0xFFFFC000  }
0x15d: {  	[tilespmem:s14], [sflag:$0x3] =	stream.linear.gather [hbm4b:s18+s3], $0x4000, $0x38;
	[tilespmem:$0x1C480] =	vst v63  }
0x15e: {  	_ =	swait.ge [sflag:s8], $0x4000  }
0x15f: {  	[sflag:s8] =	ssyncset.done $0x0  }
0x160: {  	s16 =	simm.s32 $0x14980;
	[sflag:s8] =	ssyncadd.s32 $0xFFFFC000  }
0x161: {  	[spmem:s1] =	stream.indirect.scatter.add.f32 [tilespmem:s22], [sflag:$0xA], $0x80, s16, s20, $0xb8;
	[tilespmem:$0x1C480] =	vst v63  }
0x162: {  	_ = 	snop  }
0x163: {  	[spmem:s2] =	stream.indirect.scatter.add.f32 [tilespmem:s21], [sflag:$0xF], $0x80, s16, s20, $0xb8;
	[tilespmem:$0x1C480] =	vst v63  }
0x164: {  	_ =	swait.ge [sflag:s9], $0x4000  }
0x165: {  	[sflag:s9] =	ssyncset.done $0x0  }
0x166: {  	[sflag:s9] =	ssyncadd.s32 $0xFFFFC000  }
0x167: {  	_ =	swait.ge [sflag:s12], $0x4000  }
0x168: {  	s18 =	sld [smem:$0x7FD]  }
0x169: {  	[sflag:s12] =	ssyncset.done $0x0  }
0x16a: {  	[sflag:s12] =	ssyncadd.s32 $0xFFFFC000  }
0x16b: {  	[tilespmem:s15], [sflag:$0x4] =	stream.linear.gather [hbm4b:s18+s3], $0x4000, $0x38;
	[tilespmem:$0x1C480] =	vst v63  }
0x16c: {  	_ =	swait.ge [sflag:s19], $0x4000  }
0x16d: {  	[sflag:s19] =	ssyncset.done $0x0  }
0x16e: {  	s16 =	simm.s32 $0x14A00;
	[sflag:s19] =	ssyncadd.s32 $0xFFFFC000  }
0x16f: {  	[spmem:s1] =	stream.indirect.scatter.add.f32 [tilespmem:s3], [sflag:$0x6], $0x80, s16, s20, $0xb8;
	[tilespmem:$0x1C480] =	vst v63  }
0x170: {  	_ = 	snop  }
0x171: {  	[spmem:s2] =	stream.indirect.scatter.add.f32 [tilespmem:s21], [sflag:$0xB], $0x80, s16, s20, $0xb8;
	[tilespmem:$0x1C480] =	vst v63  }
0x172: {  	_ =	swait.ge [sflag:s29], $0x4000  }
0x173: {  	[sflag:s29] =	ssyncset.done $0x0  }
0x174: {  	[sflag:s29] =	ssyncadd.s32 $0xFFFFC000  }
0x175: {  	_ =	swait.ge [sflag:s4], $0x4000  }
0x176: {  	[sflag:s4] =	ssyncset.done $0x0  }
0x177: {  	s18 =	rddreg [dreg:$0x14];
	[sflag:s4] =	ssyncadd.s32 $0xFFFFC000  }
0x178: {  	[tilespmem:s22], [sflag:$0x5] =	stream.linear.gather [hbm4b:s18+s3], $0x4000, $0x38;
	[tilespmem:$0x1C480] =	vst v63  }
0x179: {  	_ =	swait.ge [sflag:s23], $0x4000  }
0x17a: {  	[sflag:s23] =	ssyncset.done $0x0  }
0x17b: {  	s16 =	simm.s32 $0x14A80;
	[sflag:s23] =	ssyncadd.s32 $0xFFFFC000  }
0x17c: {  	[spmem:s1] =	stream.indirect.scatter.add.f32 [tilespmem:s13], [sflag:$0x7], $0x80, s16, s20, $0xb8;
	[tilespmem:$0x1C480] =	vst v63  }
0x17d: {  	_ = 	snop  }
0x17e: {  	[spmem:s2] =	stream.indirect.scatter.add.f32 [tilespmem:s21], [sflag:$0xC], $0x80, s16, s20, $0xb8;
	[tilespmem:$0x1C480] =	vst v63  }
0x17f: {  	_ =	swait.ge [sflag:s28], $0x4000  }
0x180: {  	[sflag:s28] =	ssyncset.done $0x0  }
0x181: {  	s18 =	simm.s32 $0x14B00;
	[sflag:s28] =	ssyncadd.s32 $0xFFFFC000  }
0x182: {  	[spmem:s1] =	stream.indirect.scatter.add.f32 [tilespmem:s14], [sflag:$0x8], $0x80, s18, s20, $0xb8;
	[tilespmem:$0x1C480] =	vst v63  }
0x183: {  	_ = 	snop  }
0x184: {  	[spmem:s2] =	stream.indirect.scatter.add.f32 [tilespmem:s21], [sflag:$0xD], $0x80, s18, s20, $0xb8;
	[tilespmem:$0x1C480] =	vst v63  }
0x185: {  	_ =	swait.ge [sflag:s0], $0x4000  }
0x186: {  	[sflag:s0] =	ssyncset.done $0x0  }
0x187: {  	s16 =	simm.s32 $0x14B80;
	[sflag:s0] =	ssyncadd.s32 $0xFFFFC000  }
0x188: {  	[spmem:s1] =	stream.indirect.scatter.add.f32 [tilespmem:s15], [sflag:$0x9], $0x80, s16, s20, $0xb8;
	[tilespmem:$0x1C480] =	vst v63  }
0x189: {  	_ = 	snop  }
0x18a: {  	[spmem:s2] =	stream.indirect.scatter.add.f32 [tilespmem:s21], [sflag:$0xE], $0x80, s16, s20, $0xb8;
	[tilespmem:$0x1C480] =	vst v63  }
0x18b: {  	_ =	swait.ge [sflag:s8], $0x4000  }
0x18c: {  	[sflag:s8] =	ssyncset.done $0x0  }
0x18d: {  	s18 =	simm.s32 $0x14C00;
	[sflag:s8] =	ssyncadd.s32 $0xFFFFC000  }
0x18e: {  	[spmem:s1] =	stream.indirect.scatter.add.f32 [tilespmem:s22], [sflag:$0xA], $0x80, s18, s20, $0xb8;
	[tilespmem:$0x1C480] =	vst v63  }
0x18f: {  	_ = 	snop  }
0x190: {  	[spmem:s2] =	stream.indirect.scatter.add.f32 [tilespmem:s21], [sflag:$0xF], $0x80, s18, s20, $0xb8;
	[tilespmem:$0x1C480] =	vst v63  }
0x191: {  	_ =	swait.ge [sflag:s25], $0x4000  }
0x192: {  	[sflag:s25] =	ssyncset.done $0x0  }
0x193: {  	[sflag:s25] =	ssyncadd.s32 $0xFFFFC000  }
0x194: {  	_ =	swait.ge [sflag:s26], $0x4000  }
0x195: {  	[sflag:s26] =	ssyncset.done $0x0  }
0x196: {  	[sflag:s26] =	ssyncadd.s32 $0xFFFFC000  }
0x197: {  	_ =	swait.ge [sflag:s30], $0x4000  }
0x198: {  	[sflag:s30] =	ssyncset.done $0x0  }
0x199: {  	[sflag:s30] =	ssyncadd.s32 $0xFFFFC000  }
0x19a: {  	_ =	swait.ge [sflag:s31], $0x4000  }
0x19b: {  	[sflag:s31] =	ssyncset.done $0x0  }
0x19c: {  	[sflag:s31] =	ssyncadd.s32 $0xFFFFC000  }
0x19d: {  	_ =	swait.ge [sflag:s6], $0x4000  }
0x19e: {  	[sflag:s6] =	ssyncset.done $0x0  }
0x19f: {  	[sflag:s6] =	ssyncadd.s32 $0xFFFFC000  }
0x1a0: {  	_ =	swait.ge [sflag:s7], $0x4000  }
0x1a1: {  	[sflag:s7] =	ssyncset.done $0x0  }
0x1a2: {  	[sflag:s7] =	ssyncadd.s32 $0xFFFFC000  }
0x1a3: {  	_ =	swait.ge [sflag:s9], $0x4000  }
0x1a4: {  	[sflag:s9] =	ssyncset.done $0x0  }
0x1a5: {  	[sflag:s9] =	ssyncadd.s32 $0xFFFFC000  }
0x1a6: {  	_ =	swait.ge [sflag:s12], $0x4000  }
0x1a7: {  	[sflag:s12] =	ssyncset.done $0x0  }
0x1a8: {  	[sflag:s12] =	ssyncadd.s32 $0xFFFFC000  }
0x1a9: {  	_ =	swait.ge [sflag:s29], $0x4000  }
0x1aa: {  	[sflag:s29] =	ssyncset.done $0x0  }
0x1ab: {  	[sflag:s29] =	ssyncadd.s32 $0xFFFFC000  }
0x1ac: {  	_ =	swait.ge [sflag:s4], $0x4000  }
0x1ad: {  	[sflag:s4] =	ssyncset.done $0x0  }
0x1ae: {  	s5 =	stileid.u32;
	[sflag:s4] =	ssyncadd.s32 $0xFFFFC000  }
0x1af: {  	s16 =	sshll.u32 s5, $0x6;
	[bflag:$0x0] =	sbarrier.arrive $0xFFFF  }
0x1b0: {  	s16 =	sor.u32 $0x1C10, s16;
	s18 =	sshrl.u32 s10, $0x3;
	s5 =	rddreg [dreg:$0x15]  }
0x1b1: {  	[hbm:s5], [sflag:s16] =	dma.local [spmem:s18], $0x200  }
0x1b2: {  	_ =	swait.ge [sflag:s17], $0x200  }
0x1b3: {  	[sflag:s17] =	ssyncset.done $0x0  }
0x1b4: {  	s18 =	sshrl.u32 s11, $0x3;
	s5 =	rddreg [dreg:$0x16];
	[sflag:s17] =	ssyncadd.s32 $0xFFFFFE00  }
0x1b5: {  	[hbm:s5], [sflag:s16] =	dma.local [spmem:s18], $0x200  }
0x1b6: {  	_ =	swait.ge [sflag:s17], $0x200  }
0x1b7: {  	s24 =	sadd.s32 $0x1, s24;
	s16 =	rddreg [dreg:$0x17]  }
0x1b8: {  	p1 =	sne.s32 s24, s16  }
.Ltmp2:
0x1b9: {  	_ = 	snop;
	(pc) =	sbr.rel @p1 .LBB2_1-.Ltmp2, $3  }
0x1ba: {  	_ =	sdelay $0x1  }
0x1bb: {  	[sflag:s17] =	ssyncset.done $0x0  }
0x1bc: {  	s18 =	simm.s32 $0x14000;
	[sflag:s17] =	ssyncadd.s32 $0xFFFFFE00  }
0x1bd: {  	_ =	sfence.sel $0x180000  }
0x1be: {  	[bflag:$0x0] =	sbarrier.arrive $0xFFFF  }
0x1bf: {  	_ =	strace $0x90000047  }
0x1c0: {  	[bflag:$0x2] =	sbarrier.arrive $0xFFFF  }
0x1c1: {  	s0 =	rddreg [dreg:$0x4]  }
0x1c2: {  	s0 =	sadd.s32 @!p0 $0x100000, s0  }
0x1c3: {  	[sflag:s0] =	ssyncadd.tile.s32 @!p0 $0x1;
	_ =	shalt  }
.Lfunc_end2:
_tile_overlayer_lowered:
.L_overlay_start_2:
0x1c4: {  	(tag) =	ssettag $0x2  }
0x1c5: {  	s0 =	rddreg [dreg:$0x0];
	s2 =	stileid.u32  }
0x1c6: {  	s1 =	rddreg [dreg:$0x1];
	p0 =	sne.s32 s2, $0x0  }
0x1c7: {  	s3 =	rddreg [dreg:$0x2];
	[bflag:$0x3] =	sbarrier.arrive $0xFFFF;
	s2 =	simm.s32 @!p0 $0x1C10  }
0x1c8: {  	[timem:s3], [sflag:s2] =	dma.local @!p0 [hbm:s0], s1  }
0x1c9: {  	s0 =	simm.s32 @!p0 $0x10  }
0x1ca: {  	_ =	swait.ge @!p0 [sflag:s0], s1  }
0x1cb: {  	s1 =	ssub.s32 @!p0 $0x0, s1;
	[sflag:s0] =	ssyncset.done @!p0 $0x0  }
0x1cc: {  	[sflag:s0] =	ssyncadd.s32 @!p0 s1  }
0x1cd: {  	[bflag:$0x3] =	sbarrier.arrive $0xFFFF  }
0x1ce: {  	_ =	shalt  }

</sc_bundles>
